<compile_context>
chip_gen: v7x
topology: tpu7x:2x2x1
jax: 0.10.2.dev20260603
libtpu: 0.0.44.dev20260713+nightly
codegen_flags: <defaults>
</compile_context>

<pallas_src>
import functools

import jax
import jax.numpy as jnp
from jax import lax
from jax.experimental import pallas as pl
from jax.experimental.pallas import tpu as pltpu
from jax.experimental.pallas import tpu_sc as plsc

B = 16384
F = 26
D = 16
FIELD = 100000

NW = 32
SPW = B // NW
BLK = 64
NBLK = SPW // BLK
IDX_PER_BLK = BLK * F
ROWS_PER_BLK = IDX_PER_BLK // 128
IDX_ROWS_PER_W = SPW * F // 128


def _sc_body(xi_hbm, lval_hbm, emb_hbm, cross_hbm, lsum_hbm,
             idx_v, rows0, rows1, linv_v, cross_v, lsum_v, sem0, sem1):
    c = lax.axis_index("c")
    s = lax.axis_index("s")
    wid = s * 2 + c

    pltpu.sync_copy(xi_hbm.at[pl.ds(wid * IDX_ROWS_PER_W, IDX_ROWS_PER_W)], idx_v)
    pltpu.sync_copy(lval_hbm.at[pl.ds(wid * IDX_ROWS_PER_W, IDX_ROWS_PER_W)], linv_v)

    bufs = (rows0, rows1)
    sems = (sem0, sem1)

    def fire(blk, buf):
        copies = []
        for j in range(ROWS_PER_BLK):
            cp = pltpu.make_async_copy(
                emb_hbm.at[idx_v.at[blk * ROWS_PER_BLK + j]],
                bufs[buf].at[pl.ds(j * 128, 128)], sems[buf])
            cp.start()
            copies.append(cp)
        return copies

    def drain(blk, buf):
        for j in range(ROWS_PER_BLK):
            pltpu.make_async_copy(
                emb_hbm.at[idx_v.at[blk * ROWS_PER_BLK + j]],
                bufs[buf].at[pl.ds(j * 128, 128)], sems[buf]).wait()

    fire(0, 0)
    fire(1, 1)

    def process(blk, buf):
        drain(blk, buf)
        rows_v = bufs[buf]

        def samp_body(i, carry2):
            r = rows_v[i * F, :]
            s_acc = r
            q_acc = r * r
            for f in range(1, F):
                r = rows_v[i * F + f, :]
                s_acc = s_acc + r
                q_acc = q_acc + r * r
            cross_v[i, :] = 0.5 * (s_acc * s_acc - q_acc)
            return carry2

        lax.fori_loop(0, BLK, samp_body, 0, unroll=False)

        @pl.when(blk + 2 < NBLK)
        def _():
            fire(blk + 2, buf)

        base_row = blk * ROWS_PER_BLK
        for g in range(BLK // 16):
            o = g * 16
            acc = linv_v[base_row + o // 128, pl.ds(o % 128, 16)]
            for f in range(1, F):
                o = f * BLK + g * 16
                acc = acc + linv_v[base_row + o // 128, pl.ds(o % 128, 16)]
            lsum_v[pl.ds(g * 16, 16)] = acc

        out_base = wid * SPW + blk * BLK
        pltpu.sync_copy(cross_v, cross_hbm.at[pl.ds(out_base, BLK)])
        pltpu.sync_copy(lsum_v, lsum_hbm.at[pl.ds(out_base, BLK)])

    def blk_body(k, carry):
        process(2 * k, 0)
        process(2 * k + 1, 1)
        return carry

    lax.fori_loop(0, NBLK // 2, blk_body, 0, unroll=False)


_sc_gather = functools.partial(
    pl.kernel,
    mesh=plsc.VectorSubcoreMesh(core_axis_name="c", subcore_axis_name="s"),
    out_type=[
        jax.ShapeDtypeStruct((B, D), jnp.float32),
        jax.ShapeDtypeStruct((B,), jnp.float32),
    ],
    scratch_types=[
        pltpu.VMEM((IDX_ROWS_PER_W, 128), jnp.int32),
        pltpu.VMEM((IDX_PER_BLK, D), jnp.float32),
        pltpu.VMEM((IDX_PER_BLK, D), jnp.float32),
        pltpu.VMEM((IDX_ROWS_PER_W, 128), jnp.float32),
        pltpu.VMEM((BLK, D), jnp.float32),
        pltpu.VMEM((BLK,), jnp.float32),
        pltpu.SemaphoreType.DMA,
        pltpu.SemaphoreType.DMA,
    ],
    compiler_params=pltpu.CompilerParams(use_tc_tiling_on_sc=False),
)(_sc_body)


def _bn(h, ones_row, g, b, eps=1e-5):
    m = jnp.dot(ones_row, h, preferred_element_type=jnp.float32)
    ms = jnp.dot(ones_row, h * h, preferred_element_type=jnp.float32)
    scale = g * lax.rsqrt(ms - m * m + eps)
    shift = b - m * scale
    return h * scale + shift


def _mlp_body(cross_ref, lsum_ref, g0_ref, b0_ref, w1_ref, b1_ref, g1_ref,
              be1_ref, w2_ref, b2_ref, g2_ref, be2_ref, w3_ref, b3_ref,
              bias_ref, out_ref):
    ones_row = jnp.full((1, B), 1.0 / B, dtype=jnp.float32)
    cross = _bn(cross_ref[...], ones_row, g0_ref[...], b0_ref[...])
    h = jnp.dot(cross, w1_ref[...], preferred_element_type=jnp.float32)
    h = jnp.maximum(_bn(h + b1_ref[...], ones_row, g1_ref[...], be1_ref[...]), 0.0)
    h = jnp.dot(h, w2_ref[...], preferred_element_type=jnp.float32)
    h = jnp.maximum(_bn(h + b2_ref[...], ones_row, g2_ref[...], be2_ref[...]), 0.0)
    mlp = jnp.dot(h, w3_ref[...], preferred_element_type=jnp.float32)
    out_ref[...] = mlp + b3_ref[...] + lsum_ref[...] + bias_ref[...]


def kernel(x, emb_table, lin_table, lin_bias, bn0_gamma, bn0_beta,
           W1, b1, g1, be1, W2, b2, g2, be2, W3, b3):
    offsets = (jnp.arange(F, dtype=x.dtype) * FIELD)[None, :]
    xi = (x + offsets).astype(jnp.int32)
    xi_rows = xi.reshape(B * F // 128, 128)
    xi_t = (xi.reshape(NW, NBLK, BLK, F)
            .transpose(0, 1, 3, 2)
            .reshape(-1))
    lvals = jnp.take(lin_table, xi_t, axis=0, mode="clip")
    lvals = lvals.reshape(B * F // 128, 128)

    cross, lsum = _sc_gather(xi_rows, lvals, emb_table)

    out = pl.pallas_call(
        _mlp_body,
        out_shape=jax.ShapeDtypeStruct((B, 1), jnp.float32),
    )(
        cross, lsum.reshape(B, 1),
        bn0_gamma.reshape(1, D), bn0_beta.reshape(1, D),
        W1, b1.reshape(1, -1), g1.reshape(1, -1), be1.reshape(1, -1),
        W2, b2.reshape(1, -1), g2.reshape(1, -1), be2.reshape(1, -1),
        W3, b3.reshape(1, 1), lin_bias.reshape(1, 1),
    )
    return out

# --- scband reference (transcript-rebuilt; emitter-appended) ---
"""Pipeline reference for scband-neural-factorization-machine-model-75273596829759 (READ-ONLY COPY).

The authoritative reference and input builder live on the scoring server;
editing this copy changes nothing except your own understanding.
"""

import jax, jax.numpy as jnp
import numpy as np

FIELD_DIMS = [100000] * 26
EMBED_DIM = 16
MLP_DIMS = [64, 32]
BATCH = 16384
NUM_FIELDS = len(FIELD_DIMS)
TOTAL = sum(FIELD_DIMS)
OFFSETS = np.concatenate(([0], np.cumsum(FIELD_DIMS)[:-1])).astype(np.int32)


def setup_inputs(seed: int = 0) -> dict:
    key = jax.random.key(seed)
    ks = jax.random.split(key, 16)
    x = jax.random.randint(ks[0], (BATCH, NUM_FIELDS), 0, 100000)
    emb_table = jax.random.normal(ks[1], (TOTAL, EMBED_DIM), dtype=jnp.float32) * 0.01
    lin_table = jax.random.normal(ks[2], (TOTAL, 1), dtype=jnp.float32) * 0.01
    lin_bias = jnp.zeros((1,), dtype=jnp.float32)
    bn0_gamma = jnp.ones((EMBED_DIM,), dtype=jnp.float32)
    bn0_beta = jnp.zeros((EMBED_DIM,), dtype=jnp.float32)
    W1 = jax.random.normal(ks[3], (EMBED_DIM, MLP_DIMS[0]), dtype=jnp.float32) * (1.0 / np.sqrt(EMBED_DIM))
    b1 = jnp.zeros((MLP_DIMS[0],), dtype=jnp.float32)
    g1 = jnp.ones((MLP_DIMS[0],), dtype=jnp.float32)
    be1 = jnp.zeros((MLP_DIMS[0],), dtype=jnp.float32)
    W2 = jax.random.normal(ks[4], (MLP_DIMS[0], MLP_DIMS[1]), dtype=jnp.float32) * (1.0 / np.sqrt(MLP_DIMS[0]))
    b2 = jnp.zeros((MLP_DIMS[1],), dtype=jnp.float32)
    g2 = jnp.ones((MLP_DIMS[1],), dtype=jnp.float32)
    be2 = jnp.zeros((MLP_DIMS[1],), dtype=jnp.float32)
    W3 = jax.random.normal(ks[5], (MLP_DIMS[1], 1), dtype=jnp.float32) * (1.0 / np.sqrt(MLP_DIMS[1]))
    b3 = jnp.zeros((1,), dtype=jnp.float32)
    return {"x": x, "emb_table": emb_table, "lin_table": lin_table, "lin_bias": lin_bias,
            "bn0_gamma": bn0_gamma, "bn0_beta": bn0_beta,
            "W1": W1, "b1": b1, "g1": g1, "be1": be1,
            "W2": W2, "b2": b2, "g2": g2, "be2": be2,
            "W3": W3, "b3": b3}


def _batchnorm(h, gamma, beta, eps=1e-5):
    m = jnp.mean(h, axis=0, keepdims=True)
    v = jnp.var(h, axis=0, keepdims=True)
    return gamma * (h - m) / jnp.sqrt(v + eps) + beta


def reference(x, emb_table, lin_table, lin_bias, bn0_gamma, bn0_beta,
              W1, b1, g1, be1, W2, b2, g2, be2, W3, b3):
    offsets = jnp.asarray(OFFSETS, dtype=x.dtype)
    xi = x + offsets[None, :]
    # FeaturesEmbedding: gather [B, F, D]
    emb = jnp.take(emb_table, xi, axis=0)
    # FactorizationMachine(reduce_sum=False): 0.5 * ((sum)^2 - sum(^2)) -> [B, D]
    s = jnp.sum(emb, axis=1)
    sq = jnp.sum(emb * emb, axis=1)
    cross = 0.5 * (s * s - sq)
    # BatchNorm1d(embed_dim) + Dropout (identity in reference)
    cross = _batchnorm(cross, bn0_gamma, bn0_beta)
    # MLP: Linear->BN->ReLU (->Dropout) x2, then Linear(->1)
    h = jnp.maximum(_batchnorm(cross @ W1 + b1, g1, be1), 0.0)
    h = jnp.maximum(_batchnorm(h @ W2 + b2, g2, be2), 0.0)
    mlp_out = h @ W3 + b3
    # FeaturesLinear: sum of 1-dim embeddings + bias -> [B, 1]
    lin = jnp.sum(jnp.take(lin_table, xi, axis=0), axis=1) + lin_bias
    return lin + mlp_out

if __name__ == "__main__":
    import jax
    _d = setup_inputs()
    print(jax.jit(kernel)(*tuple(_d.values())))

</pallas_src>

<mosaic_0001>
#map = affine_map<(d0, d1) -> (0, 0)>
#map1 = affine_map<(d0, d1) -> (0)>
module attributes {stable_mosaic.version = 14 : i64} {
  func.func @_sc_body(%arg0: i32, %arg1: i32, %arg2: memref<3328x128xi32, #tpu.memory_space<hbm>>, %arg3: memref<3328x128xf32, #tpu.memory_space<hbm>>, %arg4: memref<2600000x16xf32, #tpu.memory_space<hbm>>, %arg5: memref<16384x16xf32, #tpu.memory_space<hbm>>, %arg6: memref<16384xf32, #tpu.memory_space<hbm>>, %arg7: memref<104x128xi32, #tpu.memory_space<vmem>>, %arg8: memref<1664x16xf32, #tpu.memory_space<vmem>>, %arg9: memref<1664x16xf32, #tpu.memory_space<vmem>>, %arg10: memref<104x128xf32, #tpu.memory_space<vmem>>, %arg11: memref<64x16xf32, #tpu.memory_space<vmem>>, %arg12: memref<64xf32, #tpu.memory_space<vmem>>, %arg13: memref<!tpu.dma_semaphore, #tpu.memory_space<semaphore_mem>>, %arg14: memref<!tpu.dma_semaphore, #tpu.memory_space<semaphore_mem>>) attributes {dimension_semantics = [#tpu.dimension_semantics<core_parallel>, #tpu.dimension_semantics<subcore_parallel>], iteration_bounds = array<i64: 2, 16>, scalar_prefetch = 0 : i64, scratch_operands = 8 : i64, tpu.core_type = #tpu.core_type<sc_vector_subcore>, window_params = [{transform_indices = #map}, {transform_indices = #map}, {transform_indices = #map}, {transform_indices = #map}, {transform_indices = #map1}]} {
    %mul3A = arith.constant 2 : i32
    %mul3A_0 = arith.muli %arg1, %mul3A : i32
    %add3A = arith.addi %mul3A_0, %arg0 : i32
    %mul3A_1 = arith.constant 104 : i32
    %mul3A_2 = arith.muli %add3A, %mul3A_1 : i32
    "tpu.region"() ({
      %run_scoped3A = tpu.sem_alloc : memref<!tpu.dma_semaphore, #tpu.memory_space<semaphore_mem>>
      %dma_start3A_269 = arith.constant 0 : i32
      %dma_start3A_270 = tpu.memref_slice %arg2[%mul3A_2, %dma_start3A_269] : memref<3328x128xi32, #tpu.memory_space<hbm>> -> memref<104x128xi32, #tpu.memory_space<hbm>>
      %dma_start3A_271 = arith.constant 0 : i32
      %dma_start3A_272 = tpu.memref_slice %arg2[%mul3A_2, %dma_start3A_271] : memref<3328x128xi32, #tpu.memory_space<hbm>> -> memref<104x128xi32, #tpu.memory_space<hbm>>
      tpu.enqueue_dma source(%dma_start3A_272 : memref<104x128xi32, #tpu.memory_space<hbm>>) target(%arg7 : memref<104x128xi32, #tpu.memory_space<vmem>>) target_semaphore(%run_scoped3A : memref<!tpu.dma_semaphore, #tpu.memory_space<semaphore_mem>>)
      %dma_wait3A = arith.constant 0 : i32
      %dma_wait3A_273 = tpu.memref_slice %arg2[%mul3A_2, %dma_wait3A] : memref<3328x128xi32, #tpu.memory_space<hbm>> -> memref<104x128xi32, #tpu.memory_space<hbm>>
      %dma_wait3A_274 = arith.constant 0 : i32
      %dma_wait3A_275 = tpu.memref_slice %arg2[%mul3A_2, %dma_wait3A_274] : memref<3328x128xi32, #tpu.memory_space<hbm>> -> memref<104x128xi32, #tpu.memory_space<hbm>>
      tpu.wait_dma2 semaphore(%run_scoped3A : memref<!tpu.dma_semaphore, #tpu.memory_space<semaphore_mem>>) src(%dma_wait3A_275 : memref<104x128xi32, #tpu.memory_space<hbm>>) dst(%arg7 : memref<104x128xi32, #tpu.memory_space<vmem>>)
      tpu.yield
    }) : () -> ()
    %mul3A_3 = arith.constant 104 : i32
    %mul3A_4 = arith.muli %add3A, %mul3A_3 : i32
    "tpu.region"() ({
      %run_scoped3A = tpu.sem_alloc : memref<!tpu.dma_semaphore, #tpu.memory_space<semaphore_mem>>
      %dma_start3A_269 = arith.constant 0 : i32
      %dma_start3A_270 = tpu.memref_slice %arg3[%mul3A_4, %dma_start3A_269] : memref<3328x128xf32, #tpu.memory_space<hbm>> -> memref<104x128xf32, #tpu.memory_space<hbm>>
      %dma_start3A_271 = arith.constant 0 : i32
      %dma_start3A_272 = tpu.memref_slice %arg3[%mul3A_4, %dma_start3A_271] : memref<3328x128xf32, #tpu.memory_space<hbm>> -> memref<104x128xf32, #tpu.memory_space<hbm>>
      tpu.enqueue_dma source(%dma_start3A_272 : memref<104x128xf32, #tpu.memory_space<hbm>>) target(%arg10 : memref<104x128xf32, #tpu.memory_space<vmem>>) target_semaphore(%run_scoped3A : memref<!tpu.dma_semaphore, #tpu.memory_space<semaphore_mem>>)
      %dma_wait3A = arith.constant 0 : i32
      %dma_wait3A_273 = tpu.memref_slice %arg3[%mul3A_4, %dma_wait3A] : memref<3328x128xf32, #tpu.memory_space<hbm>> -> memref<104x128xf32, #tpu.memory_space<hbm>>
      %dma_wait3A_274 = arith.constant 0 : i32
      %dma_wait3A_275 = tpu.memref_slice %arg3[%mul3A_4, %dma_wait3A_274] : memref<3328x128xf32, #tpu.memory_space<hbm>> -> memref<104x128xf32, #tpu.memory_space<hbm>>
      tpu.wait_dma2 semaphore(%run_scoped3A : memref<!tpu.dma_semaphore, #tpu.memory_space<semaphore_mem>>) src(%dma_wait3A_275 : memref<104x128xf32, #tpu.memory_space<hbm>>) dst(%arg10 : memref<104x128xf32, #tpu.memory_space<vmem>>)
      tpu.yield
    }) : () -> ()
    %dma_start3A = arith.constant 0 : i32
    %dma_start3A_5 = arith.constant 0 : i32
    %dma_start3A_6 = arith.constant 0 : i32
    %dma_start3A_7 = tpu.memref_slice %arg8[%dma_start3A_5, %dma_start3A_6] : memref<1664x16xf32, #tpu.memory_space<vmem>> -> memref<128x16xf32, #tpu.memory_space<vmem>>
    %dma_start3A_8 = arith.constant 0 : i32
    %dma_start3A_9 = tpu.memref_slice %arg7[%dma_start3A, %dma_start3A_8] : memref<104x128xi32, #tpu.memory_space<vmem>> -> memref<1x128xi32, #tpu.memory_space<vmem>>
    %dma_start3A_10 = tpu.memref_squeeze %dma_start3A_9 : memref<1x128xi32, #tpu.memory_space<vmem>> -> memref<128xi32, #tpu.memory_space<vmem>>
    %dma_start3A_11 = arith.constant 0 : i32
    %dma_start3A_12 = arith.constant 0 : i32
    %dma_start3A_13 = tpu.memref_slice %arg4[%dma_start3A_11, %dma_start3A_12] : memref<2600000x16xf32, #tpu.memory_space<hbm>> -> memref<2600000x16xf32, #tpu.memory_space<hbm>>
    tpu.enqueue_indirect_dma source(%dma_start3A_13 : memref<2600000x16xf32, #tpu.memory_space<hbm>>) target(%dma_start3A_7 : memref<128x16xf32, #tpu.memory_space<vmem>>) offsets(%dma_start3A_10 : memref<128xi32, #tpu.memory_space<vmem>>) semaphore(%arg13 : memref<!tpu.dma_semaphore, #tpu.memory_space<semaphore_mem>>)
    %dma_start3A_14 = arith.constant 1 : i32
    %dma_start3A_15 = arith.constant 128 : i32
    %dma_start3A_16 = arith.constant 0 : i32
    %dma_start3A_17 = tpu.memref_slice %arg8[%dma_start3A_15, %dma_start3A_16] : memref<1664x16xf32, #tpu.memory_space<vmem>> -> memref<128x16xf32, #tpu.memory_space<vmem>>
    %dma_start3A_18 = arith.constant 0 : i32
    %dma_start3A_19 = tpu.memref_slice %arg7[%dma_start3A_14, %dma_start3A_18] : memref<104x128xi32, #tpu.memory_space<vmem>> -> memref<1x128xi32, #tpu.memory_space<vmem>>
    %dma_start3A_20 = tpu.memref_squeeze %dma_start3A_19 : memref<1x128xi32, #tpu.memory_space<vmem>> -> memref<128xi32, #tpu.memory_space<vmem>>
    %dma_start3A_21 = arith.constant 0 : i32
    %dma_start3A_22 = arith.constant 0 : i32
    %dma_start3A_23 = tpu.memref_slice %arg4[%dma_start3A_21, %dma_start3A_22] : memref<2600000x16xf32, #tpu.memory_space<hbm>> -> memref<2600000x16xf32, #tpu.memory_space<hbm>>
    tpu.enqueue_indirect_dma source(%dma_start3A_23 : memref<2600000x16xf32, #tpu.memory_space<hbm>>) target(%dma_start3A_17 : memref<128x16xf32, #tpu.memory_space<vmem>>) offsets(%dma_start3A_20 : memref<128xi32, #tpu.memory_space<vmem>>) semaphore(%arg13 : memref<!tpu.dma_semaphore, #tpu.memory_space<semaphore_mem>>)
    %dma_start3A_24 = arith.constant 2 : i32
    %dma_start3A_25 = arith.constant 256 : i32
    %dma_start3A_26 = arith.constant 0 : i32
    %dma_start3A_27 = tpu.memref_slice %arg8[%dma_start3A_25, %dma_start3A_26] : memref<1664x16xf32, #tpu.memory_space<vmem>> -> memref<128x16xf32, #tpu.memory_space<vmem>>
    %dma_start3A_28 = arith.constant 0 : i32
    %dma_start3A_29 = tpu.memref_slice %arg7[%dma_start3A_24, %dma_start3A_28] : memref<104x128xi32, #tpu.memory_space<vmem>> -> memref<1x128xi32, #tpu.memory_space<vmem>>
    %dma_start3A_30 = tpu.memref_squeeze %dma_start3A_29 : memref<1x128xi32, #tpu.memory_space<vmem>> -> memref<128xi32, #tpu.memory_space<vmem>>
    %dma_start3A_31 = arith.constant 0 : i32
    %dma_start3A_32 = arith.constant 0 : i32
    %dma_start3A_33 = tpu.memref_slice %arg4[%dma_start3A_31, %dma_start3A_32] : memref<2600000x16xf32, #tpu.memory_space<hbm>> -> memref<2600000x16xf32, #tpu.memory_space<hbm>>
    tpu.enqueue_indirect_dma source(%dma_start3A_33 : memref<2600000x16xf32, #tpu.memory_space<hbm>>) target(%dma_start3A_27 : memref<128x16xf32, #tpu.memory_space<vmem>>) offsets(%dma_start3A_30 : memref<128xi32, #tpu.memory_space<vmem>>) semaphore(%arg13 : memref<!tpu.dma_semaphore, #tpu.memory_space<semaphore_mem>>)
    %dma_start3A_34 = arith.constant 3 : i32
    %dma_start3A_35 = arith.constant 384 : i32
    %dma_start3A_36 = arith.constant 0 : i32
    %dma_start3A_37 = tpu.memref_slice %arg8[%dma_start3A_35, %dma_start3A_36] : memref<1664x16xf32, #tpu.memory_space<vmem>> -> memref<128x16xf32, #tpu.memory_space<vmem>>
    %dma_start3A_38 = arith.constant 0 : i32
    %dma_start3A_39 = tpu.memref_slice %arg7[%dma_start3A_34, %dma_start3A_38] : memref<104x128xi32, #tpu.memory_space<vmem>> -> memref<1x128xi32, #tpu.memory_space<vmem>>
    %dma_start3A_40 = tpu.memref_squeeze %dma_start3A_39 : memref<1x128xi32, #tpu.memory_space<vmem>> -> memref<128xi32, #tpu.memory_space<vmem>>
    %dma_start3A_41 = arith.constant 0 : i32
    %dma_start3A_42 = arith.constant 0 : i32
    %dma_start3A_43 = tpu.memref_slice %arg4[%dma_start3A_41, %dma_start3A_42] : memref<2600000x16xf32, #tpu.memory_space<hbm>> -> memref<2600000x16xf32, #tpu.memory_space<hbm>>
    tpu.enqueue_indirect_dma source(%dma_start3A_43 : memref<2600000x16xf32, #tpu.memory_space<hbm>>) target(%dma_start3A_37 : memref<128x16xf32, #tpu.memory_space<vmem>>) offsets(%dma_start3A_40 : memref<128xi32, #tpu.memory_space<vmem>>) semaphore(%arg13 : memref<!tpu.dma_semaphore, #tpu.memory_space<semaphore_mem>>)
    %dma_start3A_44 = arith.constant 4 : i32
    %dma_start3A_45 = arith.constant 512 : i32
    %dma_start3A_46 = arith.constant 0 : i32
    %dma_start3A_47 = tpu.memref_slice %arg8[%dma_start3A_45, %dma_start3A_46] : memref<1664x16xf32, #tpu.memory_space<vmem>> -> memref<128x16xf32, #tpu.memory_space<vmem>>
    %dma_start3A_48 = arith.constant 0 : i32
    %dma_start3A_49 = tpu.memref_slice %arg7[%dma_start3A_44, %dma_start3A_48] : memref<104x128xi32, #tpu.memory_space<vmem>> -> memref<1x128xi32, #tpu.memory_space<vmem>>
    %dma_start3A_50 = tpu.memref_squeeze %dma_start3A_49 : memref<1x128xi32, #tpu.memory_space<vmem>> -> memref<128xi32, #tpu.memory_space<vmem>>
    %dma_start3A_51 = arith.constant 0 : i32
    %dma_start3A_52 = arith.constant 0 : i32
    %dma_start3A_53 = tpu.memref_slice %arg4[%dma_start3A_51, %dma_start3A_52] : memref<2600000x16xf32, #tpu.memory_space<hbm>> -> memref<2600000x16xf32, #tpu.memory_space<hbm>>
    tpu.enqueue_indirect_dma source(%dma_start3A_53 : memref<2600000x16xf32, #tpu.memory_space<hbm>>) target(%dma_start3A_47 : memref<128x16xf32, #tpu.memory_space<vmem>>) offsets(%dma_start3A_50 : memref<128xi32, #tpu.memory_space<vmem>>) semaphore(%arg13 : memref<!tpu.dma_semaphore, #tpu.memory_space<semaphore_mem>>)
    %dma_start3A_54 = arith.constant 5 : i32
    %dma_start3A_55 = arith.constant 640 : i32
    %dma_start3A_56 = arith.constant 0 : i32
    %dma_start3A_57 = tpu.memref_slice %arg8[%dma_start3A_55, %dma_start3A_56] : memref<1664x16xf32, #tpu.memory_space<vmem>> -> memref<128x16xf32, #tpu.memory_space<vmem>>
    %dma_start3A_58 = arith.constant 0 : i32
    %dma_start3A_59 = tpu.memref_slice %arg7[%dma_start3A_54, %dma_start3A_58] : memref<104x128xi32, #tpu.memory_space<vmem>> -> memref<1x128xi32, #tpu.memory_space<vmem>>
    %dma_start3A_60 = tpu.memref_squeeze %dma_start3A_59 : memref<1x128xi32, #tpu.memory_space<vmem>> -> memref<128xi32, #tpu.memory_space<vmem>>
    %dma_start3A_61 = arith.constant 0 : i32
    %dma_start3A_62 = arith.constant 0 : i32
    %dma_start3A_63 = tpu.memref_slice %arg4[%dma_start3A_61, %dma_start3A_62] : memref<2600000x16xf32, #tpu.memory_space<hbm>> -> memref<2600000x16xf32, #tpu.memory_space<hbm>>
    tpu.enqueue_indirect_dma source(%dma_start3A_63 : memref<2600000x16xf32, #tpu.memory_space<hbm>>) target(%dma_start3A_57 : memref<128x16xf32, #tpu.memory_space<vmem>>) offsets(%dma_start3A_60 : memref<128xi32, #tpu.memory_space<vmem>>) semaphore(%arg13 : memref<!tpu.dma_semaphore, #tpu.memory_space<semaphore_mem>>)
    %dma_start3A_64 = arith.constant 6 : i32
    %dma_start3A_65 = arith.constant 768 : i32
    %dma_start3A_66 = arith.constant 0 : i32
    %dma_start3A_67 = tpu.memref_slice %arg8[%dma_start3A_65, %dma_start3A_66] : memref<1664x16xf32, #tpu.memory_space<vmem>> -> memref<128x16xf32, #tpu.memory_space<vmem>>
    %dma_start3A_68 = arith.constant 0 : i32
    %dma_start3A_69 = tpu.memref_slice %arg7[%dma_start3A_64, %dma_start3A_68] : memref<104x128xi32, #tpu.memory_space<vmem>> -> memref<1x128xi32, #tpu.memory_space<vmem>>
    %dma_start3A_70 = tpu.memref_squeeze %dma_start3A_69 : memref<1x128xi32, #tpu.memory_space<vmem>> -> memref<128xi32, #tpu.memory_space<vmem>>
    %dma_start3A_71 = arith.constant 0 : i32
    %dma_start3A_72 = arith.constant 0 : i32
    %dma_start3A_73 = tpu.memref_slice %arg4[%dma_start3A_71, %dma_start3A_72] : memref<2600000x16xf32, #tpu.memory_space<hbm>> -> memref<2600000x16xf32, #tpu.memory_space<hbm>>
    tpu.enqueue_indirect_dma source(%dma_start3A_73 : memref<2600000x16xf32, #tpu.memory_space<hbm>>) target(%dma_start3A_67 : memref<128x16xf32, #tpu.memory_space<vmem>>) offsets(%dma_start3A_70 : memref<128xi32, #tpu.memory_space<vmem>>) semaphore(%arg13 : memref<!tpu.dma_semaphore, #tpu.memory_space<semaphore_mem>>)
    %dma_start3A_74 = arith.constant 7 : i32
    %dma_start3A_75 = arith.constant 896 : i32
    %dma_start3A_76 = arith.constant 0 : i32
    %dma_start3A_77 = tpu.memref_slice %arg8[%dma_start3A_75, %dma_start3A_76] : memref<1664x16xf32, #tpu.memory_space<vmem>> -> memref<128x16xf32, #tpu.memory_space<vmem>>
    %dma_start3A_78 = arith.constant 0 : i32
    %dma_start3A_79 = tpu.memref_slice %arg7[%dma_start3A_74, %dma_start3A_78] : memref<104x128xi32, #tpu.memory_space<vmem>> -> memref<1x128xi32, #tpu.memory_space<vmem>>
    %dma_start3A_80 = tpu.memref_squeeze %dma_start3A_79 : memref<1x128xi32, #tpu.memory_space<vmem>> -> memref<128xi32, #tpu.memory_space<vmem>>
    %dma_start3A_81 = arith.constant 0 : i32
    %dma_start3A_82 = arith.constant 0 : i32
    %dma_start3A_83 = tpu.memref_slice %arg4[%dma_start3A_81, %dma_start3A_82] : memref<2600000x16xf32, #tpu.memory_space<hbm>> -> memref<2600000x16xf32, #tpu.memory_space<hbm>>
    tpu.enqueue_indirect_dma source(%dma_start3A_83 : memref<2600000x16xf32, #tpu.memory_space<hbm>>) target(%dma_start3A_77 : memref<128x16xf32, #tpu.memory_space<vmem>>) offsets(%dma_start3A_80 : memref<128xi32, #tpu.memory_space<vmem>>) semaphore(%arg13 : memref<!tpu.dma_semaphore, #tpu.memory_space<semaphore_mem>>)
    %dma_start3A_84 = arith.constant 8 : i32
    %dma_start3A_85 = arith.constant 1024 : i32
    %dma_start3A_86 = arith.constant 0 : i32
    %dma_start3A_87 = tpu.memref_slice %arg8[%dma_start3A_85, %dma_start3A_86] : memref<1664x16xf32, #tpu.memory_space<vmem>> -> memref<128x16xf32, #tpu.memory_space<vmem>>
    %dma_start3A_88 = arith.constant 0 : i32
    %dma_start3A_89 = tpu.memref_slice %arg7[%dma_start3A_84, %dma_start3A_88] : memref<104x128xi32, #tpu.memory_space<vmem>> -> memref<1x128xi32, #tpu.memory_space<vmem>>
    %dma_start3A_90 = tpu.memref_squeeze %dma_start3A_89 : memref<1x128xi32, #tpu.memory_space<vmem>> -> memref<128xi32, #tpu.memory_space<vmem>>
    %dma_start3A_91 = arith.constant 0 : i32
    %dma_start3A_92 = arith.constant 0 : i32
    %dma_start3A_93 = tpu.memref_slice %arg4[%dma_start3A_91, %dma_start3A_92] : memref<2600000x16xf32, #tpu.memory_space<hbm>> -> memref<2600000x16xf32, #tpu.memory_space<hbm>>
    tpu.enqueue_indirect_dma source(%dma_start3A_93 : memref<2600000x16xf32, #tpu.memory_space<hbm>>) target(%dma_start3A_87 : memref<128x16xf32, #tpu.memory_space<vmem>>) offsets(%dma_start3A_90 : memref<128xi32, #tpu.memory_space<vmem>>) semaphore(%arg13 : memref<!tpu.dma_semaphore, #tpu.memory_space<semaphore_mem>>)
    %dma_start3A_94 = arith.constant 9 : i32
    %dma_start3A_95 = arith.constant 1152 : i32
    %dma_start3A_96 = arith.constant 0 : i32
    %dma_start3A_97 = tpu.memref_slice %arg8[%dma_start3A_95, %dma_start3A_96] : memref<1664x16xf32, #tpu.memory_space<vmem>> -> memref<128x16xf32, #tpu.memory_space<vmem>>
    %dma_start3A_98 = arith.constant 0 : i32
    %dma_start3A_99 = tpu.memref_slice %arg7[%dma_start3A_94, %dma_start3A_98] : memref<104x128xi32, #tpu.memory_space<vmem>> -> memref<1x128xi32, #tpu.memory_space<vmem>>
    %dma_start3A_100 = tpu.memref_squeeze %dma_start3A_99 : memref<1x128xi32, #tpu.memory_space<vmem>> -> memref<128xi32, #tpu.memory_space<vmem>>
    %dma_start3A_101 = arith.constant 0 : i32
    %dma_start3A_102 = arith.constant 0 : i32
    %dma_start3A_103 = tpu.memref_slice %arg4[%dma_start3A_101, %dma_start3A_102] : memref<2600000x16xf32, #tpu.memory_space<hbm>> -> memref<2600000x16xf32, #tpu.memory_space<hbm>>
    tpu.enqueue_indirect_dma source(%dma_start3A_103 : memref<2600000x16xf32, #tpu.memory_space<hbm>>) target(%dma_start3A_97 : memref<128x16xf32, #tpu.memory_space<vmem>>) offsets(%dma_start3A_100 : memref<128xi32, #tpu.memory_space<vmem>>) semaphore(%arg13 : memref<!tpu.dma_semaphore, #tpu.memory_space<semaphore_mem>>)
    %dma_start3A_104 = arith.constant 10 : i32
    %dma_start3A_105 = arith.constant 1280 : i32
    %dma_start3A_106 = arith.constant 0 : i32
    %dma_start3A_107 = tpu.memref_slice %arg8[%dma_start3A_105, %dma_start3A_106] : memref<1664x16xf32, #tpu.memory_space<vmem>> -> memref<128x16xf32, #tpu.memory_space<vmem>>
    %dma_start3A_108 = arith.constant 0 : i32
    %dma_start3A_109 = tpu.memref_slice %arg7[%dma_start3A_104, %dma_start3A_108] : memref<104x128xi32, #tpu.memory_space<vmem>> -> memref<1x128xi32, #tpu.memory_space<vmem>>
    %dma_start3A_110 = tpu.memref_squeeze %dma_start3A_109 : memref<1x128xi32, #tpu.memory_space<vmem>> -> memref<128xi32, #tpu.memory_space<vmem>>
    %dma_start3A_111 = arith.constant 0 : i32
    %dma_start3A_112 = arith.constant 0 : i32
    %dma_start3A_113 = tpu.memref_slice %arg4[%dma_start3A_111, %dma_start3A_112] : memref<2600000x16xf32, #tpu.memory_space<hbm>> -> memref<2600000x16xf32, #tpu.memory_space<hbm>>
    tpu.enqueue_indirect_dma source(%dma_start3A_113 : memref<2600000x16xf32, #tpu.memory_space<hbm>>) target(%dma_start3A_107 : memref<128x16xf32, #tpu.memory_space<vmem>>) offsets(%dma_start3A_110 : memref<128xi32, #tpu.memory_space<vmem>>) semaphore(%arg13 : memref<!tpu.dma_semaphore, #tpu.memory_space<semaphore_mem>>)
    %dma_start3A_114 = arith.constant 11 : i32
    %dma_start3A_115 = arith.constant 1408 : i32
    %dma_start3A_116 = arith.constant 0 : i32
    %dma_start3A_117 = tpu.memref_slice %arg8[%dma_start3A_115, %dma_start3A_116] : memref<1664x16xf32, #tpu.memory_space<vmem>> -> memref<128x16xf32, #tpu.memory_space<vmem>>
    %dma_start3A_118 = arith.constant 0 : i32
    %dma_start3A_119 = tpu.memref_slice %arg7[%dma_start3A_114, %dma_start3A_118] : memref<104x128xi32, #tpu.memory_space<vmem>> -> memref<1x128xi32, #tpu.memory_space<vmem>>
    %dma_start3A_120 = tpu.memref_squeeze %dma_start3A_119 : memref<1x128xi32, #tpu.memory_space<vmem>> -> memref<128xi32, #tpu.memory_space<vmem>>
    %dma_start3A_121 = arith.constant 0 : i32
    %dma_start3A_122 = arith.constant 0 : i32
    %dma_start3A_123 = tpu.memref_slice %arg4[%dma_start3A_121, %dma_start3A_122] : memref<2600000x16xf32, #tpu.memory_space<hbm>> -> memref<2600000x16xf32, #tpu.memory_space<hbm>>
    tpu.enqueue_indirect_dma source(%dma_start3A_123 : memref<2600000x16xf32, #tpu.memory_space<hbm>>) target(%dma_start3A_117 : memref<128x16xf32, #tpu.memory_space<vmem>>) offsets(%dma_start3A_120 : memref<128xi32, #tpu.memory_space<vmem>>) semaphore(%arg13 : memref<!tpu.dma_semaphore, #tpu.memory_space<semaphore_mem>>)
    %dma_start3A_124 = arith.constant 12 : i32
    %dma_start3A_125 = arith.constant 1536 : i32
    %dma_start3A_126 = arith.constant 0 : i32
    %dma_start3A_127 = tpu.memref_slice %arg8[%dma_start3A_125, %dma_start3A_126] : memref<1664x16xf32, #tpu.memory_space<vmem>> -> memref<128x16xf32, #tpu.memory_space<vmem>>
    %dma_start3A_128 = arith.constant 0 : i32
    %dma_start3A_129 = tpu.memref_slice %arg7[%dma_start3A_124, %dma_start3A_128] : memref<104x128xi32, #tpu.memory_space<vmem>> -> memref<1x128xi32, #tpu.memory_space<vmem>>
    %dma_start3A_130 = tpu.memref_squeeze %dma_start3A_129 : memref<1x128xi32, #tpu.memory_space<vmem>> -> memref<128xi32, #tpu.memory_space<vmem>>
    %dma_start3A_131 = arith.constant 0 : i32
    %dma_start3A_132 = arith.constant 0 : i32
    %dma_start3A_133 = tpu.memref_slice %arg4[%dma_start3A_131, %dma_start3A_132] : memref<2600000x16xf32, #tpu.memory_space<hbm>> -> memref<2600000x16xf32, #tpu.memory_space<hbm>>
    tpu.enqueue_indirect_dma source(%dma_start3A_133 : memref<2600000x16xf32, #tpu.memory_space<hbm>>) target(%dma_start3A_127 : memref<128x16xf32, #tpu.memory_space<vmem>>) offsets(%dma_start3A_130 : memref<128xi32, #tpu.memory_space<vmem>>) semaphore(%arg13 : memref<!tpu.dma_semaphore, #tpu.memory_space<semaphore_mem>>)
    %dma_start3A_134 = arith.constant 13 : i32
    %dma_start3A_135 = arith.constant 0 : i32
    %dma_start3A_136 = arith.constant 0 : i32
    %dma_start3A_137 = tpu.memref_slice %arg9[%dma_start3A_135, %dma_start3A_136] : memref<1664x16xf32, #tpu.memory_space<vmem>> -> memref<128x16xf32, #tpu.memory_space<vmem>>
    %dma_start3A_138 = arith.constant 0 : i32
    %dma_start3A_139 = tpu.memref_slice %arg7[%dma_start3A_134, %dma_start3A_138] : memref<104x128xi32, #tpu.memory_space<vmem>> -> memref<1x128xi32, #tpu.memory_space<vmem>>
    %dma_start3A_140 = tpu.memref_squeeze %dma_start3A_139 : memref<1x128xi32, #tpu.memory_space<vmem>> -> memref<128xi32, #tpu.memory_space<vmem>>
    %dma_start3A_141 = arith.constant 0 : i32
    %dma_start3A_142 = arith.constant 0 : i32
    %dma_start3A_143 = tpu.memref_slice %arg4[%dma_start3A_141, %dma_start3A_142] : memref<2600000x16xf32, #tpu.memory_space<hbm>> -> memref<2600000x16xf32, #tpu.memory_space<hbm>>
    tpu.enqueue_indirect_dma source(%dma_start3A_143 : memref<2600000x16xf32, #tpu.memory_space<hbm>>) target(%dma_start3A_137 : memref<128x16xf32, #tpu.memory_space<vmem>>) offsets(%dma_start3A_140 : memref<128xi32, #tpu.memory_space<vmem>>) semaphore(%arg14 : memref<!tpu.dma_semaphore, #tpu.memory_space<semaphore_mem>>)
    %dma_start3A_144 = arith.constant 14 : i32
    %dma_start3A_145 = arith.constant 128 : i32
    %dma_start3A_146 = arith.constant 0 : i32
    %dma_start3A_147 = tpu.memref_slice %arg9[%dma_start3A_145, %dma_start3A_146] : memref<1664x16xf32, #tpu.memory_space<vmem>> -> memref<128x16xf32, #tpu.memory_space<vmem>>
    %dma_start3A_148 = arith.constant 0 : i32
    %dma_start3A_149 = tpu.memref_slice %arg7[%dma_start3A_144, %dma_start3A_148] : memref<104x128xi32, #tpu.memory_space<vmem>> -> memref<1x128xi32, #tpu.memory_space<vmem>>
    %dma_start3A_150 = tpu.memref_squeeze %dma_start3A_149 : memref<1x128xi32, #tpu.memory_space<vmem>> -> memref<128xi32, #tpu.memory_space<vmem>>
    %dma_start3A_151 = arith.constant 0 : i32
    %dma_start3A_152 = arith.constant 0 : i32
    %dma_start3A_153 = tpu.memref_slice %arg4[%dma_start3A_151, %dma_start3A_152] : memref<2600000x16xf32, #tpu.memory_space<hbm>> -> memref<2600000x16xf32, #tpu.memory_space<hbm>>
    tpu.enqueue_indirect_dma source(%dma_start3A_153 : memref<2600000x16xf32, #tpu.memory_space<hbm>>) target(%dma_start3A_147 : memref<128x16xf32, #tpu.memory_space<vmem>>) offsets(%dma_start3A_150 : memref<128xi32, #tpu.memory_space<vmem>>) semaphore(%arg14 : memref<!tpu.dma_semaphore, #tpu.memory_space<semaphore_mem>>)
    %dma_start3A_154 = arith.constant 15 : i32
    %dma_start3A_155 = arith.constant 256 : i32
    %dma_start3A_156 = arith.constant 0 : i32
    %dma_start3A_157 = tpu.memref_slice %arg9[%dma_start3A_155, %dma_start3A_156] : memref<1664x16xf32, #tpu.memory_space<vmem>> -> memref<128x16xf32, #tpu.memory_space<vmem>>
    %dma_start3A_158 = arith.constant 0 : i32
    %dma_start3A_159 = tpu.memref_slice %arg7[%dma_start3A_154, %dma_start3A_158] : memref<104x128xi32, #tpu.memory_space<vmem>> -> memref<1x128xi32, #tpu.memory_space<vmem>>
    %dma_start3A_160 = tpu.memref_squeeze %dma_start3A_159 : memref<1x128xi32, #tpu.memory_space<vmem>> -> memref<128xi32, #tpu.memory_space<vmem>>
    %dma_start3A_161 = arith.constant 0 : i32
    %dma_start3A_162 = arith.constant 0 : i32
    %dma_start3A_163 = tpu.memref_slice %arg4[%dma_start3A_161, %dma_start3A_162] : memref<2600000x16xf32, #tpu.memory_space<hbm>> -> memref<2600000x16xf32, #tpu.memory_space<hbm>>
    tpu.enqueue_indirect_dma source(%dma_start3A_163 : memref<2600000x16xf32, #tpu.memory_space<hbm>>) target(%dma_start3A_157 : memref<128x16xf32, #tpu.memory_space<vmem>>) offsets(%dma_start3A_160 : memref<128xi32, #tpu.memory_space<vmem>>) semaphore(%arg14 : memref<!tpu.dma_semaphore, #tpu.memory_space<semaphore_mem>>)
    %dma_start3A_164 = arith.constant 16 : i32
    %dma_start3A_165 = arith.constant 384 : i32
    %dma_start3A_166 = arith.constant 0 : i32
    %dma_start3A_167 = tpu.memref_slice %arg9[%dma_start3A_165, %dma_start3A_166] : memref<1664x16xf32, #tpu.memory_space<vmem>> -> memref<128x16xf32, #tpu.memory_space<vmem>>
    %dma_start3A_168 = arith.constant 0 : i32
    %dma_start3A_169 = tpu.memref_slice %arg7[%dma_start3A_164, %dma_start3A_168] : memref<104x128xi32, #tpu.memory_space<vmem>> -> memref<1x128xi32, #tpu.memory_space<vmem>>
    %dma_start3A_170 = tpu.memref_squeeze %dma_start3A_169 : memref<1x128xi32, #tpu.memory_space<vmem>> -> memref<128xi32, #tpu.memory_space<vmem>>
    %dma_start3A_171 = arith.constant 0 : i32
    %dma_start3A_172 = arith.constant 0 : i32
    %dma_start3A_173 = tpu.memref_slice %arg4[%dma_start3A_171, %dma_start3A_172] : memref<2600000x16xf32, #tpu.memory_space<hbm>> -> memref<2600000x16xf32, #tpu.memory_space<hbm>>
    tpu.enqueue_indirect_dma source(%dma_start3A_173 : memref<2600000x16xf32, #tpu.memory_space<hbm>>) target(%dma_start3A_167 : memref<128x16xf32, #tpu.memory_space<vmem>>) offsets(%dma_start3A_170 : memref<128xi32, #tpu.memory_space<vmem>>) semaphore(%arg14 : memref<!tpu.dma_semaphore, #tpu.memory_space<semaphore_mem>>)
    %dma_start3A_174 = arith.constant 17 : i32
    %dma_start3A_175 = arith.constant 512 : i32
    %dma_start3A_176 = arith.constant 0 : i32
    %dma_start3A_177 = tpu.memref_slice %arg9[%dma_start3A_175, %dma_start3A_176] : memref<1664x16xf32, #tpu.memory_space<vmem>> -> memref<128x16xf32, #tpu.memory_space<vmem>>
    %dma_start3A_178 = arith.constant 0 : i32
    %dma_start3A_179 = tpu.memref_slice %arg7[%dma_start3A_174, %dma_start3A_178] : memref<104x128xi32, #tpu.memory_space<vmem>> -> memref<1x128xi32, #tpu.memory_space<vmem>>
    %dma_start3A_180 = tpu.memref_squeeze %dma_start3A_179 : memref<1x128xi32, #tpu.memory_space<vmem>> -> memref<128xi32, #tpu.memory_space<vmem>>
    %dma_start3A_181 = arith.constant 0 : i32
    %dma_start3A_182 = arith.constant 0 : i32
    %dma_start3A_183 = tpu.memref_slice %arg4[%dma_start3A_181, %dma_start3A_182] : memref<2600000x16xf32, #tpu.memory_space<hbm>> -> memref<2600000x16xf32, #tpu.memory_space<hbm>>
    tpu.enqueue_indirect_dma source(%dma_start3A_183 : memref<2600000x16xf32, #tpu.memory_space<hbm>>) target(%dma_start3A_177 : memref<128x16xf32, #tpu.memory_space<vmem>>) offsets(%dma_start3A_180 : memref<128xi32, #tpu.memory_space<vmem>>) semaphore(%arg14 : memref<!tpu.dma_semaphore, #tpu.memory_space<semaphore_mem>>)
    %dma_start3A_184 = arith.constant 18 : i32
    %dma_start3A_185 = arith.constant 640 : i32
    %dma_start3A_186 = arith.constant 0 : i32
    %dma_start3A_187 = tpu.memref_slice %arg9[%dma_start3A_185, %dma_start3A_186] : memref<1664x16xf32, #tpu.memory_space<vmem>> -> memref<128x16xf32, #tpu.memory_space<vmem>>
    %dma_start3A_188 = arith.constant 0 : i32
    %dma_start3A_189 = tpu.memref_slice %arg7[%dma_start3A_184, %dma_start3A_188] : memref<104x128xi32, #tpu.memory_space<vmem>> -> memref<1x128xi32, #tpu.memory_space<vmem>>
    %dma_start3A_190 = tpu.memref_squeeze %dma_start3A_189 : memref<1x128xi32, #tpu.memory_space<vmem>> -> memref<128xi32, #tpu.memory_space<vmem>>
    %dma_start3A_191 = arith.constant 0 : i32
    %dma_start3A_192 = arith.constant 0 : i32
    %dma_start3A_193 = tpu.memref_slice %arg4[%dma_start3A_191, %dma_start3A_192] : memref<2600000x16xf32, #tpu.memory_space<hbm>> -> memref<2600000x16xf32, #tpu.memory_space<hbm>>
    tpu.enqueue_indirect_dma source(%dma_start3A_193 : memref<2600000x16xf32, #tpu.memory_space<hbm>>) target(%dma_start3A_187 : memref<128x16xf32, #tpu.memory_space<vmem>>) offsets(%dma_start3A_190 : memref<128xi32, #tpu.memory_space<vmem>>) semaphore(%arg14 : memref<!tpu.dma_semaphore, #tpu.memory_space<semaphore_mem>>)
    %dma_start3A_194 = arith.constant 19 : i32
    %dma_start3A_195 = arith.constant 768 : i32
    %dma_start3A_196 = arith.constant 0 : i32
    %dma_start3A_197 = tpu.memref_slice %arg9[%dma_start3A_195, %dma_start3A_196] : memref<1664x16xf32, #tpu.memory_space<vmem>> -> memref<128x16xf32, #tpu.memory_space<vmem>>
    %dma_start3A_198 = arith.constant 0 : i32
    %dma_start3A_199 = tpu.memref_slice %arg7[%dma_start3A_194, %dma_start3A_198] : memref<104x128xi32, #tpu.memory_space<vmem>> -> memref<1x128xi32, #tpu.memory_space<vmem>>
    %dma_start3A_200 = tpu.memref_squeeze %dma_start3A_199 : memref<1x128xi32, #tpu.memory_space<vmem>> -> memref<128xi32, #tpu.memory_space<vmem>>
    %dma_start3A_201 = arith.constant 0 : i32
    %dma_start3A_202 = arith.constant 0 : i32
    %dma_start3A_203 = tpu.memref_slice %arg4[%dma_start3A_201, %dma_start3A_202] : memref<2600000x16xf32, #tpu.memory_space<hbm>> -> memref<2600000x16xf32, #tpu.memory_space<hbm>>
    tpu.enqueue_indirect_dma source(%dma_start3A_203 : memref<2600000x16xf32, #tpu.memory_space<hbm>>) target(%dma_start3A_197 : memref<128x16xf32, #tpu.memory_space<vmem>>) offsets(%dma_start3A_200 : memref<128xi32, #tpu.memory_space<vmem>>) semaphore(%arg14 : memref<!tpu.dma_semaphore, #tpu.memory_space<semaphore_mem>>)
    %dma_start3A_204 = arith.constant 20 : i32
    %dma_start3A_205 = arith.constant 896 : i32
    %dma_start3A_206 = arith.constant 0 : i32
    %dma_start3A_207 = tpu.memref_slice %arg9[%dma_start3A_205, %dma_start3A_206] : memref<1664x16xf32, #tpu.memory_space<vmem>> -> memref<128x16xf32, #tpu.memory_space<vmem>>
    %dma_start3A_208 = arith.constant 0 : i32
    %dma_start3A_209 = tpu.memref_slice %arg7[%dma_start3A_204, %dma_start3A_208] : memref<104x128xi32, #tpu.memory_space<vmem>> -> memref<1x128xi32, #tpu.memory_space<vmem>>
    %dma_start3A_210 = tpu.memref_squeeze %dma_start3A_209 : memref<1x128xi32, #tpu.memory_space<vmem>> -> memref<128xi32, #tpu.memory_space<vmem>>
    %dma_start3A_211 = arith.constant 0 : i32
    %dma_start3A_212 = arith.constant 0 : i32
    %dma_start3A_213 = tpu.memref_slice %arg4[%dma_start3A_211, %dma_start3A_212] : memref<2600000x16xf32, #tpu.memory_space<hbm>> -> memref<2600000x16xf32, #tpu.memory_space<hbm>>
    tpu.enqueue_indirect_dma source(%dma_start3A_213 : memref<2600000x16xf32, #tpu.memory_space<hbm>>) target(%dma_start3A_207 : memref<128x16xf32, #tpu.memory_space<vmem>>) offsets(%dma_start3A_210 : memref<128xi32, #tpu.memory_space<vmem>>) semaphore(%arg14 : memref<!tpu.dma_semaphore, #tpu.memory_space<semaphore_mem>>)
    %dma_start3A_214 = arith.constant 21 : i32
    %dma_start3A_215 = arith.constant 1024 : i32
    %dma_start3A_216 = arith.constant 0 : i32
    %dma_start3A_217 = tpu.memref_slice %arg9[%dma_start3A_215, %dma_start3A_216] : memref<1664x16xf32, #tpu.memory_space<vmem>> -> memref<128x16xf32, #tpu.memory_space<vmem>>
    %dma_start3A_218 = arith.constant 0 : i32
    %dma_start3A_219 = tpu.memref_slice %arg7[%dma_start3A_214, %dma_start3A_218] : memref<104x128xi32, #tpu.memory_space<vmem>> -> memref<1x128xi32, #tpu.memory_space<vmem>>
    %dma_start3A_220 = tpu.memref_squeeze %dma_start3A_219 : memref<1x128xi32, #tpu.memory_space<vmem>> -> memref<128xi32, #tpu.memory_space<vmem>>
    %dma_start3A_221 = arith.constant 0 : i32
    %dma_start3A_222 = arith.constant 0 : i32
    %dma_start3A_223 = tpu.memref_slice %arg4[%dma_start3A_221, %dma_start3A_222] : memref<2600000x16xf32, #tpu.memory_space<hbm>> -> memref<2600000x16xf32, #tpu.memory_space<hbm>>
    tpu.enqueue_indirect_dma source(%dma_start3A_223 : memref<2600000x16xf32, #tpu.memory_space<hbm>>) target(%dma_start3A_217 : memref<128x16xf32, #tpu.memory_space<vmem>>) offsets(%dma_start3A_220 : memref<128xi32, #tpu.memory_space<vmem>>) semaphore(%arg14 : memref<!tpu.dma_semaphore, #tpu.memory_space<semaphore_mem>>)
    %dma_start3A_224 = arith.constant 22 : i32
    %dma_start3A_225 = arith.constant 1152 : i32
    %dma_start3A_226 = arith.constant 0 : i32
    %dma_start3A_227 = tpu.memref_slice %arg9[%dma_start3A_225, %dma_start3A_226] : memref<1664x16xf32, #tpu.memory_space<vmem>> -> memref<128x16xf32, #tpu.memory_space<vmem>>
    %dma_start3A_228 = arith.constant 0 : i32
    %dma_start3A_229 = tpu.memref_slice %arg7[%dma_start3A_224, %dma_start3A_228] : memref<104x128xi32, #tpu.memory_space<vmem>> -> memref<1x128xi32, #tpu.memory_space<vmem>>
    %dma_start3A_230 = tpu.memref_squeeze %dma_start3A_229 : memref<1x128xi32, #tpu.memory_space<vmem>> -> memref<128xi32, #tpu.memory_space<vmem>>
    %dma_start3A_231 = arith.constant 0 : i32
    %dma_start3A_232 = arith.constant 0 : i32
    %dma_start3A_233 = tpu.memref_slice %arg4[%dma_start3A_231, %dma_start3A_232] : memref<2600000x16xf32, #tpu.memory_space<hbm>> -> memref<2600000x16xf32, #tpu.memory_space<hbm>>
    tpu.enqueue_indirect_dma source(%dma_start3A_233 : memref<2600000x16xf32, #tpu.memory_space<hbm>>) target(%dma_start3A_227 : memref<128x16xf32, #tpu.memory_space<vmem>>) offsets(%dma_start3A_230 : memref<128xi32, #tpu.memory_space<vmem>>) semaphore(%arg14 : memref<!tpu.dma_semaphore, #tpu.memory_space<semaphore_mem>>)
    %dma_start3A_234 = arith.constant 23 : i32
    %dma_start3A_235 = arith.constant 1280 : i32
    %dma_start3A_236 = arith.constant 0 : i32
    %dma_start3A_237 = tpu.memref_slice %arg9[%dma_start3A_235, %dma_start3A_236] : memref<1664x16xf32, #tpu.memory_space<vmem>> -> memref<128x16xf32, #tpu.memory_space<vmem>>
    %dma_start3A_238 = arith.constant 0 : i32
    %dma_start3A_239 = tpu.memref_slice %arg7[%dma_start3A_234, %dma_start3A_238] : memref<104x128xi32, #tpu.memory_space<vmem>> -> memref<1x128xi32, #tpu.memory_space<vmem>>
    %dma_start3A_240 = tpu.memref_squeeze %dma_start3A_239 : memref<1x128xi32, #tpu.memory_space<vmem>> -> memref<128xi32, #tpu.memory_space<vmem>>
    %dma_start3A_241 = arith.constant 0 : i32
    %dma_start3A_242 = arith.constant 0 : i32
    %dma_start3A_243 = tpu.memref_slice %arg4[%dma_start3A_241, %dma_start3A_242] : memref<2600000x16xf32, #tpu.memory_space<hbm>> -> memref<2600000x16xf32, #tpu.memory_space<hbm>>
    tpu.enqueue_indirect_dma source(%dma_start3A_243 : memref<2600000x16xf32, #tpu.memory_space<hbm>>) target(%dma_start3A_237 : memref<128x16xf32, #tpu.memory_space<vmem>>) offsets(%dma_start3A_240 : memref<128xi32, #tpu.memory_space<vmem>>) semaphore(%arg14 : memref<!tpu.dma_semaphore, #tpu.memory_space<semaphore_mem>>)
    %dma_start3A_244 = arith.constant 24 : i32
    %dma_start3A_245 = arith.constant 1408 : i32
    %dma_start3A_246 = arith.constant 0 : i32
    %dma_start3A_247 = tpu.memref_slice %arg9[%dma_start3A_245, %dma_start3A_246] : memref<1664x16xf32, #tpu.memory_space<vmem>> -> memref<128x16xf32, #tpu.memory_space<vmem>>
    %dma_start3A_248 = arith.constant 0 : i32
    %dma_start3A_249 = tpu.memref_slice %arg7[%dma_start3A_244, %dma_start3A_248] : memref<104x128xi32, #tpu.memory_space<vmem>> -> memref<1x128xi32, #tpu.memory_space<vmem>>
    %dma_start3A_250 = tpu.memref_squeeze %dma_start3A_249 : memref<1x128xi32, #tpu.memory_space<vmem>> -> memref<128xi32, #tpu.memory_space<vmem>>
    %dma_start3A_251 = arith.constant 0 : i32
    %dma_start3A_252 = arith.constant 0 : i32
    %dma_start3A_253 = tpu.memref_slice %arg4[%dma_start3A_251, %dma_start3A_252] : memref<2600000x16xf32, #tpu.memory_space<hbm>> -> memref<2600000x16xf32, #tpu.memory_space<hbm>>
    tpu.enqueue_indirect_dma source(%dma_start3A_253 : memref<2600000x16xf32, #tpu.memory_space<hbm>>) target(%dma_start3A_247 : memref<128x16xf32, #tpu.memory_space<vmem>>) offsets(%dma_start3A_250 : memref<128xi32, #tpu.memory_space<vmem>>) semaphore(%arg14 : memref<!tpu.dma_semaphore, #tpu.memory_space<semaphore_mem>>)
    %dma_start3A_254 = arith.constant 25 : i32
    %dma_start3A_255 = arith.constant 1536 : i32
    %dma_start3A_256 = arith.constant 0 : i32
    %dma_start3A_257 = tpu.memref_slice %arg9[%dma_start3A_255, %dma_start3A_256] : memref<1664x16xf32, #tpu.memory_space<vmem>> -> memref<128x16xf32, #tpu.memory_space<vmem>>
    %dma_start3A_258 = arith.constant 0 : i32
    %dma_start3A_259 = tpu.memref_slice %arg7[%dma_start3A_254, %dma_start3A_258] : memref<104x128xi32, #tpu.memory_space<vmem>> -> memref<1x128xi32, #tpu.memory_space<vmem>>
    %dma_start3A_260 = tpu.memref_squeeze %dma_start3A_259 : memref<1x128xi32, #tpu.memory_space<vmem>> -> memref<128xi32, #tpu.memory_space<vmem>>
    %dma_start3A_261 = arith.constant 0 : i32
    %dma_start3A_262 = arith.constant 0 : i32
    %dma_start3A_263 = tpu.memref_slice %arg4[%dma_start3A_261, %dma_start3A_262] : memref<2600000x16xf32, #tpu.memory_space<hbm>> -> memref<2600000x16xf32, #tpu.memory_space<hbm>>
    tpu.enqueue_indirect_dma source(%dma_start3A_263 : memref<2600000x16xf32, #tpu.memory_space<hbm>>) target(%dma_start3A_257 : memref<128x16xf32, #tpu.memory_space<vmem>>) offsets(%dma_start3A_260 : memref<128xi32, #tpu.memory_space<vmem>>) semaphore(%arg14 : memref<!tpu.dma_semaphore, #tpu.memory_space<semaphore_mem>>)
    %scan3A = arith.constant 0 : i32
    %scan3A_264 = arith.constant 0 : i32
    %scan3A_265 = arith.constant 4 : i32
    %scan3A_266 = arith.addi %scan3A_264, %scan3A_265 : i32
    %scan3A_267 = arith.constant 1 : i32
    scf.for %scan3A_269 = %scan3A_264 to %scan3A_266 step %scan3A_267  : i32 {
      %mul3A_270 = arith.constant 2 : i32
      %mul3A_271 = arith.muli %mul3A_270, %scan3A_269 : i32
      %mul3A_272 = arith.constant 13 : i32
      %mul3A_273 = arith.muli %mul3A_271, %mul3A_272 : i32
      %add3A_274 = arith.constant 0 : i32
      %add3A_275 = arith.addi %mul3A_273, %add3A_274 : i32
      %dma_wait3A = arith.constant 0 : i32
      %dma_wait3A_276 = arith.constant 0 : i32
      %dma_wait3A_277 = tpu.memref_slice %arg8[%dma_wait3A, %dma_wait3A_276] : memref<1664x16xf32, #tpu.memory_space<vmem>> -> memref<128x16xf32, #tpu.memory_space<vmem>>
      %dma_wait3A_278 = arith.constant 0 : i32
      %dma_wait3A_279 = tpu.memref_slice %arg7[%add3A_275, %dma_wait3A_278] : memref<104x128xi32, #tpu.memory_space<vmem>> -> memref<1x128xi32, #tpu.memory_space<vmem>>
      %dma_wait3A_280 = tpu.memref_squeeze %dma_wait3A_279 : memref<1x128xi32, #tpu.memory_space<vmem>> -> memref<128xi32, #tpu.memory_space<vmem>>
      %dma_wait3A_281 = arith.constant 0 : i32
      %dma_wait3A_282 = arith.constant 0 : i32
      %dma_wait3A_283 = tpu.memref_slice %arg4[%dma_wait3A_281, %dma_wait3A_282] : memref<2600000x16xf32, #tpu.memory_space<hbm>> -> memref<2600000x16xf32, #tpu.memory_space<hbm>>
      tpu.wait_indirect_dma semaphore(%arg13 : memref<!tpu.dma_semaphore, #tpu.memory_space<semaphore_mem>>) src(%dma_wait3A_283 : memref<2600000x16xf32, #tpu.memory_space<hbm>>) dst(%dma_wait3A_277 : memref<128x16xf32, #tpu.memory_space<vmem>>)
      %mul3A_284 = arith.constant 13 : i32
      %mul3A_285 = arith.muli %mul3A_271, %mul3A_284 : i32
      %add3A_286 = arith.constant 1 : i32
      %add3A_287 = arith.addi %mul3A_285, %add3A_286 : i32
      %dma_wait3A_288 = arith.constant 128 : i32
      %dma_wait3A_289 = arith.constant 0 : i32
      %dma_wait3A_290 = tpu.memref_slice %arg8[%dma_wait3A_288, %dma_wait3A_289] : memref<1664x16xf32, #tpu.memory_space<vmem>> -> memref<128x16xf32, #tpu.memory_space<vmem>>
      %dma_wait3A_291 = arith.constant 0 : i32
      %dma_wait3A_292 = tpu.memref_slice %arg7[%add3A_287, %dma_wait3A_291] : memref<104x128xi32, #tpu.memory_space<vmem>> -> memref<1x128xi32, #tpu.memory_space<vmem>>
      %dma_wait3A_293 = tpu.memref_squeeze %dma_wait3A_292 : memref<1x128xi32, #tpu.memory_space<vmem>> -> memref<128xi32, #tpu.memory_space<vmem>>
      %dma_wait3A_294 = arith.constant 0 : i32
      %dma_wait3A_295 = arith.constant 0 : i32
      %dma_wait3A_296 = tpu.memref_slice %arg4[%dma_wait3A_294, %dma_wait3A_295] : memref<2600000x16xf32, #tpu.memory_space<hbm>> -> memref<2600000x16xf32, #tpu.memory_space<hbm>>
      tpu.wait_indirect_dma semaphore(%arg13 : memref<!tpu.dma_semaphore, #tpu.memory_space<semaphore_mem>>) src(%dma_wait3A_296 : memref<2600000x16xf32, #tpu.memory_space<hbm>>) dst(%dma_wait3A_290 : memref<128x16xf32, #tpu.memory_space<vmem>>)
      %mul3A_297 = arith.constant 13 : i32
      %mul3A_298 = arith.muli %mul3A_271, %mul3A_297 : i32
      %add3A_299 = arith.constant 2 : i32
      %add3A_300 = arith.addi %mul3A_298, %add3A_299 : i32
      %dma_wait3A_301 = arith.constant 256 : i32
      %dma_wait3A_302 = arith.constant 0 : i32
      %dma_wait3A_303 = tpu.memref_slice %arg8[%dma_wait3A_301, %dma_wait3A_302] : memref<1664x16xf32, #tpu.memory_space<vmem>> -> memref<128x16xf32, #tpu.memory_space<vmem>>
      %dma_wait3A_304 = arith.constant 0 : i32
      %dma_wait3A_305 = tpu.memref_slice %arg7[%add3A_300, %dma_wait3A_304] : memref<104x128xi32, #tpu.memory_space<vmem>> -> memref<1x128xi32, #tpu.memory_space<vmem>>
      %dma_wait3A_306 = tpu.memref_squeeze %dma_wait3A_305 : memref<1x128xi32, #tpu.memory_space<vmem>> -> memref<128xi32, #tpu.memory_space<vmem>>
      %dma_wait3A_307 = arith.constant 0 : i32
      %dma_wait3A_308 = arith.constant 0 : i32
      %dma_wait3A_309 = tpu.memref_slice %arg4[%dma_wait3A_307, %dma_wait3A_308] : memref<2600000x16xf32, #tpu.memory_space<hbm>> -> memref<2600000x16xf32, #tpu.memory_space<hbm>>
      tpu.wait_indirect_dma semaphore(%arg13 : memref<!tpu.dma_semaphore, #tpu.memory_space<semaphore_mem>>) src(%dma_wait3A_309 : memref<2600000x16xf32, #tpu.memory_space<hbm>>) dst(%dma_wait3A_303 : memref<128x16xf32, #tpu.memory_space<vmem>>)
      %mul3A_310 = arith.constant 13 : i32
      %mul3A_311 = arith.muli %mul3A_271, %mul3A_310 : i32
      %add3A_312 = arith.constant 3 : i32
      %add3A_313 = arith.addi %mul3A_311, %add3A_312 : i32
      %dma_wait3A_314 = arith.constant 384 : i32
      %dma_wait3A_315 = arith.constant 0 : i32
      %dma_wait3A_316 = tpu.memref_slice %arg8[%dma_wait3A_314, %dma_wait3A_315] : memref<1664x16xf32, #tpu.memory_space<vmem>> -> memref<128x16xf32, #tpu.memory_space<vmem>>
      %dma_wait3A_317 = arith.constant 0 : i32
      %dma_wait3A_318 = tpu.memref_slice %arg7[%add3A_313, %dma_wait3A_317] : memref<104x128xi32, #tpu.memory_space<vmem>> -> memref<1x128xi32, #tpu.memory_space<vmem>>
      %dma_wait3A_319 = tpu.memref_squeeze %dma_wait3A_318 : memref<1x128xi32, #tpu.memory_space<vmem>> -> memref<128xi32, #tpu.memory_space<vmem>>
      %dma_wait3A_320 = arith.constant 0 : i32
      %dma_wait3A_321 = arith.constant 0 : i32
      %dma_wait3A_322 = tpu.memref_slice %arg4[%dma_wait3A_320, %dma_wait3A_321] : memref<2600000x16xf32, #tpu.memory_space<hbm>> -> memref<2600000x16xf32, #tpu.memory_space<hbm>>
      tpu.wait_indirect_dma semaphore(%arg13 : memref<!tpu.dma_semaphore, #tpu.memory_space<semaphore_mem>>) src(%dma_wait3A_322 : memref<2600000x16xf32, #tpu.memory_space<hbm>>) dst(%dma_wait3A_316 : memref<128x16xf32, #tpu.memory_space<vmem>>)
      %mul3A_323 = arith.constant 13 : i32
      %mul3A_324 = arith.muli %mul3A_271, %mul3A_323 : i32
      %add3A_325 = arith.constant 4 : i32
      %add3A_326 = arith.addi %mul3A_324, %add3A_325 : i32
      %dma_wait3A_327 = arith.constant 512 : i32
      %dma_wait3A_328 = arith.constant 0 : i32
      %dma_wait3A_329 = tpu.memref_slice %arg8[%dma_wait3A_327, %dma_wait3A_328] : memref<1664x16xf32, #tpu.memory_space<vmem>> -> memref<128x16xf32, #tpu.memory_space<vmem>>
      %dma_wait3A_330 = arith.constant 0 : i32
      %dma_wait3A_331 = tpu.memref_slice %arg7[%add3A_326, %dma_wait3A_330] : memref<104x128xi32, #tpu.memory_space<vmem>> -> memref<1x128xi32, #tpu.memory_space<vmem>>
      %dma_wait3A_332 = tpu.memref_squeeze %dma_wait3A_331 : memref<1x128xi32, #tpu.memory_space<vmem>> -> memref<128xi32, #tpu.memory_space<vmem>>
      %dma_wait3A_333 = arith.constant 0 : i32
      %dma_wait3A_334 = arith.constant 0 : i32
      %dma_wait3A_335 = tpu.memref_slice %arg4[%dma_wait3A_333, %dma_wait3A_334] : memref<2600000x16xf32, #tpu.memory_space<hbm>> -> memref<2600000x16xf32, #tpu.memory_space<hbm>>
      tpu.wait_indirect_dma semaphore(%arg13 : memref<!tpu.dma_semaphore, #tpu.memory_space<semaphore_mem>>) src(%dma_wait3A_335 : memref<2600000x16xf32, #tpu.memory_space<hbm>>) dst(%dma_wait3A_329 : memref<128x16xf32, #tpu.memory_space<vmem>>)
      %mul3A_336 = arith.constant 13 : i32
      %mul3A_337 = arith.muli %mul3A_271, %mul3A_336 : i32
      %add3A_338 = arith.constant 5 : i32
      %add3A_339 = arith.addi %mul3A_337, %add3A_338 : i32
      %dma_wait3A_340 = arith.constant 640 : i32
      %dma_wait3A_341 = arith.constant 0 : i32
      %dma_wait3A_342 = tpu.memref_slice %arg8[%dma_wait3A_340, %dma_wait3A_341] : memref<1664x16xf32, #tpu.memory_space<vmem>> -> memref<128x16xf32, #tpu.memory_space<vmem>>
      %dma_wait3A_343 = arith.constant 0 : i32
      %dma_wait3A_344 = tpu.memref_slice %arg7[%add3A_339, %dma_wait3A_343] : memref<104x128xi32, #tpu.memory_space<vmem>> -> memref<1x128xi32, #tpu.memory_space<vmem>>
      %dma_wait3A_345 = tpu.memref_squeeze %dma_wait3A_344 : memref<1x128xi32, #tpu.memory_space<vmem>> -> memref<128xi32, #tpu.memory_space<vmem>>
      %dma_wait3A_346 = arith.constant 0 : i32
      %dma_wait3A_347 = arith.constant 0 : i32
      %dma_wait3A_348 = tpu.memref_slice %arg4[%dma_wait3A_346, %dma_wait3A_347] : memref<2600000x16xf32, #tpu.memory_space<hbm>> -> memref<2600000x16xf32, #tpu.memory_space<hbm>>
      tpu.wait_indirect_dma semaphore(%arg13 : memref<!tpu.dma_semaphore, #tpu.memory_space<semaphore_mem>>) src(%dma_wait3A_348 : memref<2600000x16xf32, #tpu.memory_space<hbm>>) dst(%dma_wait3A_342 : memref<128x16xf32, #tpu.memory_space<vmem>>)
      %mul3A_349 = arith.constant 13 : i32
      %mul3A_350 = arith.muli %mul3A_271, %mul3A_349 : i32
      %add3A_351 = arith.constant 6 : i32
      %add3A_352 = arith.addi %mul3A_350, %add3A_351 : i32
      %dma_wait3A_353 = arith.constant 768 : i32
      %dma_wait3A_354 = arith.constant 0 : i32
      %dma_wait3A_355 = tpu.memref_slice %arg8[%dma_wait3A_353, %dma_wait3A_354] : memref<1664x16xf32, #tpu.memory_space<vmem>> -> memref<128x16xf32, #tpu.memory_space<vmem>>
      %dma_wait3A_356 = arith.constant 0 : i32
      %dma_wait3A_357 = tpu.memref_slice %arg7[%add3A_352, %dma_wait3A_356] : memref<104x128xi32, #tpu.memory_space<vmem>> -> memref<1x128xi32, #tpu.memory_space<vmem>>
      %dma_wait3A_358 = tpu.memref_squeeze %dma_wait3A_357 : memref<1x128xi32, #tpu.memory_space<vmem>> -> memref<128xi32, #tpu.memory_space<vmem>>
      %dma_wait3A_359 = arith.constant 0 : i32
      %dma_wait3A_360 = arith.constant 0 : i32
      %dma_wait3A_361 = tpu.memref_slice %arg4[%dma_wait3A_359, %dma_wait3A_360] : memref<2600000x16xf32, #tpu.memory_space<hbm>> -> memref<2600000x16xf32, #tpu.memory_space<hbm>>
      tpu.wait_indirect_dma semaphore(%arg13 : memref<!tpu.dma_semaphore, #tpu.memory_space<semaphore_mem>>) src(%dma_wait3A_361 : memref<2600000x16xf32, #tpu.memory_space<hbm>>) dst(%dma_wait3A_355 : memref<128x16xf32, #tpu.memory_space<vmem>>)
      %mul3A_362 = arith.constant 13 : i32
      %mul3A_363 = arith.muli %mul3A_271, %mul3A_362 : i32
      %add3A_364 = arith.constant 7 : i32
      %add3A_365 = arith.addi %mul3A_363, %add3A_364 : i32
      %dma_wait3A_366 = arith.constant 896 : i32
      %dma_wait3A_367 = arith.constant 0 : i32
      %dma_wait3A_368 = tpu.memref_slice %arg8[%dma_wait3A_366, %dma_wait3A_367] : memref<1664x16xf32, #tpu.memory_space<vmem>> -> memref<128x16xf32, #tpu.memory_space<vmem>>
      %dma_wait3A_369 = arith.constant 0 : i32
      %dma_wait3A_370 = tpu.memref_slice %arg7[%add3A_365, %dma_wait3A_369] : memref<104x128xi32, #tpu.memory_space<vmem>> -> memref<1x128xi32, #tpu.memory_space<vmem>>
      %dma_wait3A_371 = tpu.memref_squeeze %dma_wait3A_370 : memref<1x128xi32, #tpu.memory_space<vmem>> -> memref<128xi32, #tpu.memory_space<vmem>>
      %dma_wait3A_372 = arith.constant 0 : i32
      %dma_wait3A_373 = arith.constant 0 : i32
      %dma_wait3A_374 = tpu.memref_slice %arg4[%dma_wait3A_372, %dma_wait3A_373] : memref<2600000x16xf32, #tpu.memory_space<hbm>> -> memref<2600000x16xf32, #tpu.memory_space<hbm>>
      tpu.wait_indirect_dma semaphore(%arg13 : memref<!tpu.dma_semaphore, #tpu.memory_space<semaphore_mem>>) src(%dma_wait3A_374 : memref<2600000x16xf32, #tpu.memory_space<hbm>>) dst(%dma_wait3A_368 : memref<128x16xf32, #tpu.memory_space<vmem>>)
      %mul3A_375 = arith.constant 13 : i32
      %mul3A_376 = arith.muli %mul3A_271, %mul3A_375 : i32
      %add3A_377 = arith.constant 8 : i32
      %add3A_378 = arith.addi %mul3A_376, %add3A_377 : i32
      %dma_wait3A_379 = arith.constant 1024 : i32
      %dma_wait3A_380 = arith.constant 0 : i32
      %dma_wait3A_381 = tpu.memref_slice %arg8[%dma_wait3A_379, %dma_wait3A_380] : memref<1664x16xf32, #tpu.memory_space<vmem>> -> memref<128x16xf32, #tpu.memory_space<vmem>>
      %dma_wait3A_382 = arith.constant 0 : i32
      %dma_wait3A_383 = tpu.memref_slice %arg7[%add3A_378, %dma_wait3A_382] : memref<104x128xi32, #tpu.memory_space<vmem>> -> memref<1x128xi32, #tpu.memory_space<vmem>>
      %dma_wait3A_384 = tpu.memref_squeeze %dma_wait3A_383 : memref<1x128xi32, #tpu.memory_space<vmem>> -> memref<128xi32, #tpu.memory_space<vmem>>
      %dma_wait3A_385 = arith.constant 0 : i32
      %dma_wait3A_386 = arith.constant 0 : i32
      %dma_wait3A_387 = tpu.memref_slice %arg4[%dma_wait3A_385, %dma_wait3A_386] : memref<2600000x16xf32, #tpu.memory_space<hbm>> -> memref<2600000x16xf32, #tpu.memory_space<hbm>>
      tpu.wait_indirect_dma semaphore(%arg13 : memref<!tpu.dma_semaphore, #tpu.memory_space<semaphore_mem>>) src(%dma_wait3A_387 : memref<2600000x16xf32, #tpu.memory_space<hbm>>) dst(%dma_wait3A_381 : memref<128x16xf32, #tpu.memory_space<vmem>>)
      %mul3A_388 = arith.constant 13 : i32
      %mul3A_389 = arith.muli %mul3A_271, %mul3A_388 : i32
      %add3A_390 = arith.constant 9 : i32
      %add3A_391 = arith.addi %mul3A_389, %add3A_390 : i32
      %dma_wait3A_392 = arith.constant 1152 : i32
      %dma_wait3A_393 = arith.constant 0 : i32
      %dma_wait3A_394 = tpu.memref_slice %arg8[%dma_wait3A_392, %dma_wait3A_393] : memref<1664x16xf32, #tpu.memory_space<vmem>> -> memref<128x16xf32, #tpu.memory_space<vmem>>
      %dma_wait3A_395 = arith.constant 0 : i32
      %dma_wait3A_396 = tpu.memref_slice %arg7[%add3A_391, %dma_wait3A_395] : memref<104x128xi32, #tpu.memory_space<vmem>> -> memref<1x128xi32, #tpu.memory_space<vmem>>
      %dma_wait3A_397 = tpu.memref_squeeze %dma_wait3A_396 : memref<1x128xi32, #tpu.memory_space<vmem>> -> memref<128xi32, #tpu.memory_space<vmem>>
      %dma_wait3A_398 = arith.constant 0 : i32
      %dma_wait3A_399 = arith.constant 0 : i32
      %dma_wait3A_400 = tpu.memref_slice %arg4[%dma_wait3A_398, %dma_wait3A_399] : memref<2600000x16xf32, #tpu.memory_space<hbm>> -> memref<2600000x16xf32, #tpu.memory_space<hbm>>
      tpu.wait_indirect_dma semaphore(%arg13 : memref<!tpu.dma_semaphore, #tpu.memory_space<semaphore_mem>>) src(%dma_wait3A_400 : memref<2600000x16xf32, #tpu.memory_space<hbm>>) dst(%dma_wait3A_394 : memref<128x16xf32, #tpu.memory_space<vmem>>)
      %mul3A_401 = arith.constant 13 : i32
      %mul3A_402 = arith.muli %mul3A_271, %mul3A_401 : i32
      %add3A_403 = arith.constant 10 : i32
      %add3A_404 = arith.addi %mul3A_402, %add3A_403 : i32
      %dma_wait3A_405 = arith.constant 1280 : i32
      %dma_wait3A_406 = arith.constant 0 : i32
      %dma_wait3A_407 = tpu.memref_slice %arg8[%dma_wait3A_405, %dma_wait3A_406] : memref<1664x16xf32, #tpu.memory_space<vmem>> -> memref<128x16xf32, #tpu.memory_space<vmem>>
      %dma_wait3A_408 = arith.constant 0 : i32
      %dma_wait3A_409 = tpu.memref_slice %arg7[%add3A_404, %dma_wait3A_408] : memref<104x128xi32, #tpu.memory_space<vmem>> -> memref<1x128xi32, #tpu.memory_space<vmem>>
      %dma_wait3A_410 = tpu.memref_squeeze %dma_wait3A_409 : memref<1x128xi32, #tpu.memory_space<vmem>> -> memref<128xi32, #tpu.memory_space<vmem>>
      %dma_wait3A_411 = arith.constant 0 : i32
      %dma_wait3A_412 = arith.constant 0 : i32
      %dma_wait3A_413 = tpu.memref_slice %arg4[%dma_wait3A_411, %dma_wait3A_412] : memref<2600000x16xf32, #tpu.memory_space<hbm>> -> memref<2600000x16xf32, #tpu.memory_space<hbm>>
      tpu.wait_indirect_dma semaphore(%arg13 : memref<!tpu.dma_semaphore, #tpu.memory_space<semaphore_mem>>) src(%dma_wait3A_413 : memref<2600000x16xf32, #tpu.memory_space<hbm>>) dst(%dma_wait3A_407 : memref<128x16xf32, #tpu.memory_space<vmem>>)
      %mul3A_414 = arith.constant 13 : i32
      %mul3A_415 = arith.muli %mul3A_271, %mul3A_414 : i32
      %add3A_416 = arith.constant 11 : i32
      %add3A_417 = arith.addi %mul3A_415, %add3A_416 : i32
      %dma_wait3A_418 = arith.constant 1408 : i32
      %dma_wait3A_419 = arith.constant 0 : i32
      %dma_wait3A_420 = tpu.memref_slice %arg8[%dma_wait3A_418, %dma_wait3A_419] : memref<1664x16xf32, #tpu.memory_space<vmem>> -> memref<128x16xf32, #tpu.memory_space<vmem>>
      %dma_wait3A_421 = arith.constant 0 : i32
      %dma_wait3A_422 = tpu.memref_slice %arg7[%add3A_417, %dma_wait3A_421] : memref<104x128xi32, #tpu.memory_space<vmem>> -> memref<1x128xi32, #tpu.memory_space<vmem>>
      %dma_wait3A_423 = tpu.memref_squeeze %dma_wait3A_422 : memref<1x128xi32, #tpu.memory_space<vmem>> -> memref<128xi32, #tpu.memory_space<vmem>>
      %dma_wait3A_424 = arith.constant 0 : i32
      %dma_wait3A_425 = arith.constant 0 : i32
      %dma_wait3A_426 = tpu.memref_slice %arg4[%dma_wait3A_424, %dma_wait3A_425] : memref<2600000x16xf32, #tpu.memory_space<hbm>> -> memref<2600000x16xf32, #tpu.memory_space<hbm>>
      tpu.wait_indirect_dma semaphore(%arg13 : memref<!tpu.dma_semaphore, #tpu.memory_space<semaphore_mem>>) src(%dma_wait3A_426 : memref<2600000x16xf32, #tpu.memory_space<hbm>>) dst(%dma_wait3A_420 : memref<128x16xf32, #tpu.memory_space<vmem>>)
      %mul3A_427 = arith.constant 13 : i32
      %mul3A_428 = arith.muli %mul3A_271, %mul3A_427 : i32
      %add3A_429 = arith.constant 12 : i32
      %add3A_430 = arith.addi %mul3A_428, %add3A_429 : i32
      %dma_wait3A_431 = arith.constant 1536 : i32
      %dma_wait3A_432 = arith.constant 0 : i32
      %dma_wait3A_433 = tpu.memref_slice %arg8[%dma_wait3A_431, %dma_wait3A_432] : memref<1664x16xf32, #tpu.memory_space<vmem>> -> memref<128x16xf32, #tpu.memory_space<vmem>>
      %dma_wait3A_434 = arith.constant 0 : i32
      %dma_wait3A_435 = tpu.memref_slice %arg7[%add3A_430, %dma_wait3A_434] : memref<104x128xi32, #tpu.memory_space<vmem>> -> memref<1x128xi32, #tpu.memory_space<vmem>>
      %dma_wait3A_436 = tpu.memref_squeeze %dma_wait3A_435 : memref<1x128xi32, #tpu.memory_space<vmem>> -> memref<128xi32, #tpu.memory_space<vmem>>
      %dma_wait3A_437 = arith.constant 0 : i32
      %dma_wait3A_438 = arith.constant 0 : i32
      %dma_wait3A_439 = tpu.memref_slice %arg4[%dma_wait3A_437, %dma_wait3A_438] : memref<2600000x16xf32, #tpu.memory_space<hbm>> -> memref<2600000x16xf32, #tpu.memory_space<hbm>>
      tpu.wait_indirect_dma semaphore(%arg13 : memref<!tpu.dma_semaphore, #tpu.memory_space<semaphore_mem>>) src(%dma_wait3A_439 : memref<2600000x16xf32, #tpu.memory_space<hbm>>) dst(%dma_wait3A_433 : memref<128x16xf32, #tpu.memory_space<vmem>>)
      %scan3A_440 = arith.constant 0 : i32
      %scan3A_441 = arith.constant 0 : i32
      %scan3A_442 = arith.constant 64 : i32
      %scan3A_443 = arith.addi %scan3A_441, %scan3A_442 : i32
      %scan3A_444 = arith.constant 1 : i32
      scf.for %scan3A_2128 = %scan3A_441 to %scan3A_443 step %scan3A_444  : i32 {
        %mul3A_2129 = arith.constant 26 : i32
        %mul3A_2130 = arith.muli %scan3A_2128, %mul3A_2129 : i32
        %get3A_2131 = arith.index_cast %mul3A_2130 : i32 to index
        %get3A_2132 = arith.constant 0 : index
        %get3A_2133 = tpu.vector_load %arg8[%get3A_2131, %get3A_2132] {strides = array<i32>} : memref<1664x16xf32, #tpu.memory_space<vmem>>, vector<1x16xf32>,
        %get3A_2134 = vector.shape_cast %get3A_2133 : vector<1x16xf32> to vector<16xf32>
        %mul3A_2135 = arith.mulf %get3A_2134, %get3A_2134 : vector<16xf32>
        %mul3A_2136 = arith.constant 26 : i32
        %mul3A_2137 = arith.muli %scan3A_2128, %mul3A_2136 : i32
        %add3A_2138 = arith.constant 1 : i32
        %add3A_2139 = arith.addi %mul3A_2137, %add3A_2138 : i32
        %get3A_2140 = arith.index_cast %add3A_2139 : i32 to index
        %get3A_2141 = arith.constant 0 : index
        %get3A_2142 = tpu.vector_load %arg8[%get3A_2140, %get3A_2141] {strides = array<i32>} : memref<1664x16xf32, #tpu.memory_space<vmem>>, vector<1x16xf32>,
        %get3A_2143 = vector.shape_cast %get3A_2142 : vector<1x16xf32> to vector<16xf32>
        %add3A_2144 = arith.addf %get3A_2134, %get3A_2143 : vector<16xf32>
        %mul3A_2145 = arith.mulf %get3A_2143, %get3A_2143 : vector<16xf32>
        %add3A_2146 = arith.addf %mul3A_2135, %mul3A_2145 : vector<16xf32>
        %mul3A_2147 = arith.constant 26 : i32
        %mul3A_2148 = arith.muli %scan3A_2128, %mul3A_2147 : i32
        %add3A_2149 = arith.constant 2 : i32
        %add3A_2150 = arith.addi %mul3A_2148, %add3A_2149 : i32
        %get3A_2151 = arith.index_cast %add3A_2150 : i32 to index
        %get3A_2152 = arith.constant 0 : index
        %get3A_2153 = tpu.vector_load %arg8[%get3A_2151, %get3A_2152] {strides = array<i32>} : memref<1664x16xf32, #tpu.memory_space<vmem>>, vector<1x16xf32>,
        %get3A_2154 = vector.shape_cast %get3A_2153 : vector<1x16xf32> to vector<16xf32>
        %add3A_2155 = arith.addf %add3A_2144, %get3A_2154 : vector<16xf32>
        %mul3A_2156 = arith.mulf %get3A_2154, %get3A_2154 : vector<16xf32>
        %add3A_2157 = arith.addf %add3A_2146, %mul3A_2156 : vector<16xf32>
        %mul3A_2158 = arith.constant 26 : i32
        %mul3A_2159 = arith.muli %scan3A_2128, %mul3A_2158 : i32
        %add3A_2160 = arith.constant 3 : i32
        %add3A_2161 = arith.addi %mul3A_2159, %add3A_2160 : i32
        %get3A_2162 = arith.index_cast %add3A_2161 : i32 to index
        %get3A_2163 = arith.constant 0 : index
        %get3A_2164 = tpu.vector_load %arg8[%get3A_2162, %get3A_2163] {strides = array<i32>} : memref<1664x16xf32, #tpu.memory_space<vmem>>, vector<1x16xf32>,
        %get3A_2165 = vector.shape_cast %get3A_2164 : vector<1x16xf32> to vector<16xf32>
        %add3A_2166 = arith.addf %add3A_2155, %get3A_2165 : vector<16xf32>
        %mul3A_2167 = arith.mulf %get3A_2165, %get3A_2165 : vector<16xf32>
        %add3A_2168 = arith.addf %add3A_2157, %mul3A_2167 : vector<16xf32>
        %mul3A_2169 = arith.constant 26 : i32
        %mul3A_2170 = arith.muli %scan3A_2128, %mul3A_2169 : i32
        %add3A_2171 = arith.constant 4 : i32
        %add3A_2172 = arith.addi %mul3A_2170, %add3A_2171 : i32
        %get3A_2173 = arith.index_cast %add3A_2172 : i32 to index
        %get3A_2174 = arith.constant 0 : index
        %get3A_2175 = tpu.vector_load %arg8[%get3A_2173, %get3A_2174] {strides = array<i32>} : memref<1664x16xf32, #tpu.memory_space<vmem>>, vector<1x16xf32>,
        %get3A_2176 = vector.shape_cast %get3A_2175 : vector<1x16xf32> to vector<16xf32>
        %add3A_2177 = arith.addf %add3A_2166, %get3A_2176 : vector<16xf32>
        %mul3A_2178 = arith.mulf %get3A_2176, %get3A_2176 : vector<16xf32>
        %add3A_2179 = arith.addf %add3A_2168, %mul3A_2178 : vector<16xf32>
        %mul3A_2180 = arith.constant 26 : i32
        %mul3A_2181 = arith.muli %scan3A_2128, %mul3A_2180 : i32
        %add3A_2182 = arith.constant 5 : i32
        %add3A_2183 = arith.addi %mul3A_2181, %add3A_2182 : i32
        %get3A_2184 = arith.index_cast %add3A_2183 : i32 to index
        %get3A_2185 = arith.constant 0 : index
        %get3A_2186 = tpu.vector_load %arg8[%get3A_2184, %get3A_2185] {strides = array<i32>} : memref<1664x16xf32, #tpu.memory_space<vmem>>, vector<1x16xf32>,
        %get3A_2187 = vector.shape_cast %get3A_2186 : vector<1x16xf32> to vector<16xf32>
        %add3A_2188 = arith.addf %add3A_2177, %get3A_2187 : vector<16xf32>
        %mul3A_2189 = arith.mulf %get3A_2187, %get3A_2187 : vector<16xf32>
        %add3A_2190 = arith.addf %add3A_2179, %mul3A_2189 : vector<16xf32>
        %mul3A_2191 = arith.constant 26 : i32
        %mul3A_2192 = arith.muli %scan3A_2128, %mul3A_2191 : i32
        %add3A_2193 = arith.constant 6 : i32
        %add3A_2194 = arith.addi %mul3A_2192, %add3A_2193 : i32
        %get3A_2195 = arith.index_cast %add3A_2194 : i32 to index
        %get3A_2196 = arith.constant 0 : index
        %get3A_2197 = tpu.vector_load %arg8[%get3A_2195, %get3A_2196] {strides = array<i32>} : memref<1664x16xf32, #tpu.memory_space<vmem>>, vector<1x16xf32>,
        %get3A_2198 = vector.shape_cast %get3A_2197 : vector<1x16xf32> to vector<16xf32>
        %add3A_2199 = arith.addf %add3A_2188, %get3A_2198 : vector<16xf32>
        %mul3A_2200 = arith.mulf %get3A_2198, %get3A_2198 : vector<16xf32>
        %add3A_2201 = arith.addf %add3A_2190, %mul3A_2200 : vector<16xf32>
        %mul3A_2202 = arith.constant 26 : i32
        %mul3A_2203 = arith.muli %scan3A_2128, %mul3A_2202 : i32
        %add3A_2204 = arith.constant 7 : i32
        %add3A_2205 = arith.addi %mul3A_2203, %add3A_2204 : i32
        %get3A_2206 = arith.index_cast %add3A_2205 : i32 to index
        %get3A_2207 = arith.constant 0 : index
        %get3A_2208 = tpu.vector_load %arg8[%get3A_2206, %get3A_2207] {strides = array<i32>} : memref<1664x16xf32, #tpu.memory_space<vmem>>, vector<1x16xf32>,
        %get3A_2209 = vector.shape_cast %get3A_2208 : vector<1x16xf32> to vector<16xf32>
        %add3A_2210 = arith.addf %add3A_2199, %get3A_2209 : vector<16xf32>
        %mul3A_2211 = arith.mulf %get3A_2209, %get3A_2209 : vector<16xf32>
        %add3A_2212 = arith.addf %add3A_2201, %mul3A_2211 : vector<16xf32>
        %mul3A_2213 = arith.constant 26 : i32
        %mul3A_2214 = arith.muli %scan3A_2128, %mul3A_2213 : i32
        %add3A_2215 = arith.constant 8 : i32
        %add3A_2216 = arith.addi %mul3A_2214, %add3A_2215 : i32
        %get3A_2217 = arith.index_cast %add3A_2216 : i32 to index
        %get3A_2218 = arith.constant 0 : index
        %get3A_2219 = tpu.vector_load %arg8[%get3A_2217, %get3A_2218] {strides = array<i32>} : memref<1664x16xf32, #tpu.memory_space<vmem>>, vector<1x16xf32>,
        %get3A_2220 = vector.shape_cast %get3A_2219 : vector<1x16xf32> to vector<16xf32>
        %add3A_2221 = arith.addf %add3A_2210, %get3A_2220 : vector<16xf32>
        %mul3A_2222 = arith.mulf %get3A_2220, %get3A_2220 : vector<16xf32>
        %add3A_2223 = arith.addf %add3A_2212, %mul3A_2222 : vector<16xf32>
        %mul3A_2224 = arith.constant 26 : i32
        %mul3A_2225 = arith.muli %scan3A_2128, %mul3A_2224 : i32
        %add3A_2226 = arith.constant 9 : i32
        %add3A_2227 = arith.addi %mul3A_2225, %add3A_2226 : i32
        %get3A_2228 = arith.index_cast %add3A_2227 : i32 to index
        %get3A_2229 = arith.constant 0 : index
        %get3A_2230 = tpu.vector_load %arg8[%get3A_2228, %get3A_2229] {strides = array<i32>} : memref<1664x16xf32, #tpu.memory_space<vmem>>, vector<1x16xf32>,
        %get3A_2231 = vector.shape_cast %get3A_2230 : vector<1x16xf32> to vector<16xf32>
        %add3A_2232 = arith.addf %add3A_2221, %get3A_2231 : vector<16xf32>
        %mul3A_2233 = arith.mulf %get3A_2231, %get3A_2231 : vector<16xf32>
        %add3A_2234 = arith.addf %add3A_2223, %mul3A_2233 : vector<16xf32>
        %mul3A_2235 = arith.constant 26 : i32
        %mul3A_2236 = arith.muli %scan3A_2128, %mul3A_2235 : i32
        %add3A_2237 = arith.constant 10 : i32
        %add3A_2238 = arith.addi %mul3A_2236, %add3A_2237 : i32
        %get3A_2239 = arith.index_cast %add3A_2238 : i32 to index
        %get3A_2240 = arith.constant 0 : index
        %get3A_2241 = tpu.vector_load %arg8[%get3A_2239, %get3A_2240] {strides = array<i32>} : memref<1664x16xf32, #tpu.memory_space<vmem>>, vector<1x16xf32>,
        %get3A_2242 = vector.shape_cast %get3A_2241 : vector<1x16xf32> to vector<16xf32>
        %add3A_2243 = arith.addf %add3A_2232, %get3A_2242 : vector<16xf32>
        %mul3A_2244 = arith.mulf %get3A_2242, %get3A_2242 : vector<16xf32>
        %add3A_2245 = arith.addf %add3A_2234, %mul3A_2244 : vector<16xf32>
        %mul3A_2246 = arith.constant 26 : i32
        %mul3A_2247 = arith.muli %scan3A_2128, %mul3A_2246 : i32
        %add3A_2248 = arith.constant 11 : i32
        %add3A_2249 = arith.addi %mul3A_2247, %add3A_2248 : i32
        %get3A_2250 = arith.index_cast %add3A_2249 : i32 to index
        %get3A_2251 = arith.constant 0 : index
        %get3A_2252 = tpu.vector_load %arg8[%get3A_2250, %get3A_2251] {strides = array<i32>} : memref<1664x16xf32, #tpu.memory_space<vmem>>, vector<1x16xf32>,
        %get3A_2253 = vector.shape_cast %get3A_2252 : vector<1x16xf32> to vector<16xf32>
        %add3A_2254 = arith.addf %add3A_2243, %get3A_2253 : vector<16xf32>
        %mul3A_2255 = arith.mulf %get3A_2253, %get3A_2253 : vector<16xf32>
        %add3A_2256 = arith.addf %add3A_2245, %mul3A_2255 : vector<16xf32>
        %mul3A_2257 = arith.constant 26 : i32
        %mul3A_2258 = arith.muli %scan3A_2128, %mul3A_2257 : i32
        %add3A_2259 = arith.constant 12 : i32
        %add3A_2260 = arith.addi %mul3A_2258, %add3A_2259 : i32
        %get3A_2261 = arith.index_cast %add3A_2260 : i32 to index
        %get3A_2262 = arith.constant 0 : index
        %get3A_2263 = tpu.vector_load %arg8[%get3A_2261, %get3A_2262] {strides = array<i32>} : memref<1664x16xf32, #tpu.memory_space<vmem>>, vector<1x16xf32>,
        %get3A_2264 = vector.shape_cast %get3A_2263 : vector<1x16xf32> to vector<16xf32>
        %add3A_2265 = arith.addf %add3A_2254, %get3A_2264 : vector<16xf32>
        %mul3A_2266 = arith.mulf %get3A_2264, %get3A_2264 : vector<16xf32>
        %add3A_2267 = arith.addf %add3A_2256, %mul3A_2266 : vector<16xf32>
        %mul3A_2268 = arith.constant 26 : i32
        %mul3A_2269 = arith.muli %scan3A_2128, %mul3A_2268 : i32
        %add3A_2270 = arith.constant 13 : i32
        %add3A_2271 = arith.addi %mul3A_2269, %add3A_2270 : i32
        %get3A_2272 = arith.index_cast %add3A_2271 : i32 to index
        %get3A_2273 = arith.constant 0 : index
        %get3A_2274 = tpu.vector_load %arg8[%get3A_2272, %get3A_2273] {strides = array<i32>} : memref<1664x16xf32, #tpu.memory_space<vmem>>, vector<1x16xf32>,
        %get3A_2275 = vector.shape_cast %get3A_2274 : vector<1x16xf32> to vector<16xf32>
        %add3A_2276 = arith.addf %add3A_2265, %get3A_2275 : vector<16xf32>
        %mul3A_2277 = arith.mulf %get3A_2275, %get3A_2275 : vector<16xf32>
        %add3A_2278 = arith.addf %add3A_2267, %mul3A_2277 : vector<16xf32>
        %mul3A_2279 = arith.constant 26 : i32
        %mul3A_2280 = arith.muli %scan3A_2128, %mul3A_2279 : i32
        %add3A_2281 = arith.constant 14 : i32
        %add3A_2282 = arith.addi %mul3A_2280, %add3A_2281 : i32
        %get3A_2283 = arith.index_cast %add3A_2282 : i32 to index
        %get3A_2284 = arith.constant 0 : index
        %get3A_2285 = tpu.vector_load %arg8[%get3A_2283, %get3A_2284] {strides = array<i32>} : memref<1664x16xf32, #tpu.memory_space<vmem>>, vector<1x16xf32>,
        %get3A_2286 = vector.shape_cast %get3A_2285 : vector<1x16xf32> to vector<16xf32>
        %add3A_2287 = arith.addf %add3A_2276, %get3A_2286 : vector<16xf32>
        %mul3A_2288 = arith.mulf %get3A_2286, %get3A_2286 : vector<16xf32>
        %add3A_2289 = arith.addf %add3A_2278, %mul3A_2288 : vector<16xf32>
        %mul3A_2290 = arith.constant 26 : i32
        %mul3A_2291 = arith.muli %scan3A_2128, %mul3A_2290 : i32
        %add3A_2292 = arith.constant 15 : i32
        %add3A_2293 = arith.addi %mul3A_2291, %add3A_2292 : i32
        %get3A_2294 = arith.index_cast %add3A_2293 : i32 to index
        %get3A_2295 = arith.constant 0 : index
        %get3A_2296 = tpu.vector_load %arg8[%get3A_2294, %get3A_2295] {strides = array<i32>} : memref<1664x16xf32, #tpu.memory_space<vmem>>, vector<1x16xf32>,
        %get3A_2297 = vector.shape_cast %get3A_2296 : vector<1x16xf32> to vector<16xf32>
        %add3A_2298 = arith.addf %add3A_2287, %get3A_2297 : vector<16xf32>
        %mul3A_2299 = arith.mulf %get3A_2297, %get3A_2297 : vector<16xf32>
        %add3A_2300 = arith.addf %add3A_2289, %mul3A_2299 : vector<16xf32>
        %mul3A_2301 = arith.constant 26 : i32
        %mul3A_2302 = arith.muli %scan3A_2128, %mul3A_2301 : i32
        %add3A_2303 = arith.constant 16 : i32
        %add3A_2304 = arith.addi %mul3A_2302, %add3A_2303 : i32
        %get3A_2305 = arith.index_cast %add3A_2304 : i32 to index
        %get3A_2306 = arith.constant 0 : index
        %get3A_2307 = tpu.vector_load %arg8[%get3A_2305, %get3A_2306] {strides = array<i32>} : memref<1664x16xf32, #tpu.memory_space<vmem>>, vector<1x16xf32>,
        %get3A_2308 = vector.shape_cast %get3A_2307 : vector<1x16xf32> to vector<16xf32>
        %add3A_2309 = arith.addf %add3A_2298, %get3A_2308 : vector<16xf32>
        %mul3A_2310 = arith.mulf %get3A_2308, %get3A_2308 : vector<16xf32>
        %add3A_2311 = arith.addf %add3A_2300, %mul3A_2310 : vector<16xf32>
        %mul3A_2312 = arith.constant 26 : i32
        %mul3A_2313 = arith.muli %scan3A_2128, %mul3A_2312 : i32
        %add3A_2314 = arith.constant 17 : i32
        %add3A_2315 = arith.addi %mul3A_2313, %add3A_2314 : i32
        %get3A_2316 = arith.index_cast %add3A_2315 : i32 to index
        %get3A_2317 = arith.constant 0 : index
        %get3A_2318 = tpu.vector_load %arg8[%get3A_2316, %get3A_2317] {strides = array<i32>} : memref<1664x16xf32, #tpu.memory_space<vmem>>, vector<1x16xf32>,
        %get3A_2319 = vector.shape_cast %get3A_2318 : vector<1x16xf32> to vector<16xf32>
        %add3A_2320 = arith.addf %add3A_2309, %get3A_2319 : vector<16xf32>
        %mul3A_2321 = arith.mulf %get3A_2319, %get3A_2319 : vector<16xf32>
        %add3A_2322 = arith.addf %add3A_2311, %mul3A_2321 : vector<16xf32>
        %mul3A_2323 = arith.constant 26 : i32
        %mul3A_2324 = arith.muli %scan3A_2128, %mul3A_2323 : i32
        %add3A_2325 = arith.constant 18 : i32
        %add3A_2326 = arith.addi %mul3A_2324, %add3A_2325 : i32
        %get3A_2327 = arith.index_cast %add3A_2326 : i32 to index
        %get3A_2328 = arith.constant 0 : index
        %get3A_2329 = tpu.vector_load %arg8[%get3A_2327, %get3A_2328] {strides = array<i32>} : memref<1664x16xf32, #tpu.memory_space<vmem>>, vector<1x16xf32>,
        %get3A_2330 = vector.shape_cast %get3A_2329 : vector<1x16xf32> to vector<16xf32>
        %add3A_2331 = arith.addf %add3A_2320, %get3A_2330 : vector<16xf32>
        %mul3A_2332 = arith.mulf %get3A_2330, %get3A_2330 : vector<16xf32>
        %add3A_2333 = arith.addf %add3A_2322, %mul3A_2332 : vector<16xf32>
        %mul3A_2334 = arith.constant 26 : i32
        %mul3A_2335 = arith.muli %scan3A_2128, %mul3A_2334 : i32
        %add3A_2336 = arith.constant 19 : i32
        %add3A_2337 = arith.addi %mul3A_2335, %add3A_2336 : i32
        %get3A_2338 = arith.index_cast %add3A_2337 : i32 to index
        %get3A_2339 = arith.constant 0 : index
        %get3A_2340 = tpu.vector_load %arg8[%get3A_2338, %get3A_2339] {strides = array<i32>} : memref<1664x16xf32, #tpu.memory_space<vmem>>, vector<1x16xf32>,
        %get3A_2341 = vector.shape_cast %get3A_2340 : vector<1x16xf32> to vector<16xf32>
        %add3A_2342 = arith.addf %add3A_2331, %get3A_2341 : vector<16xf32>
        %mul3A_2343 = arith.mulf %get3A_2341, %get3A_2341 : vector<16xf32>
        %add3A_2344 = arith.addf %add3A_2333, %mul3A_2343 : vector<16xf32>
        %mul3A_2345 = arith.constant 26 : i32
        %mul3A_2346 = arith.muli %scan3A_2128, %mul3A_2345 : i32
        %add3A_2347 = arith.constant 20 : i32
        %add3A_2348 = arith.addi %mul3A_2346, %add3A_2347 : i32
        %get3A_2349 = arith.index_cast %add3A_2348 : i32 to index
        %get3A_2350 = arith.constant 0 : index
        %get3A_2351 = tpu.vector_load %arg8[%get3A_2349, %get3A_2350] {strides = array<i32>} : memref<1664x16xf32, #tpu.memory_space<vmem>>, vector<1x16xf32>,
        %get3A_2352 = vector.shape_cast %get3A_2351 : vector<1x16xf32> to vector<16xf32>
        %add3A_2353 = arith.addf %add3A_2342, %get3A_2352 : vector<16xf32>
        %mul3A_2354 = arith.mulf %get3A_2352, %get3A_2352 : vector<16xf32>
        %add3A_2355 = arith.addf %add3A_2344, %mul3A_2354 : vector<16xf32>
        %mul3A_2356 = arith.constant 26 : i32
        %mul3A_2357 = arith.muli %scan3A_2128, %mul3A_2356 : i32
        %add3A_2358 = arith.constant 21 : i32
        %add3A_2359 = arith.addi %mul3A_2357, %add3A_2358 : i32
        %get3A_2360 = arith.index_cast %add3A_2359 : i32 to index
        %get3A_2361 = arith.constant 0 : index
        %get3A_2362 = tpu.vector_load %arg8[%get3A_2360, %get3A_2361] {strides = array<i32>} : memref<1664x16xf32, #tpu.memory_space<vmem>>, vector<1x16xf32>,
        %get3A_2363 = vector.shape_cast %get3A_2362 : vector<1x16xf32> to vector<16xf32>
        %add3A_2364 = arith.addf %add3A_2353, %get3A_2363 : vector<16xf32>
        %mul3A_2365 = arith.mulf %get3A_2363, %get3A_2363 : vector<16xf32>
        %add3A_2366 = arith.addf %add3A_2355, %mul3A_2365 : vector<16xf32>
        %mul3A_2367 = arith.constant 26 : i32
        %mul3A_2368 = arith.muli %scan3A_2128, %mul3A_2367 : i32
        %add3A_2369 = arith.constant 22 : i32
        %add3A_2370 = arith.addi %mul3A_2368, %add3A_2369 : i32
        %get3A_2371 = arith.index_cast %add3A_2370 : i32 to index
        %get3A_2372 = arith.constant 0 : index
        %get3A_2373 = tpu.vector_load %arg8[%get3A_2371, %get3A_2372] {strides = array<i32>} : memref<1664x16xf32, #tpu.memory_space<vmem>>, vector<1x16xf32>,
        %get3A_2374 = vector.shape_cast %get3A_2373 : vector<1x16xf32> to vector<16xf32>
        %add3A_2375 = arith.addf %add3A_2364, %get3A_2374 : vector<16xf32>
        %mul3A_2376 = arith.mulf %get3A_2374, %get3A_2374 : vector<16xf32>
        %add3A_2377 = arith.addf %add3A_2366, %mul3A_2376 : vector<16xf32>
        %mul3A_2378 = arith.constant 26 : i32
        %mul3A_2379 = arith.muli %scan3A_2128, %mul3A_2378 : i32
        %add3A_2380 = arith.constant 23 : i32
        %add3A_2381 = arith.addi %mul3A_2379, %add3A_2380 : i32
        %get3A_2382 = arith.index_cast %add3A_2381 : i32 to index
        %get3A_2383 = arith.constant 0 : index
        %get3A_2384 = tpu.vector_load %arg8[%get3A_2382, %get3A_2383] {strides = array<i32>} : memref<1664x16xf32, #tpu.memory_space<vmem>>, vector<1x16xf32>,
        %get3A_2385 = vector.shape_cast %get3A_2384 : vector<1x16xf32> to vector<16xf32>
        %add3A_2386 = arith.addf %add3A_2375, %get3A_2385 : vector<16xf32>
        %mul3A_2387 = arith.mulf %get3A_2385, %get3A_2385 : vector<16xf32>
        %add3A_2388 = arith.addf %add3A_2377, %mul3A_2387 : vector<16xf32>
        %mul3A_2389 = arith.constant 26 : i32
        %mul3A_2390 = arith.muli %scan3A_2128, %mul3A_2389 : i32
        %add3A_2391 = arith.constant 24 : i32
        %add3A_2392 = arith.addi %mul3A_2390, %add3A_2391 : i32
        %get3A_2393 = arith.index_cast %add3A_2392 : i32 to index
        %get3A_2394 = arith.constant 0 : index
        %get3A_2395 = tpu.vector_load %arg8[%get3A_2393, %get3A_2394] {strides = array<i32>} : memref<1664x16xf32, #tpu.memory_space<vmem>>, vector<1x16xf32>,
        %get3A_2396 = vector.shape_cast %get3A_2395 : vector<1x16xf32> to vector<16xf32>
        %add3A_2397 = arith.addf %add3A_2386, %get3A_2396 : vector<16xf32>
        %mul3A_2398 = arith.mulf %get3A_2396, %get3A_2396 : vector<16xf32>
        %add3A_2399 = arith.addf %add3A_2388, %mul3A_2398 : vector<16xf32>
        %mul3A_2400 = arith.constant 26 : i32
        %mul3A_2401 = arith.muli %scan3A_2128, %mul3A_2400 : i32
        %add3A_2402 = arith.constant 25 : i32
        %add3A_2403 = arith.addi %mul3A_2401, %add3A_2402 : i32
        %get3A_2404 = arith.index_cast %add3A_2403 : i32 to index
        %get3A_2405 = arith.constant 0 : index
        %get3A_2406 = tpu.vector_load %arg8[%get3A_2404, %get3A_2405] {strides = array<i32>} : memref<1664x16xf32, #tpu.memory_space<vmem>>, vector<1x16xf32>,
        %get3A_2407 = vector.shape_cast %get3A_2406 : vector<1x16xf32> to vector<16xf32>
        %add3A_2408 = arith.addf %add3A_2397, %get3A_2407 : vector<16xf32>
        %mul3A_2409 = arith.mulf %get3A_2407, %get3A_2407 : vector<16xf32>
        %add3A_2410 = arith.addf %add3A_2399, %mul3A_2409 : vector<16xf32>
        %mul3A_2411 = arith.mulf %add3A_2408, %add3A_2408 : vector<16xf32>
        %sub3A = arith.subf %mul3A_2411, %add3A_2410 : vector<16xf32>
        %mul3A_2412 = arith.constant 5.000000e-01 : f32
        %mul3A_2413 = vector.broadcast %mul3A_2412 : f32 to vector<16xf32>
        %mul3A_2414 = arith.mulf %mul3A_2413, %sub3A : vector<16xf32>
        %swap3A_2415 = arith.index_cast %scan3A_2128 : i32 to index
        %swap3A_2416 = arith.constant 0 : index
        %swap3A_2417 = tpu.vector_load %arg11[%swap3A_2415, %swap3A_2416] {strides = array<i32>} : memref<64x16xf32, #tpu.memory_space<vmem>>, vector<1x16xf32>,
        %swap3A_2418 = vector.shape_cast %swap3A_2417 : vector<1x16xf32> to vector<16xf32>
        %swap3A_2419 = vector.shape_cast %mul3A_2414 : vector<16xf32> to vector<1x16xf32>
        tpu.vector_store %arg11[%swap3A_2415, %swap3A_2416], %swap3A_2419 {strides = array<i32>} : memref<64x16xf32, #tpu.memory_space<vmem>>, vector<1x16xf32>,
      }
      %scan3A_445 = arith.constant 64 : i32
      %add3A_446 = arith.constant 2 : i32
      %add3A_447 = arith.addi %mul3A_271, %add3A_446 : i32
      %lt3A = arith.constant 8 : i32
      %lt3A_448 = arith.cmpi slt, %add3A_447, %lt3A : i32
      %convert_element_type3A = arith.extui %lt3A_448 : i1 to i32
      %cond3A = arith.constant 0 : i32
      %cond3A_449 = arith.cmpi ne, %convert_element_type3A, %cond3A : i32
      scf.if %cond3A_449 {
        %add3A_2128 = arith.constant 2 : i32
        %add3A_2129 = arith.addi %mul3A_271, %add3A_2128 : i32
        %mul3A_2130 = arith.constant 13 : i32
        %mul3A_2131 = arith.muli %add3A_2129, %mul3A_2130 : i32
        %add3A_2132 = arith.constant 0 : i32
        %add3A_2133 = arith.addi %mul3A_2131, %add3A_2132 : i32
        %dma_start3A_2134 = arith.constant 0 : i32
        %dma_start3A_2135 = arith.constant 0 : i32
        %dma_start3A_2136 = tpu.memref_slice %arg8[%dma_start3A_2134, %dma_start3A_2135] : memref<1664x16xf32, #tpu.memory_space<vmem>> -> memref<128x16xf32, #tpu.memory_space<vmem>>
        %dma_start3A_2137 = arith.constant 0 : i32
        %dma_start3A_2138 = tpu.memref_slice %arg7[%add3A_2133, %dma_start3A_2137] : memref<104x128xi32, #tpu.memory_space<vmem>> -> memref<1x128xi32, #tpu.memory_space<vmem>>
        %dma_start3A_2139 = tpu.memref_squeeze %dma_start3A_2138 : memref<1x128xi32, #tpu.memory_space<vmem>> -> memref<128xi32, #tpu.memory_space<vmem>>
        %dma_start3A_2140 = arith.constant 0 : i32
        %dma_start3A_2141 = arith.constant 0 : i32
        %dma_start3A_2142 = tpu.memref_slice %arg4[%dma_start3A_2140, %dma_start3A_2141] : memref<2600000x16xf32, #tpu.memory_space<hbm>> -> memref<2600000x16xf32, #tpu.memory_space<hbm>>
        tpu.enqueue_indirect_dma source(%dma_start3A_2142 : memref<2600000x16xf32, #tpu.memory_space<hbm>>) target(%dma_start3A_2136 : memref<128x16xf32, #tpu.memory_space<vmem>>) offsets(%dma_start3A_2139 : memref<128xi32, #tpu.memory_space<vmem>>) semaphore(%arg13 : memref<!tpu.dma_semaphore, #tpu.memory_space<semaphore_mem>>)
        %mul3A_2143 = arith.constant 13 : i32
        %mul3A_2144 = arith.muli %add3A_2129, %mul3A_2143 : i32
        %add3A_2145 = arith.constant 1 : i32
        %add3A_2146 = arith.addi %mul3A_2144, %add3A_2145 : i32
        %dma_start3A_2147 = arith.constant 128 : i32
        %dma_start3A_2148 = arith.constant 0 : i32
        %dma_start3A_2149 = tpu.memref_slice %arg8[%dma_start3A_2147, %dma_start3A_2148] : memref<1664x16xf32, #tpu.memory_space<vmem>> -> memref<128x16xf32, #tpu.memory_space<vmem>>
        %dma_start3A_2150 = arith.constant 0 : i32
        %dma_start3A_2151 = tpu.memref_slice %arg7[%add3A_2146, %dma_start3A_2150] : memref<104x128xi32, #tpu.memory_space<vmem>> -> memref<1x128xi32, #tpu.memory_space<vmem>>
        %dma_start3A_2152 = tpu.memref_squeeze %dma_start3A_2151 : memref<1x128xi32, #tpu.memory_space<vmem>> -> memref<128xi32, #tpu.memory_space<vmem>>
        %dma_start3A_2153 = arith.constant 0 : i32
        %dma_start3A_2154 = arith.constant 0 : i32
        %dma_start3A_2155 = tpu.memref_slice %arg4[%dma_start3A_2153, %dma_start3A_2154] : memref<2600000x16xf32, #tpu.memory_space<hbm>> -> memref<2600000x16xf32, #tpu.memory_space<hbm>>
        tpu.enqueue_indirect_dma source(%dma_start3A_2155 : memref<2600000x16xf32, #tpu.memory_space<hbm>>) target(%dma_start3A_2149 : memref<128x16xf32, #tpu.memory_space<vmem>>) offsets(%dma_start3A_2152 : memref<128xi32, #tpu.memory_space<vmem>>) semaphore(%arg13 : memref<!tpu.dma_semaphore, #tpu.memory_space<semaphore_mem>>)
        %mul3A_2156 = arith.constant 13 : i32
        %mul3A_2157 = arith.muli %add3A_2129, %mul3A_2156 : i32
        %add3A_2158 = arith.constant 2 : i32
        %add3A_2159 = arith.addi %mul3A_2157, %add3A_2158 : i32
        %dma_start3A_2160 = arith.constant 256 : i32
        %dma_start3A_2161 = arith.constant 0 : i32
        %dma_start3A_2162 = tpu.memref_slice %arg8[%dma_start3A_2160, %dma_start3A_2161] : memref<1664x16xf32, #tpu.memory_space<vmem>> -> memref<128x16xf32, #tpu.memory_space<vmem>>
        %dma_start3A_2163 = arith.constant 0 : i32
        %dma_start3A_2164 = tpu.memref_slice %arg7[%add3A_2159, %dma_start3A_2163] : memref<104x128xi32, #tpu.memory_space<vmem>> -> memref<1x128xi32, #tpu.memory_space<vmem>>
        %dma_start3A_2165 = tpu.memref_squeeze %dma_start3A_2164 : memref<1x128xi32, #tpu.memory_space<vmem>> -> memref<128xi32, #tpu.memory_space<vmem>>
        %dma_start3A_2166 = arith.constant 0 : i32
        %dma_start3A_2167 = arith.constant 0 : i32
        %dma_start3A_2168 = tpu.memref_slice %arg4[%dma_start3A_2166, %dma_start3A_2167] : memref<2600000x16xf32, #tpu.memory_space<hbm>> -> memref<2600000x16xf32, #tpu.memory_space<hbm>>
        tpu.enqueue_indirect_dma source(%dma_start3A_2168 : memref<2600000x16xf32, #tpu.memory_space<hbm>>) target(%dma_start3A_2162 : memref<128x16xf32, #tpu.memory_space<vmem>>) offsets(%dma_start3A_2165 : memref<128xi32, #tpu.memory_space<vmem>>) semaphore(%arg13 : memref<!tpu.dma_semaphore, #tpu.memory_space<semaphore_mem>>)
        %mul3A_2169 = arith.constant 13 : i32
        %mul3A_2170 = arith.muli %add3A_2129, %mul3A_2169 : i32
        %add3A_2171 = arith.constant 3 : i32
        %add3A_2172 = arith.addi %mul3A_2170, %add3A_2171 : i32
        %dma_start3A_2173 = arith.constant 384 : i32
        %dma_start3A_2174 = arith.constant 0 : i32
        %dma_start3A_2175 = tpu.memref_slice %arg8[%dma_start3A_2173, %dma_start3A_2174] : memref<1664x16xf32, #tpu.memory_space<vmem>> -> memref<128x16xf32, #tpu.memory_space<vmem>>
        %dma_start3A_2176 = arith.constant 0 : i32
        %dma_start3A_2177 = tpu.memref_slice %arg7[%add3A_2172, %dma_start3A_2176] : memref<104x128xi32, #tpu.memory_space<vmem>> -> memref<1x128xi32, #tpu.memory_space<vmem>>
        %dma_start3A_2178 = tpu.memref_squeeze %dma_start3A_2177 : memref<1x128xi32, #tpu.memory_space<vmem>> -> memref<128xi32, #tpu.memory_space<vmem>>
        %dma_start3A_2179 = arith.constant 0 : i32
        %dma_start3A_2180 = arith.constant 0 : i32
        %dma_start3A_2181 = tpu.memref_slice %arg4[%dma_start3A_2179, %dma_start3A_2180] : memref<2600000x16xf32, #tpu.memory_space<hbm>> -> memref<2600000x16xf32, #tpu.memory_space<hbm>>
        tpu.enqueue_indirect_dma source(%dma_start3A_2181 : memref<2600000x16xf32, #tpu.memory_space<hbm>>) target(%dma_start3A_2175 : memref<128x16xf32, #tpu.memory_space<vmem>>) offsets(%dma_start3A_2178 : memref<128xi32, #tpu.memory_space<vmem>>) semaphore(%arg13 : memref<!tpu.dma_semaphore, #tpu.memory_space<semaphore_mem>>)
        %mul3A_2182 = arith.constant 13 : i32
        %mul3A_2183 = arith.muli %add3A_2129, %mul3A_2182 : i32
        %add3A_2184 = arith.constant 4 : i32
        %add3A_2185 = arith.addi %mul3A_2183, %add3A_2184 : i32
        %dma_start3A_2186 = arith.constant 512 : i32
        %dma_start3A_2187 = arith.constant 0 : i32
        %dma_start3A_2188 = tpu.memref_slice %arg8[%dma_start3A_2186, %dma_start3A_2187] : memref<1664x16xf32, #tpu.memory_space<vmem>> -> memref<128x16xf32, #tpu.memory_space<vmem>>
        %dma_start3A_2189 = arith.constant 0 : i32
        %dma_start3A_2190 = tpu.memref_slice %arg7[%add3A_2185, %dma_start3A_2189] : memref<104x128xi32, #tpu.memory_space<vmem>> -> memref<1x128xi32, #tpu.memory_space<vmem>>
        %dma_start3A_2191 = tpu.memref_squeeze %dma_start3A_2190 : memref<1x128xi32, #tpu.memory_space<vmem>> -> memref<128xi32, #tpu.memory_space<vmem>>
        %dma_start3A_2192 = arith.constant 0 : i32
        %dma_start3A_2193 = arith.constant 0 : i32
        %dma_start3A_2194 = tpu.memref_slice %arg4[%dma_start3A_2192, %dma_start3A_2193] : memref<2600000x16xf32, #tpu.memory_space<hbm>> -> memref<2600000x16xf32, #tpu.memory_space<hbm>>
        tpu.enqueue_indirect_dma source(%dma_start3A_2194 : memref<2600000x16xf32, #tpu.memory_space<hbm>>) target(%dma_start3A_2188 : memref<128x16xf32, #tpu.memory_space<vmem>>) offsets(%dma_start3A_2191 : memref<128xi32, #tpu.memory_space<vmem>>) semaphore(%arg13 : memref<!tpu.dma_semaphore, #tpu.memory_space<semaphore_mem>>)
        %mul3A_2195 = arith.constant 13 : i32
        %mul3A_2196 = arith.muli %add3A_2129, %mul3A_2195 : i32
        %add3A_2197 = arith.constant 5 : i32
        %add3A_2198 = arith.addi %mul3A_2196, %add3A_2197 : i32
        %dma_start3A_2199 = arith.constant 640 : i32
        %dma_start3A_2200 = arith.constant 0 : i32
        %dma_start3A_2201 = tpu.memref_slice %arg8[%dma_start3A_2199, %dma_start3A_2200] : memref<1664x16xf32, #tpu.memory_space<vmem>> -> memref<128x16xf32, #tpu.memory_space<vmem>>
        %dma_start3A_2202 = arith.constant 0 : i32
        %dma_start3A_2203 = tpu.memref_slice %arg7[%add3A_2198, %dma_start3A_2202] : memref<104x128xi32, #tpu.memory_space<vmem>> -> memref<1x128xi32, #tpu.memory_space<vmem>>
        %dma_start3A_2204 = tpu.memref_squeeze %dma_start3A_2203 : memref<1x128xi32, #tpu.memory_space<vmem>> -> memref<128xi32, #tpu.memory_space<vmem>>
        %dma_start3A_2205 = arith.constant 0 : i32
        %dma_start3A_2206 = arith.constant 0 : i32
        %dma_start3A_2207 = tpu.memref_slice %arg4[%dma_start3A_2205, %dma_start3A_2206] : memref<2600000x16xf32, #tpu.memory_space<hbm>> -> memref<2600000x16xf32, #tpu.memory_space<hbm>>
        tpu.enqueue_indirect_dma source(%dma_start3A_2207 : memref<2600000x16xf32, #tpu.memory_space<hbm>>) target(%dma_start3A_2201 : memref<128x16xf32, #tpu.memory_space<vmem>>) offsets(%dma_start3A_2204 : memref<128xi32, #tpu.memory_space<vmem>>) semaphore(%arg13 : memref<!tpu.dma_semaphore, #tpu.memory_space<semaphore_mem>>)
        %mul3A_2208 = arith.constant 13 : i32
        %mul3A_2209 = arith.muli %add3A_2129, %mul3A_2208 : i32
        %add3A_2210 = arith.constant 6 : i32
        %add3A_2211 = arith.addi %mul3A_2209, %add3A_2210 : i32
        %dma_start3A_2212 = arith.constant 768 : i32
        %dma_start3A_2213 = arith.constant 0 : i32
        %dma_start3A_2214 = tpu.memref_slice %arg8[%dma_start3A_2212, %dma_start3A_2213] : memref<1664x16xf32, #tpu.memory_space<vmem>> -> memref<128x16xf32, #tpu.memory_space<vmem>>
        %dma_start3A_2215 = arith.constant 0 : i32
        %dma_start3A_2216 = tpu.memref_slice %arg7[%add3A_2211, %dma_start3A_2215] : memref<104x128xi32, #tpu.memory_space<vmem>> -> memref<1x128xi32, #tpu.memory_space<vmem>>
        %dma_start3A_2217 = tpu.memref_squeeze %dma_start3A_2216 : memref<1x128xi32, #tpu.memory_space<vmem>> -> memref<128xi32, #tpu.memory_space<vmem>>
        %dma_start3A_2218 = arith.constant 0 : i32
        %dma_start3A_2219 = arith.constant 0 : i32
        %dma_start3A_2220 = tpu.memref_slice %arg4[%dma_start3A_2218, %dma_start3A_2219] : memref<2600000x16xf32, #tpu.memory_space<hbm>> -> memref<2600000x16xf32, #tpu.memory_space<hbm>>
        tpu.enqueue_indirect_dma source(%dma_start3A_2220 : memref<2600000x16xf32, #tpu.memory_space<hbm>>) target(%dma_start3A_2214 : memref<128x16xf32, #tpu.memory_space<vmem>>) offsets(%dma_start3A_2217 : memref<128xi32, #tpu.memory_space<vmem>>) semaphore(%arg13 : memref<!tpu.dma_semaphore, #tpu.memory_space<semaphore_mem>>)
        %mul3A_2221 = arith.constant 13 : i32
        %mul3A_2222 = arith.muli %add3A_2129, %mul3A_2221 : i32
        %add3A_2223 = arith.constant 7 : i32
        %add3A_2224 = arith.addi %mul3A_2222, %add3A_2223 : i32
        %dma_start3A_2225 = arith.constant 896 : i32
        %dma_start3A_2226 = arith.constant 0 : i32
        %dma_start3A_2227 = tpu.memref_slice %arg8[%dma_start3A_2225, %dma_start3A_2226] : memref<1664x16xf32, #tpu.memory_space<vmem>> -> memref<128x16xf32, #tpu.memory_space<vmem>>
        %dma_start3A_2228 = arith.constant 0 : i32
        %dma_start3A_2229 = tpu.memref_slice %arg7[%add3A_2224, %dma_start3A_2228] : memref<104x128xi32, #tpu.memory_space<vmem>> -> memref<1x128xi32, #tpu.memory_space<vmem>>
        %dma_start3A_2230 = tpu.memref_squeeze %dma_start3A_2229 : memref<1x128xi32, #tpu.memory_space<vmem>> -> memref<128xi32, #tpu.memory_space<vmem>>
        %dma_start3A_2231 = arith.constant 0 : i32
        %dma_start3A_2232 = arith.constant 0 : i32
        %dma_start3A_2233 = tpu.memref_slice %arg4[%dma_start3A_2231, %dma_start3A_2232] : memref<2600000x16xf32, #tpu.memory_space<hbm>> -> memref<2600000x16xf32, #tpu.memory_space<hbm>>
        tpu.enqueue_indirect_dma source(%dma_start3A_2233 : memref<2600000x16xf32, #tpu.memory_space<hbm>>) target(%dma_start3A_2227 : memref<128x16xf32, #tpu.memory_space<vmem>>) offsets(%dma_start3A_2230 : memref<128xi32, #tpu.memory_space<vmem>>) semaphore(%arg13 : memref<!tpu.dma_semaphore, #tpu.memory_space<semaphore_mem>>)
        %mul3A_2234 = arith.constant 13 : i32
        %mul3A_2235 = arith.muli %add3A_2129, %mul3A_2234 : i32
        %add3A_2236 = arith.constant 8 : i32
        %add3A_2237 = arith.addi %mul3A_2235, %add3A_2236 : i32
        %dma_start3A_2238 = arith.constant 1024 : i32
        %dma_start3A_2239 = arith.constant 0 : i32
        %dma_start3A_2240 = tpu.memref_slice %arg8[%dma_start3A_2238, %dma_start3A_2239] : memref<1664x16xf32, #tpu.memory_space<vmem>> -> memref<128x16xf32, #tpu.memory_space<vmem>>
        %dma_start3A_2241 = arith.constant 0 : i32
        %dma_start3A_2242 = tpu.memref_slice %arg7[%add3A_2237, %dma_start3A_2241] : memref<104x128xi32, #tpu.memory_space<vmem>> -> memref<1x128xi32, #tpu.memory_space<vmem>>
        %dma_start3A_2243 = tpu.memref_squeeze %dma_start3A_2242 : memref<1x128xi32, #tpu.memory_space<vmem>> -> memref<128xi32, #tpu.memory_space<vmem>>
        %dma_start3A_2244 = arith.constant 0 : i32
        %dma_start3A_2245 = arith.constant 0 : i32
        %dma_start3A_2246 = tpu.memref_slice %arg4[%dma_start3A_2244, %dma_start3A_2245] : memref<2600000x16xf32, #tpu.memory_space<hbm>> -> memref<2600000x16xf32, #tpu.memory_space<hbm>>
        tpu.enqueue_indirect_dma source(%dma_start3A_2246 : memref<2600000x16xf32, #tpu.memory_space<hbm>>) target(%dma_start3A_2240 : memref<128x16xf32, #tpu.memory_space<vmem>>) offsets(%dma_start3A_2243 : memref<128xi32, #tpu.memory_space<vmem>>) semaphore(%arg13 : memref<!tpu.dma_semaphore, #tpu.memory_space<semaphore_mem>>)
        %mul3A_2247 = arith.constant 13 : i32
        %mul3A_2248 = arith.muli %add3A_2129, %mul3A_2247 : i32
        %add3A_2249 = arith.constant 9 : i32
        %add3A_2250 = arith.addi %mul3A_2248, %add3A_2249 : i32
        %dma_start3A_2251 = arith.constant 1152 : i32
        %dma_start3A_2252 = arith.constant 0 : i32
        %dma_start3A_2253 = tpu.memref_slice %arg8[%dma_start3A_2251, %dma_start3A_2252] : memref<1664x16xf32, #tpu.memory_space<vmem>> -> memref<128x16xf32, #tpu.memory_space<vmem>>
        %dma_start3A_2254 = arith.constant 0 : i32
        %dma_start3A_2255 = tpu.memref_slice %arg7[%add3A_2250, %dma_start3A_2254] : memref<104x128xi32, #tpu.memory_space<vmem>> -> memref<1x128xi32, #tpu.memory_space<vmem>>
        %dma_start3A_2256 = tpu.memref_squeeze %dma_start3A_2255 : memref<1x128xi32, #tpu.memory_space<vmem>> -> memref<128xi32, #tpu.memory_space<vmem>>
        %dma_start3A_2257 = arith.constant 0 : i32
        %dma_start3A_2258 = arith.constant 0 : i32
        %dma_start3A_2259 = tpu.memref_slice %arg4[%dma_start3A_2257, %dma_start3A_2258] : memref<2600000x16xf32, #tpu.memory_space<hbm>> -> memref<2600000x16xf32, #tpu.memory_space<hbm>>
        tpu.enqueue_indirect_dma source(%dma_start3A_2259 : memref<2600000x16xf32, #tpu.memory_space<hbm>>) target(%dma_start3A_2253 : memref<128x16xf32, #tpu.memory_space<vmem>>) offsets(%dma_start3A_2256 : memref<128xi32, #tpu.memory_space<vmem>>) semaphore(%arg13 : memref<!tpu.dma_semaphore, #tpu.memory_space<semaphore_mem>>)
        %mul3A_2260 = arith.constant 13 : i32
        %mul3A_2261 = arith.muli %add3A_2129, %mul3A_2260 : i32
        %add3A_2262 = arith.constant 10 : i32
        %add3A_2263 = arith.addi %mul3A_2261, %add3A_2262 : i32
        %dma_start3A_2264 = arith.constant 1280 : i32
        %dma_start3A_2265 = arith.constant 0 : i32
        %dma_start3A_2266 = tpu.memref_slice %arg8[%dma_start3A_2264, %dma_start3A_2265] : memref<1664x16xf32, #tpu.memory_space<vmem>> -> memref<128x16xf32, #tpu.memory_space<vmem>>
        %dma_start3A_2267 = arith.constant 0 : i32
        %dma_start3A_2268 = tpu.memref_slice %arg7[%add3A_2263, %dma_start3A_2267] : memref<104x128xi32, #tpu.memory_space<vmem>> -> memref<1x128xi32, #tpu.memory_space<vmem>>
        %dma_start3A_2269 = tpu.memref_squeeze %dma_start3A_2268 : memref<1x128xi32, #tpu.memory_space<vmem>> -> memref<128xi32, #tpu.memory_space<vmem>>
        %dma_start3A_2270 = arith.constant 0 : i32
        %dma_start3A_2271 = arith.constant 0 : i32
        %dma_start3A_2272 = tpu.memref_slice %arg4[%dma_start3A_2270, %dma_start3A_2271] : memref<2600000x16xf32, #tpu.memory_space<hbm>> -> memref<2600000x16xf32, #tpu.memory_space<hbm>>
        tpu.enqueue_indirect_dma source(%dma_start3A_2272 : memref<2600000x16xf32, #tpu.memory_space<hbm>>) target(%dma_start3A_2266 : memref<128x16xf32, #tpu.memory_space<vmem>>) offsets(%dma_start3A_2269 : memref<128xi32, #tpu.memory_space<vmem>>) semaphore(%arg13 : memref<!tpu.dma_semaphore, #tpu.memory_space<semaphore_mem>>)
        %mul3A_2273 = arith.constant 13 : i32
        %mul3A_2274 = arith.muli %add3A_2129, %mul3A_2273 : i32
        %add3A_2275 = arith.constant 11 : i32
        %add3A_2276 = arith.addi %mul3A_2274, %add3A_2275 : i32
        %dma_start3A_2277 = arith.constant 1408 : i32
        %dma_start3A_2278 = arith.constant 0 : i32
        %dma_start3A_2279 = tpu.memref_slice %arg8[%dma_start3A_2277, %dma_start3A_2278] : memref<1664x16xf32, #tpu.memory_space<vmem>> -> memref<128x16xf32, #tpu.memory_space<vmem>>
        %dma_start3A_2280 = arith.constant 0 : i32
        %dma_start3A_2281 = tpu.memref_slice %arg7[%add3A_2276, %dma_start3A_2280] : memref<104x128xi32, #tpu.memory_space<vmem>> -> memref<1x128xi32, #tpu.memory_space<vmem>>
        %dma_start3A_2282 = tpu.memref_squeeze %dma_start3A_2281 : memref<1x128xi32, #tpu.memory_space<vmem>> -> memref<128xi32, #tpu.memory_space<vmem>>
        %dma_start3A_2283 = arith.constant 0 : i32
        %dma_start3A_2284 = arith.constant 0 : i32
        %dma_start3A_2285 = tpu.memref_slice %arg4[%dma_start3A_2283, %dma_start3A_2284] : memref<2600000x16xf32, #tpu.memory_space<hbm>> -> memref<2600000x16xf32, #tpu.memory_space<hbm>>
        tpu.enqueue_indirect_dma source(%dma_start3A_2285 : memref<2600000x16xf32, #tpu.memory_space<hbm>>) target(%dma_start3A_2279 : memref<128x16xf32, #tpu.memory_space<vmem>>) offsets(%dma_start3A_2282 : memref<128xi32, #tpu.memory_space<vmem>>) semaphore(%arg13 : memref<!tpu.dma_semaphore, #tpu.memory_space<semaphore_mem>>)
        %mul3A_2286 = arith.constant 13 : i32
        %mul3A_2287 = arith.muli %add3A_2129, %mul3A_2286 : i32
        %add3A_2288 = arith.constant 12 : i32
        %add3A_2289 = arith.addi %mul3A_2287, %add3A_2288 : i32
        %dma_start3A_2290 = arith.constant 1536 : i32
        %dma_start3A_2291 = arith.constant 0 : i32
        %dma_start3A_2292 = tpu.memref_slice %arg8[%dma_start3A_2290, %dma_start3A_2291] : memref<1664x16xf32, #tpu.memory_space<vmem>> -> memref<128x16xf32, #tpu.memory_space<vmem>>
        %dma_start3A_2293 = arith.constant 0 : i32
        %dma_start3A_2294 = tpu.memref_slice %arg7[%add3A_2289, %dma_start3A_2293] : memref<104x128xi32, #tpu.memory_space<vmem>> -> memref<1x128xi32, #tpu.memory_space<vmem>>
        %dma_start3A_2295 = tpu.memref_squeeze %dma_start3A_2294 : memref<1x128xi32, #tpu.memory_space<vmem>> -> memref<128xi32, #tpu.memory_space<vmem>>
        %dma_start3A_2296 = arith.constant 0 : i32
        %dma_start3A_2297 = arith.constant 0 : i32
        %dma_start3A_2298 = tpu.memref_slice %arg4[%dma_start3A_2296, %dma_start3A_2297] : memref<2600000x16xf32, #tpu.memory_space<hbm>> -> memref<2600000x16xf32, #tpu.memory_space<hbm>>
        tpu.enqueue_indirect_dma source(%dma_start3A_2298 : memref<2600000x16xf32, #tpu.memory_space<hbm>>) target(%dma_start3A_2292 : memref<128x16xf32, #tpu.memory_space<vmem>>) offsets(%dma_start3A_2295 : memref<128xi32, #tpu.memory_space<vmem>>) semaphore(%arg13 : memref<!tpu.dma_semaphore, #tpu.memory_space<semaphore_mem>>)
      } else {
      }
      %mul3A_450 = arith.constant 13 : i32
      %mul3A_451 = arith.muli %mul3A_271, %mul3A_450 : i32
      %add3A_452 = arith.constant 0 : i32
      %add3A_453 = arith.addi %mul3A_451, %add3A_452 : i32
      %get3A = arith.index_cast %add3A_453 : i32 to index
      %get3A_454 = arith.constant 0 : index
      %get3A_455 = tpu.vector_load %arg10[%get3A, %get3A_454] {strides = array<i32>} : memref<104x128xf32, #tpu.memory_space<vmem>>, vector<1x16xf32>,
      %get3A_456 = vector.shape_cast %get3A_455 : vector<1x16xf32> to vector<16xf32>
      %add3A_457 = arith.constant 0 : i32
      %add3A_458 = arith.addi %mul3A_451, %add3A_457 : i32
      %get3A_459 = arith.index_cast %add3A_458 : i32 to index
      %get3A_460 = arith.constant 64 : index
      %get3A_461 = tpu.vector_load %arg10[%get3A_459, %get3A_460] {strides = array<i32>} : memref<104x128xf32, #tpu.memory_space<vmem>>, vector<1x16xf32>,
      %get3A_462 = vector.shape_cast %get3A_461 : vector<1x16xf32> to vector<16xf32>
      %add3A_463 = arith.addf %get3A_456, %get3A_462 : vector<16xf32>
      %add3A_464 = arith.constant 1 : i32
      %add3A_465 = arith.addi %mul3A_451, %add3A_464 : i32
      %get3A_466 = arith.index_cast %add3A_465 : i32 to index
      %get3A_467 = arith.constant 0 : index
      %get3A_468 = tpu.vector_load %arg10[%get3A_466, %get3A_467] {strides = array<i32>} : memref<104x128xf32, #tpu.memory_space<vmem>>, vector<1x16xf32>,
      %get3A_469 = vector.shape_cast %get3A_468 : vector<1x16xf32> to vector<16xf32>
      %add3A_470 = arith.addf %add3A_463, %get3A_469 : vector<16xf32>
      %add3A_471 = arith.constant 1 : i32
      %add3A_472 = arith.addi %mul3A_451, %add3A_471 : i32
      %get3A_473 = arith.index_cast %add3A_472 : i32 to index
      %get3A_474 = arith.constant 64 : index
      %get3A_475 = tpu.vector_load %arg10[%get3A_473, %get3A_474] {strides = array<i32>} : memref<104x128xf32, #tpu.memory_space<vmem>>, vector<1x16xf32>,
      %get3A_476 = vector.shape_cast %get3A_475 : vector<1x16xf32> to vector<16xf32>
      %add3A_477 = arith.addf %add3A_470, %get3A_476 : vector<16xf32>
      %add3A_478 = arith.constant 2 : i32
      %add3A_479 = arith.addi %mul3A_451, %add3A_478 : i32
      %get3A_480 = arith.index_cast %add3A_479 : i32 to index
      %get3A_481 = arith.constant 0 : index
      %get3A_482 = tpu.vector_load %arg10[%get3A_480, %get3A_481] {strides = array<i32>} : memref<104x128xf32, #tpu.memory_space<vmem>>, vector<1x16xf32>,
      %get3A_483 = vector.shape_cast %get3A_482 : vector<1x16xf32> to vector<16xf32>
      %add3A_484 = arith.addf %add3A_477, %get3A_483 : vector<16xf32>
      %add3A_485 = arith.constant 2 : i32
      %add3A_486 = arith.addi %mul3A_451, %add3A_485 : i32
      %get3A_487 = arith.index_cast %add3A_486 : i32 to index
      %get3A_488 = arith.constant 64 : index
      %get3A_489 = tpu.vector_load %arg10[%get3A_487, %get3A_488] {strides = array<i32>} : memref<104x128xf32, #tpu.memory_space<vmem>>, vector<1x16xf32>,
      %get3A_490 = vector.shape_cast %get3A_489 : vector<1x16xf32> to vector<16xf32>
      %add3A_491 = arith.addf %add3A_484, %get3A_490 : vector<16xf32>
      %add3A_492 = arith.constant 3 : i32
      %add3A_493 = arith.addi %mul3A_451, %add3A_492 : i32
      %get3A_494 = arith.index_cast %add3A_493 : i32 to index
      %get3A_495 = arith.constant 0 : index
      %get3A_496 = tpu.vector_load %arg10[%get3A_494, %get3A_495] {strides = array<i32>} : memref<104x128xf32, #tpu.memory_space<vmem>>, vector<1x16xf32>,
      %get3A_497 = vector.shape_cast %get3A_496 : vector<1x16xf32> to vector<16xf32>
      %add3A_498 = arith.addf %add3A_491, %get3A_497 : vector<16xf32>
      %add3A_499 = arith.constant 3 : i32
      %add3A_500 = arith.addi %mul3A_451, %add3A_499 : i32
      %get3A_501 = arith.index_cast %add3A_500 : i32 to index
      %get3A_502 = arith.constant 64 : index
      %get3A_503 = tpu.vector_load %arg10[%get3A_501, %get3A_502] {strides = array<i32>} : memref<104x128xf32, #tpu.memory_space<vmem>>, vector<1x16xf32>,
      %get3A_504 = vector.shape_cast %get3A_503 : vector<1x16xf32> to vector<16xf32>
      %add3A_505 = arith.addf %add3A_498, %get3A_504 : vector<16xf32>
      %add3A_506 = arith.constant 4 : i32
      %add3A_507 = arith.addi %mul3A_451, %add3A_506 : i32
      %get3A_508 = arith.index_cast %add3A_507 : i32 to index
      %get3A_509 = arith.constant 0 : index
      %get3A_510 = tpu.vector_load %arg10[%get3A_508, %get3A_509] {strides = array<i32>} : memref<104x128xf32, #tpu.memory_space<vmem>>, vector<1x16xf32>,
      %get3A_511 = vector.shape_cast %get3A_510 : vector<1x16xf32> to vector<16xf32>
      %add3A_512 = arith.addf %add3A_505, %get3A_511 : vector<16xf32>
      %add3A_513 = arith.constant 4 : i32
      %add3A_514 = arith.addi %mul3A_451, %add3A_513 : i32
      %get3A_515 = arith.index_cast %add3A_514 : i32 to index
      %get3A_516 = arith.constant 64 : index
      %get3A_517 = tpu.vector_load %arg10[%get3A_515, %get3A_516] {strides = array<i32>} : memref<104x128xf32, #tpu.memory_space<vmem>>, vector<1x16xf32>,
      %get3A_518 = vector.shape_cast %get3A_517 : vector<1x16xf32> to vector<16xf32>
      %add3A_519 = arith.addf %add3A_512, %get3A_518 : vector<16xf32>
      %add3A_520 = arith.constant 5 : i32
      %add3A_521 = arith.addi %mul3A_451, %add3A_520 : i32
      %get3A_522 = arith.index_cast %add3A_521 : i32 to index
      %get3A_523 = arith.constant 0 : index
      %get3A_524 = tpu.vector_load %arg10[%get3A_522, %get3A_523] {strides = array<i32>} : memref<104x128xf32, #tpu.memory_space<vmem>>, vector<1x16xf32>,
      %get3A_525 = vector.shape_cast %get3A_524 : vector<1x16xf32> to vector<16xf32>
      %add3A_526 = arith.addf %add3A_519, %get3A_525 : vector<16xf32>
      %add3A_527 = arith.constant 5 : i32
      %add3A_528 = arith.addi %mul3A_451, %add3A_527 : i32
      %get3A_529 = arith.index_cast %add3A_528 : i32 to index
      %get3A_530 = arith.constant 64 : index
      %get3A_531 = tpu.vector_load %arg10[%get3A_529, %get3A_530] {strides = array<i32>} : memref<104x128xf32, #tpu.memory_space<vmem>>, vector<1x16xf32>,
      %get3A_532 = vector.shape_cast %get3A_531 : vector<1x16xf32> to vector<16xf32>
      %add3A_533 = arith.addf %add3A_526, %get3A_532 : vector<16xf32>
      %add3A_534 = arith.constant 6 : i32
      %add3A_535 = arith.addi %mul3A_451, %add3A_534 : i32
      %get3A_536 = arith.index_cast %add3A_535 : i32 to index
      %get3A_537 = arith.constant 0 : index
      %get3A_538 = tpu.vector_load %arg10[%get3A_536, %get3A_537] {strides = array<i32>} : memref<104x128xf32, #tpu.memory_space<vmem>>, vector<1x16xf32>,
      %get3A_539 = vector.shape_cast %get3A_538 : vector<1x16xf32> to vector<16xf32>
      %add3A_540 = arith.addf %add3A_533, %get3A_539 : vector<16xf32>
      %add3A_541 = arith.constant 6 : i32
      %add3A_542 = arith.addi %mul3A_451, %add3A_541 : i32
      %get3A_543 = arith.index_cast %add3A_542 : i32 to index
      %get3A_544 = arith.constant 64 : index
      %get3A_545 = tpu.vector_load %arg10[%get3A_543, %get3A_544] {strides = array<i32>} : memref<104x128xf32, #tpu.memory_space<vmem>>, vector<1x16xf32>,
      %get3A_546 = vector.shape_cast %get3A_545 : vector<1x16xf32> to vector<16xf32>
      %add3A_547 = arith.addf %add3A_540, %get3A_546 : vector<16xf32>
      %add3A_548 = arith.constant 7 : i32
      %add3A_549 = arith.addi %mul3A_451, %add3A_548 : i32
      %get3A_550 = arith.index_cast %add3A_549 : i32 to index
      %get3A_551 = arith.constant 0 : index
      %get3A_552 = tpu.vector_load %arg10[%get3A_550, %get3A_551] {strides = array<i32>} : memref<104x128xf32, #tpu.memory_space<vmem>>, vector<1x16xf32>,
      %get3A_553 = vector.shape_cast %get3A_552 : vector<1x16xf32> to vector<16xf32>
      %add3A_554 = arith.addf %add3A_547, %get3A_553 : vector<16xf32>
      %add3A_555 = arith.constant 7 : i32
      %add3A_556 = arith.addi %mul3A_451, %add3A_555 : i32
      %get3A_557 = arith.index_cast %add3A_556 : i32 to index
      %get3A_558 = arith.constant 64 : index
      %get3A_559 = tpu.vector_load %arg10[%get3A_557, %get3A_558] {strides = array<i32>} : memref<104x128xf32, #tpu.memory_space<vmem>>, vector<1x16xf32>,
      %get3A_560 = vector.shape_cast %get3A_559 : vector<1x16xf32> to vector<16xf32>
      %add3A_561 = arith.addf %add3A_554, %get3A_560 : vector<16xf32>
      %add3A_562 = arith.constant 8 : i32
      %add3A_563 = arith.addi %mul3A_451, %add3A_562 : i32
      %get3A_564 = arith.index_cast %add3A_563 : i32 to index
      %get3A_565 = arith.constant 0 : index
      %get3A_566 = tpu.vector_load %arg10[%get3A_564, %get3A_565] {strides = array<i32>} : memref<104x128xf32, #tpu.memory_space<vmem>>, vector<1x16xf32>,
      %get3A_567 = vector.shape_cast %get3A_566 : vector<1x16xf32> to vector<16xf32>
      %add3A_568 = arith.addf %add3A_561, %get3A_567 : vector<16xf32>
      %add3A_569 = arith.constant 8 : i32
      %add3A_570 = arith.addi %mul3A_451, %add3A_569 : i32
      %get3A_571 = arith.index_cast %add3A_570 : i32 to index
      %get3A_572 = arith.constant 64 : index
      %get3A_573 = tpu.vector_load %arg10[%get3A_571, %get3A_572] {strides = array<i32>} : memref<104x128xf32, #tpu.memory_space<vmem>>, vector<1x16xf32>,
      %get3A_574 = vector.shape_cast %get3A_573 : vector<1x16xf32> to vector<16xf32>
      %add3A_575 = arith.addf %add3A_568, %get3A_574 : vector<16xf32>
      %add3A_576 = arith.constant 9 : i32
      %add3A_577 = arith.addi %mul3A_451, %add3A_576 : i32
      %get3A_578 = arith.index_cast %add3A_577 : i32 to index
      %get3A_579 = arith.constant 0 : index
      %get3A_580 = tpu.vector_load %arg10[%get3A_578, %get3A_579] {strides = array<i32>} : memref<104x128xf32, #tpu.memory_space<vmem>>, vector<1x16xf32>,
      %get3A_581 = vector.shape_cast %get3A_580 : vector<1x16xf32> to vector<16xf32>
      %add3A_582 = arith.addf %add3A_575, %get3A_581 : vector<16xf32>
      %add3A_583 = arith.constant 9 : i32
      %add3A_584 = arith.addi %mul3A_451, %add3A_583 : i32
      %get3A_585 = arith.index_cast %add3A_584 : i32 to index
      %get3A_586 = arith.constant 64 : index
      %get3A_587 = tpu.vector_load %arg10[%get3A_585, %get3A_586] {strides = array<i32>} : memref<104x128xf32, #tpu.memory_space<vmem>>, vector<1x16xf32>,
      %get3A_588 = vector.shape_cast %get3A_587 : vector<1x16xf32> to vector<16xf32>
      %add3A_589 = arith.addf %add3A_582, %get3A_588 : vector<16xf32>
      %add3A_590 = arith.constant 10 : i32
      %add3A_591 = arith.addi %mul3A_451, %add3A_590 : i32
      %get3A_592 = arith.index_cast %add3A_591 : i32 to index
      %get3A_593 = arith.constant 0 : index
      %get3A_594 = tpu.vector_load %arg10[%get3A_592, %get3A_593] {strides = array<i32>} : memref<104x128xf32, #tpu.memory_space<vmem>>, vector<1x16xf32>,
      %get3A_595 = vector.shape_cast %get3A_594 : vector<1x16xf32> to vector<16xf32>
      %add3A_596 = arith.addf %add3A_589, %get3A_595 : vector<16xf32>
      %add3A_597 = arith.constant 10 : i32
      %add3A_598 = arith.addi %mul3A_451, %add3A_597 : i32
      %get3A_599 = arith.index_cast %add3A_598 : i32 to index
      %get3A_600 = arith.constant 64 : index
      %get3A_601 = tpu.vector_load %arg10[%get3A_599, %get3A_600] {strides = array<i32>} : memref<104x128xf32, #tpu.memory_space<vmem>>, vector<1x16xf32>,
      %get3A_602 = vector.shape_cast %get3A_601 : vector<1x16xf32> to vector<16xf32>
      %add3A_603 = arith.addf %add3A_596, %get3A_602 : vector<16xf32>
      %add3A_604 = arith.constant 11 : i32
      %add3A_605 = arith.addi %mul3A_451, %add3A_604 : i32
      %get3A_606 = arith.index_cast %add3A_605 : i32 to index
      %get3A_607 = arith.constant 0 : index
      %get3A_608 = tpu.vector_load %arg10[%get3A_606, %get3A_607] {strides = array<i32>} : memref<104x128xf32, #tpu.memory_space<vmem>>, vector<1x16xf32>,
      %get3A_609 = vector.shape_cast %get3A_608 : vector<1x16xf32> to vector<16xf32>
      %add3A_610 = arith.addf %add3A_603, %get3A_609 : vector<16xf32>
      %add3A_611 = arith.constant 11 : i32
      %add3A_612 = arith.addi %mul3A_451, %add3A_611 : i32
      %get3A_613 = arith.index_cast %add3A_612 : i32 to index
      %get3A_614 = arith.constant 64 : index
      %get3A_615 = tpu.vector_load %arg10[%get3A_613, %get3A_614] {strides = array<i32>} : memref<104x128xf32, #tpu.memory_space<vmem>>, vector<1x16xf32>,
      %get3A_616 = vector.shape_cast %get3A_615 : vector<1x16xf32> to vector<16xf32>
      %add3A_617 = arith.addf %add3A_610, %get3A_616 : vector<16xf32>
      %add3A_618 = arith.constant 12 : i32
      %add3A_619 = arith.addi %mul3A_451, %add3A_618 : i32
      %get3A_620 = arith.index_cast %add3A_619 : i32 to index
      %get3A_621 = arith.constant 0 : index
      %get3A_622 = tpu.vector_load %arg10[%get3A_620, %get3A_621] {strides = array<i32>} : memref<104x128xf32, #tpu.memory_space<vmem>>, vector<1x16xf32>,
      %get3A_623 = vector.shape_cast %get3A_622 : vector<1x16xf32> to vector<16xf32>
      %add3A_624 = arith.addf %add3A_617, %get3A_623 : vector<16xf32>
      %add3A_625 = arith.constant 12 : i32
      %add3A_626 = arith.addi %mul3A_451, %add3A_625 : i32
      %get3A_627 = arith.index_cast %add3A_626 : i32 to index
      %get3A_628 = arith.constant 64 : index
      %get3A_629 = tpu.vector_load %arg10[%get3A_627, %get3A_628] {strides = array<i32>} : memref<104x128xf32, #tpu.memory_space<vmem>>, vector<1x16xf32>,
      %get3A_630 = vector.shape_cast %get3A_629 : vector<1x16xf32> to vector<16xf32>
      %add3A_631 = arith.addf %add3A_624, %get3A_630 : vector<16xf32>
      %swap3A = arith.constant 0 : index
      %swap3A_632 = tpu.vector_load %arg12[%swap3A] {strides = array<i32>} : memref<64xf32, #tpu.memory_space<vmem>>, vector<16xf32>,
      %swap3A_633 = vector.shape_cast %swap3A_632 : vector<16xf32> to vector<16xf32>
      %swap3A_634 = vector.shape_cast %add3A_631 : vector<16xf32> to vector<16xf32>
      tpu.vector_store %arg12[%swap3A], %swap3A_634 {strides = array<i32>} : memref<64xf32, #tpu.memory_space<vmem>>, vector<16xf32>,
      %add3A_635 = arith.constant 0 : i32
      %add3A_636 = arith.addi %mul3A_451, %add3A_635 : i32
      %get3A_637 = arith.index_cast %add3A_636 : i32 to index
      %get3A_638 = arith.constant 16 : index
      %get3A_639 = tpu.vector_load %arg10[%get3A_637, %get3A_638] {strides = array<i32>} : memref<104x128xf32, #tpu.memory_space<vmem>>, vector<1x16xf32>,
      %get3A_640 = vector.shape_cast %get3A_639 : vector<1x16xf32> to vector<16xf32>
      %add3A_641 = arith.constant 0 : i32
      %add3A_642 = arith.addi %mul3A_451, %add3A_641 : i32
      %get3A_643 = arith.index_cast %add3A_642 : i32 to index
      %get3A_644 = arith.constant 80 : index
      %get3A_645 = tpu.vector_load %arg10[%get3A_643, %get3A_644] {strides = array<i32>} : memref<104x128xf32, #tpu.memory_space<vmem>>, vector<1x16xf32>,
      %get3A_646 = vector.shape_cast %get3A_645 : vector<1x16xf32> to vector<16xf32>
      %add3A_647 = arith.addf %get3A_640, %get3A_646 : vector<16xf32>
      %add3A_648 = arith.constant 1 : i32
      %add3A_649 = arith.addi %mul3A_451, %add3A_648 : i32
      %get3A_650 = arith.index_cast %add3A_649 : i32 to index
      %get3A_651 = arith.constant 16 : index
      %get3A_652 = tpu.vector_load %arg10[%get3A_650, %get3A_651] {strides = array<i32>} : memref<104x128xf32, #tpu.memory_space<vmem>>, vector<1x16xf32>,
      %get3A_653 = vector.shape_cast %get3A_652 : vector<1x16xf32> to vector<16xf32>
      %add3A_654 = arith.addf %add3A_647, %get3A_653 : vector<16xf32>
      %add3A_655 = arith.constant 1 : i32
      %add3A_656 = arith.addi %mul3A_451, %add3A_655 : i32
      %get3A_657 = arith.index_cast %add3A_656 : i32 to index
      %get3A_658 = arith.constant 80 : index
      %get3A_659 = tpu.vector_load %arg10[%get3A_657, %get3A_658] {strides = array<i32>} : memref<104x128xf32, #tpu.memory_space<vmem>>, vector<1x16xf32>,
      %get3A_660 = vector.shape_cast %get3A_659 : vector<1x16xf32> to vector<16xf32>
      %add3A_661 = arith.addf %add3A_654, %get3A_660 : vector<16xf32>
      %add3A_662 = arith.constant 2 : i32
      %add3A_663 = arith.addi %mul3A_451, %add3A_662 : i32
      %get3A_664 = arith.index_cast %add3A_663 : i32 to index
      %get3A_665 = arith.constant 16 : index
      %get3A_666 = tpu.vector_load %arg10[%get3A_664, %get3A_665] {strides = array<i32>} : memref<104x128xf32, #tpu.memory_space<vmem>>, vector<1x16xf32>,
      %get3A_667 = vector.shape_cast %get3A_666 : vector<1x16xf32> to vector<16xf32>
      %add3A_668 = arith.addf %add3A_661, %get3A_667 : vector<16xf32>
      %add3A_669 = arith.constant 2 : i32
      %add3A_670 = arith.addi %mul3A_451, %add3A_669 : i32
      %get3A_671 = arith.index_cast %add3A_670 : i32 to index
      %get3A_672 = arith.constant 80 : index
      %get3A_673 = tpu.vector_load %arg10[%get3A_671, %get3A_672] {strides = array<i32>} : memref<104x128xf32, #tpu.memory_space<vmem>>, vector<1x16xf32>,
      %get3A_674 = vector.shape_cast %get3A_673 : vector<1x16xf32> to vector<16xf32>
      %add3A_675 = arith.addf %add3A_668, %get3A_674 : vector<16xf32>
      %add3A_676 = arith.constant 3 : i32
      %add3A_677 = arith.addi %mul3A_451, %add3A_676 : i32
      %get3A_678 = arith.index_cast %add3A_677 : i32 to index
      %get3A_679 = arith.constant 16 : index
      %get3A_680 = tpu.vector_load %arg10[%get3A_678, %get3A_679] {strides = array<i32>} : memref<104x128xf32, #tpu.memory_space<vmem>>, vector<1x16xf32>,
      %get3A_681 = vector.shape_cast %get3A_680 : vector<1x16xf32> to vector<16xf32>
      %add3A_682 = arith.addf %add3A_675, %get3A_681 : vector<16xf32>
      %add3A_683 = arith.constant 3 : i32
      %add3A_684 = arith.addi %mul3A_451, %add3A_683 : i32
      %get3A_685 = arith.index_cast %add3A_684 : i32 to index
      %get3A_686 = arith.constant 80 : index
      %get3A_687 = tpu.vector_load %arg10[%get3A_685, %get3A_686] {strides = array<i32>} : memref<104x128xf32, #tpu.memory_space<vmem>>, vector<1x16xf32>,
      %get3A_688 = vector.shape_cast %get3A_687 : vector<1x16xf32> to vector<16xf32>
      %add3A_689 = arith.addf %add3A_682, %get3A_688 : vector<16xf32>
      %add3A_690 = arith.constant 4 : i32
      %add3A_691 = arith.addi %mul3A_451, %add3A_690 : i32
      %get3A_692 = arith.index_cast %add3A_691 : i32 to index
      %get3A_693 = arith.constant 16 : index
      %get3A_694 = tpu.vector_load %arg10[%get3A_692, %get3A_693] {strides = array<i32>} : memref<104x128xf32, #tpu.memory_space<vmem>>, vector<1x16xf32>,
      %get3A_695 = vector.shape_cast %get3A_694 : vector<1x16xf32> to vector<16xf32>
      %add3A_696 = arith.addf %add3A_689, %get3A_695 : vector<16xf32>
      %add3A_697 = arith.constant 4 : i32
      %add3A_698 = arith.addi %mul3A_451, %add3A_697 : i32
      %get3A_699 = arith.index_cast %add3A_698 : i32 to index
      %get3A_700 = arith.constant 80 : index
      %get3A_701 = tpu.vector_load %arg10[%get3A_699, %get3A_700] {strides = array<i32>} : memref<104x128xf32, #tpu.memory_space<vmem>>, vector<1x16xf32>,
      %get3A_702 = vector.shape_cast %get3A_701 : vector<1x16xf32> to vector<16xf32>
      %add3A_703 = arith.addf %add3A_696, %get3A_702 : vector<16xf32>
      %add3A_704 = arith.constant 5 : i32
      %add3A_705 = arith.addi %mul3A_451, %add3A_704 : i32
      %get3A_706 = arith.index_cast %add3A_705 : i32 to index
      %get3A_707 = arith.constant 16 : index
      %get3A_708 = tpu.vector_load %arg10[%get3A_706, %get3A_707] {strides = array<i32>} : memref<104x128xf32, #tpu.memory_space<vmem>>, vector<1x16xf32>,
      %get3A_709 = vector.shape_cast %get3A_708 : vector<1x16xf32> to vector<16xf32>
      %add3A_710 = arith.addf %add3A_703, %get3A_709 : vector<16xf32>
      %add3A_711 = arith.constant 5 : i32
      %add3A_712 = arith.addi %mul3A_451, %add3A_711 : i32
      %get3A_713 = arith.index_cast %add3A_712 : i32 to index
      %get3A_714 = arith.constant 80 : index
      %get3A_715 = tpu.vector_load %arg10[%get3A_713, %get3A_714] {strides = array<i32>} : memref<104x128xf32, #tpu.memory_space<vmem>>, vector<1x16xf32>,
      %get3A_716 = vector.shape_cast %get3A_715 : vector<1x16xf32> to vector<16xf32>
      %add3A_717 = arith.addf %add3A_710, %get3A_716 : vector<16xf32>
      %add3A_718 = arith.constant 6 : i32
      %add3A_719 = arith.addi %mul3A_451, %add3A_718 : i32
      %get3A_720 = arith.index_cast %add3A_719 : i32 to index
      %get3A_721 = arith.constant 16 : index
      %get3A_722 = tpu.vector_load %arg10[%get3A_720, %get3A_721] {strides = array<i32>} : memref<104x128xf32, #tpu.memory_space<vmem>>, vector<1x16xf32>,
      %get3A_723 = vector.shape_cast %get3A_722 : vector<1x16xf32> to vector<16xf32>
      %add3A_724 = arith.addf %add3A_717, %get3A_723 : vector<16xf32>
      %add3A_725 = arith.constant 6 : i32
      %add3A_726 = arith.addi %mul3A_451, %add3A_725 : i32
      %get3A_727 = arith.index_cast %add3A_726 : i32 to index
      %get3A_728 = arith.constant 80 : index
      %get3A_729 = tpu.vector_load %arg10[%get3A_727, %get3A_728] {strides = array<i32>} : memref<104x128xf32, #tpu.memory_space<vmem>>, vector<1x16xf32>,
      %get3A_730 = vector.shape_cast %get3A_729 : vector<1x16xf32> to vector<16xf32>
      %add3A_731 = arith.addf %add3A_724, %get3A_730 : vector<16xf32>
      %add3A_732 = arith.constant 7 : i32
      %add3A_733 = arith.addi %mul3A_451, %add3A_732 : i32
      %get3A_734 = arith.index_cast %add3A_733 : i32 to index
      %get3A_735 = arith.constant 16 : index
      %get3A_736 = tpu.vector_load %arg10[%get3A_734, %get3A_735] {strides = array<i32>} : memref<104x128xf32, #tpu.memory_space<vmem>>, vector<1x16xf32>,
      %get3A_737 = vector.shape_cast %get3A_736 : vector<1x16xf32> to vector<16xf32>
      %add3A_738 = arith.addf %add3A_731, %get3A_737 : vector<16xf32>
      %add3A_739 = arith.constant 7 : i32
      %add3A_740 = arith.addi %mul3A_451, %add3A_739 : i32
      %get3A_741 = arith.index_cast %add3A_740 : i32 to index
      %get3A_742 = arith.constant 80 : index
      %get3A_743 = tpu.vector_load %arg10[%get3A_741, %get3A_742] {strides = array<i32>} : memref<104x128xf32, #tpu.memory_space<vmem>>, vector<1x16xf32>,
      %get3A_744 = vector.shape_cast %get3A_743 : vector<1x16xf32> to vector<16xf32>
      %add3A_745 = arith.addf %add3A_738, %get3A_744 : vector<16xf32>
      %add3A_746 = arith.constant 8 : i32
      %add3A_747 = arith.addi %mul3A_451, %add3A_746 : i32
      %get3A_748 = arith.index_cast %add3A_747 : i32 to index
      %get3A_749 = arith.constant 16 : index
      %get3A_750 = tpu.vector_load %arg10[%get3A_748, %get3A_749] {strides = array<i32>} : memref<104x128xf32, #tpu.memory_space<vmem>>, vector<1x16xf32>,
      %get3A_751 = vector.shape_cast %get3A_750 : vector<1x16xf32> to vector<16xf32>
      %add3A_752 = arith.addf %add3A_745, %get3A_751 : vector<16xf32>
      %add3A_753 = arith.constant 8 : i32
      %add3A_754 = arith.addi %mul3A_451, %add3A_753 : i32
      %get3A_755 = arith.index_cast %add3A_754 : i32 to index
      %get3A_756 = arith.constant 80 : index
      %get3A_757 = tpu.vector_load %arg10[%get3A_755, %get3A_756] {strides = array<i32>} : memref<104x128xf32, #tpu.memory_space<vmem>>, vector<1x16xf32>,
      %get3A_758 = vector.shape_cast %get3A_757 : vector<1x16xf32> to vector<16xf32>
      %add3A_759 = arith.addf %add3A_752, %get3A_758 : vector<16xf32>
      %add3A_760 = arith.constant 9 : i32
      %add3A_761 = arith.addi %mul3A_451, %add3A_760 : i32
      %get3A_762 = arith.index_cast %add3A_761 : i32 to index
      %get3A_763 = arith.constant 16 : index
      %get3A_764 = tpu.vector_load %arg10[%get3A_762, %get3A_763] {strides = array<i32>} : memref<104x128xf32, #tpu.memory_space<vmem>>, vector<1x16xf32>,
      %get3A_765 = vector.shape_cast %get3A_764 : vector<1x16xf32> to vector<16xf32>
      %add3A_766 = arith.addf %add3A_759, %get3A_765 : vector<16xf32>
      %add3A_767 = arith.constant 9 : i32
      %add3A_768 = arith.addi %mul3A_451, %add3A_767 : i32
      %get3A_769 = arith.index_cast %add3A_768 : i32 to index
      %get3A_770 = arith.constant 80 : index
      %get3A_771 = tpu.vector_load %arg10[%get3A_769, %get3A_770] {strides = array<i32>} : memref<104x128xf32, #tpu.memory_space<vmem>>, vector<1x16xf32>,
      %get3A_772 = vector.shape_cast %get3A_771 : vector<1x16xf32> to vector<16xf32>
      %add3A_773 = arith.addf %add3A_766, %get3A_772 : vector<16xf32>
      %add3A_774 = arith.constant 10 : i32
      %add3A_775 = arith.addi %mul3A_451, %add3A_774 : i32
      %get3A_776 = arith.index_cast %add3A_775 : i32 to index
      %get3A_777 = arith.constant 16 : index
      %get3A_778 = tpu.vector_load %arg10[%get3A_776, %get3A_777] {strides = array<i32>} : memref<104x128xf32, #tpu.memory_space<vmem>>, vector<1x16xf32>,
      %get3A_779 = vector.shape_cast %get3A_778 : vector<1x16xf32> to vector<16xf32>
      %add3A_780 = arith.addf %add3A_773, %get3A_779 : vector<16xf32>
      %add3A_781 = arith.constant 10 : i32
      %add3A_782 = arith.addi %mul3A_451, %add3A_781 : i32
      %get3A_783 = arith.index_cast %add3A_782 : i32 to index
      %get3A_784 = arith.constant 80 : index
      %get3A_785 = tpu.vector_load %arg10[%get3A_783, %get3A_784] {strides = array<i32>} : memref<104x128xf32, #tpu.memory_space<vmem>>, vector<1x16xf32>,
      %get3A_786 = vector.shape_cast %get3A_785 : vector<1x16xf32> to vector<16xf32>
      %add3A_787 = arith.addf %add3A_780, %get3A_786 : vector<16xf32>
      %add3A_788 = arith.constant 11 : i32
      %add3A_789 = arith.addi %mul3A_451, %add3A_788 : i32
      %get3A_790 = arith.index_cast %add3A_789 : i32 to index
      %get3A_791 = arith.constant 16 : index
      %get3A_792 = tpu.vector_load %arg10[%get3A_790, %get3A_791] {strides = array<i32>} : memref<104x128xf32, #tpu.memory_space<vmem>>, vector<1x16xf32>,
      %get3A_793 = vector.shape_cast %get3A_792 : vector<1x16xf32> to vector<16xf32>
      %add3A_794 = arith.addf %add3A_787, %get3A_793 : vector<16xf32>
      %add3A_795 = arith.constant 11 : i32
      %add3A_796 = arith.addi %mul3A_451, %add3A_795 : i32
      %get3A_797 = arith.index_cast %add3A_796 : i32 to index
      %get3A_798 = arith.constant 80 : index
      %get3A_799 = tpu.vector_load %arg10[%get3A_797, %get3A_798] {strides = array<i32>} : memref<104x128xf32, #tpu.memory_space<vmem>>, vector<1x16xf32>,
      %get3A_800 = vector.shape_cast %get3A_799 : vector<1x16xf32> to vector<16xf32>
      %add3A_801 = arith.addf %add3A_794, %get3A_800 : vector<16xf32>
      %add3A_802 = arith.constant 12 : i32
      %add3A_803 = arith.addi %mul3A_451, %add3A_802 : i32
      %get3A_804 = arith.index_cast %add3A_803 : i32 to index
      %get3A_805 = arith.constant 16 : index
      %get3A_806 = tpu.vector_load %arg10[%get3A_804, %get3A_805] {strides = array<i32>} : memref<104x128xf32, #tpu.memory_space<vmem>>, vector<1x16xf32>,
      %get3A_807 = vector.shape_cast %get3A_806 : vector<1x16xf32> to vector<16xf32>
      %add3A_808 = arith.addf %add3A_801, %get3A_807 : vector<16xf32>
      %add3A_809 = arith.constant 12 : i32
      %add3A_810 = arith.addi %mul3A_451, %add3A_809 : i32
      %get3A_811 = arith.index_cast %add3A_810 : i32 to index
      %get3A_812 = arith.constant 80 : index
      %get3A_813 = tpu.vector_load %arg10[%get3A_811, %get3A_812] {strides = array<i32>} : memref<104x128xf32, #tpu.memory_space<vmem>>, vector<1x16xf32>,
      %get3A_814 = vector.shape_cast %get3A_813 : vector<1x16xf32> to vector<16xf32>
      %add3A_815 = arith.addf %add3A_808, %get3A_814 : vector<16xf32>
      %swap3A_816 = arith.constant 16 : index
      %swap3A_817 = tpu.vector_load %arg12[%swap3A_816] {strides = array<i32>} : memref<64xf32, #tpu.memory_space<vmem>>, vector<16xf32>,
      %swap3A_818 = vector.shape_cast %swap3A_817 : vector<16xf32> to vector<16xf32>
      %swap3A_819 = vector.shape_cast %add3A_815 : vector<16xf32> to vector<16xf32>
      tpu.vector_store %arg12[%swap3A_816], %swap3A_819 {strides = array<i32>} : memref<64xf32, #tpu.memory_space<vmem>>, vector<16xf32>,
      %add3A_820 = arith.constant 0 : i32
      %add3A_821 = arith.addi %mul3A_451, %add3A_820 : i32
      %get3A_822 = arith.index_cast %add3A_821 : i32 to index
      %get3A_823 = arith.constant 32 : index
      %get3A_824 = tpu.vector_load %arg10[%get3A_822, %get3A_823] {strides = array<i32>} : memref<104x128xf32, #tpu.memory_space<vmem>>, vector<1x16xf32>,
      %get3A_825 = vector.shape_cast %get3A_824 : vector<1x16xf32> to vector<16xf32>
      %add3A_826 = arith.constant 0 : i32
      %add3A_827 = arith.addi %mul3A_451, %add3A_826 : i32
      %get3A_828 = arith.index_cast %add3A_827 : i32 to index
      %get3A_829 = arith.constant 96 : index
      %get3A_830 = tpu.vector_load %arg10[%get3A_828, %get3A_829] {strides = array<i32>} : memref<104x128xf32, #tpu.memory_space<vmem>>, vector<1x16xf32>,
      %get3A_831 = vector.shape_cast %get3A_830 : vector<1x16xf32> to vector<16xf32>
      %add3A_832 = arith.addf %get3A_825, %get3A_831 : vector<16xf32>
      %add3A_833 = arith.constant 1 : i32
      %add3A_834 = arith.addi %mul3A_451, %add3A_833 : i32
      %get3A_835 = arith.index_cast %add3A_834 : i32 to index
      %get3A_836 = arith.constant 32 : index
      %get3A_837 = tpu.vector_load %arg10[%get3A_835, %get3A_836] {strides = array<i32>} : memref<104x128xf32, #tpu.memory_space<vmem>>, vector<1x16xf32>,
      %get3A_838 = vector.shape_cast %get3A_837 : vector<1x16xf32> to vector<16xf32>
      %add3A_839 = arith.addf %add3A_832, %get3A_838 : vector<16xf32>
      %add3A_840 = arith.constant 1 : i32
      %add3A_841 = arith.addi %mul3A_451, %add3A_840 : i32
      %get3A_842 = arith.index_cast %add3A_841 : i32 to index
      %get3A_843 = arith.constant 96 : index
      %get3A_844 = tpu.vector_load %arg10[%get3A_842, %get3A_843] {strides = array<i32>} : memref<104x128xf32, #tpu.memory_space<vmem>>, vector<1x16xf32>,
      %get3A_845 = vector.shape_cast %get3A_844 : vector<1x16xf32> to vector<16xf32>
      %add3A_846 = arith.addf %add3A_839, %get3A_845 : vector<16xf32>
      %add3A_847 = arith.constant 2 : i32
      %add3A_848 = arith.addi %mul3A_451, %add3A_847 : i32
      %get3A_849 = arith.index_cast %add3A_848 : i32 to index
      %get3A_850 = arith.constant 32 : index
      %get3A_851 = tpu.vector_load %arg10[%get3A_849, %get3A_850] {strides = array<i32>} : memref<104x128xf32, #tpu.memory_space<vmem>>, vector<1x16xf32>,
      %get3A_852 = vector.shape_cast %get3A_851 : vector<1x16xf32> to vector<16xf32>
      %add3A_853 = arith.addf %add3A_846, %get3A_852 : vector<16xf32>
      %add3A_854 = arith.constant 2 : i32
      %add3A_855 = arith.addi %mul3A_451, %add3A_854 : i32
      %get3A_856 = arith.index_cast %add3A_855 : i32 to index
      %get3A_857 = arith.constant 96 : index
      %get3A_858 = tpu.vector_load %arg10[%get3A_856, %get3A_857] {strides = array<i32>} : memref<104x128xf32, #tpu.memory_space<vmem>>, vector<1x16xf32>,
      %get3A_859 = vector.shape_cast %get3A_858 : vector<1x16xf32> to vector<16xf32>
      %add3A_860 = arith.addf %add3A_853, %get3A_859 : vector<16xf32>
      %add3A_861 = arith.constant 3 : i32
      %add3A_862 = arith.addi %mul3A_451, %add3A_861 : i32
      %get3A_863 = arith.index_cast %add3A_862 : i32 to index
      %get3A_864 = arith.constant 32 : index
      %get3A_865 = tpu.vector_load %arg10[%get3A_863, %get3A_864] {strides = array<i32>} : memref<104x128xf32, #tpu.memory_space<vmem>>, vector<1x16xf32>,
      %get3A_866 = vector.shape_cast %get3A_865 : vector<1x16xf32> to vector<16xf32>
      %add3A_867 = arith.addf %add3A_860, %get3A_866 : vector<16xf32>
      %add3A_868 = arith.constant 3 : i32
      %add3A_869 = arith.addi %mul3A_451, %add3A_868 : i32
      %get3A_870 = arith.index_cast %add3A_869 : i32 to index
      %get3A_871 = arith.constant 96 : index
      %get3A_872 = tpu.vector_load %arg10[%get3A_870, %get3A_871] {strides = array<i32>} : memref<104x128xf32, #tpu.memory_space<vmem>>, vector<1x16xf32>,
      %get3A_873 = vector.shape_cast %get3A_872 : vector<1x16xf32> to vector<16xf32>
      %add3A_874 = arith.addf %add3A_867, %get3A_873 : vector<16xf32>
      %add3A_875 = arith.constant 4 : i32
      %add3A_876 = arith.addi %mul3A_451, %add3A_875 : i32
      %get3A_877 = arith.index_cast %add3A_876 : i32 to index
      %get3A_878 = arith.constant 32 : index
      %get3A_879 = tpu.vector_load %arg10[%get3A_877, %get3A_878] {strides = array<i32>} : memref<104x128xf32, #tpu.memory_space<vmem>>, vector<1x16xf32>,
      %get3A_880 = vector.shape_cast %get3A_879 : vector<1x16xf32> to vector<16xf32>
      %add3A_881 = arith.addf %add3A_874, %get3A_880 : vector<16xf32>
      %add3A_882 = arith.constant 4 : i32
      %add3A_883 = arith.addi %mul3A_451, %add3A_882 : i32
      %get3A_884 = arith.index_cast %add3A_883 : i32 to index
      %get3A_885 = arith.constant 96 : index
      %get3A_886 = tpu.vector_load %arg10[%get3A_884, %get3A_885] {strides = array<i32>} : memref<104x128xf32, #tpu.memory_space<vmem>>, vector<1x16xf32>,
      %get3A_887 = vector.shape_cast %get3A_886 : vector<1x16xf32> to vector<16xf32>
      %add3A_888 = arith.addf %add3A_881, %get3A_887 : vector<16xf32>
      %add3A_889 = arith.constant 5 : i32
      %add3A_890 = arith.addi %mul3A_451, %add3A_889 : i32
      %get3A_891 = arith.index_cast %add3A_890 : i32 to index
      %get3A_892 = arith.constant 32 : index
      %get3A_893 = tpu.vector_load %arg10[%get3A_891, %get3A_892] {strides = array<i32>} : memref<104x128xf32, #tpu.memory_space<vmem>>, vector<1x16xf32>,
      %get3A_894 = vector.shape_cast %get3A_893 : vector<1x16xf32> to vector<16xf32>
      %add3A_895 = arith.addf %add3A_888, %get3A_894 : vector<16xf32>
      %add3A_896 = arith.constant 5 : i32
      %add3A_897 = arith.addi %mul3A_451, %add3A_896 : i32
      %get3A_898 = arith.index_cast %add3A_897 : i32 to index
      %get3A_899 = arith.constant 96 : index
      %get3A_900 = tpu.vector_load %arg10[%get3A_898, %get3A_899] {strides = array<i32>} : memref<104x128xf32, #tpu.memory_space<vmem>>, vector<1x16xf32>,
      %get3A_901 = vector.shape_cast %get3A_900 : vector<1x16xf32> to vector<16xf32>
      %add3A_902 = arith.addf %add3A_895, %get3A_901 : vector<16xf32>
      %add3A_903 = arith.constant 6 : i32
      %add3A_904 = arith.addi %mul3A_451, %add3A_903 : i32
      %get3A_905 = arith.index_cast %add3A_904 : i32 to index
      %get3A_906 = arith.constant 32 : index
      %get3A_907 = tpu.vector_load %arg10[%get3A_905, %get3A_906] {strides = array<i32>} : memref<104x128xf32, #tpu.memory_space<vmem>>, vector<1x16xf32>,
      %get3A_908 = vector.shape_cast %get3A_907 : vector<1x16xf32> to vector<16xf32>
      %add3A_909 = arith.addf %add3A_902, %get3A_908 : vector<16xf32>
      %add3A_910 = arith.constant 6 : i32
      %add3A_911 = arith.addi %mul3A_451, %add3A_910 : i32
      %get3A_912 = arith.index_cast %add3A_911 : i32 to index
      %get3A_913 = arith.constant 96 : index
      %get3A_914 = tpu.vector_load %arg10[%get3A_912, %get3A_913] {strides = array<i32>} : memref<104x128xf32, #tpu.memory_space<vmem>>, vector<1x16xf32>,
      %get3A_915 = vector.shape_cast %get3A_914 : vector<1x16xf32> to vector<16xf32>
      %add3A_916 = arith.addf %add3A_909, %get3A_915 : vector<16xf32>
      %add3A_917 = arith.constant 7 : i32
      %add3A_918 = arith.addi %mul3A_451, %add3A_917 : i32
      %get3A_919 = arith.index_cast %add3A_918 : i32 to index
      %get3A_920 = arith.constant 32 : index
      %get3A_921 = tpu.vector_load %arg10[%get3A_919, %get3A_920] {strides = array<i32>} : memref<104x128xf32, #tpu.memory_space<vmem>>, vector<1x16xf32>,
      %get3A_922 = vector.shape_cast %get3A_921 : vector<1x16xf32> to vector<16xf32>
      %add3A_923 = arith.addf %add3A_916, %get3A_922 : vector<16xf32>
      %add3A_924 = arith.constant 7 : i32
      %add3A_925 = arith.addi %mul3A_451, %add3A_924 : i32
      %get3A_926 = arith.index_cast %add3A_925 : i32 to index
      %get3A_927 = arith.constant 96 : index
      %get3A_928 = tpu.vector_load %arg10[%get3A_926, %get3A_927] {strides = array<i32>} : memref<104x128xf32, #tpu.memory_space<vmem>>, vector<1x16xf32>,
      %get3A_929 = vector.shape_cast %get3A_928 : vector<1x16xf32> to vector<16xf32>
      %add3A_930 = arith.addf %add3A_923, %get3A_929 : vector<16xf32>
      %add3A_931 = arith.constant 8 : i32
      %add3A_932 = arith.addi %mul3A_451, %add3A_931 : i32
      %get3A_933 = arith.index_cast %add3A_932 : i32 to index
      %get3A_934 = arith.constant 32 : index
      %get3A_935 = tpu.vector_load %arg10[%get3A_933, %get3A_934] {strides = array<i32>} : memref<104x128xf32, #tpu.memory_space<vmem>>, vector<1x16xf32>,
      %get3A_936 = vector.shape_cast %get3A_935 : vector<1x16xf32> to vector<16xf32>
      %add3A_937 = arith.addf %add3A_930, %get3A_936 : vector<16xf32>
      %add3A_938 = arith.constant 8 : i32
      %add3A_939 = arith.addi %mul3A_451, %add3A_938 : i32
      %get3A_940 = arith.index_cast %add3A_939 : i32 to index
      %get3A_941 = arith.constant 96 : index
      %get3A_942 = tpu.vector_load %arg10[%get3A_940, %get3A_941] {strides = array<i32>} : memref<104x128xf32, #tpu.memory_space<vmem>>, vector<1x16xf32>,
      %get3A_943 = vector.shape_cast %get3A_942 : vector<1x16xf32> to vector<16xf32>
      %add3A_944 = arith.addf %add3A_937, %get3A_943 : vector<16xf32>
      %add3A_945 = arith.constant 9 : i32
      %add3A_946 = arith.addi %mul3A_451, %add3A_945 : i32
      %get3A_947 = arith.index_cast %add3A_946 : i32 to index
      %get3A_948 = arith.constant 32 : index
      %get3A_949 = tpu.vector_load %arg10[%get3A_947, %get3A_948] {strides = array<i32>} : memref<104x128xf32, #tpu.memory_space<vmem>>, vector<1x16xf32>,
      %get3A_950 = vector.shape_cast %get3A_949 : vector<1x16xf32> to vector<16xf32>
      %add3A_951 = arith.addf %add3A_944, %get3A_950 : vector<16xf32>
      %add3A_952 = arith.constant 9 : i32
      %add3A_953 = arith.addi %mul3A_451, %add3A_952 : i32
      %get3A_954 = arith.index_cast %add3A_953 : i32 to index
      %get3A_955 = arith.constant 96 : index
      %get3A_956 = tpu.vector_load %arg10[%get3A_954, %get3A_955] {strides = array<i32>} : memref<104x128xf32, #tpu.memory_space<vmem>>, vector<1x16xf32>,
      %get3A_957 = vector.shape_cast %get3A_956 : vector<1x16xf32> to vector<16xf32>
      %add3A_958 = arith.addf %add3A_951, %get3A_957 : vector<16xf32>
      %add3A_959 = arith.constant 10 : i32
      %add3A_960 = arith.addi %mul3A_451, %add3A_959 : i32
      %get3A_961 = arith.index_cast %add3A_960 : i32 to index
      %get3A_962 = arith.constant 32 : index
      %get3A_963 = tpu.vector_load %arg10[%get3A_961, %get3A_962] {strides = array<i32>} : memref<104x128xf32, #tpu.memory_space<vmem>>, vector<1x16xf32>,
      %get3A_964 = vector.shape_cast %get3A_963 : vector<1x16xf32> to vector<16xf32>
      %add3A_965 = arith.addf %add3A_958, %get3A_964 : vector<16xf32>
      %add3A_966 = arith.constant 10 : i32
      %add3A_967 = arith.addi %mul3A_451, %add3A_966 : i32
      %get3A_968 = arith.index_cast %add3A_967 : i32 to index
      %get3A_969 = arith.constant 96 : index
      %get3A_970 = tpu.vector_load %arg10[%get3A_968, %get3A_969] {strides = array<i32>} : memref<104x128xf32, #tpu.memory_space<vmem>>, vector<1x16xf32>,
      %get3A_971 = vector.shape_cast %get3A_970 : vector<1x16xf32> to vector<16xf32>
      %add3A_972 = arith.addf %add3A_965, %get3A_971 : vector<16xf32>
      %add3A_973 = arith.constant 11 : i32
      %add3A_974 = arith.addi %mul3A_451, %add3A_973 : i32
      %get3A_975 = arith.index_cast %add3A_974 : i32 to index
      %get3A_976 = arith.constant 32 : index
      %get3A_977 = tpu.vector_load %arg10[%get3A_975, %get3A_976] {strides = array<i32>} : memref<104x128xf32, #tpu.memory_space<vmem>>, vector<1x16xf32>,
      %get3A_978 = vector.shape_cast %get3A_977 : vector<1x16xf32> to vector<16xf32>
      %add3A_979 = arith.addf %add3A_972, %get3A_978 : vector<16xf32>
      %add3A_980 = arith.constant 11 : i32
      %add3A_981 = arith.addi %mul3A_451, %add3A_980 : i32
      %get3A_982 = arith.index_cast %add3A_981 : i32 to index
      %get3A_983 = arith.constant 96 : index
      %get3A_984 = tpu.vector_load %arg10[%get3A_982, %get3A_983] {strides = array<i32>} : memref<104x128xf32, #tpu.memory_space<vmem>>, vector<1x16xf32>,
      %get3A_985 = vector.shape_cast %get3A_984 : vector<1x16xf32> to vector<16xf32>
      %add3A_986 = arith.addf %add3A_979, %get3A_985 : vector<16xf32>
      %add3A_987 = arith.constant 12 : i32
      %add3A_988 = arith.addi %mul3A_451, %add3A_987 : i32
      %get3A_989 = arith.index_cast %add3A_988 : i32 to index
      %get3A_990 = arith.constant 32 : index
      %get3A_991 = tpu.vector_load %arg10[%get3A_989, %get3A_990] {strides = array<i32>} : memref<104x128xf32, #tpu.memory_space<vmem>>, vector<1x16xf32>,
      %get3A_992 = vector.shape_cast %get3A_991 : vector<1x16xf32> to vector<16xf32>
      %add3A_993 = arith.addf %add3A_986, %get3A_992 : vector<16xf32>
      %add3A_994 = arith.constant 12 : i32
      %add3A_995 = arith.addi %mul3A_451, %add3A_994 : i32
      %get3A_996 = arith.index_cast %add3A_995 : i32 to index
      %get3A_997 = arith.constant 96 : index
      %get3A_998 = tpu.vector_load %arg10[%get3A_996, %get3A_997] {strides = array<i32>} : memref<104x128xf32, #tpu.memory_space<vmem>>, vector<1x16xf32>,
      %get3A_999 = vector.shape_cast %get3A_998 : vector<1x16xf32> to vector<16xf32>
      %add3A_1000 = arith.addf %add3A_993, %get3A_999 : vector<16xf32>
      %swap3A_1001 = arith.constant 32 : index
      %swap3A_1002 = tpu.vector_load %arg12[%swap3A_1001] {strides = array<i32>} : memref<64xf32, #tpu.memory_space<vmem>>, vector<16xf32>,
      %swap3A_1003 = vector.shape_cast %swap3A_1002 : vector<16xf32> to vector<16xf32>
      %swap3A_1004 = vector.shape_cast %add3A_1000 : vector<16xf32> to vector<16xf32>
      tpu.vector_store %arg12[%swap3A_1001], %swap3A_1004 {strides = array<i32>} : memref<64xf32, #tpu.memory_space<vmem>>, vector<16xf32>,
      %add3A_1005 = arith.constant 0 : i32
      %add3A_1006 = arith.addi %mul3A_451, %add3A_1005 : i32
      %get3A_1007 = arith.index_cast %add3A_1006 : i32 to index
      %get3A_1008 = arith.constant 48 : index
      %get3A_1009 = tpu.vector_load %arg10[%get3A_1007, %get3A_1008] {strides = array<i32>} : memref<104x128xf32, #tpu.memory_space<vmem>>, vector<1x16xf32>,
      %get3A_1010 = vector.shape_cast %get3A_1009 : vector<1x16xf32> to vector<16xf32>
      %add3A_1011 = arith.constant 0 : i32
      %add3A_1012 = arith.addi %mul3A_451, %add3A_1011 : i32
      %get3A_1013 = arith.index_cast %add3A_1012 : i32 to index
      %get3A_1014 = arith.constant 112 : index
      %get3A_1015 = tpu.vector_load %arg10[%get3A_1013, %get3A_1014] {strides = array<i32>} : memref<104x128xf32, #tpu.memory_space<vmem>>, vector<1x16xf32>,
      %get3A_1016 = vector.shape_cast %get3A_1015 : vector<1x16xf32> to vector<16xf32>
      %add3A_1017 = arith.addf %get3A_1010, %get3A_1016 : vector<16xf32>
      %add3A_1018 = arith.constant 1 : i32
      %add3A_1019 = arith.addi %mul3A_451, %add3A_1018 : i32
      %get3A_1020 = arith.index_cast %add3A_1019 : i32 to index
      %get3A_1021 = arith.constant 48 : index
      %get3A_1022 = tpu.vector_load %arg10[%get3A_1020, %get3A_1021] {strides = array<i32>} : memref<104x128xf32, #tpu.memory_space<vmem>>, vector<1x16xf32>,
      %get3A_1023 = vector.shape_cast %get3A_1022 : vector<1x16xf32> to vector<16xf32>
      %add3A_1024 = arith.addf %add3A_1017, %get3A_1023 : vector<16xf32>
      %add3A_1025 = arith.constant 1 : i32
      %add3A_1026 = arith.addi %mul3A_451, %add3A_1025 : i32
      %get3A_1027 = arith.index_cast %add3A_1026 : i32 to index
      %get3A_1028 = arith.constant 112 : index
      %get3A_1029 = tpu.vector_load %arg10[%get3A_1027, %get3A_1028] {strides = array<i32>} : memref<104x128xf32, #tpu.memory_space<vmem>>, vector<1x16xf32>,
      %get3A_1030 = vector.shape_cast %get3A_1029 : vector<1x16xf32> to vector<16xf32>
      %add3A_1031 = arith.addf %add3A_1024, %get3A_1030 : vector<16xf32>
      %add3A_1032 = arith.constant 2 : i32
      %add3A_1033 = arith.addi %mul3A_451, %add3A_1032 : i32
      %get3A_1034 = arith.index_cast %add3A_1033 : i32 to index
      %get3A_1035 = arith.constant 48 : index
      %get3A_1036 = tpu.vector_load %arg10[%get3A_1034, %get3A_1035] {strides = array<i32>} : memref<104x128xf32, #tpu.memory_space<vmem>>, vector<1x16xf32>,
      %get3A_1037 = vector.shape_cast %get3A_1036 : vector<1x16xf32> to vector<16xf32>
      %add3A_1038 = arith.addf %add3A_1031, %get3A_1037 : vector<16xf32>
      %add3A_1039 = arith.constant 2 : i32
      %add3A_1040 = arith.addi %mul3A_451, %add3A_1039 : i32
      %get3A_1041 = arith.index_cast %add3A_1040 : i32 to index
      %get3A_1042 = arith.constant 112 : index
      %get3A_1043 = tpu.vector_load %arg10[%get3A_1041, %get3A_1042] {strides = array<i32>} : memref<104x128xf32, #tpu.memory_space<vmem>>, vector<1x16xf32>,
      %get3A_1044 = vector.shape_cast %get3A_1043 : vector<1x16xf32> to vector<16xf32>
      %add3A_1045 = arith.addf %add3A_1038, %get3A_1044 : vector<16xf32>
      %add3A_1046 = arith.constant 3 : i32
      %add3A_1047 = arith.addi %mul3A_451, %add3A_1046 : i32
      %get3A_1048 = arith.index_cast %add3A_1047 : i32 to index
      %get3A_1049 = arith.constant 48 : index
      %get3A_1050 = tpu.vector_load %arg10[%get3A_1048, %get3A_1049] {strides = array<i32>} : memref<104x128xf32, #tpu.memory_space<vmem>>, vector<1x16xf32>,
      %get3A_1051 = vector.shape_cast %get3A_1050 : vector<1x16xf32> to vector<16xf32>
      %add3A_1052 = arith.addf %add3A_1045, %get3A_1051 : vector<16xf32>
      %add3A_1053 = arith.constant 3 : i32
      %add3A_1054 = arith.addi %mul3A_451, %add3A_1053 : i32
      %get3A_1055 = arith.index_cast %add3A_1054 : i32 to index
      %get3A_1056 = arith.constant 112 : index
      %get3A_1057 = tpu.vector_load %arg10[%get3A_1055, %get3A_1056] {strides = array<i32>} : memref<104x128xf32, #tpu.memory_space<vmem>>, vector<1x16xf32>,
      %get3A_1058 = vector.shape_cast %get3A_1057 : vector<1x16xf32> to vector<16xf32>
      %add3A_1059 = arith.addf %add3A_1052, %get3A_1058 : vector<16xf32>
      %add3A_1060 = arith.constant 4 : i32
      %add3A_1061 = arith.addi %mul3A_451, %add3A_1060 : i32
      %get3A_1062 = arith.index_cast %add3A_1061 : i32 to index
      %get3A_1063 = arith.constant 48 : index
      %get3A_1064 = tpu.vector_load %arg10[%get3A_1062, %get3A_1063] {strides = array<i32>} : memref<104x128xf32, #tpu.memory_space<vmem>>, vector<1x16xf32>,
      %get3A_1065 = vector.shape_cast %get3A_1064 : vector<1x16xf32> to vector<16xf32>
      %add3A_1066 = arith.addf %add3A_1059, %get3A_1065 : vector<16xf32>
      %add3A_1067 = arith.constant 4 : i32
      %add3A_1068 = arith.addi %mul3A_451, %add3A_1067 : i32
      %get3A_1069 = arith.index_cast %add3A_1068 : i32 to index
      %get3A_1070 = arith.constant 112 : index
      %get3A_1071 = tpu.vector_load %arg10[%get3A_1069, %get3A_1070] {strides = array<i32>} : memref<104x128xf32, #tpu.memory_space<vmem>>, vector<1x16xf32>,
      %get3A_1072 = vector.shape_cast %get3A_1071 : vector<1x16xf32> to vector<16xf32>
      %add3A_1073 = arith.addf %add3A_1066, %get3A_1072 : vector<16xf32>
      %add3A_1074 = arith.constant 5 : i32
      %add3A_1075 = arith.addi %mul3A_451, %add3A_1074 : i32
      %get3A_1076 = arith.index_cast %add3A_1075 : i32 to index
      %get3A_1077 = arith.constant 48 : index
      %get3A_1078 = tpu.vector_load %arg10[%get3A_1076, %get3A_1077] {strides = array<i32>} : memref<104x128xf32, #tpu.memory_space<vmem>>, vector<1x16xf32>,
      %get3A_1079 = vector.shape_cast %get3A_1078 : vector<1x16xf32> to vector<16xf32>
      %add3A_1080 = arith.addf %add3A_1073, %get3A_1079 : vector<16xf32>
      %add3A_1081 = arith.constant 5 : i32
      %add3A_1082 = arith.addi %mul3A_451, %add3A_1081 : i32
      %get3A_1083 = arith.index_cast %add3A_1082 : i32 to index
      %get3A_1084 = arith.constant 112 : index
      %get3A_1085 = tpu.vector_load %arg10[%get3A_1083, %get3A_1084] {strides = array<i32>} : memref<104x128xf32, #tpu.memory_space<vmem>>, vector<1x16xf32>,
      %get3A_1086 = vector.shape_cast %get3A_1085 : vector<1x16xf32> to vector<16xf32>
      %add3A_1087 = arith.addf %add3A_1080, %get3A_1086 : vector<16xf32>
      %add3A_1088 = arith.constant 6 : i32
      %add3A_1089 = arith.addi %mul3A_451, %add3A_1088 : i32
      %get3A_1090 = arith.index_cast %add3A_1089 : i32 to index
      %get3A_1091 = arith.constant 48 : index
      %get3A_1092 = tpu.vector_load %arg10[%get3A_1090, %get3A_1091] {strides = array<i32>} : memref<104x128xf32, #tpu.memory_space<vmem>>, vector<1x16xf32>,
      %get3A_1093 = vector.shape_cast %get3A_1092 : vector<1x16xf32> to vector<16xf32>
      %add3A_1094 = arith.addf %add3A_1087, %get3A_1093 : vector<16xf32>
      %add3A_1095 = arith.constant 6 : i32
      %add3A_1096 = arith.addi %mul3A_451, %add3A_1095 : i32
      %get3A_1097 = arith.index_cast %add3A_1096 : i32 to index
      %get3A_1098 = arith.constant 112 : index
      %get3A_1099 = tpu.vector_load %arg10[%get3A_1097, %get3A_1098] {strides = array<i32>} : memref<104x128xf32, #tpu.memory_space<vmem>>, vector<1x16xf32>,
      %get3A_1100 = vector.shape_cast %get3A_1099 : vector<1x16xf32> to vector<16xf32>
      %add3A_1101 = arith.addf %add3A_1094, %get3A_1100 : vector<16xf32>
      %add3A_1102 = arith.constant 7 : i32
      %add3A_1103 = arith.addi %mul3A_451, %add3A_1102 : i32
      %get3A_1104 = arith.index_cast %add3A_1103 : i32 to index
      %get3A_1105 = arith.constant 48 : index
      %get3A_1106 = tpu.vector_load %arg10[%get3A_1104, %get3A_1105] {strides = array<i32>} : memref<104x128xf32, #tpu.memory_space<vmem>>, vector<1x16xf32>,
      %get3A_1107 = vector.shape_cast %get3A_1106 : vector<1x16xf32> to vector<16xf32>
      %add3A_1108 = arith.addf %add3A_1101, %get3A_1107 : vector<16xf32>
      %add3A_1109 = arith.constant 7 : i32
      %add3A_1110 = arith.addi %mul3A_451, %add3A_1109 : i32
      %get3A_1111 = arith.index_cast %add3A_1110 : i32 to index
      %get3A_1112 = arith.constant 112 : index
      %get3A_1113 = tpu.vector_load %arg10[%get3A_1111, %get3A_1112] {strides = array<i32>} : memref<104x128xf32, #tpu.memory_space<vmem>>, vector<1x16xf32>,
      %get3A_1114 = vector.shape_cast %get3A_1113 : vector<1x16xf32> to vector<16xf32>
      %add3A_1115 = arith.addf %add3A_1108, %get3A_1114 : vector<16xf32>
      %add3A_1116 = arith.constant 8 : i32
      %add3A_1117 = arith.addi %mul3A_451, %add3A_1116 : i32
      %get3A_1118 = arith.index_cast %add3A_1117 : i32 to index
      %get3A_1119 = arith.constant 48 : index
      %get3A_1120 = tpu.vector_load %arg10[%get3A_1118, %get3A_1119] {strides = array<i32>} : memref<104x128xf32, #tpu.memory_space<vmem>>, vector<1x16xf32>,
      %get3A_1121 = vector.shape_cast %get3A_1120 : vector<1x16xf32> to vector<16xf32>
      %add3A_1122 = arith.addf %add3A_1115, %get3A_1121 : vector<16xf32>
      %add3A_1123 = arith.constant 8 : i32
      %add3A_1124 = arith.addi %mul3A_451, %add3A_1123 : i32
      %get3A_1125 = arith.index_cast %add3A_1124 : i32 to index
      %get3A_1126 = arith.constant 112 : index
      %get3A_1127 = tpu.vector_load %arg10[%get3A_1125, %get3A_1126] {strides = array<i32>} : memref<104x128xf32, #tpu.memory_space<vmem>>, vector<1x16xf32>,
      %get3A_1128 = vector.shape_cast %get3A_1127 : vector<1x16xf32> to vector<16xf32>
      %add3A_1129 = arith.addf %add3A_1122, %get3A_1128 : vector<16xf32>
      %add3A_1130 = arith.constant 9 : i32
      %add3A_1131 = arith.addi %mul3A_451, %add3A_1130 : i32
      %get3A_1132 = arith.index_cast %add3A_1131 : i32 to index
      %get3A_1133 = arith.constant 48 : index
      %get3A_1134 = tpu.vector_load %arg10[%get3A_1132, %get3A_1133] {strides = array<i32>} : memref<104x128xf32, #tpu.memory_space<vmem>>, vector<1x16xf32>,
      %get3A_1135 = vector.shape_cast %get3A_1134 : vector<1x16xf32> to vector<16xf32>
      %add3A_1136 = arith.addf %add3A_1129, %get3A_1135 : vector<16xf32>
      %add3A_1137 = arith.constant 9 : i32
      %add3A_1138 = arith.addi %mul3A_451, %add3A_1137 : i32
      %get3A_1139 = arith.index_cast %add3A_1138 : i32 to index
      %get3A_1140 = arith.constant 112 : index
      %get3A_1141 = tpu.vector_load %arg10[%get3A_1139, %get3A_1140] {strides = array<i32>} : memref<104x128xf32, #tpu.memory_space<vmem>>, vector<1x16xf32>,
      %get3A_1142 = vector.shape_cast %get3A_1141 : vector<1x16xf32> to vector<16xf32>
      %add3A_1143 = arith.addf %add3A_1136, %get3A_1142 : vector<16xf32>
      %add3A_1144 = arith.constant 10 : i32
      %add3A_1145 = arith.addi %mul3A_451, %add3A_1144 : i32
      %get3A_1146 = arith.index_cast %add3A_1145 : i32 to index
      %get3A_1147 = arith.constant 48 : index
      %get3A_1148 = tpu.vector_load %arg10[%get3A_1146, %get3A_1147] {strides = array<i32>} : memref<104x128xf32, #tpu.memory_space<vmem>>, vector<1x16xf32>,
      %get3A_1149 = vector.shape_cast %get3A_1148 : vector<1x16xf32> to vector<16xf32>
      %add3A_1150 = arith.addf %add3A_1143, %get3A_1149 : vector<16xf32>
      %add3A_1151 = arith.constant 10 : i32
      %add3A_1152 = arith.addi %mul3A_451, %add3A_1151 : i32
      %get3A_1153 = arith.index_cast %add3A_1152 : i32 to index
      %get3A_1154 = arith.constant 112 : index
      %get3A_1155 = tpu.vector_load %arg10[%get3A_1153, %get3A_1154] {strides = array<i32>} : memref<104x128xf32, #tpu.memory_space<vmem>>, vector<1x16xf32>,
      %get3A_1156 = vector.shape_cast %get3A_1155 : vector<1x16xf32> to vector<16xf32>
      %add3A_1157 = arith.addf %add3A_1150, %get3A_1156 : vector<16xf32>
      %add3A_1158 = arith.constant 11 : i32
      %add3A_1159 = arith.addi %mul3A_451, %add3A_1158 : i32
      %get3A_1160 = arith.index_cast %add3A_1159 : i32 to index
      %get3A_1161 = arith.constant 48 : index
      %get3A_1162 = tpu.vector_load %arg10[%get3A_1160, %get3A_1161] {strides = array<i32>} : memref<104x128xf32, #tpu.memory_space<vmem>>, vector<1x16xf32>,
      %get3A_1163 = vector.shape_cast %get3A_1162 : vector<1x16xf32> to vector<16xf32>
      %add3A_1164 = arith.addf %add3A_1157, %get3A_1163 : vector<16xf32>
      %add3A_1165 = arith.constant 11 : i32
      %add3A_1166 = arith.addi %mul3A_451, %add3A_1165 : i32
      %get3A_1167 = arith.index_cast %add3A_1166 : i32 to index
      %get3A_1168 = arith.constant 112 : index
      %get3A_1169 = tpu.vector_load %arg10[%get3A_1167, %get3A_1168] {strides = array<i32>} : memref<104x128xf32, #tpu.memory_space<vmem>>, vector<1x16xf32>,
      %get3A_1170 = vector.shape_cast %get3A_1169 : vector<1x16xf32> to vector<16xf32>
      %add3A_1171 = arith.addf %add3A_1164, %get3A_1170 : vector<16xf32>
      %add3A_1172 = arith.constant 12 : i32
      %add3A_1173 = arith.addi %mul3A_451, %add3A_1172 : i32
      %get3A_1174 = arith.index_cast %add3A_1173 : i32 to index
      %get3A_1175 = arith.constant 48 : index
      %get3A_1176 = tpu.vector_load %arg10[%get3A_1174, %get3A_1175] {strides = array<i32>} : memref<104x128xf32, #tpu.memory_space<vmem>>, vector<1x16xf32>,
      %get3A_1177 = vector.shape_cast %get3A_1176 : vector<1x16xf32> to vector<16xf32>
      %add3A_1178 = arith.addf %add3A_1171, %get3A_1177 : vector<16xf32>
      %add3A_1179 = arith.constant 12 : i32
      %add3A_1180 = arith.addi %mul3A_451, %add3A_1179 : i32
      %get3A_1181 = arith.index_cast %add3A_1180 : i32 to index
      %get3A_1182 = arith.constant 112 : index
      %get3A_1183 = tpu.vector_load %arg10[%get3A_1181, %get3A_1182] {strides = array<i32>} : memref<104x128xf32, #tpu.memory_space<vmem>>, vector<1x16xf32>,
      %get3A_1184 = vector.shape_cast %get3A_1183 : vector<1x16xf32> to vector<16xf32>
      %add3A_1185 = arith.addf %add3A_1178, %get3A_1184 : vector<16xf32>
      %swap3A_1186 = arith.constant 48 : index
      %swap3A_1187 = tpu.vector_load %arg12[%swap3A_1186] {strides = array<i32>} : memref<64xf32, #tpu.memory_space<vmem>>, vector<16xf32>,
      %swap3A_1188 = vector.shape_cast %swap3A_1187 : vector<16xf32> to vector<16xf32>
      %swap3A_1189 = vector.shape_cast %add3A_1185 : vector<16xf32> to vector<16xf32>
      tpu.vector_store %arg12[%swap3A_1186], %swap3A_1189 {strides = array<i32>} : memref<64xf32, #tpu.memory_space<vmem>>, vector<16xf32>,
      %mul3A_1190 = arith.constant 512 : i32
      %mul3A_1191 = arith.muli %add3A, %mul3A_1190 : i32
      %mul3A_1192 = arith.constant 64 : i32
      %mul3A_1193 = arith.muli %mul3A_271, %mul3A_1192 : i32
      %add3A_1194 = arith.addi %mul3A_1191, %mul3A_1193 : i32
      "tpu.region"() ({
        %run_scoped3A = tpu.sem_alloc : memref<!tpu.dma_semaphore, #tpu.memory_space<semaphore_mem>>
        %dma_start3A_2128 = arith.constant 0 : i32
        %dma_start3A_2129 = tpu.memref_slice %arg5[%add3A_1194, %dma_start3A_2128] : memref<16384x16xf32, #tpu.memory_space<hbm>> -> memref<64x16xf32, #tpu.memory_space<hbm>>
        %dma_start3A_2130 = arith.constant 0 : i32
        %dma_start3A_2131 = tpu.memref_slice %arg5[%add3A_1194, %dma_start3A_2130] : memref<16384x16xf32, #tpu.memory_space<hbm>> -> memref<64x16xf32, #tpu.memory_space<hbm>>
        tpu.enqueue_dma source(%arg11 : memref<64x16xf32, #tpu.memory_space<vmem>>) target(%dma_start3A_2131 : memref<64x16xf32, #tpu.memory_space<hbm>>) target_semaphore(%run_scoped3A : memref<!tpu.dma_semaphore, #tpu.memory_space<semaphore_mem>>)
        %dma_wait3A_2132 = arith.constant 0 : i32
        %dma_wait3A_2133 = tpu.memref_slice %arg5[%add3A_1194, %dma_wait3A_2132] : memref<16384x16xf32, #tpu.memory_space<hbm>> -> memref<64x16xf32, #tpu.memory_space<hbm>>
        %dma_wait3A_2134 = arith.constant 0 : i32
        %dma_wait3A_2135 = tpu.memref_slice %arg5[%add3A_1194, %dma_wait3A_2134] : memref<16384x16xf32, #tpu.memory_space<hbm>> -> memref<64x16xf32, #tpu.memory_space<hbm>>
        tpu.wait_dma2 semaphore(%run_scoped3A : memref<!tpu.dma_semaphore, #tpu.memory_space<semaphore_mem>>) src(%arg11 : memref<64x16xf32, #tpu.memory_space<vmem>>) dst(%dma_wait3A_2135 : memref<64x16xf32, #tpu.memory_space<hbm>>)
        tpu.yield
      }) : () -> ()
      "tpu.region"() ({
        %run_scoped3A = tpu.sem_alloc : memref<!tpu.dma_semaphore, #tpu.memory_space<semaphore_mem>>
        %dma_start3A_2128 = tpu.memref_slice %arg6[%add3A_1194] : memref<16384xf32, #tpu.memory_space<hbm>> -> memref<64xf32, #tpu.memory_space<hbm>>
        %dma_start3A_2129 = tpu.memref_slice %arg6[%add3A_1194] : memref<16384xf32, #tpu.memory_space<hbm>> -> memref<64xf32, #tpu.memory_space<hbm>>
        tpu.enqueue_dma source(%arg12 : memref<64xf32, #tpu.memory_space<vmem>>) target(%dma_start3A_2129 : memref<64xf32, #tpu.memory_space<hbm>>) target_semaphore(%run_scoped3A : memref<!tpu.dma_semaphore, #tpu.memory_space<semaphore_mem>>)
        %dma_wait3A_2130 = tpu.memref_slice %arg6[%add3A_1194] : memref<16384xf32, #tpu.memory_space<hbm>> -> memref<64xf32, #tpu.memory_space<hbm>>
        %dma_wait3A_2131 = tpu.memref_slice %arg6[%add3A_1194] : memref<16384xf32, #tpu.memory_space<hbm>> -> memref<64xf32, #tpu.memory_space<hbm>>
        tpu.wait_dma2 semaphore(%run_scoped3A : memref<!tpu.dma_semaphore, #tpu.memory_space<semaphore_mem>>) src(%arg12 : memref<64xf32, #tpu.memory_space<vmem>>) dst(%dma_wait3A_2131 : memref<64xf32, #tpu.memory_space<hbm>>)
        tpu.yield
      }) : () -> ()
      %mul3A_1195 = arith.constant 2 : i32
      %mul3A_1196 = arith.muli %mul3A_1195, %scan3A_269 : i32
      %add3A_1197 = arith.constant 1 : i32
      %add3A_1198 = arith.addi %mul3A_1196, %add3A_1197 : i32
      %mul3A_1199 = arith.constant 13 : i32
      %mul3A_1200 = arith.muli %add3A_1198, %mul3A_1199 : i32
      %add3A_1201 = arith.constant 0 : i32
      %add3A_1202 = arith.addi %mul3A_1200, %add3A_1201 : i32
      %dma_wait3A_1203 = arith.constant 0 : i32
      %dma_wait3A_1204 = arith.constant 0 : i32
      %dma_wait3A_1205 = tpu.memref_slice %arg9[%dma_wait3A_1203, %dma_wait3A_1204] : memref<1664x16xf32, #tpu.memory_space<vmem>> -> memref<128x16xf32, #tpu.memory_space<vmem>>
      %dma_wait3A_1206 = arith.constant 0 : i32
      %dma_wait3A_1207 = tpu.memref_slice %arg7[%add3A_1202, %dma_wait3A_1206] : memref<104x128xi32, #tpu.memory_space<vmem>> -> memref<1x128xi32, #tpu.memory_space<vmem>>
      %dma_wait3A_1208 = tpu.memref_squeeze %dma_wait3A_1207 : memref<1x128xi32, #tpu.memory_space<vmem>> -> memref<128xi32, #tpu.memory_space<vmem>>
      %dma_wait3A_1209 = arith.constant 0 : i32
      %dma_wait3A_1210 = arith.constant 0 : i32
      %dma_wait3A_1211 = tpu.memref_slice %arg4[%dma_wait3A_1209, %dma_wait3A_1210] : memref<2600000x16xf32, #tpu.memory_space<hbm>> -> memref<2600000x16xf32, #tpu.memory_space<hbm>>
      tpu.wait_indirect_dma semaphore(%arg14 : memref<!tpu.dma_semaphore, #tpu.memory_space<semaphore_mem>>) src(%dma_wait3A_1211 : memref<2600000x16xf32, #tpu.memory_space<hbm>>) dst(%dma_wait3A_1205 : memref<128x16xf32, #tpu.memory_space<vmem>>)
      %mul3A_1212 = arith.constant 13 : i32
      %mul3A_1213 = arith.muli %add3A_1198, %mul3A_1212 : i32
      %add3A_1214 = arith.constant 1 : i32
      %add3A_1215 = arith.addi %mul3A_1213, %add3A_1214 : i32
      %dma_wait3A_1216 = arith.constant 128 : i32
      %dma_wait3A_1217 = arith.constant 0 : i32
      %dma_wait3A_1218 = tpu.memref_slice %arg9[%dma_wait3A_1216, %dma_wait3A_1217] : memref<1664x16xf32, #tpu.memory_space<vmem>> -> memref<128x16xf32, #tpu.memory_space<vmem>>
      %dma_wait3A_1219 = arith.constant 0 : i32
      %dma_wait3A_1220 = tpu.memref_slice %arg7[%add3A_1215, %dma_wait3A_1219] : memref<104x128xi32, #tpu.memory_space<vmem>> -> memref<1x128xi32, #tpu.memory_space<vmem>>
      %dma_wait3A_1221 = tpu.memref_squeeze %dma_wait3A_1220 : memref<1x128xi32, #tpu.memory_space<vmem>> -> memref<128xi32, #tpu.memory_space<vmem>>
      %dma_wait3A_1222 = arith.constant 0 : i32
      %dma_wait3A_1223 = arith.constant 0 : i32
      %dma_wait3A_1224 = tpu.memref_slice %arg4[%dma_wait3A_1222, %dma_wait3A_1223] : memref<2600000x16xf32, #tpu.memory_space<hbm>> -> memref<2600000x16xf32, #tpu.memory_space<hbm>>
      tpu.wait_indirect_dma semaphore(%arg14 : memref<!tpu.dma_semaphore, #tpu.memory_space<semaphore_mem>>) src(%dma_wait3A_1224 : memref<2600000x16xf32, #tpu.memory_space<hbm>>) dst(%dma_wait3A_1218 : memref<128x16xf32, #tpu.memory_space<vmem>>)
      %mul3A_1225 = arith.constant 13 : i32
      %mul3A_1226 = arith.muli %add3A_1198, %mul3A_1225 : i32
      %add3A_1227 = arith.constant 2 : i32
      %add3A_1228 = arith.addi %mul3A_1226, %add3A_1227 : i32
      %dma_wait3A_1229 = arith.constant 256 : i32
      %dma_wait3A_1230 = arith.constant 0 : i32
      %dma_wait3A_1231 = tpu.memref_slice %arg9[%dma_wait3A_1229, %dma_wait3A_1230] : memref<1664x16xf32, #tpu.memory_space<vmem>> -> memref<128x16xf32, #tpu.memory_space<vmem>>
      %dma_wait3A_1232 = arith.constant 0 : i32
      %dma_wait3A_1233 = tpu.memref_slice %arg7[%add3A_1228, %dma_wait3A_1232] : memref<104x128xi32, #tpu.memory_space<vmem>> -> memref<1x128xi32, #tpu.memory_space<vmem>>
      %dma_wait3A_1234 = tpu.memref_squeeze %dma_wait3A_1233 : memref<1x128xi32, #tpu.memory_space<vmem>> -> memref<128xi32, #tpu.memory_space<vmem>>
      %dma_wait3A_1235 = arith.constant 0 : i32
      %dma_wait3A_1236 = arith.constant 0 : i32
      %dma_wait3A_1237 = tpu.memref_slice %arg4[%dma_wait3A_1235, %dma_wait3A_1236] : memref<2600000x16xf32, #tpu.memory_space<hbm>> -> memref<2600000x16xf32, #tpu.memory_space<hbm>>
      tpu.wait_indirect_dma semaphore(%arg14 : memref<!tpu.dma_semaphore, #tpu.memory_space<semaphore_mem>>) src(%dma_wait3A_1237 : memref<2600000x16xf32, #tpu.memory_space<hbm>>) dst(%dma_wait3A_1231 : memref<128x16xf32, #tpu.memory_space<vmem>>)
      %mul3A_1238 = arith.constant 13 : i32
      %mul3A_1239 = arith.muli %add3A_1198, %mul3A_1238 : i32
      %add3A_1240 = arith.constant 3 : i32
      %add3A_1241 = arith.addi %mul3A_1239, %add3A_1240 : i32
      %dma_wait3A_1242 = arith.constant 384 : i32
      %dma_wait3A_1243 = arith.constant 0 : i32
      %dma_wait3A_1244 = tpu.memref_slice %arg9[%dma_wait3A_1242, %dma_wait3A_1243] : memref<1664x16xf32, #tpu.memory_space<vmem>> -> memref<128x16xf32, #tpu.memory_space<vmem>>
      %dma_wait3A_1245 = arith.constant 0 : i32
      %dma_wait3A_1246 = tpu.memref_slice %arg7[%add3A_1241, %dma_wait3A_1245] : memref<104x128xi32, #tpu.memory_space<vmem>> -> memref<1x128xi32, #tpu.memory_space<vmem>>
      %dma_wait3A_1247 = tpu.memref_squeeze %dma_wait3A_1246 : memref<1x128xi32, #tpu.memory_space<vmem>> -> memref<128xi32, #tpu.memory_space<vmem>>
      %dma_wait3A_1248 = arith.constant 0 : i32
      %dma_wait3A_1249 = arith.constant 0 : i32
      %dma_wait3A_1250 = tpu.memref_slice %arg4[%dma_wait3A_1248, %dma_wait3A_1249] : memref<2600000x16xf32, #tpu.memory_space<hbm>> -> memref<2600000x16xf32, #tpu.memory_space<hbm>>
      tpu.wait_indirect_dma semaphore(%arg14 : memref<!tpu.dma_semaphore, #tpu.memory_space<semaphore_mem>>) src(%dma_wait3A_1250 : memref<2600000x16xf32, #tpu.memory_space<hbm>>) dst(%dma_wait3A_1244 : memref<128x16xf32, #tpu.memory_space<vmem>>)
      %mul3A_1251 = arith.constant 13 : i32
      %mul3A_1252 = arith.muli %add3A_1198, %mul3A_1251 : i32
      %add3A_1253 = arith.constant 4 : i32
      %add3A_1254 = arith.addi %mul3A_1252, %add3A_1253 : i32
      %dma_wait3A_1255 = arith.constant 512 : i32
      %dma_wait3A_1256 = arith.constant 0 : i32
      %dma_wait3A_1257 = tpu.memref_slice %arg9[%dma_wait3A_1255, %dma_wait3A_1256] : memref<1664x16xf32, #tpu.memory_space<vmem>> -> memref<128x16xf32, #tpu.memory_space<vmem>>
      %dma_wait3A_1258 = arith.constant 0 : i32
      %dma_wait3A_1259 = tpu.memref_slice %arg7[%add3A_1254, %dma_wait3A_1258] : memref<104x128xi32, #tpu.memory_space<vmem>> -> memref<1x128xi32, #tpu.memory_space<vmem>>
      %dma_wait3A_1260 = tpu.memref_squeeze %dma_wait3A_1259 : memref<1x128xi32, #tpu.memory_space<vmem>> -> memref<128xi32, #tpu.memory_space<vmem>>
      %dma_wait3A_1261 = arith.constant 0 : i32
      %dma_wait3A_1262 = arith.constant 0 : i32
      %dma_wait3A_1263 = tpu.memref_slice %arg4[%dma_wait3A_1261, %dma_wait3A_1262] : memref<2600000x16xf32, #tpu.memory_space<hbm>> -> memref<2600000x16xf32, #tpu.memory_space<hbm>>
      tpu.wait_indirect_dma semaphore(%arg14 : memref<!tpu.dma_semaphore, #tpu.memory_space<semaphore_mem>>) src(%dma_wait3A_1263 : memref<2600000x16xf32, #tpu.memory_space<hbm>>) dst(%dma_wait3A_1257 : memref<128x16xf32, #tpu.memory_space<vmem>>)
      %mul3A_1264 = arith.constant 13 : i32
      %mul3A_1265 = arith.muli %add3A_1198, %mul3A_1264 : i32
      %add3A_1266 = arith.constant 5 : i32
      %add3A_1267 = arith.addi %mul3A_1265, %add3A_1266 : i32
      %dma_wait3A_1268 = arith.constant 640 : i32
      %dma_wait3A_1269 = arith.constant 0 : i32
      %dma_wait3A_1270 = tpu.memref_slice %arg9[%dma_wait3A_1268, %dma_wait3A_1269] : memref<1664x16xf32, #tpu.memory_space<vmem>> -> memref<128x16xf32, #tpu.memory_space<vmem>>
      %dma_wait3A_1271 = arith.constant 0 : i32
      %dma_wait3A_1272 = tpu.memref_slice %arg7[%add3A_1267, %dma_wait3A_1271] : memref<104x128xi32, #tpu.memory_space<vmem>> -> memref<1x128xi32, #tpu.memory_space<vmem>>
      %dma_wait3A_1273 = tpu.memref_squeeze %dma_wait3A_1272 : memref<1x128xi32, #tpu.memory_space<vmem>> -> memref<128xi32, #tpu.memory_space<vmem>>
      %dma_wait3A_1274 = arith.constant 0 : i32
      %dma_wait3A_1275 = arith.constant 0 : i32
      %dma_wait3A_1276 = tpu.memref_slice %arg4[%dma_wait3A_1274, %dma_wait3A_1275] : memref<2600000x16xf32, #tpu.memory_space<hbm>> -> memref<2600000x16xf32, #tpu.memory_space<hbm>>
      tpu.wait_indirect_dma semaphore(%arg14 : memref<!tpu.dma_semaphore, #tpu.memory_space<semaphore_mem>>) src(%dma_wait3A_1276 : memref<2600000x16xf32, #tpu.memory_space<hbm>>) dst(%dma_wait3A_1270 : memref<128x16xf32, #tpu.memory_space<vmem>>)
      %mul3A_1277 = arith.constant 13 : i32
      %mul3A_1278 = arith.muli %add3A_1198, %mul3A_1277 : i32
      %add3A_1279 = arith.constant 6 : i32
      %add3A_1280 = arith.addi %mul3A_1278, %add3A_1279 : i32
      %dma_wait3A_1281 = arith.constant 768 : i32
      %dma_wait3A_1282 = arith.constant 0 : i32
      %dma_wait3A_1283 = tpu.memref_slice %arg9[%dma_wait3A_1281, %dma_wait3A_1282] : memref<1664x16xf32, #tpu.memory_space<vmem>> -> memref<128x16xf32, #tpu.memory_space<vmem>>
      %dma_wait3A_1284 = arith.constant 0 : i32
      %dma_wait3A_1285 = tpu.memref_slice %arg7[%add3A_1280, %dma_wait3A_1284] : memref<104x128xi32, #tpu.memory_space<vmem>> -> memref<1x128xi32, #tpu.memory_space<vmem>>
      %dma_wait3A_1286 = tpu.memref_squeeze %dma_wait3A_1285 : memref<1x128xi32, #tpu.memory_space<vmem>> -> memref<128xi32, #tpu.memory_space<vmem>>
      %dma_wait3A_1287 = arith.constant 0 : i32
      %dma_wait3A_1288 = arith.constant 0 : i32
      %dma_wait3A_1289 = tpu.memref_slice %arg4[%dma_wait3A_1287, %dma_wait3A_1288] : memref<2600000x16xf32, #tpu.memory_space<hbm>> -> memref<2600000x16xf32, #tpu.memory_space<hbm>>
      tpu.wait_indirect_dma semaphore(%arg14 : memref<!tpu.dma_semaphore, #tpu.memory_space<semaphore_mem>>) src(%dma_wait3A_1289 : memref<2600000x16xf32, #tpu.memory_space<hbm>>) dst(%dma_wait3A_1283 : memref<128x16xf32, #tpu.memory_space<vmem>>)
      %mul3A_1290 = arith.constant 13 : i32
      %mul3A_1291 = arith.muli %add3A_1198, %mul3A_1290 : i32
      %add3A_1292 = arith.constant 7 : i32
      %add3A_1293 = arith.addi %mul3A_1291, %add3A_1292 : i32
      %dma_wait3A_1294 = arith.constant 896 : i32
      %dma_wait3A_1295 = arith.constant 0 : i32
      %dma_wait3A_1296 = tpu.memref_slice %arg9[%dma_wait3A_1294, %dma_wait3A_1295] : memref<1664x16xf32, #tpu.memory_space<vmem>> -> memref<128x16xf32, #tpu.memory_space<vmem>>
      %dma_wait3A_1297 = arith.constant 0 : i32
      %dma_wait3A_1298 = tpu.memref_slice %arg7[%add3A_1293, %dma_wait3A_1297] : memref<104x128xi32, #tpu.memory_space<vmem>> -> memref<1x128xi32, #tpu.memory_space<vmem>>
      %dma_wait3A_1299 = tpu.memref_squeeze %dma_wait3A_1298 : memref<1x128xi32, #tpu.memory_space<vmem>> -> memref<128xi32, #tpu.memory_space<vmem>>
      %dma_wait3A_1300 = arith.constant 0 : i32
      %dma_wait3A_1301 = arith.constant 0 : i32
      %dma_wait3A_1302 = tpu.memref_slice %arg4[%dma_wait3A_1300, %dma_wait3A_1301] : memref<2600000x16xf32, #tpu.memory_space<hbm>> -> memref<2600000x16xf32, #tpu.memory_space<hbm>>
      tpu.wait_indirect_dma semaphore(%arg14 : memref<!tpu.dma_semaphore, #tpu.memory_space<semaphore_mem>>) src(%dma_wait3A_1302 : memref<2600000x16xf32, #tpu.memory_space<hbm>>) dst(%dma_wait3A_1296 : memref<128x16xf32, #tpu.memory_space<vmem>>)
      %mul3A_1303 = arith.constant 13 : i32
      %mul3A_1304 = arith.muli %add3A_1198, %mul3A_1303 : i32
      %add3A_1305 = arith.constant 8 : i32
      %add3A_1306 = arith.addi %mul3A_1304, %add3A_1305 : i32
      %dma_wait3A_1307 = arith.constant 1024 : i32
      %dma_wait3A_1308 = arith.constant 0 : i32
      %dma_wait3A_1309 = tpu.memref_slice %arg9[%dma_wait3A_1307, %dma_wait3A_1308] : memref<1664x16xf32, #tpu.memory_space<vmem>> -> memref<128x16xf32, #tpu.memory_space<vmem>>
      %dma_wait3A_1310 = arith.constant 0 : i32
      %dma_wait3A_1311 = tpu.memref_slice %arg7[%add3A_1306, %dma_wait3A_1310] : memref<104x128xi32, #tpu.memory_space<vmem>> -> memref<1x128xi32, #tpu.memory_space<vmem>>
      %dma_wait3A_1312 = tpu.memref_squeeze %dma_wait3A_1311 : memref<1x128xi32, #tpu.memory_space<vmem>> -> memref<128xi32, #tpu.memory_space<vmem>>
      %dma_wait3A_1313 = arith.constant 0 : i32
      %dma_wait3A_1314 = arith.constant 0 : i32
      %dma_wait3A_1315 = tpu.memref_slice %arg4[%dma_wait3A_1313, %dma_wait3A_1314] : memref<2600000x16xf32, #tpu.memory_space<hbm>> -> memref<2600000x16xf32, #tpu.memory_space<hbm>>
      tpu.wait_indirect_dma semaphore(%arg14 : memref<!tpu.dma_semaphore, #tpu.memory_space<semaphore_mem>>) src(%dma_wait3A_1315 : memref<2600000x16xf32, #tpu.memory_space<hbm>>) dst(%dma_wait3A_1309 : memref<128x16xf32, #tpu.memory_space<vmem>>)
      %mul3A_1316 = arith.constant 13 : i32
      %mul3A_1317 = arith.muli %add3A_1198, %mul3A_1316 : i32
      %add3A_1318 = arith.constant 9 : i32
      %add3A_1319 = arith.addi %mul3A_1317, %add3A_1318 : i32
      %dma_wait3A_1320 = arith.constant 1152 : i32
      %dma_wait3A_1321 = arith.constant 0 : i32
      %dma_wait3A_1322 = tpu.memref_slice %arg9[%dma_wait3A_1320, %dma_wait3A_1321] : memref<1664x16xf32, #tpu.memory_space<vmem>> -> memref<128x16xf32, #tpu.memory_space<vmem>>
      %dma_wait3A_1323 = arith.constant 0 : i32
      %dma_wait3A_1324 = tpu.memref_slice %arg7[%add3A_1319, %dma_wait3A_1323] : memref<104x128xi32, #tpu.memory_space<vmem>> -> memref<1x128xi32, #tpu.memory_space<vmem>>
      %dma_wait3A_1325 = tpu.memref_squeeze %dma_wait3A_1324 : memref<1x128xi32, #tpu.memory_space<vmem>> -> memref<128xi32, #tpu.memory_space<vmem>>
      %dma_wait3A_1326 = arith.constant 0 : i32
      %dma_wait3A_1327 = arith.constant 0 : i32
      %dma_wait3A_1328 = tpu.memref_slice %arg4[%dma_wait3A_1326, %dma_wait3A_1327] : memref<2600000x16xf32, #tpu.memory_space<hbm>> -> memref<2600000x16xf32, #tpu.memory_space<hbm>>
      tpu.wait_indirect_dma semaphore(%arg14 : memref<!tpu.dma_semaphore, #tpu.memory_space<semaphore_mem>>) src(%dma_wait3A_1328 : memref<2600000x16xf32, #tpu.memory_space<hbm>>) dst(%dma_wait3A_1322 : memref<128x16xf32, #tpu.memory_space<vmem>>)
      %mul3A_1329 = arith.constant 13 : i32
      %mul3A_1330 = arith.muli %add3A_1198, %mul3A_1329 : i32
      %add3A_1331 = arith.constant 10 : i32
      %add3A_1332 = arith.addi %mul3A_1330, %add3A_1331 : i32
      %dma_wait3A_1333 = arith.constant 1280 : i32
      %dma_wait3A_1334 = arith.constant 0 : i32
      %dma_wait3A_1335 = tpu.memref_slice %arg9[%dma_wait3A_1333, %dma_wait3A_1334] : memref<1664x16xf32, #tpu.memory_space<vmem>> -> memref<128x16xf32, #tpu.memory_space<vmem>>
      %dma_wait3A_1336 = arith.constant 0 : i32
      %dma_wait3A_1337 = tpu.memref_slice %arg7[%add3A_1332, %dma_wait3A_1336] : memref<104x128xi32, #tpu.memory_space<vmem>> -> memref<1x128xi32, #tpu.memory_space<vmem>>
      %dma_wait3A_1338 = tpu.memref_squeeze %dma_wait3A_1337 : memref<1x128xi32, #tpu.memory_space<vmem>> -> memref<128xi32, #tpu.memory_space<vmem>>
      %dma_wait3A_1339 = arith.constant 0 : i32
      %dma_wait3A_1340 = arith.constant 0 : i32
      %dma_wait3A_1341 = tpu.memref_slice %arg4[%dma_wait3A_1339, %dma_wait3A_1340] : memref<2600000x16xf32, #tpu.memory_space<hbm>> -> memref<2600000x16xf32, #tpu.memory_space<hbm>>
      tpu.wait_indirect_dma semaphore(%arg14 : memref<!tpu.dma_semaphore, #tpu.memory_space<semaphore_mem>>) src(%dma_wait3A_1341 : memref<2600000x16xf32, #tpu.memory_space<hbm>>) dst(%dma_wait3A_1335 : memref<128x16xf32, #tpu.memory_space<vmem>>)
      %mul3A_1342 = arith.constant 13 : i32
      %mul3A_1343 = arith.muli %add3A_1198, %mul3A_1342 : i32
      %add3A_1344 = arith.constant 11 : i32
      %add3A_1345 = arith.addi %mul3A_1343, %add3A_1344 : i32
      %dma_wait3A_1346 = arith.constant 1408 : i32
      %dma_wait3A_1347 = arith.constant 0 : i32
      %dma_wait3A_1348 = tpu.memref_slice %arg9[%dma_wait3A_1346, %dma_wait3A_1347] : memref<1664x16xf32, #tpu.memory_space<vmem>> -> memref<128x16xf32, #tpu.memory_space<vmem>>
      %dma_wait3A_1349 = arith.constant 0 : i32
      %dma_wait3A_1350 = tpu.memref_slice %arg7[%add3A_1345, %dma_wait3A_1349] : memref<104x128xi32, #tpu.memory_space<vmem>> -> memref<1x128xi32, #tpu.memory_space<vmem>>
      %dma_wait3A_1351 = tpu.memref_squeeze %dma_wait3A_1350 : memref<1x128xi32, #tpu.memory_space<vmem>> -> memref<128xi32, #tpu.memory_space<vmem>>
      %dma_wait3A_1352 = arith.constant 0 : i32
      %dma_wait3A_1353 = arith.constant 0 : i32
      %dma_wait3A_1354 = tpu.memref_slice %arg4[%dma_wait3A_1352, %dma_wait3A_1353] : memref<2600000x16xf32, #tpu.memory_space<hbm>> -> memref<2600000x16xf32, #tpu.memory_space<hbm>>
      tpu.wait_indirect_dma semaphore(%arg14 : memref<!tpu.dma_semaphore, #tpu.memory_space<semaphore_mem>>) src(%dma_wait3A_1354 : memref<2600000x16xf32, #tpu.memory_space<hbm>>) dst(%dma_wait3A_1348 : memref<128x16xf32, #tpu.memory_space<vmem>>)
      %mul3A_1355 = arith.constant 13 : i32
      %mul3A_1356 = arith.muli %add3A_1198, %mul3A_1355 : i32
      %add3A_1357 = arith.constant 12 : i32
      %add3A_1358 = arith.addi %mul3A_1356, %add3A_1357 : i32
      %dma_wait3A_1359 = arith.constant 1536 : i32
      %dma_wait3A_1360 = arith.constant 0 : i32
      %dma_wait3A_1361 = tpu.memref_slice %arg9[%dma_wait3A_1359, %dma_wait3A_1360] : memref<1664x16xf32, #tpu.memory_space<vmem>> -> memref<128x16xf32, #tpu.memory_space<vmem>>
      %dma_wait3A_1362 = arith.constant 0 : i32
      %dma_wait3A_1363 = tpu.memref_slice %arg7[%add3A_1358, %dma_wait3A_1362] : memref<104x128xi32, #tpu.memory_space<vmem>> -> memref<1x128xi32, #tpu.memory_space<vmem>>
      %dma_wait3A_1364 = tpu.memref_squeeze %dma_wait3A_1363 : memref<1x128xi32, #tpu.memory_space<vmem>> -> memref<128xi32, #tpu.memory_space<vmem>>
      %dma_wait3A_1365 = arith.constant 0 : i32
      %dma_wait3A_1366 = arith.constant 0 : i32
      %dma_wait3A_1367 = tpu.memref_slice %arg4[%dma_wait3A_1365, %dma_wait3A_1366] : memref<2600000x16xf32, #tpu.memory_space<hbm>> -> memref<2600000x16xf32, #tpu.memory_space<hbm>>
      tpu.wait_indirect_dma semaphore(%arg14 : memref<!tpu.dma_semaphore, #tpu.memory_space<semaphore_mem>>) src(%dma_wait3A_1367 : memref<2600000x16xf32, #tpu.memory_space<hbm>>) dst(%dma_wait3A_1361 : memref<128x16xf32, #tpu.memory_space<vmem>>)
      %scan3A_1368 = arith.constant 0 : i32
      %scan3A_1369 = arith.constant 0 : i32
      %scan3A_1370 = arith.constant 64 : i32
      %scan3A_1371 = arith.addi %scan3A_1369, %scan3A_1370 : i32
      %scan3A_1372 = arith.constant 1 : i32
      scf.for %scan3A_2128 = %scan3A_1369 to %scan3A_1371 step %scan3A_1372  : i32 {
        %mul3A_2129 = arith.constant 26 : i32
        %mul3A_2130 = arith.muli %scan3A_2128, %mul3A_2129 : i32
        %get3A_2131 = arith.index_cast %mul3A_2130 : i32 to index
        %get3A_2132 = arith.constant 0 : index
        %get3A_2133 = tpu.vector_load %arg9[%get3A_2131, %get3A_2132] {strides = array<i32>} : memref<1664x16xf32, #tpu.memory_space<vmem>>, vector<1x16xf32>,
        %get3A_2134 = vector.shape_cast %get3A_2133 : vector<1x16xf32> to vector<16xf32>
        %mul3A_2135 = arith.mulf %get3A_2134, %get3A_2134 : vector<16xf32>
        %mul3A_2136 = arith.constant 26 : i32
        %mul3A_2137 = arith.muli %scan3A_2128, %mul3A_2136 : i32
        %add3A_2138 = arith.constant 1 : i32
        %add3A_2139 = arith.addi %mul3A_2137, %add3A_2138 : i32
        %get3A_2140 = arith.index_cast %add3A_2139 : i32 to index
        %get3A_2141 = arith.constant 0 : index
        %get3A_2142 = tpu.vector_load %arg9[%get3A_2140, %get3A_2141] {strides = array<i32>} : memref<1664x16xf32, #tpu.memory_space<vmem>>, vector<1x16xf32>,
        %get3A_2143 = vector.shape_cast %get3A_2142 : vector<1x16xf32> to vector<16xf32>
        %add3A_2144 = arith.addf %get3A_2134, %get3A_2143 : vector<16xf32>
        %mul3A_2145 = arith.mulf %get3A_2143, %get3A_2143 : vector<16xf32>
        %add3A_2146 = arith.addf %mul3A_2135, %mul3A_2145 : vector<16xf32>
        %mul3A_2147 = arith.constant 26 : i32
        %mul3A_2148 = arith.muli %scan3A_2128, %mul3A_2147 : i32
        %add3A_2149 = arith.constant 2 : i32
        %add3A_2150 = arith.addi %mul3A_2148, %add3A_2149 : i32
        %get3A_2151 = arith.index_cast %add3A_2150 : i32 to index
        %get3A_2152 = arith.constant 0 : index
        %get3A_2153 = tpu.vector_load %arg9[%get3A_2151, %get3A_2152] {strides = array<i32>} : memref<1664x16xf32, #tpu.memory_space<vmem>>, vector<1x16xf32>,
        %get3A_2154 = vector.shape_cast %get3A_2153 : vector<1x16xf32> to vector<16xf32>
        %add3A_2155 = arith.addf %add3A_2144, %get3A_2154 : vector<16xf32>
        %mul3A_2156 = arith.mulf %get3A_2154, %get3A_2154 : vector<16xf32>
        %add3A_2157 = arith.addf %add3A_2146, %mul3A_2156 : vector<16xf32>
        %mul3A_2158 = arith.constant 26 : i32
        %mul3A_2159 = arith.muli %scan3A_2128, %mul3A_2158 : i32
        %add3A_2160 = arith.constant 3 : i32
        %add3A_2161 = arith.addi %mul3A_2159, %add3A_2160 : i32
        %get3A_2162 = arith.index_cast %add3A_2161 : i32 to index
        %get3A_2163 = arith.constant 0 : index
        %get3A_2164 = tpu.vector_load %arg9[%get3A_2162, %get3A_2163] {strides = array<i32>} : memref<1664x16xf32, #tpu.memory_space<vmem>>, vector<1x16xf32>,
        %get3A_2165 = vector.shape_cast %get3A_2164 : vector<1x16xf32> to vector<16xf32>
        %add3A_2166 = arith.addf %add3A_2155, %get3A_2165 : vector<16xf32>
        %mul3A_2167 = arith.mulf %get3A_2165, %get3A_2165 : vector<16xf32>
        %add3A_2168 = arith.addf %add3A_2157, %mul3A_2167 : vector<16xf32>
        %mul3A_2169 = arith.constant 26 : i32
        %mul3A_2170 = arith.muli %scan3A_2128, %mul3A_2169 : i32
        %add3A_2171 = arith.constant 4 : i32
        %add3A_2172 = arith.addi %mul3A_2170, %add3A_2171 : i32
        %get3A_2173 = arith.index_cast %add3A_2172 : i32 to index
        %get3A_2174 = arith.constant 0 : index
        %get3A_2175 = tpu.vector_load %arg9[%get3A_2173, %get3A_2174] {strides = array<i32>} : memref<1664x16xf32, #tpu.memory_space<vmem>>, vector<1x16xf32>,
        %get3A_2176 = vector.shape_cast %get3A_2175 : vector<1x16xf32> to vector<16xf32>
        %add3A_2177 = arith.addf %add3A_2166, %get3A_2176 : vector<16xf32>
        %mul3A_2178 = arith.mulf %get3A_2176, %get3A_2176 : vector<16xf32>
        %add3A_2179 = arith.addf %add3A_2168, %mul3A_2178 : vector<16xf32>
        %mul3A_2180 = arith.constant 26 : i32
        %mul3A_2181 = arith.muli %scan3A_2128, %mul3A_2180 : i32
        %add3A_2182 = arith.constant 5 : i32
        %add3A_2183 = arith.addi %mul3A_2181, %add3A_2182 : i32
        %get3A_2184 = arith.index_cast %add3A_2183 : i32 to index
        %get3A_2185 = arith.constant 0 : index
        %get3A_2186 = tpu.vector_load %arg9[%get3A_2184, %get3A_2185] {strides = array<i32>} : memref<1664x16xf32, #tpu.memory_space<vmem>>, vector<1x16xf32>,
        %get3A_2187 = vector.shape_cast %get3A_2186 : vector<1x16xf32> to vector<16xf32>
        %add3A_2188 = arith.addf %add3A_2177, %get3A_2187 : vector<16xf32>
        %mul3A_2189 = arith.mulf %get3A_2187, %get3A_2187 : vector<16xf32>
        %add3A_2190 = arith.addf %add3A_2179, %mul3A_2189 : vector<16xf32>
        %mul3A_2191 = arith.constant 26 : i32
        %mul3A_2192 = arith.muli %scan3A_2128, %mul3A_2191 : i32
        %add3A_2193 = arith.constant 6 : i32
        %add3A_2194 = arith.addi %mul3A_2192, %add3A_2193 : i32
        %get3A_2195 = arith.index_cast %add3A_2194 : i32 to index
        %get3A_2196 = arith.constant 0 : index
        %get3A_2197 = tpu.vector_load %arg9[%get3A_2195, %get3A_2196] {strides = array<i32>} : memref<1664x16xf32, #tpu.memory_space<vmem>>, vector<1x16xf32>,
        %get3A_2198 = vector.shape_cast %get3A_2197 : vector<1x16xf32> to vector<16xf32>
        %add3A_2199 = arith.addf %add3A_2188, %get3A_2198 : vector<16xf32>
        %mul3A_2200 = arith.mulf %get3A_2198, %get3A_2198 : vector<16xf32>
        %add3A_2201 = arith.addf %add3A_2190, %mul3A_2200 : vector<16xf32>
        %mul3A_2202 = arith.constant 26 : i32
        %mul3A_2203 = arith.muli %scan3A_2128, %mul3A_2202 : i32
        %add3A_2204 = arith.constant 7 : i32
        %add3A_2205 = arith.addi %mul3A_2203, %add3A_2204 : i32
        %get3A_2206 = arith.index_cast %add3A_2205 : i32 to index
        %get3A_2207 = arith.constant 0 : index
        %get3A_2208 = tpu.vector_load %arg9[%get3A_2206, %get3A_2207] {strides = array<i32>} : memref<1664x16xf32, #tpu.memory_space<vmem>>, vector<1x16xf32>,
        %get3A_2209 = vector.shape_cast %get3A_2208 : vector<1x16xf32> to vector<16xf32>
        %add3A_2210 = arith.addf %add3A_2199, %get3A_2209 : vector<16xf32>
        %mul3A_2211 = arith.mulf %get3A_2209, %get3A_2209 : vector<16xf32>
        %add3A_2212 = arith.addf %add3A_2201, %mul3A_2211 : vector<16xf32>
        %mul3A_2213 = arith.constant 26 : i32
        %mul3A_2214 = arith.muli %scan3A_2128, %mul3A_2213 : i32
        %add3A_2215 = arith.constant 8 : i32
        %add3A_2216 = arith.addi %mul3A_2214, %add3A_2215 : i32
        %get3A_2217 = arith.index_cast %add3A_2216 : i32 to index
        %get3A_2218 = arith.constant 0 : index
        %get3A_2219 = tpu.vector_load %arg9[%get3A_2217, %get3A_2218] {strides = array<i32>} : memref<1664x16xf32, #tpu.memory_space<vmem>>, vector<1x16xf32>,
        %get3A_2220 = vector.shape_cast %get3A_2219 : vector<1x16xf32> to vector<16xf32>
        %add3A_2221 = arith.addf %add3A_2210, %get3A_2220 : vector<16xf32>
        %mul3A_2222 = arith.mulf %get3A_2220, %get3A_2220 : vector<16xf32>
        %add3A_2223 = arith.addf %add3A_2212, %mul3A_2222 : vector<16xf32>
        %mul3A_2224 = arith.constant 26 : i32
        %mul3A_2225 = arith.muli %scan3A_2128, %mul3A_2224 : i32
        %add3A_2226 = arith.constant 9 : i32
        %add3A_2227 = arith.addi %mul3A_2225, %add3A_2226 : i32
        %get3A_2228 = arith.index_cast %add3A_2227 : i32 to index
        %get3A_2229 = arith.constant 0 : index
        %get3A_2230 = tpu.vector_load %arg9[%get3A_2228, %get3A_2229] {strides = array<i32>} : memref<1664x16xf32, #tpu.memory_space<vmem>>, vector<1x16xf32>,
        %get3A_2231 = vector.shape_cast %get3A_2230 : vector<1x16xf32> to vector<16xf32>
        %add3A_2232 = arith.addf %add3A_2221, %get3A_2231 : vector<16xf32>
        %mul3A_2233 = arith.mulf %get3A_2231, %get3A_2231 : vector<16xf32>
        %add3A_2234 = arith.addf %add3A_2223, %mul3A_2233 : vector<16xf32>
        %mul3A_2235 = arith.constant 26 : i32
        %mul3A_2236 = arith.muli %scan3A_2128, %mul3A_2235 : i32
        %add3A_2237 = arith.constant 10 : i32
        %add3A_2238 = arith.addi %mul3A_2236, %add3A_2237 : i32
        %get3A_2239 = arith.index_cast %add3A_2238 : i32 to index
        %get3A_2240 = arith.constant 0 : index
        %get3A_2241 = tpu.vector_load %arg9[%get3A_2239, %get3A_2240] {strides = array<i32>} : memref<1664x16xf32, #tpu.memory_space<vmem>>, vector<1x16xf32>,
        %get3A_2242 = vector.shape_cast %get3A_2241 : vector<1x16xf32> to vector<16xf32>
        %add3A_2243 = arith.addf %add3A_2232, %get3A_2242 : vector<16xf32>
        %mul3A_2244 = arith.mulf %get3A_2242, %get3A_2242 : vector<16xf32>
        %add3A_2245 = arith.addf %add3A_2234, %mul3A_2244 : vector<16xf32>
        %mul3A_2246 = arith.constant 26 : i32
        %mul3A_2247 = arith.muli %scan3A_2128, %mul3A_2246 : i32
        %add3A_2248 = arith.constant 11 : i32
        %add3A_2249 = arith.addi %mul3A_2247, %add3A_2248 : i32
        %get3A_2250 = arith.index_cast %add3A_2249 : i32 to index
        %get3A_2251 = arith.constant 0 : index
        %get3A_2252 = tpu.vector_load %arg9[%get3A_2250, %get3A_2251] {strides = array<i32>} : memref<1664x16xf32, #tpu.memory_space<vmem>>, vector<1x16xf32>,
        %get3A_2253 = vector.shape_cast %get3A_2252 : vector<1x16xf32> to vector<16xf32>
        %add3A_2254 = arith.addf %add3A_2243, %get3A_2253 : vector<16xf32>
        %mul3A_2255 = arith.mulf %get3A_2253, %get3A_2253 : vector<16xf32>
        %add3A_2256 = arith.addf %add3A_2245, %mul3A_2255 : vector<16xf32>
        %mul3A_2257 = arith.constant 26 : i32
        %mul3A_2258 = arith.muli %scan3A_2128, %mul3A_2257 : i32
        %add3A_2259 = arith.constant 12 : i32
        %add3A_2260 = arith.addi %mul3A_2258, %add3A_2259 : i32
        %get3A_2261 = arith.index_cast %add3A_2260 : i32 to index
        %get3A_2262 = arith.constant 0 : index
        %get3A_2263 = tpu.vector_load %arg9[%get3A_2261, %get3A_2262] {strides = array<i32>} : memref<1664x16xf32, #tpu.memory_space<vmem>>, vector<1x16xf32>,
        %get3A_2264 = vector.shape_cast %get3A_2263 : vector<1x16xf32> to vector<16xf32>
        %add3A_2265 = arith.addf %add3A_2254, %get3A_2264 : vector<16xf32>
        %mul3A_2266 = arith.mulf %get3A_2264, %get3A_2264 : vector<16xf32>
        %add3A_2267 = arith.addf %add3A_2256, %mul3A_2266 : vector<16xf32>
        %mul3A_2268 = arith.constant 26 : i32
        %mul3A_2269 = arith.muli %scan3A_2128, %mul3A_2268 : i32
        %add3A_2270 = arith.constant 13 : i32
        %add3A_2271 = arith.addi %mul3A_2269, %add3A_2270 : i32
        %get3A_2272 = arith.index_cast %add3A_2271 : i32 to index
        %get3A_2273 = arith.constant 0 : index
        %get3A_2274 = tpu.vector_load %arg9[%get3A_2272, %get3A_2273] {strides = array<i32>} : memref<1664x16xf32, #tpu.memory_space<vmem>>, vector<1x16xf32>,
        %get3A_2275 = vector.shape_cast %get3A_2274 : vector<1x16xf32> to vector<16xf32>
        %add3A_2276 = arith.addf %add3A_2265, %get3A_2275 : vector<16xf32>
        %mul3A_2277 = arith.mulf %get3A_2275, %get3A_2275 : vector<16xf32>
        %add3A_2278 = arith.addf %add3A_2267, %mul3A_2277 : vector<16xf32>
        %mul3A_2279 = arith.constant 26 : i32
        %mul3A_2280 = arith.muli %scan3A_2128, %mul3A_2279 : i32
        %add3A_2281 = arith.constant 14 : i32
        %add3A_2282 = arith.addi %mul3A_2280, %add3A_2281 : i32
        %get3A_2283 = arith.index_cast %add3A_2282 : i32 to index
        %get3A_2284 = arith.constant 0 : index
        %get3A_2285 = tpu.vector_load %arg9[%get3A_2283, %get3A_2284] {strides = array<i32>} : memref<1664x16xf32, #tpu.memory_space<vmem>>, vector<1x16xf32>,
        %get3A_2286 = vector.shape_cast %get3A_2285 : vector<1x16xf32> to vector<16xf32>
        %add3A_2287 = arith.addf %add3A_2276, %get3A_2286 : vector<16xf32>
        %mul3A_2288 = arith.mulf %get3A_2286, %get3A_2286 : vector<16xf32>
        %add3A_2289 = arith.addf %add3A_2278, %mul3A_2288 : vector<16xf32>
        %mul3A_2290 = arith.constant 26 : i32
        %mul3A_2291 = arith.muli %scan3A_2128, %mul3A_2290 : i32
        %add3A_2292 = arith.constant 15 : i32
        %add3A_2293 = arith.addi %mul3A_2291, %add3A_2292 : i32
        %get3A_2294 = arith.index_cast %add3A_2293 : i32 to index
        %get3A_2295 = arith.constant 0 : index
        %get3A_2296 = tpu.vector_load %arg9[%get3A_2294, %get3A_2295] {strides = array<i32>} : memref<1664x16xf32, #tpu.memory_space<vmem>>, vector<1x16xf32>,
        %get3A_2297 = vector.shape_cast %get3A_2296 : vector<1x16xf32> to vector<16xf32>
        %add3A_2298 = arith.addf %add3A_2287, %get3A_2297 : vector<16xf32>
        %mul3A_2299 = arith.mulf %get3A_2297, %get3A_2297 : vector<16xf32>
        %add3A_2300 = arith.addf %add3A_2289, %mul3A_2299 : vector<16xf32>
        %mul3A_2301 = arith.constant 26 : i32
        %mul3A_2302 = arith.muli %scan3A_2128, %mul3A_2301 : i32
        %add3A_2303 = arith.constant 16 : i32
        %add3A_2304 = arith.addi %mul3A_2302, %add3A_2303 : i32
        %get3A_2305 = arith.index_cast %add3A_2304 : i32 to index
        %get3A_2306 = arith.constant 0 : index
        %get3A_2307 = tpu.vector_load %arg9[%get3A_2305, %get3A_2306] {strides = array<i32>} : memref<1664x16xf32, #tpu.memory_space<vmem>>, vector<1x16xf32>,
        %get3A_2308 = vector.shape_cast %get3A_2307 : vector<1x16xf32> to vector<16xf32>
        %add3A_2309 = arith.addf %add3A_2298, %get3A_2308 : vector<16xf32>
        %mul3A_2310 = arith.mulf %get3A_2308, %get3A_2308 : vector<16xf32>
        %add3A_2311 = arith.addf %add3A_2300, %mul3A_2310 : vector<16xf32>
        %mul3A_2312 = arith.constant 26 : i32
        %mul3A_2313 = arith.muli %scan3A_2128, %mul3A_2312 : i32
        %add3A_2314 = arith.constant 17 : i32
        %add3A_2315 = arith.addi %mul3A_2313, %add3A_2314 : i32
        %get3A_2316 = arith.index_cast %add3A_2315 : i32 to index
        %get3A_2317 = arith.constant 0 : index
        %get3A_2318 = tpu.vector_load %arg9[%get3A_2316, %get3A_2317] {strides = array<i32>} : memref<1664x16xf32, #tpu.memory_space<vmem>>, vector<1x16xf32>,
        %get3A_2319 = vector.shape_cast %get3A_2318 : vector<1x16xf32> to vector<16xf32>
        %add3A_2320 = arith.addf %add3A_2309, %get3A_2319 : vector<16xf32>
        %mul3A_2321 = arith.mulf %get3A_2319, %get3A_2319 : vector<16xf32>
        %add3A_2322 = arith.addf %add3A_2311, %mul3A_2321 : vector<16xf32>
        %mul3A_2323 = arith.constant 26 : i32
        %mul3A_2324 = arith.muli %scan3A_2128, %mul3A_2323 : i32
        %add3A_2325 = arith.constant 18 : i32
        %add3A_2326 = arith.addi %mul3A_2324, %add3A_2325 : i32
        %get3A_2327 = arith.index_cast %add3A_2326 : i32 to index
        %get3A_2328 = arith.constant 0 : index
        %get3A_2329 = tpu.vector_load %arg9[%get3A_2327, %get3A_2328] {strides = array<i32>} : memref<1664x16xf32, #tpu.memory_space<vmem>>, vector<1x16xf32>,
        %get3A_2330 = vector.shape_cast %get3A_2329 : vector<1x16xf32> to vector<16xf32>
        %add3A_2331 = arith.addf %add3A_2320, %get3A_2330 : vector<16xf32>
        %mul3A_2332 = arith.mulf %get3A_2330, %get3A_2330 : vector<16xf32>
        %add3A_2333 = arith.addf %add3A_2322, %mul3A_2332 : vector<16xf32>
        %mul3A_2334 = arith.constant 26 : i32
        %mul3A_2335 = arith.muli %scan3A_2128, %mul3A_2334 : i32
        %add3A_2336 = arith.constant 19 : i32
        %add3A_2337 = arith.addi %mul3A_2335, %add3A_2336 : i32
        %get3A_2338 = arith.index_cast %add3A_2337 : i32 to index
        %get3A_2339 = arith.constant 0 : index
        %get3A_2340 = tpu.vector_load %arg9[%get3A_2338, %get3A_2339] {strides = array<i32>} : memref<1664x16xf32, #tpu.memory_space<vmem>>, vector<1x16xf32>,
        %get3A_2341 = vector.shape_cast %get3A_2340 : vector<1x16xf32> to vector<16xf32>
        %add3A_2342 = arith.addf %add3A_2331, %get3A_2341 : vector<16xf32>
        %mul3A_2343 = arith.mulf %get3A_2341, %get3A_2341 : vector<16xf32>
        %add3A_2344 = arith.addf %add3A_2333, %mul3A_2343 : vector<16xf32>
        %mul3A_2345 = arith.constant 26 : i32
        %mul3A_2346 = arith.muli %scan3A_2128, %mul3A_2345 : i32
        %add3A_2347 = arith.constant 20 : i32
        %add3A_2348 = arith.addi %mul3A_2346, %add3A_2347 : i32
        %get3A_2349 = arith.index_cast %add3A_2348 : i32 to index
        %get3A_2350 = arith.constant 0 : index
        %get3A_2351 = tpu.vector_load %arg9[%get3A_2349, %get3A_2350] {strides = array<i32>} : memref<1664x16xf32, #tpu.memory_space<vmem>>, vector<1x16xf32>,
        %get3A_2352 = vector.shape_cast %get3A_2351 : vector<1x16xf32> to vector<16xf32>
        %add3A_2353 = arith.addf %add3A_2342, %get3A_2352 : vector<16xf32>
        %mul3A_2354 = arith.mulf %get3A_2352, %get3A_2352 : vector<16xf32>
        %add3A_2355 = arith.addf %add3A_2344, %mul3A_2354 : vector<16xf32>
        %mul3A_2356 = arith.constant 26 : i32
        %mul3A_2357 = arith.muli %scan3A_2128, %mul3A_2356 : i32
        %add3A_2358 = arith.constant 21 : i32
        %add3A_2359 = arith.addi %mul3A_2357, %add3A_2358 : i32
        %get3A_2360 = arith.index_cast %add3A_2359 : i32 to index
        %get3A_2361 = arith.constant 0 : index
        %get3A_2362 = tpu.vector_load %arg9[%get3A_2360, %get3A_2361] {strides = array<i32>} : memref<1664x16xf32, #tpu.memory_space<vmem>>, vector<1x16xf32>,
        %get3A_2363 = vector.shape_cast %get3A_2362 : vector<1x16xf32> to vector<16xf32>
        %add3A_2364 = arith.addf %add3A_2353, %get3A_2363 : vector<16xf32>
        %mul3A_2365 = arith.mulf %get3A_2363, %get3A_2363 : vector<16xf32>
        %add3A_2366 = arith.addf %add3A_2355, %mul3A_2365 : vector<16xf32>
        %mul3A_2367 = arith.constant 26 : i32
        %mul3A_2368 = arith.muli %scan3A_2128, %mul3A_2367 : i32
        %add3A_2369 = arith.constant 22 : i32
        %add3A_2370 = arith.addi %mul3A_2368, %add3A_2369 : i32
        %get3A_2371 = arith.index_cast %add3A_2370 : i32 to index
        %get3A_2372 = arith.constant 0 : index
        %get3A_2373 = tpu.vector_load %arg9[%get3A_2371, %get3A_2372] {strides = array<i32>} : memref<1664x16xf32, #tpu.memory_space<vmem>>, vector<1x16xf32>,
        %get3A_2374 = vector.shape_cast %get3A_2373 : vector<1x16xf32> to vector<16xf32>
        %add3A_2375 = arith.addf %add3A_2364, %get3A_2374 : vector<16xf32>
        %mul3A_2376 = arith.mulf %get3A_2374, %get3A_2374 : vector<16xf32>
        %add3A_2377 = arith.addf %add3A_2366, %mul3A_2376 : vector<16xf32>
        %mul3A_2378 = arith.constant 26 : i32
        %mul3A_2379 = arith.muli %scan3A_2128, %mul3A_2378 : i32
        %add3A_2380 = arith.constant 23 : i32
        %add3A_2381 = arith.addi %mul3A_2379, %add3A_2380 : i32
        %get3A_2382 = arith.index_cast %add3A_2381 : i32 to index
        %get3A_2383 = arith.constant 0 : index
        %get3A_2384 = tpu.vector_load %arg9[%get3A_2382, %get3A_2383] {strides = array<i32>} : memref<1664x16xf32, #tpu.memory_space<vmem>>, vector<1x16xf32>,
        %get3A_2385 = vector.shape_cast %get3A_2384 : vector<1x16xf32> to vector<16xf32>
        %add3A_2386 = arith.addf %add3A_2375, %get3A_2385 : vector<16xf32>
        %mul3A_2387 = arith.mulf %get3A_2385, %get3A_2385 : vector<16xf32>
        %add3A_2388 = arith.addf %add3A_2377, %mul3A_2387 : vector<16xf32>
        %mul3A_2389 = arith.constant 26 : i32
        %mul3A_2390 = arith.muli %scan3A_2128, %mul3A_2389 : i32
        %add3A_2391 = arith.constant 24 : i32
        %add3A_2392 = arith.addi %mul3A_2390, %add3A_2391 : i32
        %get3A_2393 = arith.index_cast %add3A_2392 : i32 to index
        %get3A_2394 = arith.constant 0 : index
        %get3A_2395 = tpu.vector_load %arg9[%get3A_2393, %get3A_2394] {strides = array<i32>} : memref<1664x16xf32, #tpu.memory_space<vmem>>, vector<1x16xf32>,
        %get3A_2396 = vector.shape_cast %get3A_2395 : vector<1x16xf32> to vector<16xf32>
        %add3A_2397 = arith.addf %add3A_2386, %get3A_2396 : vector<16xf32>
        %mul3A_2398 = arith.mulf %get3A_2396, %get3A_2396 : vector<16xf32>
        %add3A_2399 = arith.addf %add3A_2388, %mul3A_2398 : vector<16xf32>
        %mul3A_2400 = arith.constant 26 : i32
        %mul3A_2401 = arith.muli %scan3A_2128, %mul3A_2400 : i32
        %add3A_2402 = arith.constant 25 : i32
        %add3A_2403 = arith.addi %mul3A_2401, %add3A_2402 : i32
        %get3A_2404 = arith.index_cast %add3A_2403 : i32 to index
        %get3A_2405 = arith.constant 0 : index
        %get3A_2406 = tpu.vector_load %arg9[%get3A_2404, %get3A_2405] {strides = array<i32>} : memref<1664x16xf32, #tpu.memory_space<vmem>>, vector<1x16xf32>,
        %get3A_2407 = vector.shape_cast %get3A_2406 : vector<1x16xf32> to vector<16xf32>
        %add3A_2408 = arith.addf %add3A_2397, %get3A_2407 : vector<16xf32>
        %mul3A_2409 = arith.mulf %get3A_2407, %get3A_2407 : vector<16xf32>
        %add3A_2410 = arith.addf %add3A_2399, %mul3A_2409 : vector<16xf32>
        %mul3A_2411 = arith.mulf %add3A_2408, %add3A_2408 : vector<16xf32>
        %sub3A = arith.subf %mul3A_2411, %add3A_2410 : vector<16xf32>
        %mul3A_2412 = arith.constant 5.000000e-01 : f32
        %mul3A_2413 = vector.broadcast %mul3A_2412 : f32 to vector<16xf32>
        %mul3A_2414 = arith.mulf %mul3A_2413, %sub3A : vector<16xf32>
        %swap3A_2415 = arith.index_cast %scan3A_2128 : i32 to index
        %swap3A_2416 = arith.constant 0 : index
        %swap3A_2417 = tpu.vector_load %arg11[%swap3A_2415, %swap3A_2416] {strides = array<i32>} : memref<64x16xf32, #tpu.memory_space<vmem>>, vector<1x16xf32>,
        %swap3A_2418 = vector.shape_cast %swap3A_2417 : vector<1x16xf32> to vector<16xf32>
        %swap3A_2419 = vector.shape_cast %mul3A_2414 : vector<16xf32> to vector<1x16xf32>
        tpu.vector_store %arg11[%swap3A_2415, %swap3A_2416], %swap3A_2419 {strides = array<i32>} : memref<64x16xf32, #tpu.memory_space<vmem>>, vector<1x16xf32>,
      }
      %scan3A_1373 = arith.constant 64 : i32
      %add3A_1374 = arith.constant 2 : i32
      %add3A_1375 = arith.addi %add3A_1198, %add3A_1374 : i32
      %lt3A_1376 = arith.constant 8 : i32
      %lt3A_1377 = arith.cmpi slt, %add3A_1375, %lt3A_1376 : i32
      %convert_element_type3A_1378 = arith.extui %lt3A_1377 : i1 to i32
      %cond3A_1379 = arith.constant 0 : i32
      %cond3A_1380 = arith.cmpi ne, %convert_element_type3A_1378, %cond3A_1379 : i32
      scf.if %cond3A_1380 {
        %add3A_2128 = arith.constant 2 : i32
        %add3A_2129 = arith.addi %add3A_1198, %add3A_2128 : i32
        %mul3A_2130 = arith.constant 13 : i32
        %mul3A_2131 = arith.muli %add3A_2129, %mul3A_2130 : i32
        %add3A_2132 = arith.constant 0 : i32
        %add3A_2133 = arith.addi %mul3A_2131, %add3A_2132 : i32
        %dma_start3A_2134 = arith.constant 0 : i32
        %dma_start3A_2135 = arith.constant 0 : i32
        %dma_start3A_2136 = tpu.memref_slice %arg9[%dma_start3A_2134, %dma_start3A_2135] : memref<1664x16xf32, #tpu.memory_space<vmem>> -> memref<128x16xf32, #tpu.memory_space<vmem>>
        %dma_start3A_2137 = arith.constant 0 : i32
        %dma_start3A_2138 = tpu.memref_slice %arg7[%add3A_2133, %dma_start3A_2137] : memref<104x128xi32, #tpu.memory_space<vmem>> -> memref<1x128xi32, #tpu.memory_space<vmem>>
        %dma_start3A_2139 = tpu.memref_squeeze %dma_start3A_2138 : memref<1x128xi32, #tpu.memory_space<vmem>> -> memref<128xi32, #tpu.memory_space<vmem>>
        %dma_start3A_2140 = arith.constant 0 : i32
        %dma_start3A_2141 = arith.constant 0 : i32
        %dma_start3A_2142 = tpu.memref_slice %arg4[%dma_start3A_2140, %dma_start3A_2141] : memref<2600000x16xf32, #tpu.memory_space<hbm>> -> memref<2600000x16xf32, #tpu.memory_space<hbm>>
        tpu.enqueue_indirect_dma source(%dma_start3A_2142 : memref<2600000x16xf32, #tpu.memory_space<hbm>>) target(%dma_start3A_2136 : memref<128x16xf32, #tpu.memory_space<vmem>>) offsets(%dma_start3A_2139 : memref<128xi32, #tpu.memory_space<vmem>>) semaphore(%arg14 : memref<!tpu.dma_semaphore, #tpu.memory_space<semaphore_mem>>)
        %mul3A_2143 = arith.constant 13 : i32
        %mul3A_2144 = arith.muli %add3A_2129, %mul3A_2143 : i32
        %add3A_2145 = arith.constant 1 : i32
        %add3A_2146 = arith.addi %mul3A_2144, %add3A_2145 : i32
        %dma_start3A_2147 = arith.constant 128 : i32
        %dma_start3A_2148 = arith.constant 0 : i32
        %dma_start3A_2149 = tpu.memref_slice %arg9[%dma_start3A_2147, %dma_start3A_2148] : memref<1664x16xf32, #tpu.memory_space<vmem>> -> memref<128x16xf32, #tpu.memory_space<vmem>>
        %dma_start3A_2150 = arith.constant 0 : i32
        %dma_start3A_2151 = tpu.memref_slice %arg7[%add3A_2146, %dma_start3A_2150] : memref<104x128xi32, #tpu.memory_space<vmem>> -> memref<1x128xi32, #tpu.memory_space<vmem>>
        %dma_start3A_2152 = tpu.memref_squeeze %dma_start3A_2151 : memref<1x128xi32, #tpu.memory_space<vmem>> -> memref<128xi32, #tpu.memory_space<vmem>>
        %dma_start3A_2153 = arith.constant 0 : i32
        %dma_start3A_2154 = arith.constant 0 : i32
        %dma_start3A_2155 = tpu.memref_slice %arg4[%dma_start3A_2153, %dma_start3A_2154] : memref<2600000x16xf32, #tpu.memory_space<hbm>> -> memref<2600000x16xf32, #tpu.memory_space<hbm>>
        tpu.enqueue_indirect_dma source(%dma_start3A_2155 : memref<2600000x16xf32, #tpu.memory_space<hbm>>) target(%dma_start3A_2149 : memref<128x16xf32, #tpu.memory_space<vmem>>) offsets(%dma_start3A_2152 : memref<128xi32, #tpu.memory_space<vmem>>) semaphore(%arg14 : memref<!tpu.dma_semaphore, #tpu.memory_space<semaphore_mem>>)
        %mul3A_2156 = arith.constant 13 : i32
        %mul3A_2157 = arith.muli %add3A_2129, %mul3A_2156 : i32
        %add3A_2158 = arith.constant 2 : i32
        %add3A_2159 = arith.addi %mul3A_2157, %add3A_2158 : i32
        %dma_start3A_2160 = arith.constant 256 : i32
        %dma_start3A_2161 = arith.constant 0 : i32
        %dma_start3A_2162 = tpu.memref_slice %arg9[%dma_start3A_2160, %dma_start3A_2161] : memref<1664x16xf32, #tpu.memory_space<vmem>> -> memref<128x16xf32, #tpu.memory_space<vmem>>
        %dma_start3A_2163 = arith.constant 0 : i32
        %dma_start3A_2164 = tpu.memref_slice %arg7[%add3A_2159, %dma_start3A_2163] : memref<104x128xi32, #tpu.memory_space<vmem>> -> memref<1x128xi32, #tpu.memory_space<vmem>>
        %dma_start3A_2165 = tpu.memref_squeeze %dma_start3A_2164 : memref<1x128xi32, #tpu.memory_space<vmem>> -> memref<128xi32, #tpu.memory_space<vmem>>
        %dma_start3A_2166 = arith.constant 0 : i32
        %dma_start3A_2167 = arith.constant 0 : i32
        %dma_start3A_2168 = tpu.memref_slice %arg4[%dma_start3A_2166, %dma_start3A_2167] : memref<2600000x16xf32, #tpu.memory_space<hbm>> -> memref<2600000x16xf32, #tpu.memory_space<hbm>>
        tpu.enqueue_indirect_dma source(%dma_start3A_2168 : memref<2600000x16xf32, #tpu.memory_space<hbm>>) target(%dma_start3A_2162 : memref<128x16xf32, #tpu.memory_space<vmem>>) offsets(%dma_start3A_2165 : memref<128xi32, #tpu.memory_space<vmem>>) semaphore(%arg14 : memref<!tpu.dma_semaphore, #tpu.memory_space<semaphore_mem>>)
        %mul3A_2169 = arith.constant 13 : i32
        %mul3A_2170 = arith.muli %add3A_2129, %mul3A_2169 : i32
        %add3A_2171 = arith.constant 3 : i32
        %add3A_2172 = arith.addi %mul3A_2170, %add3A_2171 : i32
        %dma_start3A_2173 = arith.constant 384 : i32
        %dma_start3A_2174 = arith.constant 0 : i32
        %dma_start3A_2175 = tpu.memref_slice %arg9[%dma_start3A_2173, %dma_start3A_2174] : memref<1664x16xf32, #tpu.memory_space<vmem>> -> memref<128x16xf32, #tpu.memory_space<vmem>>
        %dma_start3A_2176 = arith.constant 0 : i32
        %dma_start3A_2177 = tpu.memref_slice %arg7[%add3A_2172, %dma_start3A_2176] : memref<104x128xi32, #tpu.memory_space<vmem>> -> memref<1x128xi32, #tpu.memory_space<vmem>>
        %dma_start3A_2178 = tpu.memref_squeeze %dma_start3A_2177 : memref<1x128xi32, #tpu.memory_space<vmem>> -> memref<128xi32, #tpu.memory_space<vmem>>
        %dma_start3A_2179 = arith.constant 0 : i32
        %dma_start3A_2180 = arith.constant 0 : i32
        %dma_start3A_2181 = tpu.memref_slice %arg4[%dma_start3A_2179, %dma_start3A_2180] : memref<2600000x16xf32, #tpu.memory_space<hbm>> -> memref<2600000x16xf32, #tpu.memory_space<hbm>>
        tpu.enqueue_indirect_dma source(%dma_start3A_2181 : memref<2600000x16xf32, #tpu.memory_space<hbm>>) target(%dma_start3A_2175 : memref<128x16xf32, #tpu.memory_space<vmem>>) offsets(%dma_start3A_2178 : memref<128xi32, #tpu.memory_space<vmem>>) semaphore(%arg14 : memref<!tpu.dma_semaphore, #tpu.memory_space<semaphore_mem>>)
        %mul3A_2182 = arith.constant 13 : i32
        %mul3A_2183 = arith.muli %add3A_2129, %mul3A_2182 : i32
        %add3A_2184 = arith.constant 4 : i32
        %add3A_2185 = arith.addi %mul3A_2183, %add3A_2184 : i32
        %dma_start3A_2186 = arith.constant 512 : i32
        %dma_start3A_2187 = arith.constant 0 : i32
        %dma_start3A_2188 = tpu.memref_slice %arg9[%dma_start3A_2186, %dma_start3A_2187] : memref<1664x16xf32, #tpu.memory_space<vmem>> -> memref<128x16xf32, #tpu.memory_space<vmem>>
        %dma_start3A_2189 = arith.constant 0 : i32
        %dma_start3A_2190 = tpu.memref_slice %arg7[%add3A_2185, %dma_start3A_2189] : memref<104x128xi32, #tpu.memory_space<vmem>> -> memref<1x128xi32, #tpu.memory_space<vmem>>
        %dma_start3A_2191 = tpu.memref_squeeze %dma_start3A_2190 : memref<1x128xi32, #tpu.memory_space<vmem>> -> memref<128xi32, #tpu.memory_space<vmem>>
        %dma_start3A_2192 = arith.constant 0 : i32
        %dma_start3A_2193 = arith.constant 0 : i32
        %dma_start3A_2194 = tpu.memref_slice %arg4[%dma_start3A_2192, %dma_start3A_2193] : memref<2600000x16xf32, #tpu.memory_space<hbm>> -> memref<2600000x16xf32, #tpu.memory_space<hbm>>
        tpu.enqueue_indirect_dma source(%dma_start3A_2194 : memref<2600000x16xf32, #tpu.memory_space<hbm>>) target(%dma_start3A_2188 : memref<128x16xf32, #tpu.memory_space<vmem>>) offsets(%dma_start3A_2191 : memref<128xi32, #tpu.memory_space<vmem>>) semaphore(%arg14 : memref<!tpu.dma_semaphore, #tpu.memory_space<semaphore_mem>>)
        %mul3A_2195 = arith.constant 13 : i32
        %mul3A_2196 = arith.muli %add3A_2129, %mul3A_2195 : i32
        %add3A_2197 = arith.constant 5 : i32
        %add3A_2198 = arith.addi %mul3A_2196, %add3A_2197 : i32
        %dma_start3A_2199 = arith.constant 640 : i32
        %dma_start3A_2200 = arith.constant 0 : i32
        %dma_start3A_2201 = tpu.memref_slice %arg9[%dma_start3A_2199, %dma_start3A_2200] : memref<1664x16xf32, #tpu.memory_space<vmem>> -> memref<128x16xf32, #tpu.memory_space<vmem>>
        %dma_start3A_2202 = arith.constant 0 : i32
        %dma_start3A_2203 = tpu.memref_slice %arg7[%add3A_2198, %dma_start3A_2202] : memref<104x128xi32, #tpu.memory_space<vmem>> -> memref<1x128xi32, #tpu.memory_space<vmem>>
        %dma_start3A_2204 = tpu.memref_squeeze %dma_start3A_2203 : memref<1x128xi32, #tpu.memory_space<vmem>> -> memref<128xi32, #tpu.memory_space<vmem>>
        %dma_start3A_2205 = arith.constant 0 : i32
        %dma_start3A_2206 = arith.constant 0 : i32
        %dma_start3A_2207 = tpu.memref_slice %arg4[%dma_start3A_2205, %dma_start3A_2206] : memref<2600000x16xf32, #tpu.memory_space<hbm>> -> memref<2600000x16xf32, #tpu.memory_space<hbm>>
        tpu.enqueue_indirect_dma source(%dma_start3A_2207 : memref<2600000x16xf32, #tpu.memory_space<hbm>>) target(%dma_start3A_2201 : memref<128x16xf32, #tpu.memory_space<vmem>>) offsets(%dma_start3A_2204 : memref<128xi32, #tpu.memory_space<vmem>>) semaphore(%arg14 : memref<!tpu.dma_semaphore, #tpu.memory_space<semaphore_mem>>)
        %mul3A_2208 = arith.constant 13 : i32
        %mul3A_2209 = arith.muli %add3A_2129, %mul3A_2208 : i32
        %add3A_2210 = arith.constant 6 : i32
        %add3A_2211 = arith.addi %mul3A_2209, %add3A_2210 : i32
        %dma_start3A_2212 = arith.constant 768 : i32
        %dma_start3A_2213 = arith.constant 0 : i32
        %dma_start3A_2214 = tpu.memref_slice %arg9[%dma_start3A_2212, %dma_start3A_2213] : memref<1664x16xf32, #tpu.memory_space<vmem>> -> memref<128x16xf32, #tpu.memory_space<vmem>>
        %dma_start3A_2215 = arith.constant 0 : i32
        %dma_start3A_2216 = tpu.memref_slice %arg7[%add3A_2211, %dma_start3A_2215] : memref<104x128xi32, #tpu.memory_space<vmem>> -> memref<1x128xi32, #tpu.memory_space<vmem>>
        %dma_start3A_2217 = tpu.memref_squeeze %dma_start3A_2216 : memref<1x128xi32, #tpu.memory_space<vmem>> -> memref<128xi32, #tpu.memory_space<vmem>>
        %dma_start3A_2218 = arith.constant 0 : i32
        %dma_start3A_2219 = arith.constant 0 : i32
        %dma_start3A_2220 = tpu.memref_slice %arg4[%dma_start3A_2218, %dma_start3A_2219] : memref<2600000x16xf32, #tpu.memory_space<hbm>> -> memref<2600000x16xf32, #tpu.memory_space<hbm>>
        tpu.enqueue_indirect_dma source(%dma_start3A_2220 : memref<2600000x16xf32, #tpu.memory_space<hbm>>) target(%dma_start3A_2214 : memref<128x16xf32, #tpu.memory_space<vmem>>) offsets(%dma_start3A_2217 : memref<128xi32, #tpu.memory_space<vmem>>) semaphore(%arg14 : memref<!tpu.dma_semaphore, #tpu.memory_space<semaphore_mem>>)
        %mul3A_2221 = arith.constant 13 : i32
        %mul3A_2222 = arith.muli %add3A_2129, %mul3A_2221 : i32
        %add3A_2223 = arith.constant 7 : i32
        %add3A_2224 = arith.addi %mul3A_2222, %add3A_2223 : i32
        %dma_start3A_2225 = arith.constant 896 : i32
        %dma_start3A_2226 = arith.constant 0 : i32
        %dma_start3A_2227 = tpu.memref_slice %arg9[%dma_start3A_2225, %dma_start3A_2226] : memref<1664x16xf32, #tpu.memory_space<vmem>> -> memref<128x16xf32, #tpu.memory_space<vmem>>
        %dma_start3A_2228 = arith.constant 0 : i32
        %dma_start3A_2229 = tpu.memref_slice %arg7[%add3A_2224, %dma_start3A_2228] : memref<104x128xi32, #tpu.memory_space<vmem>> -> memref<1x128xi32, #tpu.memory_space<vmem>>
        %dma_start3A_2230 = tpu.memref_squeeze %dma_start3A_2229 : memref<1x128xi32, #tpu.memory_space<vmem>> -> memref<128xi32, #tpu.memory_space<vmem>>
        %dma_start3A_2231 = arith.constant 0 : i32
        %dma_start3A_2232 = arith.constant 0 : i32
        %dma_start3A_2233 = tpu.memref_slice %arg4[%dma_start3A_2231, %dma_start3A_2232] : memref<2600000x16xf32, #tpu.memory_space<hbm>> -> memref<2600000x16xf32, #tpu.memory_space<hbm>>
        tpu.enqueue_indirect_dma source(%dma_start3A_2233 : memref<2600000x16xf32, #tpu.memory_space<hbm>>) target(%dma_start3A_2227 : memref<128x16xf32, #tpu.memory_space<vmem>>) offsets(%dma_start3A_2230 : memref<128xi32, #tpu.memory_space<vmem>>) semaphore(%arg14 : memref<!tpu.dma_semaphore, #tpu.memory_space<semaphore_mem>>)
        %mul3A_2234 = arith.constant 13 : i32
        %mul3A_2235 = arith.muli %add3A_2129, %mul3A_2234 : i32
        %add3A_2236 = arith.constant 8 : i32
        %add3A_2237 = arith.addi %mul3A_2235, %add3A_2236 : i32
        %dma_start3A_2238 = arith.constant 1024 : i32
        %dma_start3A_2239 = arith.constant 0 : i32
        %dma_start3A_2240 = tpu.memref_slice %arg9[%dma_start3A_2238, %dma_start3A_2239] : memref<1664x16xf32, #tpu.memory_space<vmem>> -> memref<128x16xf32, #tpu.memory_space<vmem>>
        %dma_start3A_2241 = arith.constant 0 : i32
        %dma_start3A_2242 = tpu.memref_slice %arg7[%add3A_2237, %dma_start3A_2241] : memref<104x128xi32, #tpu.memory_space<vmem>> -> memref<1x128xi32, #tpu.memory_space<vmem>>
        %dma_start3A_2243 = tpu.memref_squeeze %dma_start3A_2242 : memref<1x128xi32, #tpu.memory_space<vmem>> -> memref<128xi32, #tpu.memory_space<vmem>>
        %dma_start3A_2244 = arith.constant 0 : i32
        %dma_start3A_2245 = arith.constant 0 : i32
        %dma_start3A_2246 = tpu.memref_slice %arg4[%dma_start3A_2244, %dma_start3A_2245] : memref<2600000x16xf32, #tpu.memory_space<hbm>> -> memref<2600000x16xf32, #tpu.memory_space<hbm>>
        tpu.enqueue_indirect_dma source(%dma_start3A_2246 : memref<2600000x16xf32, #tpu.memory_space<hbm>>) target(%dma_start3A_2240 : memref<128x16xf32, #tpu.memory_space<vmem>>) offsets(%dma_start3A_2243 : memref<128xi32, #tpu.memory_space<vmem>>) semaphore(%arg14 : memref<!tpu.dma_semaphore, #tpu.memory_space<semaphore_mem>>)
        %mul3A_2247 = arith.constant 13 : i32
        %mul3A_2248 = arith.muli %add3A_2129, %mul3A_2247 : i32
        %add3A_2249 = arith.constant 9 : i32
        %add3A_2250 = arith.addi %mul3A_2248, %add3A_2249 : i32
        %dma_start3A_2251 = arith.constant 1152 : i32
        %dma_start3A_2252 = arith.constant 0 : i32
        %dma_start3A_2253 = tpu.memref_slice %arg9[%dma_start3A_2251, %dma_start3A_2252] : memref<1664x16xf32, #tpu.memory_space<vmem>> -> memref<128x16xf32, #tpu.memory_space<vmem>>
        %dma_start3A_2254 = arith.constant 0 : i32
        %dma_start3A_2255 = tpu.memref_slice %arg7[%add3A_2250, %dma_start3A_2254] : memref<104x128xi32, #tpu.memory_space<vmem>> -> memref<1x128xi32, #tpu.memory_space<vmem>>
        %dma_start3A_2256 = tpu.memref_squeeze %dma_start3A_2255 : memref<1x128xi32, #tpu.memory_space<vmem>> -> memref<128xi32, #tpu.memory_space<vmem>>
        %dma_start3A_2257 = arith.constant 0 : i32
        %dma_start3A_2258 = arith.constant 0 : i32
        %dma_start3A_2259 = tpu.memref_slice %arg4[%dma_start3A_2257, %dma_start3A_2258] : memref<2600000x16xf32, #tpu.memory_space<hbm>> -> memref<2600000x16xf32, #tpu.memory_space<hbm>>
        tpu.enqueue_indirect_dma source(%dma_start3A_2259 : memref<2600000x16xf32, #tpu.memory_space<hbm>>) target(%dma_start3A_2253 : memref<128x16xf32, #tpu.memory_space<vmem>>) offsets(%dma_start3A_2256 : memref<128xi32, #tpu.memory_space<vmem>>) semaphore(%arg14 : memref<!tpu.dma_semaphore, #tpu.memory_space<semaphore_mem>>)
        %mul3A_2260 = arith.constant 13 : i32
        %mul3A_2261 = arith.muli %add3A_2129, %mul3A_2260 : i32
        %add3A_2262 = arith.constant 10 : i32
        %add3A_2263 = arith.addi %mul3A_2261, %add3A_2262 : i32
        %dma_start3A_2264 = arith.constant 1280 : i32
        %dma_start3A_2265 = arith.constant 0 : i32
        %dma_start3A_2266 = tpu.memref_slice %arg9[%dma_start3A_2264, %dma_start3A_2265] : memref<1664x16xf32, #tpu.memory_space<vmem>> -> memref<128x16xf32, #tpu.memory_space<vmem>>
        %dma_start3A_2267 = arith.constant 0 : i32
        %dma_start3A_2268 = tpu.memref_slice %arg7[%add3A_2263, %dma_start3A_2267] : memref<104x128xi32, #tpu.memory_space<vmem>> -> memref<1x128xi32, #tpu.memory_space<vmem>>
        %dma_start3A_2269 = tpu.memref_squeeze %dma_start3A_2268 : memref<1x128xi32, #tpu.memory_space<vmem>> -> memref<128xi32, #tpu.memory_space<vmem>>
        %dma_start3A_2270 = arith.constant 0 : i32
        %dma_start3A_2271 = arith.constant 0 : i32
        %dma_start3A_2272 = tpu.memref_slice %arg4[%dma_start3A_2270, %dma_start3A_2271] : memref<2600000x16xf32, #tpu.memory_space<hbm>> -> memref<2600000x16xf32, #tpu.memory_space<hbm>>
        tpu.enqueue_indirect_dma source(%dma_start3A_2272 : memref<2600000x16xf32, #tpu.memory_space<hbm>>) target(%dma_start3A_2266 : memref<128x16xf32, #tpu.memory_space<vmem>>) offsets(%dma_start3A_2269 : memref<128xi32, #tpu.memory_space<vmem>>) semaphore(%arg14 : memref<!tpu.dma_semaphore, #tpu.memory_space<semaphore_mem>>)
        %mul3A_2273 = arith.constant 13 : i32
        %mul3A_2274 = arith.muli %add3A_2129, %mul3A_2273 : i32
        %add3A_2275 = arith.constant 11 : i32
        %add3A_2276 = arith.addi %mul3A_2274, %add3A_2275 : i32
        %dma_start3A_2277 = arith.constant 1408 : i32
        %dma_start3A_2278 = arith.constant 0 : i32
        %dma_start3A_2279 = tpu.memref_slice %arg9[%dma_start3A_2277, %dma_start3A_2278] : memref<1664x16xf32, #tpu.memory_space<vmem>> -> memref<128x16xf32, #tpu.memory_space<vmem>>
        %dma_start3A_2280 = arith.constant 0 : i32
        %dma_start3A_2281 = tpu.memref_slice %arg7[%add3A_2276, %dma_start3A_2280] : memref<104x128xi32, #tpu.memory_space<vmem>> -> memref<1x128xi32, #tpu.memory_space<vmem>>
        %dma_start3A_2282 = tpu.memref_squeeze %dma_start3A_2281 : memref<1x128xi32, #tpu.memory_space<vmem>> -> memref<128xi32, #tpu.memory_space<vmem>>
        %dma_start3A_2283 = arith.constant 0 : i32
        %dma_start3A_2284 = arith.constant 0 : i32
        %dma_start3A_2285 = tpu.memref_slice %arg4[%dma_start3A_2283, %dma_start3A_2284] : memref<2600000x16xf32, #tpu.memory_space<hbm>> -> memref<2600000x16xf32, #tpu.memory_space<hbm>>
        tpu.enqueue_indirect_dma source(%dma_start3A_2285 : memref<2600000x16xf32, #tpu.memory_space<hbm>>) target(%dma_start3A_2279 : memref<128x16xf32, #tpu.memory_space<vmem>>) offsets(%dma_start3A_2282 : memref<128xi32, #tpu.memory_space<vmem>>) semaphore(%arg14 : memref<!tpu.dma_semaphore, #tpu.memory_space<semaphore_mem>>)
        %mul3A_2286 = arith.constant 13 : i32
        %mul3A_2287 = arith.muli %add3A_2129, %mul3A_2286 : i32
        %add3A_2288 = arith.constant 12 : i32
        %add3A_2289 = arith.addi %mul3A_2287, %add3A_2288 : i32
        %dma_start3A_2290 = arith.constant 1536 : i32
        %dma_start3A_2291 = arith.constant 0 : i32
        %dma_start3A_2292 = tpu.memref_slice %arg9[%dma_start3A_2290, %dma_start3A_2291] : memref<1664x16xf32, #tpu.memory_space<vmem>> -> memref<128x16xf32, #tpu.memory_space<vmem>>
        %dma_start3A_2293 = arith.constant 0 : i32
        %dma_start3A_2294 = tpu.memref_slice %arg7[%add3A_2289, %dma_start3A_2293] : memref<104x128xi32, #tpu.memory_space<vmem>> -> memref<1x128xi32, #tpu.memory_space<vmem>>
        %dma_start3A_2295 = tpu.memref_squeeze %dma_start3A_2294 : memref<1x128xi32, #tpu.memory_space<vmem>> -> memref<128xi32, #tpu.memory_space<vmem>>
        %dma_start3A_2296 = arith.constant 0 : i32
        %dma_start3A_2297 = arith.constant 0 : i32
        %dma_start3A_2298 = tpu.memref_slice %arg4[%dma_start3A_2296, %dma_start3A_2297] : memref<2600000x16xf32, #tpu.memory_space<hbm>> -> memref<2600000x16xf32, #tpu.memory_space<hbm>>
        tpu.enqueue_indirect_dma source(%dma_start3A_2298 : memref<2600000x16xf32, #tpu.memory_space<hbm>>) target(%dma_start3A_2292 : memref<128x16xf32, #tpu.memory_space<vmem>>) offsets(%dma_start3A_2295 : memref<128xi32, #tpu.memory_space<vmem>>) semaphore(%arg14 : memref<!tpu.dma_semaphore, #tpu.memory_space<semaphore_mem>>)
      } else {
      }
      %mul3A_1381 = arith.constant 13 : i32
      %mul3A_1382 = arith.muli %add3A_1198, %mul3A_1381 : i32
      %add3A_1383 = arith.constant 0 : i32
      %add3A_1384 = arith.addi %mul3A_1382, %add3A_1383 : i32
      %get3A_1385 = arith.index_cast %add3A_1384 : i32 to index
      %get3A_1386 = arith.constant 0 : index
      %get3A_1387 = tpu.vector_load %arg10[%get3A_1385, %get3A_1386] {strides = array<i32>} : memref<104x128xf32, #tpu.memory_space<vmem>>, vector<1x16xf32>,
      %get3A_1388 = vector.shape_cast %get3A_1387 : vector<1x16xf32> to vector<16xf32>
      %add3A_1389 = arith.constant 0 : i32
      %add3A_1390 = arith.addi %mul3A_1382, %add3A_1389 : i32
      %get3A_1391 = arith.index_cast %add3A_1390 : i32 to index
      %get3A_1392 = arith.constant 64 : index
      %get3A_1393 = tpu.vector_load %arg10[%get3A_1391, %get3A_1392] {strides = array<i32>} : memref<104x128xf32, #tpu.memory_space<vmem>>, vector<1x16xf32>,
      %get3A_1394 = vector.shape_cast %get3A_1393 : vector<1x16xf32> to vector<16xf32>
      %add3A_1395 = arith.addf %get3A_1388, %get3A_1394 : vector<16xf32>
      %add3A_1396 = arith.constant 1 : i32
      %add3A_1397 = arith.addi %mul3A_1382, %add3A_1396 : i32
      %get3A_1398 = arith.index_cast %add3A_1397 : i32 to index
      %get3A_1399 = arith.constant 0 : index
      %get3A_1400 = tpu.vector_load %arg10[%get3A_1398, %get3A_1399] {strides = array<i32>} : memref<104x128xf32, #tpu.memory_space<vmem>>, vector<1x16xf32>,
      %get3A_1401 = vector.shape_cast %get3A_1400 : vector<1x16xf32> to vector<16xf32>
      %add3A_1402 = arith.addf %add3A_1395, %get3A_1401 : vector<16xf32>
      %add3A_1403 = arith.constant 1 : i32
      %add3A_1404 = arith.addi %mul3A_1382, %add3A_1403 : i32
      %get3A_1405 = arith.index_cast %add3A_1404 : i32 to index
      %get3A_1406 = arith.constant 64 : index
      %get3A_1407 = tpu.vector_load %arg10[%get3A_1405, %get3A_1406] {strides = array<i32>} : memref<104x128xf32, #tpu.memory_space<vmem>>, vector<1x16xf32>,
      %get3A_1408 = vector.shape_cast %get3A_1407 : vector<1x16xf32> to vector<16xf32>
      %add3A_1409 = arith.addf %add3A_1402, %get3A_1408 : vector<16xf32>
      %add3A_1410 = arith.constant 2 : i32
      %add3A_1411 = arith.addi %mul3A_1382, %add3A_1410 : i32
      %get3A_1412 = arith.index_cast %add3A_1411 : i32 to index
      %get3A_1413 = arith.constant 0 : index
      %get3A_1414 = tpu.vector_load %arg10[%get3A_1412, %get3A_1413] {strides = array<i32>} : memref<104x128xf32, #tpu.memory_space<vmem>>, vector<1x16xf32>,
      %get3A_1415 = vector.shape_cast %get3A_1414 : vector<1x16xf32> to vector<16xf32>
      %add3A_1416 = arith.addf %add3A_1409, %get3A_1415 : vector<16xf32>
      %add3A_1417 = arith.constant 2 : i32
      %add3A_1418 = arith.addi %mul3A_1382, %add3A_1417 : i32
      %get3A_1419 = arith.index_cast %add3A_1418 : i32 to index
      %get3A_1420 = arith.constant 64 : index
      %get3A_1421 = tpu.vector_load %arg10[%get3A_1419, %get3A_1420] {strides = array<i32>} : memref<104x128xf32, #tpu.memory_space<vmem>>, vector<1x16xf32>,
      %get3A_1422 = vector.shape_cast %get3A_1421 : vector<1x16xf32> to vector<16xf32>
      %add3A_1423 = arith.addf %add3A_1416, %get3A_1422 : vector<16xf32>
      %add3A_1424 = arith.constant 3 : i32
      %add3A_1425 = arith.addi %mul3A_1382, %add3A_1424 : i32
      %get3A_1426 = arith.index_cast %add3A_1425 : i32 to index
      %get3A_1427 = arith.constant 0 : index
      %get3A_1428 = tpu.vector_load %arg10[%get3A_1426, %get3A_1427] {strides = array<i32>} : memref<104x128xf32, #tpu.memory_space<vmem>>, vector<1x16xf32>,
      %get3A_1429 = vector.shape_cast %get3A_1428 : vector<1x16xf32> to vector<16xf32>
      %add3A_1430 = arith.addf %add3A_1423, %get3A_1429 : vector<16xf32>
      %add3A_1431 = arith.constant 3 : i32
      %add3A_1432 = arith.addi %mul3A_1382, %add3A_1431 : i32
      %get3A_1433 = arith.index_cast %add3A_1432 : i32 to index
      %get3A_1434 = arith.constant 64 : index
      %get3A_1435 = tpu.vector_load %arg10[%get3A_1433, %get3A_1434] {strides = array<i32>} : memref<104x128xf32, #tpu.memory_space<vmem>>, vector<1x16xf32>,
      %get3A_1436 = vector.shape_cast %get3A_1435 : vector<1x16xf32> to vector<16xf32>
      %add3A_1437 = arith.addf %add3A_1430, %get3A_1436 : vector<16xf32>
      %add3A_1438 = arith.constant 4 : i32
      %add3A_1439 = arith.addi %mul3A_1382, %add3A_1438 : i32
      %get3A_1440 = arith.index_cast %add3A_1439 : i32 to index
      %get3A_1441 = arith.constant 0 : index
      %get3A_1442 = tpu.vector_load %arg10[%get3A_1440, %get3A_1441] {strides = array<i32>} : memref<104x128xf32, #tpu.memory_space<vmem>>, vector<1x16xf32>,
      %get3A_1443 = vector.shape_cast %get3A_1442 : vector<1x16xf32> to vector<16xf32>
      %add3A_1444 = arith.addf %add3A_1437, %get3A_1443 : vector<16xf32>
      %add3A_1445 = arith.constant 4 : i32
      %add3A_1446 = arith.addi %mul3A_1382, %add3A_1445 : i32
      %get3A_1447 = arith.index_cast %add3A_1446 : i32 to index
      %get3A_1448 = arith.constant 64 : index
      %get3A_1449 = tpu.vector_load %arg10[%get3A_1447, %get3A_1448] {strides = array<i32>} : memref<104x128xf32, #tpu.memory_space<vmem>>, vector<1x16xf32>,
      %get3A_1450 = vector.shape_cast %get3A_1449 : vector<1x16xf32> to vector<16xf32>
      %add3A_1451 = arith.addf %add3A_1444, %get3A_1450 : vector<16xf32>
      %add3A_1452 = arith.constant 5 : i32
      %add3A_1453 = arith.addi %mul3A_1382, %add3A_1452 : i32
      %get3A_1454 = arith.index_cast %add3A_1453 : i32 to index
      %get3A_1455 = arith.constant 0 : index
      %get3A_1456 = tpu.vector_load %arg10[%get3A_1454, %get3A_1455] {strides = array<i32>} : memref<104x128xf32, #tpu.memory_space<vmem>>, vector<1x16xf32>,
      %get3A_1457 = vector.shape_cast %get3A_1456 : vector<1x16xf32> to vector<16xf32>
      %add3A_1458 = arith.addf %add3A_1451, %get3A_1457 : vector<16xf32>
      %add3A_1459 = arith.constant 5 : i32
      %add3A_1460 = arith.addi %mul3A_1382, %add3A_1459 : i32
      %get3A_1461 = arith.index_cast %add3A_1460 : i32 to index
      %get3A_1462 = arith.constant 64 : index
      %get3A_1463 = tpu.vector_load %arg10[%get3A_1461, %get3A_1462] {strides = array<i32>} : memref<104x128xf32, #tpu.memory_space<vmem>>, vector<1x16xf32>,
      %get3A_1464 = vector.shape_cast %get3A_1463 : vector<1x16xf32> to vector<16xf32>
      %add3A_1465 = arith.addf %add3A_1458, %get3A_1464 : vector<16xf32>
      %add3A_1466 = arith.constant 6 : i32
      %add3A_1467 = arith.addi %mul3A_1382, %add3A_1466 : i32
      %get3A_1468 = arith.index_cast %add3A_1467 : i32 to index
      %get3A_1469 = arith.constant 0 : index
      %get3A_1470 = tpu.vector_load %arg10[%get3A_1468, %get3A_1469] {strides = array<i32>} : memref<104x128xf32, #tpu.memory_space<vmem>>, vector<1x16xf32>,
      %get3A_1471 = vector.shape_cast %get3A_1470 : vector<1x16xf32> to vector<16xf32>
      %add3A_1472 = arith.addf %add3A_1465, %get3A_1471 : vector<16xf32>
      %add3A_1473 = arith.constant 6 : i32
      %add3A_1474 = arith.addi %mul3A_1382, %add3A_1473 : i32
      %get3A_1475 = arith.index_cast %add3A_1474 : i32 to index
      %get3A_1476 = arith.constant 64 : index
      %get3A_1477 = tpu.vector_load %arg10[%get3A_1475, %get3A_1476] {strides = array<i32>} : memref<104x128xf32, #tpu.memory_space<vmem>>, vector<1x16xf32>,
      %get3A_1478 = vector.shape_cast %get3A_1477 : vector<1x16xf32> to vector<16xf32>
      %add3A_1479 = arith.addf %add3A_1472, %get3A_1478 : vector<16xf32>
      %add3A_1480 = arith.constant 7 : i32
      %add3A_1481 = arith.addi %mul3A_1382, %add3A_1480 : i32
      %get3A_1482 = arith.index_cast %add3A_1481 : i32 to index
      %get3A_1483 = arith.constant 0 : index
      %get3A_1484 = tpu.vector_load %arg10[%get3A_1482, %get3A_1483] {strides = array<i32>} : memref<104x128xf32, #tpu.memory_space<vmem>>, vector<1x16xf32>,
      %get3A_1485 = vector.shape_cast %get3A_1484 : vector<1x16xf32> to vector<16xf32>
      %add3A_1486 = arith.addf %add3A_1479, %get3A_1485 : vector<16xf32>
      %add3A_1487 = arith.constant 7 : i32
      %add3A_1488 = arith.addi %mul3A_1382, %add3A_1487 : i32
      %get3A_1489 = arith.index_cast %add3A_1488 : i32 to index
      %get3A_1490 = arith.constant 64 : index
      %get3A_1491 = tpu.vector_load %arg10[%get3A_1489, %get3A_1490] {strides = array<i32>} : memref<104x128xf32, #tpu.memory_space<vmem>>, vector<1x16xf32>,
      %get3A_1492 = vector.shape_cast %get3A_1491 : vector<1x16xf32> to vector<16xf32>
      %add3A_1493 = arith.addf %add3A_1486, %get3A_1492 : vector<16xf32>
      %add3A_1494 = arith.constant 8 : i32
      %add3A_1495 = arith.addi %mul3A_1382, %add3A_1494 : i32
      %get3A_1496 = arith.index_cast %add3A_1495 : i32 to index
      %get3A_1497 = arith.constant 0 : index
      %get3A_1498 = tpu.vector_load %arg10[%get3A_1496, %get3A_1497] {strides = array<i32>} : memref<104x128xf32, #tpu.memory_space<vmem>>, vector<1x16xf32>,
      %get3A_1499 = vector.shape_cast %get3A_1498 : vector<1x16xf32> to vector<16xf32>
      %add3A_1500 = arith.addf %add3A_1493, %get3A_1499 : vector<16xf32>
      %add3A_1501 = arith.constant 8 : i32
      %add3A_1502 = arith.addi %mul3A_1382, %add3A_1501 : i32
      %get3A_1503 = arith.index_cast %add3A_1502 : i32 to index
      %get3A_1504 = arith.constant 64 : index
      %get3A_1505 = tpu.vector_load %arg10[%get3A_1503, %get3A_1504] {strides = array<i32>} : memref<104x128xf32, #tpu.memory_space<vmem>>, vector<1x16xf32>,
      %get3A_1506 = vector.shape_cast %get3A_1505 : vector<1x16xf32> to vector<16xf32>
      %add3A_1507 = arith.addf %add3A_1500, %get3A_1506 : vector<16xf32>
      %add3A_1508 = arith.constant 9 : i32
      %add3A_1509 = arith.addi %mul3A_1382, %add3A_1508 : i32
      %get3A_1510 = arith.index_cast %add3A_1509 : i32 to index
      %get3A_1511 = arith.constant 0 : index
      %get3A_1512 = tpu.vector_load %arg10[%get3A_1510, %get3A_1511] {strides = array<i32>} : memref<104x128xf32, #tpu.memory_space<vmem>>, vector<1x16xf32>,
      %get3A_1513 = vector.shape_cast %get3A_1512 : vector<1x16xf32> to vector<16xf32>
      %add3A_1514 = arith.addf %add3A_1507, %get3A_1513 : vector<16xf32>
      %add3A_1515 = arith.constant 9 : i32
      %add3A_1516 = arith.addi %mul3A_1382, %add3A_1515 : i32
      %get3A_1517 = arith.index_cast %add3A_1516 : i32 to index
      %get3A_1518 = arith.constant 64 : index
      %get3A_1519 = tpu.vector_load %arg10[%get3A_1517, %get3A_1518] {strides = array<i32>} : memref<104x128xf32, #tpu.memory_space<vmem>>, vector<1x16xf32>,
      %get3A_1520 = vector.shape_cast %get3A_1519 : vector<1x16xf32> to vector<16xf32>
      %add3A_1521 = arith.addf %add3A_1514, %get3A_1520 : vector<16xf32>
      %add3A_1522 = arith.constant 10 : i32
      %add3A_1523 = arith.addi %mul3A_1382, %add3A_1522 : i32
      %get3A_1524 = arith.index_cast %add3A_1523 : i32 to index
      %get3A_1525 = arith.constant 0 : index
      %get3A_1526 = tpu.vector_load %arg10[%get3A_1524, %get3A_1525] {strides = array<i32>} : memref<104x128xf32, #tpu.memory_space<vmem>>, vector<1x16xf32>,
      %get3A_1527 = vector.shape_cast %get3A_1526 : vector<1x16xf32> to vector<16xf32>
      %add3A_1528 = arith.addf %add3A_1521, %get3A_1527 : vector<16xf32>
      %add3A_1529 = arith.constant 10 : i32
      %add3A_1530 = arith.addi %mul3A_1382, %add3A_1529 : i32
      %get3A_1531 = arith.index_cast %add3A_1530 : i32 to index
      %get3A_1532 = arith.constant 64 : index
      %get3A_1533 = tpu.vector_load %arg10[%get3A_1531, %get3A_1532] {strides = array<i32>} : memref<104x128xf32, #tpu.memory_space<vmem>>, vector<1x16xf32>,
      %get3A_1534 = vector.shape_cast %get3A_1533 : vector<1x16xf32> to vector<16xf32>
      %add3A_1535 = arith.addf %add3A_1528, %get3A_1534 : vector<16xf32>
      %add3A_1536 = arith.constant 11 : i32
      %add3A_1537 = arith.addi %mul3A_1382, %add3A_1536 : i32
      %get3A_1538 = arith.index_cast %add3A_1537 : i32 to index
      %get3A_1539 = arith.constant 0 : index
      %get3A_1540 = tpu.vector_load %arg10[%get3A_1538, %get3A_1539] {strides = array<i32>} : memref<104x128xf32, #tpu.memory_space<vmem>>, vector<1x16xf32>,
      %get3A_1541 = vector.shape_cast %get3A_1540 : vector<1x16xf32> to vector<16xf32>
      %add3A_1542 = arith.addf %add3A_1535, %get3A_1541 : vector<16xf32>
      %add3A_1543 = arith.constant 11 : i32
      %add3A_1544 = arith.addi %mul3A_1382, %add3A_1543 : i32
      %get3A_1545 = arith.index_cast %add3A_1544 : i32 to index
      %get3A_1546 = arith.constant 64 : index
      %get3A_1547 = tpu.vector_load %arg10[%get3A_1545, %get3A_1546] {strides = array<i32>} : memref<104x128xf32, #tpu.memory_space<vmem>>, vector<1x16xf32>,
      %get3A_1548 = vector.shape_cast %get3A_1547 : vector<1x16xf32> to vector<16xf32>
      %add3A_1549 = arith.addf %add3A_1542, %get3A_1548 : vector<16xf32>
      %add3A_1550 = arith.constant 12 : i32
      %add3A_1551 = arith.addi %mul3A_1382, %add3A_1550 : i32
      %get3A_1552 = arith.index_cast %add3A_1551 : i32 to index
      %get3A_1553 = arith.constant 0 : index
      %get3A_1554 = tpu.vector_load %arg10[%get3A_1552, %get3A_1553] {strides = array<i32>} : memref<104x128xf32, #tpu.memory_space<vmem>>, vector<1x16xf32>,
      %get3A_1555 = vector.shape_cast %get3A_1554 : vector<1x16xf32> to vector<16xf32>
      %add3A_1556 = arith.addf %add3A_1549, %get3A_1555 : vector<16xf32>
      %add3A_1557 = arith.constant 12 : i32
      %add3A_1558 = arith.addi %mul3A_1382, %add3A_1557 : i32
      %get3A_1559 = arith.index_cast %add3A_1558 : i32 to index
      %get3A_1560 = arith.constant 64 : index
      %get3A_1561 = tpu.vector_load %arg10[%get3A_1559, %get3A_1560] {strides = array<i32>} : memref<104x128xf32, #tpu.memory_space<vmem>>, vector<1x16xf32>,
      %get3A_1562 = vector.shape_cast %get3A_1561 : vector<1x16xf32> to vector<16xf32>
      %add3A_1563 = arith.addf %add3A_1556, %get3A_1562 : vector<16xf32>
      %swap3A_1564 = arith.constant 0 : index
      %swap3A_1565 = tpu.vector_load %arg12[%swap3A_1564] {strides = array<i32>} : memref<64xf32, #tpu.memory_space<vmem>>, vector<16xf32>,
      %swap3A_1566 = vector.shape_cast %swap3A_1565 : vector<16xf32> to vector<16xf32>
      %swap3A_1567 = vector.shape_cast %add3A_1563 : vector<16xf32> to vector<16xf32>
      tpu.vector_store %arg12[%swap3A_1564], %swap3A_1567 {strides = array<i32>} : memref<64xf32, #tpu.memory_space<vmem>>, vector<16xf32>,
      %add3A_1568 = arith.constant 0 : i32
      %add3A_1569 = arith.addi %mul3A_1382, %add3A_1568 : i32
      %get3A_1570 = arith.index_cast %add3A_1569 : i32 to index
      %get3A_1571 = arith.constant 16 : index
      %get3A_1572 = tpu.vector_load %arg10[%get3A_1570, %get3A_1571] {strides = array<i32>} : memref<104x128xf32, #tpu.memory_space<vmem>>, vector<1x16xf32>,
      %get3A_1573 = vector.shape_cast %get3A_1572 : vector<1x16xf32> to vector<16xf32>
      %add3A_1574 = arith.constant 0 : i32
      %add3A_1575 = arith.addi %mul3A_1382, %add3A_1574 : i32
      %get3A_1576 = arith.index_cast %add3A_1575 : i32 to index
      %get3A_1577 = arith.constant 80 : index
      %get3A_1578 = tpu.vector_load %arg10[%get3A_1576, %get3A_1577] {strides = array<i32>} : memref<104x128xf32, #tpu.memory_space<vmem>>, vector<1x16xf32>,
      %get3A_1579 = vector.shape_cast %get3A_1578 : vector<1x16xf32> to vector<16xf32>
      %add3A_1580 = arith.addf %get3A_1573, %get3A_1579 : vector<16xf32>
      %add3A_1581 = arith.constant 1 : i32
      %add3A_1582 = arith.addi %mul3A_1382, %add3A_1581 : i32
      %get3A_1583 = arith.index_cast %add3A_1582 : i32 to index
      %get3A_1584 = arith.constant 16 : index
      %get3A_1585 = tpu.vector_load %arg10[%get3A_1583, %get3A_1584] {strides = array<i32>} : memref<104x128xf32, #tpu.memory_space<vmem>>, vector<1x16xf32>,
      %get3A_1586 = vector.shape_cast %get3A_1585 : vector<1x16xf32> to vector<16xf32>
      %add3A_1587 = arith.addf %add3A_1580, %get3A_1586 : vector<16xf32>
      %add3A_1588 = arith.constant 1 : i32
      %add3A_1589 = arith.addi %mul3A_1382, %add3A_1588 : i32
      %get3A_1590 = arith.index_cast %add3A_1589 : i32 to index
      %get3A_1591 = arith.constant 80 : index
      %get3A_1592 = tpu.vector_load %arg10[%get3A_1590, %get3A_1591] {strides = array<i32>} : memref<104x128xf32, #tpu.memory_space<vmem>>, vector<1x16xf32>,
      %get3A_1593 = vector.shape_cast %get3A_1592 : vector<1x16xf32> to vector<16xf32>
      %add3A_1594 = arith.addf %add3A_1587, %get3A_1593 : vector<16xf32>
      %add3A_1595 = arith.constant 2 : i32
      %add3A_1596 = arith.addi %mul3A_1382, %add3A_1595 : i32
      %get3A_1597 = arith.index_cast %add3A_1596 : i32 to index
      %get3A_1598 = arith.constant 16 : index
      %get3A_1599 = tpu.vector_load %arg10[%get3A_1597, %get3A_1598] {strides = array<i32>} : memref<104x128xf32, #tpu.memory_space<vmem>>, vector<1x16xf32>,
      %get3A_1600 = vector.shape_cast %get3A_1599 : vector<1x16xf32> to vector<16xf32>
      %add3A_1601 = arith.addf %add3A_1594, %get3A_1600 : vector<16xf32>
      %add3A_1602 = arith.constant 2 : i32
      %add3A_1603 = arith.addi %mul3A_1382, %add3A_1602 : i32
      %get3A_1604 = arith.index_cast %add3A_1603 : i32 to index
      %get3A_1605 = arith.constant 80 : index
      %get3A_1606 = tpu.vector_load %arg10[%get3A_1604, %get3A_1605] {strides = array<i32>} : memref<104x128xf32, #tpu.memory_space<vmem>>, vector<1x16xf32>,
      %get3A_1607 = vector.shape_cast %get3A_1606 : vector<1x16xf32> to vector<16xf32>
      %add3A_1608 = arith.addf %add3A_1601, %get3A_1607 : vector<16xf32>
      %add3A_1609 = arith.constant 3 : i32
      %add3A_1610 = arith.addi %mul3A_1382, %add3A_1609 : i32
      %get3A_1611 = arith.index_cast %add3A_1610 : i32 to index
      %get3A_1612 = arith.constant 16 : index
      %get3A_1613 = tpu.vector_load %arg10[%get3A_1611, %get3A_1612] {strides = array<i32>} : memref<104x128xf32, #tpu.memory_space<vmem>>, vector<1x16xf32>,
      %get3A_1614 = vector.shape_cast %get3A_1613 : vector<1x16xf32> to vector<16xf32>
      %add3A_1615 = arith.addf %add3A_1608, %get3A_1614 : vector<16xf32>
      %add3A_1616 = arith.constant 3 : i32
      %add3A_1617 = arith.addi %mul3A_1382, %add3A_1616 : i32
      %get3A_1618 = arith.index_cast %add3A_1617 : i32 to index
      %get3A_1619 = arith.constant 80 : index
      %get3A_1620 = tpu.vector_load %arg10[%get3A_1618, %get3A_1619] {strides = array<i32>} : memref<104x128xf32, #tpu.memory_space<vmem>>, vector<1x16xf32>,
      %get3A_1621 = vector.shape_cast %get3A_1620 : vector<1x16xf32> to vector<16xf32>
      %add3A_1622 = arith.addf %add3A_1615, %get3A_1621 : vector<16xf32>
      %add3A_1623 = arith.constant 4 : i32
      %add3A_1624 = arith.addi %mul3A_1382, %add3A_1623 : i32
      %get3A_1625 = arith.index_cast %add3A_1624 : i32 to index
      %get3A_1626 = arith.constant 16 : index
      %get3A_1627 = tpu.vector_load %arg10[%get3A_1625, %get3A_1626] {strides = array<i32>} : memref<104x128xf32, #tpu.memory_space<vmem>>, vector<1x16xf32>,
      %get3A_1628 = vector.shape_cast %get3A_1627 : vector<1x16xf32> to vector<16xf32>
      %add3A_1629 = arith.addf %add3A_1622, %get3A_1628 : vector<16xf32>
      %add3A_1630 = arith.constant 4 : i32
      %add3A_1631 = arith.addi %mul3A_1382, %add3A_1630 : i32
      %get3A_1632 = arith.index_cast %add3A_1631 : i32 to index
      %get3A_1633 = arith.constant 80 : index
      %get3A_1634 = tpu.vector_load %arg10[%get3A_1632, %get3A_1633] {strides = array<i32>} : memref<104x128xf32, #tpu.memory_space<vmem>>, vector<1x16xf32>,
      %get3A_1635 = vector.shape_cast %get3A_1634 : vector<1x16xf32> to vector<16xf32>
      %add3A_1636 = arith.addf %add3A_1629, %get3A_1635 : vector<16xf32>
      %add3A_1637 = arith.constant 5 : i32
      %add3A_1638 = arith.addi %mul3A_1382, %add3A_1637 : i32
      %get3A_1639 = arith.index_cast %add3A_1638 : i32 to index
      %get3A_1640 = arith.constant 16 : index
      %get3A_1641 = tpu.vector_load %arg10[%get3A_1639, %get3A_1640] {strides = array<i32>} : memref<104x128xf32, #tpu.memory_space<vmem>>, vector<1x16xf32>,
      %get3A_1642 = vector.shape_cast %get3A_1641 : vector<1x16xf32> to vector<16xf32>
      %add3A_1643 = arith.addf %add3A_1636, %get3A_1642 : vector<16xf32>
      %add3A_1644 = arith.constant 5 : i32
      %add3A_1645 = arith.addi %mul3A_1382, %add3A_1644 : i32
      %get3A_1646 = arith.index_cast %add3A_1645 : i32 to index
      %get3A_1647 = arith.constant 80 : index
      %get3A_1648 = tpu.vector_load %arg10[%get3A_1646, %get3A_1647] {strides = array<i32>} : memref<104x128xf32, #tpu.memory_space<vmem>>, vector<1x16xf32>,
      %get3A_1649 = vector.shape_cast %get3A_1648 : vector<1x16xf32> to vector<16xf32>
      %add3A_1650 = arith.addf %add3A_1643, %get3A_1649 : vector<16xf32>
      %add3A_1651 = arith.constant 6 : i32
      %add3A_1652 = arith.addi %mul3A_1382, %add3A_1651 : i32
      %get3A_1653 = arith.index_cast %add3A_1652 : i32 to index
      %get3A_1654 = arith.constant 16 : index
      %get3A_1655 = tpu.vector_load %arg10[%get3A_1653, %get3A_1654] {strides = array<i32>} : memref<104x128xf32, #tpu.memory_space<vmem>>, vector<1x16xf32>,
      %get3A_1656 = vector.shape_cast %get3A_1655 : vector<1x16xf32> to vector<16xf32>
      %add3A_1657 = arith.addf %add3A_1650, %get3A_1656 : vector<16xf32>
      %add3A_1658 = arith.constant 6 : i32
      %add3A_1659 = arith.addi %mul3A_1382, %add3A_1658 : i32
      %get3A_1660 = arith.index_cast %add3A_1659 : i32 to index
      %get3A_1661 = arith.constant 80 : index
      %get3A_1662 = tpu.vector_load %arg10[%get3A_1660, %get3A_1661] {strides = array<i32>} : memref<104x128xf32, #tpu.memory_space<vmem>>, vector<1x16xf32>,
      %get3A_1663 = vector.shape_cast %get3A_1662 : vector<1x16xf32> to vector<16xf32>
      %add3A_1664 = arith.addf %add3A_1657, %get3A_1663 : vector<16xf32>
      %add3A_1665 = arith.constant 7 : i32
      %add3A_1666 = arith.addi %mul3A_1382, %add3A_1665 : i32
      %get3A_1667 = arith.index_cast %add3A_1666 : i32 to index
      %get3A_1668 = arith.constant 16 : index
      %get3A_1669 = tpu.vector_load %arg10[%get3A_1667, %get3A_1668] {strides = array<i32>} : memref<104x128xf32, #tpu.memory_space<vmem>>, vector<1x16xf32>,
      %get3A_1670 = vector.shape_cast %get3A_1669 : vector<1x16xf32> to vector<16xf32>
      %add3A_1671 = arith.addf %add3A_1664, %get3A_1670 : vector<16xf32>
      %add3A_1672 = arith.constant 7 : i32
      %add3A_1673 = arith.addi %mul3A_1382, %add3A_1672 : i32
      %get3A_1674 = arith.index_cast %add3A_1673 : i32 to index
      %get3A_1675 = arith.constant 80 : index
      %get3A_1676 = tpu.vector_load %arg10[%get3A_1674, %get3A_1675] {strides = array<i32>} : memref<104x128xf32, #tpu.memory_space<vmem>>, vector<1x16xf32>,
      %get3A_1677 = vector.shape_cast %get3A_1676 : vector<1x16xf32> to vector<16xf32>
      %add3A_1678 = arith.addf %add3A_1671, %get3A_1677 : vector<16xf32>
      %add3A_1679 = arith.constant 8 : i32
      %add3A_1680 = arith.addi %mul3A_1382, %add3A_1679 : i32
      %get3A_1681 = arith.index_cast %add3A_1680 : i32 to index
      %get3A_1682 = arith.constant 16 : index
      %get3A_1683 = tpu.vector_load %arg10[%get3A_1681, %get3A_1682] {strides = array<i32>} : memref<104x128xf32, #tpu.memory_space<vmem>>, vector<1x16xf32>,
      %get3A_1684 = vector.shape_cast %get3A_1683 : vector<1x16xf32> to vector<16xf32>
      %add3A_1685 = arith.addf %add3A_1678, %get3A_1684 : vector<16xf32>
      %add3A_1686 = arith.constant 8 : i32
      %add3A_1687 = arith.addi %mul3A_1382, %add3A_1686 : i32
      %get3A_1688 = arith.index_cast %add3A_1687 : i32 to index
      %get3A_1689 = arith.constant 80 : index
      %get3A_1690 = tpu.vector_load %arg10[%get3A_1688, %get3A_1689] {strides = array<i32>} : memref<104x128xf32, #tpu.memory_space<vmem>>, vector<1x16xf32>,
      %get3A_1691 = vector.shape_cast %get3A_1690 : vector<1x16xf32> to vector<16xf32>
      %add3A_1692 = arith.addf %add3A_1685, %get3A_1691 : vector<16xf32>
      %add3A_1693 = arith.constant 9 : i32
      %add3A_1694 = arith.addi %mul3A_1382, %add3A_1693 : i32
      %get3A_1695 = arith.index_cast %add3A_1694 : i32 to index
      %get3A_1696 = arith.constant 16 : index
      %get3A_1697 = tpu.vector_load %arg10[%get3A_1695, %get3A_1696] {strides = array<i32>} : memref<104x128xf32, #tpu.memory_space<vmem>>, vector<1x16xf32>,
      %get3A_1698 = vector.shape_cast %get3A_1697 : vector<1x16xf32> to vector<16xf32>
      %add3A_1699 = arith.addf %add3A_1692, %get3A_1698 : vector<16xf32>
      %add3A_1700 = arith.constant 9 : i32
      %add3A_1701 = arith.addi %mul3A_1382, %add3A_1700 : i32
      %get3A_1702 = arith.index_cast %add3A_1701 : i32 to index
      %get3A_1703 = arith.constant 80 : index
      %get3A_1704 = tpu.vector_load %arg10[%get3A_1702, %get3A_1703] {strides = array<i32>} : memref<104x128xf32, #tpu.memory_space<vmem>>, vector<1x16xf32>,
      %get3A_1705 = vector.shape_cast %get3A_1704 : vector<1x16xf32> to vector<16xf32>
      %add3A_1706 = arith.addf %add3A_1699, %get3A_1705 : vector<16xf32>
      %add3A_1707 = arith.constant 10 : i32
      %add3A_1708 = arith.addi %mul3A_1382, %add3A_1707 : i32
      %get3A_1709 = arith.index_cast %add3A_1708 : i32 to index
      %get3A_1710 = arith.constant 16 : index
      %get3A_1711 = tpu.vector_load %arg10[%get3A_1709, %get3A_1710] {strides = array<i32>} : memref<104x128xf32, #tpu.memory_space<vmem>>, vector<1x16xf32>,
      %get3A_1712 = vector.shape_cast %get3A_1711 : vector<1x16xf32> to vector<16xf32>
      %add3A_1713 = arith.addf %add3A_1706, %get3A_1712 : vector<16xf32>
      %add3A_1714 = arith.constant 10 : i32
      %add3A_1715 = arith.addi %mul3A_1382, %add3A_1714 : i32
      %get3A_1716 = arith.index_cast %add3A_1715 : i32 to index
      %get3A_1717 = arith.constant 80 : index
      %get3A_1718 = tpu.vector_load %arg10[%get3A_1716, %get3A_1717] {strides = array<i32>} : memref<104x128xf32, #tpu.memory_space<vmem>>, vector<1x16xf32>,
      %get3A_1719 = vector.shape_cast %get3A_1718 : vector<1x16xf32> to vector<16xf32>
      %add3A_1720 = arith.addf %add3A_1713, %get3A_1719 : vector<16xf32>
      %add3A_1721 = arith.constant 11 : i32
      %add3A_1722 = arith.addi %mul3A_1382, %add3A_1721 : i32
      %get3A_1723 = arith.index_cast %add3A_1722 : i32 to index
      %get3A_1724 = arith.constant 16 : index
      %get3A_1725 = tpu.vector_load %arg10[%get3A_1723, %get3A_1724] {strides = array<i32>} : memref<104x128xf32, #tpu.memory_space<vmem>>, vector<1x16xf32>,
      %get3A_1726 = vector.shape_cast %get3A_1725 : vector<1x16xf32> to vector<16xf32>
      %add3A_1727 = arith.addf %add3A_1720, %get3A_1726 : vector<16xf32>
      %add3A_1728 = arith.constant 11 : i32
      %add3A_1729 = arith.addi %mul3A_1382, %add3A_1728 : i32
      %get3A_1730 = arith.index_cast %add3A_1729 : i32 to index
      %get3A_1731 = arith.constant 80 : index
      %get3A_1732 = tpu.vector_load %arg10[%get3A_1730, %get3A_1731] {strides = array<i32>} : memref<104x128xf32, #tpu.memory_space<vmem>>, vector<1x16xf32>,
      %get3A_1733 = vector.shape_cast %get3A_1732 : vector<1x16xf32> to vector<16xf32>
      %add3A_1734 = arith.addf %add3A_1727, %get3A_1733 : vector<16xf32>
      %add3A_1735 = arith.constant 12 : i32
      %add3A_1736 = arith.addi %mul3A_1382, %add3A_1735 : i32
      %get3A_1737 = arith.index_cast %add3A_1736 : i32 to index
      %get3A_1738 = arith.constant 16 : index
      %get3A_1739 = tpu.vector_load %arg10[%get3A_1737, %get3A_1738] {strides = array<i32>} : memref<104x128xf32, #tpu.memory_space<vmem>>, vector<1x16xf32>,
      %get3A_1740 = vector.shape_cast %get3A_1739 : vector<1x16xf32> to vector<16xf32>
      %add3A_1741 = arith.addf %add3A_1734, %get3A_1740 : vector<16xf32>
      %add3A_1742 = arith.constant 12 : i32
      %add3A_1743 = arith.addi %mul3A_1382, %add3A_1742 : i32
      %get3A_1744 = arith.index_cast %add3A_1743 : i32 to index
      %get3A_1745 = arith.constant 80 : index
      %get3A_1746 = tpu.vector_load %arg10[%get3A_1744, %get3A_1745] {strides = array<i32>} : memref<104x128xf32, #tpu.memory_space<vmem>>, vector<1x16xf32>,
      %get3A_1747 = vector.shape_cast %get3A_1746 : vector<1x16xf32> to vector<16xf32>
      %add3A_1748 = arith.addf %add3A_1741, %get3A_1747 : vector<16xf32>
      %swap3A_1749 = arith.constant 16 : index
      %swap3A_1750 = tpu.vector_load %arg12[%swap3A_1749] {strides = array<i32>} : memref<64xf32, #tpu.memory_space<vmem>>, vector<16xf32>,
      %swap3A_1751 = vector.shape_cast %swap3A_1750 : vector<16xf32> to vector<16xf32>
      %swap3A_1752 = vector.shape_cast %add3A_1748 : vector<16xf32> to vector<16xf32>
      tpu.vector_store %arg12[%swap3A_1749], %swap3A_1752 {strides = array<i32>} : memref<64xf32, #tpu.memory_space<vmem>>, vector<16xf32>,
      %add3A_1753 = arith.constant 0 : i32
      %add3A_1754 = arith.addi %mul3A_1382, %add3A_1753 : i32
      %get3A_1755 = arith.index_cast %add3A_1754 : i32 to index
      %get3A_1756 = arith.constant 32 : index
      %get3A_1757 = tpu.vector_load %arg10[%get3A_1755, %get3A_1756] {strides = array<i32>} : memref<104x128xf32, #tpu.memory_space<vmem>>, vector<1x16xf32>,
      %get3A_1758 = vector.shape_cast %get3A_1757 : vector<1x16xf32> to vector<16xf32>
      %add3A_1759 = arith.constant 0 : i32
      %add3A_1760 = arith.addi %mul3A_1382, %add3A_1759 : i32
      %get3A_1761 = arith.index_cast %add3A_1760 : i32 to index
      %get3A_1762 = arith.constant 96 : index
      %get3A_1763 = tpu.vector_load %arg10[%get3A_1761, %get3A_1762] {strides = array<i32>} : memref<104x128xf32, #tpu.memory_space<vmem>>, vector<1x16xf32>,
      %get3A_1764 = vector.shape_cast %get3A_1763 : vector<1x16xf32> to vector<16xf32>
      %add3A_1765 = arith.addf %get3A_1758, %get3A_1764 : vector<16xf32>
      %add3A_1766 = arith.constant 1 : i32
      %add3A_1767 = arith.addi %mul3A_1382, %add3A_1766 : i32
      %get3A_1768 = arith.index_cast %add3A_1767 : i32 to index
      %get3A_1769 = arith.constant 32 : index
      %get3A_1770 = tpu.vector_load %arg10[%get3A_1768, %get3A_1769] {strides = array<i32>} : memref<104x128xf32, #tpu.memory_space<vmem>>, vector<1x16xf32>,
      %get3A_1771 = vector.shape_cast %get3A_1770 : vector<1x16xf32> to vector<16xf32>
      %add3A_1772 = arith.addf %add3A_1765, %get3A_1771 : vector<16xf32>
      %add3A_1773 = arith.constant 1 : i32
      %add3A_1774 = arith.addi %mul3A_1382, %add3A_1773 : i32
      %get3A_1775 = arith.index_cast %add3A_1774 : i32 to index
      %get3A_1776 = arith.constant 96 : index
      %get3A_1777 = tpu.vector_load %arg10[%get3A_1775, %get3A_1776] {strides = array<i32>} : memref<104x128xf32, #tpu.memory_space<vmem>>, vector<1x16xf32>,
      %get3A_1778 = vector.shape_cast %get3A_1777 : vector<1x16xf32> to vector<16xf32>
      %add3A_1779 = arith.addf %add3A_1772, %get3A_1778 : vector<16xf32>
      %add3A_1780 = arith.constant 2 : i32
      %add3A_1781 = arith.addi %mul3A_1382, %add3A_1780 : i32
      %get3A_1782 = arith.index_cast %add3A_1781 : i32 to index
      %get3A_1783 = arith.constant 32 : index
      %get3A_1784 = tpu.vector_load %arg10[%get3A_1782, %get3A_1783] {strides = array<i32>} : memref<104x128xf32, #tpu.memory_space<vmem>>, vector<1x16xf32>,
      %get3A_1785 = vector.shape_cast %get3A_1784 : vector<1x16xf32> to vector<16xf32>
      %add3A_1786 = arith.addf %add3A_1779, %get3A_1785 : vector<16xf32>
      %add3A_1787 = arith.constant 2 : i32
      %add3A_1788 = arith.addi %mul3A_1382, %add3A_1787 : i32
      %get3A_1789 = arith.index_cast %add3A_1788 : i32 to index
      %get3A_1790 = arith.constant 96 : index
      %get3A_1791 = tpu.vector_load %arg10[%get3A_1789, %get3A_1790] {strides = array<i32>} : memref<104x128xf32, #tpu.memory_space<vmem>>, vector<1x16xf32>,
      %get3A_1792 = vector.shape_cast %get3A_1791 : vector<1x16xf32> to vector<16xf32>
      %add3A_1793 = arith.addf %add3A_1786, %get3A_1792 : vector<16xf32>
      %add3A_1794 = arith.constant 3 : i32
      %add3A_1795 = arith.addi %mul3A_1382, %add3A_1794 : i32
      %get3A_1796 = arith.index_cast %add3A_1795 : i32 to index
      %get3A_1797 = arith.constant 32 : index
      %get3A_1798 = tpu.vector_load %arg10[%get3A_1796, %get3A_1797] {strides = array<i32>} : memref<104x128xf32, #tpu.memory_space<vmem>>, vector<1x16xf32>,
      %get3A_1799 = vector.shape_cast %get3A_1798 : vector<1x16xf32> to vector<16xf32>
      %add3A_1800 = arith.addf %add3A_1793, %get3A_1799 : vector<16xf32>
      %add3A_1801 = arith.constant 3 : i32
      %add3A_1802 = arith.addi %mul3A_1382, %add3A_1801 : i32
      %get3A_1803 = arith.index_cast %add3A_1802 : i32 to index
      %get3A_1804 = arith.constant 96 : index
      %get3A_1805 = tpu.vector_load %arg10[%get3A_1803, %get3A_1804] {strides = array<i32>} : memref<104x128xf32, #tpu.memory_space<vmem>>, vector<1x16xf32>,
      %get3A_1806 = vector.shape_cast %get3A_1805 : vector<1x16xf32> to vector<16xf32>
      %add3A_1807 = arith.addf %add3A_1800, %get3A_1806 : vector<16xf32>
      %add3A_1808 = arith.constant 4 : i32
      %add3A_1809 = arith.addi %mul3A_1382, %add3A_1808 : i32
      %get3A_1810 = arith.index_cast %add3A_1809 : i32 to index
      %get3A_1811 = arith.constant 32 : index
      %get3A_1812 = tpu.vector_load %arg10[%get3A_1810, %get3A_1811] {strides = array<i32>} : memref<104x128xf32, #tpu.memory_space<vmem>>, vector<1x16xf32>,
      %get3A_1813 = vector.shape_cast %get3A_1812 : vector<1x16xf32> to vector<16xf32>
      %add3A_1814 = arith.addf %add3A_1807, %get3A_1813 : vector<16xf32>
      %add3A_1815 = arith.constant 4 : i32
      %add3A_1816 = arith.addi %mul3A_1382, %add3A_1815 : i32
      %get3A_1817 = arith.index_cast %add3A_1816 : i32 to index
      %get3A_1818 = arith.constant 96 : index
      %get3A_1819 = tpu.vector_load %arg10[%get3A_1817, %get3A_1818] {strides = array<i32>} : memref<104x128xf32, #tpu.memory_space<vmem>>, vector<1x16xf32>,
      %get3A_1820 = vector.shape_cast %get3A_1819 : vector<1x16xf32> to vector<16xf32>
      %add3A_1821 = arith.addf %add3A_1814, %get3A_1820 : vector<16xf32>
      %add3A_1822 = arith.constant 5 : i32
      %add3A_1823 = arith.addi %mul3A_1382, %add3A_1822 : i32
      %get3A_1824 = arith.index_cast %add3A_1823 : i32 to index
      %get3A_1825 = arith.constant 32 : index
      %get3A_1826 = tpu.vector_load %arg10[%get3A_1824, %get3A_1825] {strides = array<i32>} : memref<104x128xf32, #tpu.memory_space<vmem>>, vector<1x16xf32>,
      %get3A_1827 = vector.shape_cast %get3A_1826 : vector<1x16xf32> to vector<16xf32>
      %add3A_1828 = arith.addf %add3A_1821, %get3A_1827 : vector<16xf32>
      %add3A_1829 = arith.constant 5 : i32
      %add3A_1830 = arith.addi %mul3A_1382, %add3A_1829 : i32
      %get3A_1831 = arith.index_cast %add3A_1830 : i32 to index
      %get3A_1832 = arith.constant 96 : index
      %get3A_1833 = tpu.vector_load %arg10[%get3A_1831, %get3A_1832] {strides = array<i32>} : memref<104x128xf32, #tpu.memory_space<vmem>>, vector<1x16xf32>,
      %get3A_1834 = vector.shape_cast %get3A_1833 : vector<1x16xf32> to vector<16xf32>
      %add3A_1835 = arith.addf %add3A_1828, %get3A_1834 : vector<16xf32>
      %add3A_1836 = arith.constant 6 : i32
      %add3A_1837 = arith.addi %mul3A_1382, %add3A_1836 : i32
      %get3A_1838 = arith.index_cast %add3A_1837 : i32 to index
      %get3A_1839 = arith.constant 32 : index
      %get3A_1840 = tpu.vector_load %arg10[%get3A_1838, %get3A_1839] {strides = array<i32>} : memref<104x128xf32, #tpu.memory_space<vmem>>, vector<1x16xf32>,
      %get3A_1841 = vector.shape_cast %get3A_1840 : vector<1x16xf32> to vector<16xf32>
      %add3A_1842 = arith.addf %add3A_1835, %get3A_1841 : vector<16xf32>
      %add3A_1843 = arith.constant 6 : i32
      %add3A_1844 = arith.addi %mul3A_1382, %add3A_1843 : i32
      %get3A_1845 = arith.index_cast %add3A_1844 : i32 to index
      %get3A_1846 = arith.constant 96 : index
      %get3A_1847 = tpu.vector_load %arg10[%get3A_1845, %get3A_1846] {strides = array<i32>} : memref<104x128xf32, #tpu.memory_space<vmem>>, vector<1x16xf32>,
      %get3A_1848 = vector.shape_cast %get3A_1847 : vector<1x16xf32> to vector<16xf32>
      %add3A_1849 = arith.addf %add3A_1842, %get3A_1848 : vector<16xf32>
      %add3A_1850 = arith.constant 7 : i32
      %add3A_1851 = arith.addi %mul3A_1382, %add3A_1850 : i32
      %get3A_1852 = arith.index_cast %add3A_1851 : i32 to index
      %get3A_1853 = arith.constant 32 : index
      %get3A_1854 = tpu.vector_load %arg10[%get3A_1852, %get3A_1853] {strides = array<i32>} : memref<104x128xf32, #tpu.memory_space<vmem>>, vector<1x16xf32>,
      %get3A_1855 = vector.shape_cast %get3A_1854 : vector<1x16xf32> to vector<16xf32>
      %add3A_1856 = arith.addf %add3A_1849, %get3A_1855 : vector<16xf32>
      %add3A_1857 = arith.constant 7 : i32
      %add3A_1858 = arith.addi %mul3A_1382, %add3A_1857 : i32
      %get3A_1859 = arith.index_cast %add3A_1858 : i32 to index
      %get3A_1860 = arith.constant 96 : index
      %get3A_1861 = tpu.vector_load %arg10[%get3A_1859, %get3A_1860] {strides = array<i32>} : memref<104x128xf32, #tpu.memory_space<vmem>>, vector<1x16xf32>,
      %get3A_1862 = vector.shape_cast %get3A_1861 : vector<1x16xf32> to vector<16xf32>
      %add3A_1863 = arith.addf %add3A_1856, %get3A_1862 : vector<16xf32>
      %add3A_1864 = arith.constant 8 : i32
      %add3A_1865 = arith.addi %mul3A_1382, %add3A_1864 : i32
      %get3A_1866 = arith.index_cast %add3A_1865 : i32 to index
      %get3A_1867 = arith.constant 32 : index
      %get3A_1868 = tpu.vector_load %arg10[%get3A_1866, %get3A_1867] {strides = array<i32>} : memref<104x128xf32, #tpu.memory_space<vmem>>, vector<1x16xf32>,
      %get3A_1869 = vector.shape_cast %get3A_1868 : vector<1x16xf32> to vector<16xf32>
      %add3A_1870 = arith.addf %add3A_1863, %get3A_1869 : vector<16xf32>
      %add3A_1871 = arith.constant 8 : i32
      %add3A_1872 = arith.addi %mul3A_1382, %add3A_1871 : i32
      %get3A_1873 = arith.index_cast %add3A_1872 : i32 to index
      %get3A_1874 = arith.constant 96 : index
      %get3A_1875 = tpu.vector_load %arg10[%get3A_1873, %get3A_1874] {strides = array<i32>} : memref<104x128xf32, #tpu.memory_space<vmem>>, vector<1x16xf32>,
      %get3A_1876 = vector.shape_cast %get3A_1875 : vector<1x16xf32> to vector<16xf32>
      %add3A_1877 = arith.addf %add3A_1870, %get3A_1876 : vector<16xf32>
      %add3A_1878 = arith.constant 9 : i32
      %add3A_1879 = arith.addi %mul3A_1382, %add3A_1878 : i32
      %get3A_1880 = arith.index_cast %add3A_1879 : i32 to index
      %get3A_1881 = arith.constant 32 : index
      %get3A_1882 = tpu.vector_load %arg10[%get3A_1880, %get3A_1881] {strides = array<i32>} : memref<104x128xf32, #tpu.memory_space<vmem>>, vector<1x16xf32>,
      %get3A_1883 = vector.shape_cast %get3A_1882 : vector<1x16xf32> to vector<16xf32>
      %add3A_1884 = arith.addf %add3A_1877, %get3A_1883 : vector<16xf32>
      %add3A_1885 = arith.constant 9 : i32
      %add3A_1886 = arith.addi %mul3A_1382, %add3A_1885 : i32
      %get3A_1887 = arith.index_cast %add3A_1886 : i32 to index
      %get3A_1888 = arith.constant 96 : index
      %get3A_1889 = tpu.vector_load %arg10[%get3A_1887, %get3A_1888] {strides = array<i32>} : memref<104x128xf32, #tpu.memory_space<vmem>>, vector<1x16xf32>,
      %get3A_1890 = vector.shape_cast %get3A_1889 : vector<1x16xf32> to vector<16xf32>
      %add3A_1891 = arith.addf %add3A_1884, %get3A_1890 : vector<16xf32>
      %add3A_1892 = arith.constant 10 : i32
      %add3A_1893 = arith.addi %mul3A_1382, %add3A_1892 : i32
      %get3A_1894 = arith.index_cast %add3A_1893 : i32 to index
      %get3A_1895 = arith.constant 32 : index
      %get3A_1896 = tpu.vector_load %arg10[%get3A_1894, %get3A_1895] {strides = array<i32>} : memref<104x128xf32, #tpu.memory_space<vmem>>, vector<1x16xf32>,
      %get3A_1897 = vector.shape_cast %get3A_1896 : vector<1x16xf32> to vector<16xf32>
      %add3A_1898 = arith.addf %add3A_1891, %get3A_1897 : vector<16xf32>
      %add3A_1899 = arith.constant 10 : i32
      %add3A_1900 = arith.addi %mul3A_1382, %add3A_1899 : i32
      %get3A_1901 = arith.index_cast %add3A_1900 : i32 to index
      %get3A_1902 = arith.constant 96 : index
      %get3A_1903 = tpu.vector_load %arg10[%get3A_1901, %get3A_1902] {strides = array<i32>} : memref<104x128xf32, #tpu.memory_space<vmem>>, vector<1x16xf32>,
      %get3A_1904 = vector.shape_cast %get3A_1903 : vector<1x16xf32> to vector<16xf32>
      %add3A_1905 = arith.addf %add3A_1898, %get3A_1904 : vector<16xf32>
      %add3A_1906 = arith.constant 11 : i32
      %add3A_1907 = arith.addi %mul3A_1382, %add3A_1906 : i32
      %get3A_1908 = arith.index_cast %add3A_1907 : i32 to index
      %get3A_1909 = arith.constant 32 : index
      %get3A_1910 = tpu.vector_load %arg10[%get3A_1908, %get3A_1909] {strides = array<i32>} : memref<104x128xf32, #tpu.memory_space<vmem>>, vector<1x16xf32>,
      %get3A_1911 = vector.shape_cast %get3A_1910 : vector<1x16xf32> to vector<16xf32>
      %add3A_1912 = arith.addf %add3A_1905, %get3A_1911 : vector<16xf32>
      %add3A_1913 = arith.constant 11 : i32
      %add3A_1914 = arith.addi %mul3A_1382, %add3A_1913 : i32
      %get3A_1915 = arith.index_cast %add3A_1914 : i32 to index
      %get3A_1916 = arith.constant 96 : index
      %get3A_1917 = tpu.vector_load %arg10[%get3A_1915, %get3A_1916] {strides = array<i32>} : memref<104x128xf32, #tpu.memory_space<vmem>>, vector<1x16xf32>,
      %get3A_1918 = vector.shape_cast %get3A_1917 : vector<1x16xf32> to vector<16xf32>
      %add3A_1919 = arith.addf %add3A_1912, %get3A_1918 : vector<16xf32>
      %add3A_1920 = arith.constant 12 : i32
      %add3A_1921 = arith.addi %mul3A_1382, %add3A_1920 : i32
      %get3A_1922 = arith.index_cast %add3A_1921 : i32 to index
      %get3A_1923 = arith.constant 32 : index
      %get3A_1924 = tpu.vector_load %arg10[%get3A_1922, %get3A_1923] {strides = array<i32>} : memref<104x128xf32, #tpu.memory_space<vmem>>, vector<1x16xf32>,
      %get3A_1925 = vector.shape_cast %get3A_1924 : vector<1x16xf32> to vector<16xf32>
      %add3A_1926 = arith.addf %add3A_1919, %get3A_1925 : vector<16xf32>
      %add3A_1927 = arith.constant 12 : i32
      %add3A_1928 = arith.addi %mul3A_1382, %add3A_1927 : i32
      %get3A_1929 = arith.index_cast %add3A_1928 : i32 to index
      %get3A_1930 = arith.constant 96 : index
      %get3A_1931 = tpu.vector_load %arg10[%get3A_1929, %get3A_1930] {strides = array<i32>} : memref<104x128xf32, #tpu.memory_space<vmem>>, vector<1x16xf32>,
      %get3A_1932 = vector.shape_cast %get3A_1931 : vector<1x16xf32> to vector<16xf32>
      %add3A_1933 = arith.addf %add3A_1926, %get3A_1932 : vector<16xf32>
      %swap3A_1934 = arith.constant 32 : index
      %swap3A_1935 = tpu.vector_load %arg12[%swap3A_1934] {strides = array<i32>} : memref<64xf32, #tpu.memory_space<vmem>>, vector<16xf32>,
      %swap3A_1936 = vector.shape_cast %swap3A_1935 : vector<16xf32> to vector<16xf32>
      %swap3A_1937 = vector.shape_cast %add3A_1933 : vector<16xf32> to vector<16xf32>
      tpu.vector_store %arg12[%swap3A_1934], %swap3A_1937 {strides = array<i32>} : memref<64xf32, #tpu.memory_space<vmem>>, vector<16xf32>,
      %add3A_1938 = arith.constant 0 : i32
      %add3A_1939 = arith.addi %mul3A_1382, %add3A_1938 : i32
      %get3A_1940 = arith.index_cast %add3A_1939 : i32 to index
      %get3A_1941 = arith.constant 48 : index
      %get3A_1942 = tpu.vector_load %arg10[%get3A_1940, %get3A_1941] {strides = array<i32>} : memref<104x128xf32, #tpu.memory_space<vmem>>, vector<1x16xf32>,
      %get3A_1943 = vector.shape_cast %get3A_1942 : vector<1x16xf32> to vector<16xf32>
      %add3A_1944 = arith.constant 0 : i32
      %add3A_1945 = arith.addi %mul3A_1382, %add3A_1944 : i32
      %get3A_1946 = arith.index_cast %add3A_1945 : i32 to index
      %get3A_1947 = arith.constant 112 : index
      %get3A_1948 = tpu.vector_load %arg10[%get3A_1946, %get3A_1947] {strides = array<i32>} : memref<104x128xf32, #tpu.memory_space<vmem>>, vector<1x16xf32>,
      %get3A_1949 = vector.shape_cast %get3A_1948 : vector<1x16xf32> to vector<16xf32>
      %add3A_1950 = arith.addf %get3A_1943, %get3A_1949 : vector<16xf32>
      %add3A_1951 = arith.constant 1 : i32
      %add3A_1952 = arith.addi %mul3A_1382, %add3A_1951 : i32
      %get3A_1953 = arith.index_cast %add3A_1952 : i32 to index
      %get3A_1954 = arith.constant 48 : index
      %get3A_1955 = tpu.vector_load %arg10[%get3A_1953, %get3A_1954] {strides = array<i32>} : memref<104x128xf32, #tpu.memory_space<vmem>>, vector<1x16xf32>,
      %get3A_1956 = vector.shape_cast %get3A_1955 : vector<1x16xf32> to vector<16xf32>
      %add3A_1957 = arith.addf %add3A_1950, %get3A_1956 : vector<16xf32>
      %add3A_1958 = arith.constant 1 : i32
      %add3A_1959 = arith.addi %mul3A_1382, %add3A_1958 : i32
      %get3A_1960 = arith.index_cast %add3A_1959 : i32 to index
      %get3A_1961 = arith.constant 112 : index
      %get3A_1962 = tpu.vector_load %arg10[%get3A_1960, %get3A_1961] {strides = array<i32>} : memref<104x128xf32, #tpu.memory_space<vmem>>, vector<1x16xf32>,
      %get3A_1963 = vector.shape_cast %get3A_1962 : vector<1x16xf32> to vector<16xf32>
      %add3A_1964 = arith.addf %add3A_1957, %get3A_1963 : vector<16xf32>
      %add3A_1965 = arith.constant 2 : i32
      %add3A_1966 = arith.addi %mul3A_1382, %add3A_1965 : i32
      %get3A_1967 = arith.index_cast %add3A_1966 : i32 to index
      %get3A_1968 = arith.constant 48 : index
      %get3A_1969 = tpu.vector_load %arg10[%get3A_1967, %get3A_1968] {strides = array<i32>} : memref<104x128xf32, #tpu.memory_space<vmem>>, vector<1x16xf32>,
      %get3A_1970 = vector.shape_cast %get3A_1969 : vector<1x16xf32> to vector<16xf32>
      %add3A_1971 = arith.addf %add3A_1964, %get3A_1970 : vector<16xf32>
      %add3A_1972 = arith.constant 2 : i32
      %add3A_1973 = arith.addi %mul3A_1382, %add3A_1972 : i32
      %get3A_1974 = arith.index_cast %add3A_1973 : i32 to index
      %get3A_1975 = arith.constant 112 : index
      %get3A_1976 = tpu.vector_load %arg10[%get3A_1974, %get3A_1975] {strides = array<i32>} : memref<104x128xf32, #tpu.memory_space<vmem>>, vector<1x16xf32>,
      %get3A_1977 = vector.shape_cast %get3A_1976 : vector<1x16xf32> to vector<16xf32>
      %add3A_1978 = arith.addf %add3A_1971, %get3A_1977 : vector<16xf32>
      %add3A_1979 = arith.constant 3 : i32
      %add3A_1980 = arith.addi %mul3A_1382, %add3A_1979 : i32
      %get3A_1981 = arith.index_cast %add3A_1980 : i32 to index
      %get3A_1982 = arith.constant 48 : index
      %get3A_1983 = tpu.vector_load %arg10[%get3A_1981, %get3A_1982] {strides = array<i32>} : memref<104x128xf32, #tpu.memory_space<vmem>>, vector<1x16xf32>,
      %get3A_1984 = vector.shape_cast %get3A_1983 : vector<1x16xf32> to vector<16xf32>
      %add3A_1985 = arith.addf %add3A_1978, %get3A_1984 : vector<16xf32>
      %add3A_1986 = arith.constant 3 : i32
      %add3A_1987 = arith.addi %mul3A_1382, %add3A_1986 : i32
      %get3A_1988 = arith.index_cast %add3A_1987 : i32 to index
      %get3A_1989 = arith.constant 112 : index
      %get3A_1990 = tpu.vector_load %arg10[%get3A_1988, %get3A_1989] {strides = array<i32>} : memref<104x128xf32, #tpu.memory_space<vmem>>, vector<1x16xf32>,
      %get3A_1991 = vector.shape_cast %get3A_1990 : vector<1x16xf32> to vector<16xf32>
      %add3A_1992 = arith.addf %add3A_1985, %get3A_1991 : vector<16xf32>
      %add3A_1993 = arith.constant 4 : i32
      %add3A_1994 = arith.addi %mul3A_1382, %add3A_1993 : i32
      %get3A_1995 = arith.index_cast %add3A_1994 : i32 to index
      %get3A_1996 = arith.constant 48 : index
      %get3A_1997 = tpu.vector_load %arg10[%get3A_1995, %get3A_1996] {strides = array<i32>} : memref<104x128xf32, #tpu.memory_space<vmem>>, vector<1x16xf32>,
      %get3A_1998 = vector.shape_cast %get3A_1997 : vector<1x16xf32> to vector<16xf32>
      %add3A_1999 = arith.addf %add3A_1992, %get3A_1998 : vector<16xf32>
      %add3A_2000 = arith.constant 4 : i32
      %add3A_2001 = arith.addi %mul3A_1382, %add3A_2000 : i32
      %get3A_2002 = arith.index_cast %add3A_2001 : i32 to index
      %get3A_2003 = arith.constant 112 : index
      %get3A_2004 = tpu.vector_load %arg10[%get3A_2002, %get3A_2003] {strides = array<i32>} : memref<104x128xf32, #tpu.memory_space<vmem>>, vector<1x16xf32>,
      %get3A_2005 = vector.shape_cast %get3A_2004 : vector<1x16xf32> to vector<16xf32>
      %add3A_2006 = arith.addf %add3A_1999, %get3A_2005 : vector<16xf32>
      %add3A_2007 = arith.constant 5 : i32
      %add3A_2008 = arith.addi %mul3A_1382, %add3A_2007 : i32
      %get3A_2009 = arith.index_cast %add3A_2008 : i32 to index
      %get3A_2010 = arith.constant 48 : index
      %get3A_2011 = tpu.vector_load %arg10[%get3A_2009, %get3A_2010] {strides = array<i32>} : memref<104x128xf32, #tpu.memory_space<vmem>>, vector<1x16xf32>,
      %get3A_2012 = vector.shape_cast %get3A_2011 : vector<1x16xf32> to vector<16xf32>
      %add3A_2013 = arith.addf %add3A_2006, %get3A_2012 : vector<16xf32>
      %add3A_2014 = arith.constant 5 : i32
      %add3A_2015 = arith.addi %mul3A_1382, %add3A_2014 : i32
      %get3A_2016 = arith.index_cast %add3A_2015 : i32 to index
      %get3A_2017 = arith.constant 112 : index
      %get3A_2018 = tpu.vector_load %arg10[%get3A_2016, %get3A_2017] {strides = array<i32>} : memref<104x128xf32, #tpu.memory_space<vmem>>, vector<1x16xf32>,
      %get3A_2019 = vector.shape_cast %get3A_2018 : vector<1x16xf32> to vector<16xf32>
      %add3A_2020 = arith.addf %add3A_2013, %get3A_2019 : vector<16xf32>
      %add3A_2021 = arith.constant 6 : i32
      %add3A_2022 = arith.addi %mul3A_1382, %add3A_2021 : i32
      %get3A_2023 = arith.index_cast %add3A_2022 : i32 to index
      %get3A_2024 = arith.constant 48 : index
      %get3A_2025 = tpu.vector_load %arg10[%get3A_2023, %get3A_2024] {strides = array<i32>} : memref<104x128xf32, #tpu.memory_space<vmem>>, vector<1x16xf32>,
      %get3A_2026 = vector.shape_cast %get3A_2025 : vector<1x16xf32> to vector<16xf32>
      %add3A_2027 = arith.addf %add3A_2020, %get3A_2026 : vector<16xf32>
      %add3A_2028 = arith.constant 6 : i32
      %add3A_2029 = arith.addi %mul3A_1382, %add3A_2028 : i32
      %get3A_2030 = arith.index_cast %add3A_2029 : i32 to index
      %get3A_2031 = arith.constant 112 : index
      %get3A_2032 = tpu.vector_load %arg10[%get3A_2030, %get3A_2031] {strides = array<i32>} : memref<104x128xf32, #tpu.memory_space<vmem>>, vector<1x16xf32>,
      %get3A_2033 = vector.shape_cast %get3A_2032 : vector<1x16xf32> to vector<16xf32>
      %add3A_2034 = arith.addf %add3A_2027, %get3A_2033 : vector<16xf32>
      %add3A_2035 = arith.constant 7 : i32
      %add3A_2036 = arith.addi %mul3A_1382, %add3A_2035 : i32
      %get3A_2037 = arith.index_cast %add3A_2036 : i32 to index
      %get3A_2038 = arith.constant 48 : index
      %get3A_2039 = tpu.vector_load %arg10[%get3A_2037, %get3A_2038] {strides = array<i32>} : memref<104x128xf32, #tpu.memory_space<vmem>>, vector<1x16xf32>,
      %get3A_2040 = vector.shape_cast %get3A_2039 : vector<1x16xf32> to vector<16xf32>
      %add3A_2041 = arith.addf %add3A_2034, %get3A_2040 : vector<16xf32>
      %add3A_2042 = arith.constant 7 : i32
      %add3A_2043 = arith.addi %mul3A_1382, %add3A_2042 : i32
      %get3A_2044 = arith.index_cast %add3A_2043 : i32 to index
      %get3A_2045 = arith.constant 112 : index
      %get3A_2046 = tpu.vector_load %arg10[%get3A_2044, %get3A_2045] {strides = array<i32>} : memref<104x128xf32, #tpu.memory_space<vmem>>, vector<1x16xf32>,
      %get3A_2047 = vector.shape_cast %get3A_2046 : vector<1x16xf32> to vector<16xf32>
      %add3A_2048 = arith.addf %add3A_2041, %get3A_2047 : vector<16xf32>
      %add3A_2049 = arith.constant 8 : i32
      %add3A_2050 = arith.addi %mul3A_1382, %add3A_2049 : i32
      %get3A_2051 = arith.index_cast %add3A_2050 : i32 to index
      %get3A_2052 = arith.constant 48 : index
      %get3A_2053 = tpu.vector_load %arg10[%get3A_2051, %get3A_2052] {strides = array<i32>} : memref<104x128xf32, #tpu.memory_space<vmem>>, vector<1x16xf32>,
      %get3A_2054 = vector.shape_cast %get3A_2053 : vector<1x16xf32> to vector<16xf32>
      %add3A_2055 = arith.addf %add3A_2048, %get3A_2054 : vector<16xf32>
      %add3A_2056 = arith.constant 8 : i32
      %add3A_2057 = arith.addi %mul3A_1382, %add3A_2056 : i32
      %get3A_2058 = arith.index_cast %add3A_2057 : i32 to index
      %get3A_2059 = arith.constant 112 : index
      %get3A_2060 = tpu.vector_load %arg10[%get3A_2058, %get3A_2059] {strides = array<i32>} : memref<104x128xf32, #tpu.memory_space<vmem>>, vector<1x16xf32>,
      %get3A_2061 = vector.shape_cast %get3A_2060 : vector<1x16xf32> to vector<16xf32>
      %add3A_2062 = arith.addf %add3A_2055, %get3A_2061 : vector<16xf32>
      %add3A_2063 = arith.constant 9 : i32
      %add3A_2064 = arith.addi %mul3A_1382, %add3A_2063 : i32
      %get3A_2065 = arith.index_cast %add3A_2064 : i32 to index
      %get3A_2066 = arith.constant 48 : index
      %get3A_2067 = tpu.vector_load %arg10[%get3A_2065, %get3A_2066] {strides = array<i32>} : memref<104x128xf32, #tpu.memory_space<vmem>>, vector<1x16xf32>,
      %get3A_2068 = vector.shape_cast %get3A_2067 : vector<1x16xf32> to vector<16xf32>
      %add3A_2069 = arith.addf %add3A_2062, %get3A_2068 : vector<16xf32>
      %add3A_2070 = arith.constant 9 : i32
      %add3A_2071 = arith.addi %mul3A_1382, %add3A_2070 : i32
      %get3A_2072 = arith.index_cast %add3A_2071 : i32 to index
      %get3A_2073 = arith.constant 112 : index
      %get3A_2074 = tpu.vector_load %arg10[%get3A_2072, %get3A_2073] {strides = array<i32>} : memref<104x128xf32, #tpu.memory_space<vmem>>, vector<1x16xf32>,
      %get3A_2075 = vector.shape_cast %get3A_2074 : vector<1x16xf32> to vector<16xf32>
      %add3A_2076 = arith.addf %add3A_2069, %get3A_2075 : vector<16xf32>
      %add3A_2077 = arith.constant 10 : i32
      %add3A_2078 = arith.addi %mul3A_1382, %add3A_2077 : i32
      %get3A_2079 = arith.index_cast %add3A_2078 : i32 to index
      %get3A_2080 = arith.constant 48 : index
      %get3A_2081 = tpu.vector_load %arg10[%get3A_2079, %get3A_2080] {strides = array<i32>} : memref<104x128xf32, #tpu.memory_space<vmem>>, vector<1x16xf32>,
      %get3A_2082 = vector.shape_cast %get3A_2081 : vector<1x16xf32> to vector<16xf32>
      %add3A_2083 = arith.addf %add3A_2076, %get3A_2082 : vector<16xf32>
      %add3A_2084 = arith.constant 10 : i32
      %add3A_2085 = arith.addi %mul3A_1382, %add3A_2084 : i32
      %get3A_2086 = arith.index_cast %add3A_2085 : i32 to index
      %get3A_2087 = arith.constant 112 : index
      %get3A_2088 = tpu.vector_load %arg10[%get3A_2086, %get3A_2087] {strides = array<i32>} : memref<104x128xf32, #tpu.memory_space<vmem>>, vector<1x16xf32>,
      %get3A_2089 = vector.shape_cast %get3A_2088 : vector<1x16xf32> to vector<16xf32>
      %add3A_2090 = arith.addf %add3A_2083, %get3A_2089 : vector<16xf32>
      %add3A_2091 = arith.constant 11 : i32
      %add3A_2092 = arith.addi %mul3A_1382, %add3A_2091 : i32
      %get3A_2093 = arith.index_cast %add3A_2092 : i32 to index
      %get3A_2094 = arith.constant 48 : index
      %get3A_2095 = tpu.vector_load %arg10[%get3A_2093, %get3A_2094] {strides = array<i32>} : memref<104x128xf32, #tpu.memory_space<vmem>>, vector<1x16xf32>,
      %get3A_2096 = vector.shape_cast %get3A_2095 : vector<1x16xf32> to vector<16xf32>
      %add3A_2097 = arith.addf %add3A_2090, %get3A_2096 : vector<16xf32>
      %add3A_2098 = arith.constant 11 : i32
      %add3A_2099 = arith.addi %mul3A_1382, %add3A_2098 : i32
      %get3A_2100 = arith.index_cast %add3A_2099 : i32 to index
      %get3A_2101 = arith.constant 112 : index
      %get3A_2102 = tpu.vector_load %arg10[%get3A_2100, %get3A_2101] {strides = array<i32>} : memref<104x128xf32, #tpu.memory_space<vmem>>, vector<1x16xf32>,
      %get3A_2103 = vector.shape_cast %get3A_2102 : vector<1x16xf32> to vector<16xf32>
      %add3A_2104 = arith.addf %add3A_2097, %get3A_2103 : vector<16xf32>
      %add3A_2105 = arith.constant 12 : i32
      %add3A_2106 = arith.addi %mul3A_1382, %add3A_2105 : i32
      %get3A_2107 = arith.index_cast %add3A_2106 : i32 to index
      %get3A_2108 = arith.constant 48 : index
      %get3A_2109 = tpu.vector_load %arg10[%get3A_2107, %get3A_2108] {strides = array<i32>} : memref<104x128xf32, #tpu.memory_space<vmem>>, vector<1x16xf32>,
      %get3A_2110 = vector.shape_cast %get3A_2109 : vector<1x16xf32> to vector<16xf32>
      %add3A_2111 = arith.addf %add3A_2104, %get3A_2110 : vector<16xf32>
      %add3A_2112 = arith.constant 12 : i32
      %add3A_2113 = arith.addi %mul3A_1382, %add3A_2112 : i32
      %get3A_2114 = arith.index_cast %add3A_2113 : i32 to index
      %get3A_2115 = arith.constant 112 : index
      %get3A_2116 = tpu.vector_load %arg10[%get3A_2114, %get3A_2115] {strides = array<i32>} : memref<104x128xf32, #tpu.memory_space<vmem>>, vector<1x16xf32>,
      %get3A_2117 = vector.shape_cast %get3A_2116 : vector<1x16xf32> to vector<16xf32>
      %add3A_2118 = arith.addf %add3A_2111, %get3A_2117 : vector<16xf32>
      %swap3A_2119 = arith.constant 48 : index
      %swap3A_2120 = tpu.vector_load %arg12[%swap3A_2119] {strides = array<i32>} : memref<64xf32, #tpu.memory_space<vmem>>, vector<16xf32>,
      %swap3A_2121 = vector.shape_cast %swap3A_2120 : vector<16xf32> to vector<16xf32>
      %swap3A_2122 = vector.shape_cast %add3A_2118 : vector<16xf32> to vector<16xf32>
      tpu.vector_store %arg12[%swap3A_2119], %swap3A_2122 {strides = array<i32>} : memref<64xf32, #tpu.memory_space<vmem>>, vector<16xf32>,
      %mul3A_2123 = arith.constant 512 : i32
      %mul3A_2124 = arith.muli %add3A, %mul3A_2123 : i32
      %mul3A_2125 = arith.constant 64 : i32
      %mul3A_2126 = arith.muli %add3A_1198, %mul3A_2125 : i32
      %add3A_2127 = arith.addi %mul3A_2124, %mul3A_2126 : i32
      "tpu.region"() ({
        %run_scoped3A = tpu.sem_alloc : memref<!tpu.dma_semaphore, #tpu.memory_space<semaphore_mem>>
        %dma_start3A_2128 = arith.constant 0 : i32
        %dma_start3A_2129 = tpu.memref_slice %arg5[%add3A_2127, %dma_start3A_2128] : memref<16384x16xf32, #tpu.memory_space<hbm>> -> memref<64x16xf32, #tpu.memory_space<hbm>>
        %dma_start3A_2130 = arith.constant 0 : i32
        %dma_start3A_2131 = tpu.memref_slice %arg5[%add3A_2127, %dma_start3A_2130] : memref<16384x16xf32, #tpu.memory_space<hbm>> -> memref<64x16xf32, #tpu.memory_space<hbm>>
        tpu.enqueue_dma source(%arg11 : memref<64x16xf32, #tpu.memory_space<vmem>>) target(%dma_start3A_2131 : memref<64x16xf32, #tpu.memory_space<hbm>>) target_semaphore(%run_scoped3A : memref<!tpu.dma_semaphore, #tpu.memory_space<semaphore_mem>>)
        %dma_wait3A_2132 = arith.constant 0 : i32
        %dma_wait3A_2133 = tpu.memref_slice %arg5[%add3A_2127, %dma_wait3A_2132] : memref<16384x16xf32, #tpu.memory_space<hbm>> -> memref<64x16xf32, #tpu.memory_space<hbm>>
        %dma_wait3A_2134 = arith.constant 0 : i32
        %dma_wait3A_2135 = tpu.memref_slice %arg5[%add3A_2127, %dma_wait3A_2134] : memref<16384x16xf32, #tpu.memory_space<hbm>> -> memref<64x16xf32, #tpu.memory_space<hbm>>
        tpu.wait_dma2 semaphore(%run_scoped3A : memref<!tpu.dma_semaphore, #tpu.memory_space<semaphore_mem>>) src(%arg11 : memref<64x16xf32, #tpu.memory_space<vmem>>) dst(%dma_wait3A_2135 : memref<64x16xf32, #tpu.memory_space<hbm>>)
        tpu.yield
      }) : () -> ()
      "tpu.region"() ({
        %run_scoped3A = tpu.sem_alloc : memref<!tpu.dma_semaphore, #tpu.memory_space<semaphore_mem>>
        %dma_start3A_2128 = tpu.memref_slice %arg6[%add3A_2127] : memref<16384xf32, #tpu.memory_space<hbm>> -> memref<64xf32, #tpu.memory_space<hbm>>
        %dma_start3A_2129 = tpu.memref_slice %arg6[%add3A_2127] : memref<16384xf32, #tpu.memory_space<hbm>> -> memref<64xf32, #tpu.memory_space<hbm>>
        tpu.enqueue_dma source(%arg12 : memref<64xf32, #tpu.memory_space<vmem>>) target(%dma_start3A_2129 : memref<64xf32, #tpu.memory_space<hbm>>) target_semaphore(%run_scoped3A : memref<!tpu.dma_semaphore, #tpu.memory_space<semaphore_mem>>)
        %dma_wait3A_2130 = tpu.memref_slice %arg6[%add3A_2127] : memref<16384xf32, #tpu.memory_space<hbm>> -> memref<64xf32, #tpu.memory_space<hbm>>
        %dma_wait3A_2131 = tpu.memref_slice %arg6[%add3A_2127] : memref<16384xf32, #tpu.memory_space<hbm>> -> memref<64xf32, #tpu.memory_space<hbm>>
        tpu.wait_dma2 semaphore(%run_scoped3A : memref<!tpu.dma_semaphore, #tpu.memory_space<semaphore_mem>>) src(%arg12 : memref<64xf32, #tpu.memory_space<vmem>>) dst(%dma_wait3A_2131 : memref<64xf32, #tpu.memory_space<hbm>>)
        tpu.yield
      }) : () -> ()
    }
    %scan3A_268 = arith.constant 4 : i32
    return
  }
}

module attributes {stable_mosaic.version = 14 : i64} {
  func.func @_mlp_body(%arg0: memref<16384x16xf32, #tpu.memory_space<vmem>>, %arg1: memref<16384x1xf32, #tpu.memory_space<vmem>>, %arg2: memref<1x16xf32, #tpu.memory_space<vmem>>, %arg3: memref<1x16xf32, #tpu.memory_space<vmem>>, %arg4: memref<16x64xf32, #tpu.memory_space<vmem>>, %arg5: memref<1x64xf32, #tpu.memory_space<vmem>>, %arg6: memref<1x64xf32, #tpu.memory_space<vmem>>, %arg7: memref<1x64xf32, #tpu.memory_space<vmem>>, %arg8: memref<64x32xf32, #tpu.memory_space<vmem>>, %arg9: memref<1x32xf32, #tpu.memory_space<vmem>>, %arg10: memref<1x32xf32, #tpu.memory_space<vmem>>, %arg11: memref<1x32xf32, #tpu.memory_space<vmem>>, %arg12: memref<32x1xf32, #tpu.memory_space<vmem>>, %arg13: memref<1x1xf32, #tpu.memory_space<vmem>>, %arg14: memref<1x1xf32, #tpu.memory_space<vmem>>, %arg15: memref<16384x1xf32, #tpu.memory_space<vmem>>) attributes {dimension_semantics = [], scalar_prefetch = 0 : i64, scratch_operands = 0 : i64, tpu.core_type = #tpu.core_type<tc>} {
    %broadcast_in_dim3A = arith.constant 6.10351563E-5 : f32
    %broadcast_in_dim3A_0 = vector.broadcast %broadcast_in_dim3A : f32 to vector<1x16384xf32>
    %get3A = arith.constant 0 : index
    %get3A_1 = arith.constant 0 : index
    %get3A_2 = vector.load %arg0[%get3A, %get3A_1] : memref<16384x16xf32, #tpu.memory_space<vmem>>, vector<16384x16xf32>
    %get3A_3 = arith.constant 0 : index
    %get3A_4 = arith.constant 0 : index
    %get3A_5 = vector.load %arg2[%get3A_3, %get3A_4] : memref<1x16xf32, #tpu.memory_space<vmem>>, vector<1x16xf32>
    %get3A_6 = arith.constant 0 : index
    %get3A_7 = arith.constant 0 : index
    %get3A_8 = vector.load %arg3[%get3A_6, %get3A_7] : memref<1x16xf32, #tpu.memory_space<vmem>>, vector<1x16xf32>
    %dot_general3A = arith.constant dense<0.000000e+00> : vector<1x16xf32>
    %dot_general3A_9 = tpu.matmul %broadcast_in_dim3A_0, %get3A_2, %dot_general3A {dimension_numbers = #tpu.dot_dimension_numbers<[1], [0], [0], [1], [0, 0, 1, 1], [], []>, transpose_lhs_hint = false} : vector<1x16384xf32>, vector<16384x16xf32>, vector<1x16xf32> -> vector<1x16xf32>
    %mul3A = arith.mulf %get3A_2, %get3A_2 : vector<16384x16xf32>
    %dot_general3A_10 = arith.constant dense<0.000000e+00> : vector<1x16xf32>
    %dot_general3A_11 = tpu.matmul %broadcast_in_dim3A_0, %mul3A, %dot_general3A_10 {dimension_numbers = #tpu.dot_dimension_numbers<[1], [0], [0], [1], [0, 0, 1, 1], [], []>, transpose_lhs_hint = false} : vector<1x16384xf32>, vector<16384x16xf32>, vector<1x16xf32> -> vector<1x16xf32>
    %mul3A_12 = arith.mulf %dot_general3A_9, %dot_general3A_9 : vector<1x16xf32>
    %sub3A = arith.subf %dot_general3A_11, %mul3A_12 : vector<1x16xf32>
    %add3A = arith.constant 9.99999974E-6 : f32
    %add3A_13 = vector.broadcast %add3A : f32 to vector<1x16xf32>
    %add3A_14 = arith.addf %sub3A, %add3A_13 : vector<1x16xf32>
    %rsqrt3A = math.rsqrt %add3A_14 : vector<1x16xf32>
    %mul3A_15 = arith.mulf %get3A_5, %rsqrt3A : vector<1x16xf32>
    %mul3A_16 = arith.mulf %dot_general3A_9, %mul3A_15 : vector<1x16xf32>
    %sub3A_17 = arith.subf %get3A_8, %mul3A_16 : vector<1x16xf32>
    %mul3A_18 = vector.broadcast %mul3A_15 : vector<1x16xf32> to vector<16384x16xf32>
    %mul3A_19 = arith.mulf %get3A_2, %mul3A_18 : vector<16384x16xf32>
    %add3A_20 = vector.broadcast %sub3A_17 : vector<1x16xf32> to vector<16384x16xf32>
    %add3A_21 = arith.addf %mul3A_19, %add3A_20 : vector<16384x16xf32>
    %get3A_22 = arith.constant 0 : index
    %get3A_23 = arith.constant 0 : index
    %get3A_24 = vector.load %arg4[%get3A_22, %get3A_23] : memref<16x64xf32, #tpu.memory_space<vmem>>, vector<16x64xf32>
    %dot_general3A_25 = arith.constant dense<0.000000e+00> : vector<16384x64xf32>
    %dot_general3A_26 = tpu.matmul %add3A_21, %get3A_24, %dot_general3A_25 {dimension_numbers = #tpu.dot_dimension_numbers<[1], [0], [0], [1], [0, 0, 1, 1], [], []>, transpose_lhs_hint = false} : vector<16384x16xf32>, vector<16x64xf32>, vector<16384x64xf32> -> vector<16384x64xf32>
    %get3A_27 = arith.constant 0 : index
    %get3A_28 = arith.constant 0 : index
    %get3A_29 = vector.load %arg5[%get3A_27, %get3A_28] : memref<1x64xf32, #tpu.memory_space<vmem>>, vector<1x64xf32>
    %add3A_30 = vector.broadcast %get3A_29 : vector<1x64xf32> to vector<16384x64xf32>
    %add3A_31 = arith.addf %dot_general3A_26, %add3A_30 : vector<16384x64xf32>
    %get3A_32 = arith.constant 0 : index
    %get3A_33 = arith.constant 0 : index
    %get3A_34 = vector.load %arg6[%get3A_32, %get3A_33] : memref<1x64xf32, #tpu.memory_space<vmem>>, vector<1x64xf32>
    %get3A_35 = arith.constant 0 : index
    %get3A_36 = arith.constant 0 : index
    %get3A_37 = vector.load %arg7[%get3A_35, %get3A_36] : memref<1x64xf32, #tpu.memory_space<vmem>>, vector<1x64xf32>
    %dot_general3A_38 = arith.constant dense<0.000000e+00> : vector<1x64xf32>
    %dot_general3A_39 = tpu.matmul %broadcast_in_dim3A_0, %add3A_31, %dot_general3A_38 {dimension_numbers = #tpu.dot_dimension_numbers<[1], [0], [0], [1], [0, 0, 1, 1], [], []>, transpose_lhs_hint = false} : vector<1x16384xf32>, vector<16384x64xf32>, vector<1x64xf32> -> vector<1x64xf32>
    %mul3A_40 = arith.mulf %add3A_31, %add3A_31 : vector<16384x64xf32>
    %dot_general3A_41 = arith.constant dense<0.000000e+00> : vector<1x64xf32>
    %dot_general3A_42 = tpu.matmul %broadcast_in_dim3A_0, %mul3A_40, %dot_general3A_41 {dimension_numbers = #tpu.dot_dimension_numbers<[1], [0], [0], [1], [0, 0, 1, 1], [], []>, transpose_lhs_hint = false} : vector<1x16384xf32>, vector<16384x64xf32>, vector<1x64xf32> -> vector<1x64xf32>
    %mul3A_43 = arith.mulf %dot_general3A_39, %dot_general3A_39 : vector<1x64xf32>
    %sub3A_44 = arith.subf %dot_general3A_42, %mul3A_43 : vector<1x64xf32>
    %add3A_45 = arith.constant 9.99999974E-6 : f32
    %add3A_46 = vector.broadcast %add3A_45 : f32 to vector<1x64xf32>
    %add3A_47 = arith.addf %sub3A_44, %add3A_46 : vector<1x64xf32>
    %rsqrt3A_48 = math.rsqrt %add3A_47 : vector<1x64xf32>
    %mul3A_49 = arith.mulf %get3A_34, %rsqrt3A_48 : vector<1x64xf32>
    %mul3A_50 = arith.mulf %dot_general3A_39, %mul3A_49 : vector<1x64xf32>
    %sub3A_51 = arith.subf %get3A_37, %mul3A_50 : vector<1x64xf32>
    %mul3A_52 = vector.broadcast %mul3A_49 : vector<1x64xf32> to vector<16384x64xf32>
    %mul3A_53 = arith.mulf %add3A_31, %mul3A_52 : vector<16384x64xf32>
    %add3A_54 = vector.broadcast %sub3A_51 : vector<1x64xf32> to vector<16384x64xf32>
    %add3A_55 = arith.addf %mul3A_53, %add3A_54 : vector<16384x64xf32>
    %max3A = arith.constant 0.000000e+00 : f32
    %max3A_56 = vector.broadcast %max3A : f32 to vector<16384x64xf32>
    %max3A_57 = arith.maximumf %add3A_55, %max3A_56 : vector<16384x64xf32>
    %get3A_58 = arith.constant 0 : index
    %get3A_59 = arith.constant 0 : index
    %get3A_60 = vector.load %arg8[%get3A_58, %get3A_59] : memref<64x32xf32, #tpu.memory_space<vmem>>, vector<64x32xf32>
    %dot_general3A_61 = arith.constant dense<0.000000e+00> : vector<16384x32xf32>
    %dot_general3A_62 = tpu.matmul %max3A_57, %get3A_60, %dot_general3A_61 {dimension_numbers = #tpu.dot_dimension_numbers<[1], [0], [0], [1], [0, 0, 1, 1], [], []>, transpose_lhs_hint = false} : vector<16384x64xf32>, vector<64x32xf32>, vector<16384x32xf32> -> vector<16384x32xf32>
    %get3A_63 = arith.constant 0 : index
    %get3A_64 = arith.constant 0 : index
    %get3A_65 = vector.load %arg9[%get3A_63, %get3A_64] : memref<1x32xf32, #tpu.memory_space<vmem>>, vector<1x32xf32>
    %add3A_66 = vector.broadcast %get3A_65 : vector<1x32xf32> to vector<16384x32xf32>
    %add3A_67 = arith.addf %dot_general3A_62, %add3A_66 : vector<16384x32xf32>
    %get3A_68 = arith.constant 0 : index
    %get3A_69 = arith.constant 0 : index
    %get3A_70 = vector.load %arg10[%get3A_68, %get3A_69] : memref<1x32xf32, #tpu.memory_space<vmem>>, vector<1x32xf32>
    %get3A_71 = arith.constant 0 : index
    %get3A_72 = arith.constant 0 : index
    %get3A_73 = vector.load %arg11[%get3A_71, %get3A_72] : memref<1x32xf32, #tpu.memory_space<vmem>>, vector<1x32xf32>
    %dot_general3A_74 = arith.constant dense<0.000000e+00> : vector<1x32xf32>
    %dot_general3A_75 = tpu.matmul %broadcast_in_dim3A_0, %add3A_67, %dot_general3A_74 {dimension_numbers = #tpu.dot_dimension_numbers<[1], [0], [0], [1], [0, 0, 1, 1], [], []>, transpose_lhs_hint = false} : vector<1x16384xf32>, vector<16384x32xf32>, vector<1x32xf32> -> vector<1x32xf32>
    %mul3A_76 = arith.mulf %add3A_67, %add3A_67 : vector<16384x32xf32>
    %dot_general3A_77 = arith.constant dense<0.000000e+00> : vector<1x32xf32>
    %dot_general3A_78 = tpu.matmul %broadcast_in_dim3A_0, %mul3A_76, %dot_general3A_77 {dimension_numbers = #tpu.dot_dimension_numbers<[1], [0], [0], [1], [0, 0, 1, 1], [], []>, transpose_lhs_hint = false} : vector<1x16384xf32>, vector<16384x32xf32>, vector<1x32xf32> -> vector<1x32xf32>
    %mul3A_79 = arith.mulf %dot_general3A_75, %dot_general3A_75 : vector<1x32xf32>
    %sub3A_80 = arith.subf %dot_general3A_78, %mul3A_79 : vector<1x32xf32>
    %add3A_81 = arith.constant 9.99999974E-6 : f32
    %add3A_82 = vector.broadcast %add3A_81 : f32 to vector<1x32xf32>
    %add3A_83 = arith.addf %sub3A_80, %add3A_82 : vector<1x32xf32>
    %rsqrt3A_84 = math.rsqrt %add3A_83 : vector<1x32xf32>
    %mul3A_85 = arith.mulf %get3A_70, %rsqrt3A_84 : vector<1x32xf32>
    %mul3A_86 = arith.mulf %dot_general3A_75, %mul3A_85 : vector<1x32xf32>
    %sub3A_87 = arith.subf %get3A_73, %mul3A_86 : vector<1x32xf32>
    %mul3A_88 = vector.broadcast %mul3A_85 : vector<1x32xf32> to vector<16384x32xf32>
    %mul3A_89 = arith.mulf %add3A_67, %mul3A_88 : vector<16384x32xf32>
    %add3A_90 = vector.broadcast %sub3A_87 : vector<1x32xf32> to vector<16384x32xf32>
    %add3A_91 = arith.addf %mul3A_89, %add3A_90 : vector<16384x32xf32>
    %max3A_92 = arith.constant 0.000000e+00 : f32
    %max3A_93 = vector.broadcast %max3A_92 : f32 to vector<16384x32xf32>
    %max3A_94 = arith.maximumf %add3A_91, %max3A_93 : vector<16384x32xf32>
    %get3A_95 = arith.constant 0 : index
    %get3A_96 = arith.constant 0 : index
    %get3A_97 = vector.load %arg12[%get3A_95, %get3A_96] : memref<32x1xf32, #tpu.memory_space<vmem>>, vector<32x1xf32>
    %dot_general3A_98 = arith.constant dense<0.000000e+00> : vector<16384x1xf32>
    %dot_general3A_99 = tpu.matmul %max3A_94, %get3A_97, %dot_general3A_98 {dimension_numbers = #tpu.dot_dimension_numbers<[1], [0], [0], [1], [0, 0, 1, 1], [], []>, transpose_lhs_hint = false} : vector<16384x32xf32>, vector<32x1xf32>, vector<16384x1xf32> -> vector<16384x1xf32>
    %get3A_100 = arith.constant 0 : index
    %get3A_101 = arith.constant 0 : index
    %get3A_102 = vector.load %arg13[%get3A_100, %get3A_101] : memref<1x1xf32, #tpu.memory_space<vmem>>, vector<1x1xf32>
    %add3A_103 = vector.broadcast %get3A_102 : vector<1x1xf32> to vector<16384x1xf32>
    %add3A_104 = arith.addf %dot_general3A_99, %add3A_103 : vector<16384x1xf32>
    %get3A_105 = arith.constant 0 : index
    %get3A_106 = arith.constant 0 : index
    %get3A_107 = vector.load %arg1[%get3A_105, %get3A_106] : memref<16384x1xf32, #tpu.memory_space<vmem>>, vector<16384x1xf32>
    %add3A_108 = arith.addf %add3A_104, %get3A_107 : vector<16384x1xf32>
    %get3A_109 = arith.constant 0 : index
    %get3A_110 = arith.constant 0 : index
    %get3A_111 = vector.load %arg14[%get3A_109, %get3A_110] : memref<1x1xf32, #tpu.memory_space<vmem>>, vector<1x1xf32>
    %add3A_112 = vector.broadcast %get3A_111 : vector<1x1xf32> to vector<16384x1xf32>
    %add3A_113 = arith.addf %add3A_108, %add3A_112 : vector<16384x1xf32>
    %swap3A = arith.constant 0 : index
    %swap3A_114 = arith.constant 0 : index
    %swap3A_115 = vector.load %arg15[%swap3A, %swap3A_114] : memref<16384x1xf32, #tpu.memory_space<vmem>>, vector<16384x1xf32>
    tpu.vector_store %arg15[%swap3A, %swap3A_114], %add3A_113 {strides = array<i32>} : memref<16384x1xf32, #tpu.memory_space<vmem>>, vector<16384x1xf32>,
    return
  }
}

</mosaic_0001>

<sc_bundles>
// kernel: gather_offload_async_start
scs
__scs_entry_jumppad:
0x0: {  	(pc) =	sbr.rel $0x88, $3  }
0x1: {  	(tag) =	ssettag $0x0;
	lr =	simm.s32 $0x1  }
0x2: {  	[smem:$0x3F91] =	sst lr;
	_ =	strace $0xD0000000  }
0x3: {  	_ = 	snop  }
0x4: {  	_ = 	snop  }
0x5: {  	_ = 	snop  }
0x6: {  	_ = 	snop  }
0x7: {  	_ = 	snop  }
__scs_overlays_trampoline_lowered:
0x8: {  	[smem:$0x3FA0] =	sst s0  }
0x9: {  	[smem:$0x3FA1] =	sst s1  }
0xa: {  	[smem:$0x3FA2] =	sst s2  }
0xb: {  	[smem:$0x3FA3] =	sst s3  }
0xc: {  	[smem:$0x3FA4] =	sst s4  }
0xd: {  	[smem:$0x3FA5] =	sst s5  }
0xe: {  	[smem:$0x3FA6] =	sst s6  }
0xf: {  	[smem:$0x3FA7] =	sst s7  }
0x10: {  	[smem:$0x3FA8] =	sst s8  }
0x11: {  	[smem:$0x3FA9] =	sst s9;
	s0 =	simm.s32 @!p0 $0x0  }
0x12: {  	s1 =	sld [smem:$0x3F8F];
	s0 =	simm.s32 @p0 $0x1  }
0x13: {  	[smem:$0x3FAA] =	sst s0;
	s0 =	simm.s32 @!p1 $0x0  }
0x14: {  	s2 =	sld [smem:$0x3F8E];
	s0 =	simm.s32 @p1 $0x1  }
0x15: {  	[smem:$0x3FAB] =	sst s0;
	s0 =	simm.s32 @!p2 $0x0  }
0x16: {  	s3 =	sld [smem:$0x3FDB];
	s0 =	simm.s32 @p2 $0x1  }
0x17: {  	s4 =	simm.s32 $0x1BF5;
	[smem:$0x3FAD] =	sst s0  }
0x18: {  	s0 =	sld [smem:$0x3F90];
	_ =	swait.ge [sflag:s4], $0x0  }
0x19: {  	s7 =	sld [smem:$0x3F91]  }
0x1a: {  	s8 =	sadd.s32 $0xFFFFE003, lr  }
0x1b: {  	s9 =	sadd.s32 $0xFFFFFEF7, lr;
	s5 =	simm.s32 $0xFFFFFFFF;
	p2 =	slt.u32 s8, $0xFFFFF086  }
0x1c: {  	p1 =	slt.u32 s9, $0xF7A;
	s5 =	simm.s32 @!p2 $0x0  }
0x1d: {  	s5 =	simm.s32 @p1 $0x1;
	p0 =	seq.s32 s7, s2  }
0x1e: {  	s7 =	smul.u32 @!p0 $0xF7A, s2;
	p2 =	seq.s32 @!p0 s5, $0x0  }
0x1f: {  	s9 =	smul.u32 $0xF7A, s1;
	s8 =	simm.s32 @!p0 $0x1BF5;
	p2 =	por !p2, p0  }
0x20: {  	[sflag:s8] =	ssyncset.s32 @!p0 $0xFFFFF086;
	s6 =	sadd.s32 @!p0 s3, s7;
	s7 =	simm.s32 @!p0 $0x108  }
0x21: {  	s3 =	sadd.s32 s3, s9;
	s6 =	sadd.s32 @!p0 $0x88, s6;
	s7 =	simm.s32 @p2 $0x1082  }
0x22: {  	[simem:s7], [sflag:s8] =	dma.local @!p0 [hbm:s6], $0xF7A  }
0x23: {  	s9 =	sor.u32 $0xD0000000, s2;
	s6 =	simm.s32 $0x108;
	_ =	swait.ge @!p0 [sflag:s8], $0x0  }
0x24: {  	s3 =	sadd.s32 $0x88, s3;
	s6 =	simm.s32 @!p1 $0x1082;
	[sflag:s4] =	ssyncset.s32 $0xFFFFF086  }
0x25: {  	[simem:s6], [sflag:s4] =	dma.local [hbm:s3], $0xF7A  }
0x26: {  	[smem:$0x3F91] =	sst s1;
	(tag) =	ssettag s2;
	_ =	strace s9  }
0x27: {  	s1 =	sld [smem:$0x3FA1]  }
0x28: {  	s2 =	sld [smem:$0x3FA2]  }
0x29: {  	s4 =	sld [smem:$0x3FA4]  }
0x2a: {  	p0 =	seq.s32 s5, $0x0;
	s5 =	sld [smem:$0x3FA5]  }
0x2b: {  	s6 =	sld [smem:$0x3FA6]  }
0x2c: {  	s7 =	sld [smem:$0x3FA7]  }
0x2d: {  	s3 =	simm.s32 $0x108;
	s8 =	sld [smem:$0x3FA8]  }
0x2e: {  	s3 =	simm.s32 @!p0 $0x1082;
	s9 =	sld [smem:$0x3FA9]  }
0x2f: {  	lr =	sadd.s32 s0, s3;
	s0 =	sld [smem:$0x3FA0]  }
0x30: {  	s3 =	sld [smem:$0x3FA3]  }
0x31: {  	[smem:$0x3FAC] =	sst s10  }
0x32: {  	s10 =	sld [smem:$0x3FAA];
	_ =	sdelay $0x3  }
0x33: {  	p0 =	seq.s32 s10, $0x1;
	s10 =	sld [smem:$0x3FAC];
	_ =	sdelay $0x3  }
0x34: {  	[smem:$0x3FAC] =	sst s10  }
0x35: {  	s10 =	sld [smem:$0x3FAB];
	_ =	sdelay $0x3  }
0x36: {  	p1 =	seq.s32 s10, $0x1;
	s10 =	sld [smem:$0x3FAC];
	_ =	sdelay $0x3  }
0x37: {  	[smem:$0x3FAC] =	sst s10  }
0x38: {  	s10 =	sld [smem:$0x3FAD]  }
0x39: {  	_ = 	snop;
	(pc) =	sbr.ind lr, $3  }
0x3a: {  	_ = 	snop  }
0x3b: {  	_ = 	snop  }
0x3c: {  	p2 =	seq.s32 s10, $0x1;
	s10 =	sld [smem:$0x3FAC]  }
0x3d: {  	_ =	shalt  }
0x3e: {  	_ =	shalt  }
0x3f: {  	_ =	shalt  }
0x40: {  	_ =	shalt  }
0x41: {  	_ =	shalt  }
0x42: {  	_ =	shalt  }
0x43: {  	_ =	shalt  }
0x44: {  	_ =	shalt  }
0x45: {  	_ =	shalt  }
0x46: {  	_ =	shalt  }
0x47: {  	_ =	shalt  }
0x48: {  	_ =	shalt  }
0x49: {  	_ =	shalt  }
0x4a: {  	_ =	shalt  }
0x4b: {  	_ =	shalt  }
0x4c: {  	_ =	shalt  }
0x4d: {  	_ =	shalt  }
0x4e: {  	_ =	shalt  }
0x4f: {  	_ =	shalt  }
0x50: {  	_ =	shalt  }
0x51: {  	_ =	shalt  }
0x52: {  	_ =	shalt  }
0x53: {  	_ =	shalt  }
0x54: {  	_ =	shalt  }
0x55: {  	_ =	shalt  }
0x56: {  	_ =	shalt  }
0x57: {  	_ =	shalt  }
0x58: {  	_ =	shalt  }
0x59: {  	_ =	shalt  }
0x5a: {  	_ =	shalt  }
0x5b: {  	_ =	shalt  }
0x5c: {  	_ =	shalt  }
0x5d: {  	_ =	shalt  }
0x5e: {  	_ =	shalt  }
0x5f: {  	_ =	shalt  }
0x60: {  	_ =	shalt  }
0x61: {  	_ =	shalt  }
0x62: {  	_ =	shalt  }
0x63: {  	_ =	shalt  }
0x64: {  	_ =	shalt  }
0x65: {  	_ =	shalt  }
0x66: {  	_ =	shalt  }
0x67: {  	_ =	shalt  }
0x68: {  	_ =	shalt  }
0x69: {  	_ =	shalt  }
0x6a: {  	_ =	shalt  }
0x6b: {  	_ =	shalt  }
0x6c: {  	_ =	shalt  }
0x6d: {  	_ =	shalt  }
0x6e: {  	_ =	shalt  }
0x6f: {  	_ =	shalt  }
0x70: {  	_ =	shalt  }
0x71: {  	_ =	shalt  }
0x72: {  	_ =	shalt  }
0x73: {  	_ =	shalt  }
0x74: {  	_ =	shalt  }
0x75: {  	_ =	shalt  }
0x76: {  	_ =	shalt  }
0x77: {  	_ =	shalt  }
0x78: {  	_ =	shalt  }
0x79: {  	_ =	shalt  }
0x7a: {  	_ =	shalt  }
0x7b: {  	_ =	shalt  }
0x7c: {  	_ =	shalt  }
0x7d: {  	_ =	shalt  }
0x7e: {  	_ =	shalt  }
0x7f: {  	_ =	shalt  }
0x80: {  	_ =	shalt  }
0x81: {  	_ =	shalt  }
0x82: {  	_ =	shalt  }
0x83: {  	_ =	shalt  }
0x84: {  	_ =	shalt  }
0x85: {  	_ =	shalt  }
0x86: {  	_ =	shalt  }
0x87: {  	_ =	shalt  }
.Lfunc_end0:
.L_simem_size_0:
called_computation_lowered:
.L_overlay_start_0:
0x88: {  	s2 =	sld [smem:$0x3FD9]  }
0x89: {  	s3 =	sld [smem:$0x3FFE];
	_ =	sdelay $0x1  }
0x8a: {  	s1 =	srdreg.scid  }
0x8b: {  	s0 =	sand.u32 $0x1, s1  }
0x8c: {  	s16 =	sshll.u32 s0, $0xA;
	s2 =	sadd.s32 s3, s2  }
0x8d: {  	s2 =	sadd.s32 s2, s16  }
0x8e: {  	[smem:$0x3FB8] =	sst s2  }
0x8f: {  	_ = 	snop  }
0x90: {  	(tm) =	ssettm $0x1  }
0x91: {  	s17 =	sld [smem:$0x3FFB];
	_ =	sdelay $0x3  }
0x92: {  	_ =	strace s17  }
0x93: {  	s2 =	sld [smem:$0x3FFC];
	_ =	sdelay $0x3  }
0x94: {  	_ =	strace s2  }
0x95: {  	s2 =	sld [smem:$0x3FFD];
	_ =	sdelay $0x3  }
0x96: {  	_ =	strace s2  }
0x97: {  	_ =	strace $0x8FFFFFFF  }
0x98: {  	s18 =	sld [smem:$0x3FDB];
	_ =	sdelay $0x1  }
0x99: {  	s19 =	simm.s32 $_scs_section_size  }
0x9a: {  	s4 =	simm.s32 $_size__tile_overlayer_lowered;
	s5 =	simm.s32 $_tile_overlayer_lowered  }
0x9b: {  	s22 =	simm.s32 $0x1BFF;
	s21 =	sshll.u32 s5, $0x1;
	s2 =	sadd.s32 s19, s18  }
0x9c: {  	s6 =	simm.s32 $0x0;
	s20 =	sshll.u32 s4, $0x1;
	s4 =	sadd.s32 s21, s2  }
0x9d: {  	[timem:s6], [sflag:s22] =	dma.local [hbm:s4], s20  }
0x9e: {  	_ =	swait.ge [sflag:s22], s20  }
0x9f: {  	s3 =	ssub.s32 $0x0, s20;
	[sflag:s22] =	ssyncset.done $0x0  }
0xa0: {  	[sflag:s22] =	ssyncadd.s32 s3;
	_ =	sdelay $0x1  }
0xa1: {  	s23 =	simm.s32 $0x1B8B  }
0xa2: {  	_ =	swait.ge [sflag:s23], $0x1  }
0xa3: {  	[sflag:s23] =	ssyncset.done $0x0  }
0xa4: {  	s25 =	simm.s32 $0x1B8E;
	s24 =	sld [smem:$0x3FFE];
	[sflag:s23] =	ssyncadd.s32 $0xFFFFFFFF  }
0xa5: {  	s26 =	simm.s32 $execute0_lowered;
	[smem:$0x3FD2] =	sst s25  }
0xa6: {  	s4 =	sshll.u32 s26, $0x1;
	_ =	strace $0x80000046;
	[dreg:$0x1] =	wrdreg $0xFFFFFFFF  }
0xa7: {  	s28 =	simm.s32 $_size_execute0_lowered;
	s2 =	sadd.s32 s2, s4;
	[dreg:$0x0] =	wrdreg $0x0  }
0xa8: {  	s4 =	sshll.u32 s28, $0x1;
	[dreg:$0x2] =	wrdreg s2  }
0xa9: {  	[dreg:$0x3] =	wrdreg s4  }
0xaa: {  	[dreg:$0x4] =	wrdreg $0xC0  }
0xab: {  	_ =	task [dreg:s6], $0x5FFFF  }
0xac: {  	[dreg:$0x1] =	wrdreg $0xFFFFFFFF  }
0xad: {  	[dreg:$0x0] =	wrdreg $0x60  }
0xae: {  	[dreg:$0x2] =	wrdreg s24  }
0xaf: {  	[dreg:$0x3] =	wrdreg $0x9  }
0xb0: {  	_ =	task.clear_ibuf [dreg:s6], $0x4FFFF;
	_ =	strace $0x90000046  }
0xb1: {  	s29 =	simm.s32 $0x9;
	_ =	strace $0x80000048  }
0xb2: {  	_ =	swait.ge [sflag:s29], $0x1  }
0xb3: {  	[sflag:s29] =	ssyncadd.s32 $0xFFFFFFFF  }
0xb4: {  	_ =	strace $0x90000048  }
0xb5: {  	_ =	sfence  }
0xb6: {  	s30 =	sld [smem:$0x0];
	_ =	sdelay $0x2  }
0xb7: {  	s31 =	sshll.u32 s1, $0xD;
	s1 =	sshrl.u32 s1, $0x2  }
0xb8: {  	s3 =	sand.u32 $0x4000, s31;
	s1 =	sadd.s32 s1, s30  }
0xb9: {  	s0 =	sor.u32 s3, s0;
	s1 =	sshll.u32 s1, $0x11  }
0xba: {  	s0 =	sor.u32 s1, s0  }
0xbb: {  	s0 =	sadd.s32 $0x8F2B, s0  }
0xbc: {  	[sflag:s0] =	ssyncadd.remote.s32 $0x1  }
0xbd: {  	_ =	sfence.sel $0xFFFF  }
0xbe: {  	[dreg:$0x0] =	wrdreg $0xFFFFFFFF;
	(pc) =	sbr.abs _section_cstart, $3  }
0xbf: {  	[dreg:$0x1] =	wrdreg $0xFFFFFFFF  }
0xc0: {  	_ =	task.clear_ibuf [dreg:s6], $0x2FFFF;
	_ =	strace $0x9FFFFFFF  }
0xc1: {  	(tm) =	ssettm $0x7FFFFFFF  }
tec
execute0_lowered:
.L_overlay_start_1:
0x0: {  	(tag) =	ssettag $0x1  }
0x1: {  	s0 =	srdreg.scid;
	s5 =	rddreg [dreg:$0x0]  }
0x2: {  	s1 =	stileid.u32;
	s6 =	simm.s32 $0x1;
	s9 =	simm.s32 $0x1  }
0x3: {  	s10 =	simm.s32 $0x3;
	s13 =	simm.s32 $0x0;
	s2 =	sshll.u32 s0, $0xD  }
0x4: {  	s12 =	simm.s32 $0x0;
	s3 =	sshll.u32 s1, $0xE;
	s2 =	sand.u32 $0x2000, s2  }
0x5: {  	s0 =	rddreg [dreg:$0x1];
	_ =	strace $0x80000047;
	s2 =	sor.u32 s3, s2  }
0x6: {  	s4 =	sadd.s32 $0x2000, s5;
	[sflag:s6] =	ssyncpa.u1 $0x0;
	s8 =	ssub.s32 $0x68000, s2  }
.Ltmp0:
0x7: {  	s3 =	sadd.s32 $0x27C8400, s5;
	s7 =	sand.u32 $0x3E000, s8;
	(pc) =	sbr.rel .LBB2_1-.Ltmp0, $4  }
0x8: {  	s5 =	sadd.s32 $0x2817A00, s5;
	s11 =	smov.u32 s2;
	p0 =	sne.s32 s7, $0x0  }
0x9: {  	s8 =	sshrl.u32 s8, $0x12;
	s7 =	simm.s32 $0x2;
	s9 =	simm.s32 @!p0 $0x0  }
0xa: {  	[sflag:s7] =	ssyncpa.u1 $0x0;
	p0 =	por $0x0, $0x0;
	s8 =	sadd.s32 s9, s8  }
0xb: {  	vm0 =	vmmov $0xffff;
	[sflag:s10] =	ssyncpa.u1 $0x0;
	s10 =	simm.s32 $0x0;
	s9 =	sadd.s32 $0x1, s8  }
.LBB2_4:
0xc: {  	v2 =	vnsel vm1, $0x0, v2  }
0xd: {  	vm1 =	vgt.s32 v0, $0x0;
	v2 =	vmin.u32 v2, $0x27AC3F  }
0xe: {  	v0 =	vnsel vm1, $0x0, v0  }
0xf: {  	v0 =	vmin.u32 v0, $0x27AC3F  }
0x10: {  	[tilespmem:s15], [sflag:$0x1] =	stream.indirect_vreg.gather [hbm4b:s3+s10], $0x1, v1, vm0, $0x4038;
	[tilespmem:$0x8000] =	vst v63  }
0x11: {  	(ifvalue) =	ssetifvalue $0x7FFFFFFF  }
0x12: {  	[tilespmem:s16], [sflag:$0x1] =	stream.indirect_vreg.gather [hbm4b:s3+s10], $0x1, v2, vm0, $0x4038;
	[tilespmem:$0x8000] =	vst v63  }
0x13: {  	s29 =	sadd.s32 $0x10, s16;
	(ifvalue) =	ssetifvalue $0x7FFFFFFF  }
0x14: {  	[tilespmem:s29], [sflag:$0x1] =	stream.indirect_vreg.gather [hbm4b:s3+s10], $0x1, v0, vm0, $0x4038;
	[tilespmem:$0x8000] =	vst v63  }
0x15: {  	_ =	swait.ge [sflag:s6], $0x2000  }
0x16: {  	s30 =	sshrl.u32 s13, $0x3;
	[sflag:s6] =	ssyncset.done $0x0  }
0x17: {  	s31 =	sand.u32 $0x7, s13;
	s15 =	sadd.s32 s5, s30;
	[sflag:s6] =	ssyncadd.s32 $0xFFFFE000  }
0x18: {  	[hbm4b:s15+s31] =	stream.linear.scatter [tilespmem:s14], [sflag:$0x3], $0x2000, $0x38;
	[tilespmem:$0x8000] =	vst v63  }
.LBB2_5:
0x19: {  	s15 =	sadd.s32 $0x40000, s11  }
0x1a: {  	p2 =	sgt.s32 s15, $0x67FFF  }
0x1b: {  	s15 =	smov.u32 @p2 s2;
	p2 =	sne.s32 s12, s9  }
.Ltmp1:
0x1c: {  	p1 =	slt.u32 s12, $0x2;
	(pc) =	sbr.rel @!p2 .LBB2_6-.Ltmp1, $4  }
0x1d: {  	s14 =	simm.s32 @!p1 $0x3  }
0x1e: {  	s16 =	sadd.s32 $0x1, s12;
	_ =	swait.ge @!p1 [sflag:s14], $0x2000  }
0x1f: {  	s13 =	smov.u32 s11;
	p0 =	por !p0, !p0;
	[sflag:s14] =	ssyncset.done @!p1 $0x0  }
0x20: {  	s12 =	smov.u32 s16;
	s11 =	smov.u32 s15;
	[sflag:s14] =	ssyncadd.s32 @!p1 $0xFFFFE000  }
.LBB2_1:
0x21: {  	p1 =	sge.u32 s12, s8  }
0x22: {  	s14 =	sxor.u32 @!p1 $0xFFFFFFFF, s12  }
0x23: {  	s31 =	sadd.s32 $0xFFFFFFFF, s12;
	s15 =	sshrl.u32 @!p1 s11, $0x3;
	s14 =	sshll.u32 @!p1 s14, $0xD  }
0x24: {  	s16 =	sand.u32 @!p1 $0x7, s11;
	s15 =	sadd.s32 @!p1 s4, s15;
	s14 =	sand.u32 @!p1 $0x2000, s14  }
0x25: {  	[tilespmem:s14], [sflag:$0x2] =	stream.linear.gather @!p1 [hbm4b:s15+s16], $0x2000, $0x38;
	[tilespmem:$0x8000] =	vst v63  }
0x26: {  	p1 =	sge.u32 s31, s8  }
.Ltmp2:
0x27: {  	_ = 	snop;
	(pc) =	sbr.rel @p1 .LBB2_5-.Ltmp2, $1  }
0x28: {  	_ =	sdelay $0x3  }
0x29: {  	s14 =	simm.s32 $0x1  }
0x2a: {  	_ =	swait.ge [sflag:s7], $0x2000;
	s14 =	simm.s32 @!p0 $0x0  }
0x2b: {  	[sflag:s7] =	ssyncset.done $0x0;
	s14 =	sshll.u32 s14, $0xD  }
0x2c: {  	[sflag:s7] =	ssyncadd.s32 $0xFFFFE000;
	(ifvalue) =	ssetifvalue $0x7FFFFFFF;
	v0 =	vld.msk [tilespmem:s14+$0x0 ss:$0x1], $0xffff;
	_ =	sdelay $0x4  }
0x2d: {  	s15 =	sadd.s32 $0x10, s14;
	vm1 =	vgt.s32 v0, $0x0  }
0x2e: {  	v2 =	vld.msk [tilespmem:s15+$0x0 ss:$0x1], $0xffff;
	v1 =	vnsel vm1, $0x0, v0  }
0x2f: {  	v1 =	vmin.u32 v1, $0x27AC3F;
	_ =	sdelay $0x1  }
0x30: {  	s16 =	sshll.u32 s12, $0xD;
	s18 =	simm.s32 $0x20  }
0x31: {  	s16 =	sand.u32 $0x2000, s16;
	s17 =	sadd.s32 $0x10, s15;
	s15 =	sor.u32 $0x4000, s14  }
0x32: {  	s14 =	sor.u32 $0x4000, s16;
	s16 =	sadd.s32 $0x10, s15;
	v0 =	vld.msk [tilespmem:s17+$0x0 ss:$0x1], $0xffff;
	vm1 =	vgt.s32 v2, $0x0;
	(ifvalue) =	ssetifvalue $0x7FFFFFFF  }
.LBB2_3:
0x33: {  	[tilespmem:s15], [sflag:$0x1] =	stream.indirect_vreg.gather [hbm4b:s3+s10], $0x1, v1, vm0, $0x4038;
	[tilespmem:$0x8000] =	vst v63  }
0x34: {  	s18 =	sadd.s32 $0x10, s18  }
0x35: {  	v2 =	vnsel vm1, $0x0, v2;
	p1 =	slt.u32 s18, $0x1FF0  }
.Ltmp3:
0x36: {  	s15 =	smov.u32 s16;
	v1 =	vmin.u32 v2, $0x27AC3F;
	(pc) =	sbr.rel @p1 .LBB2_3-.Ltmp3, $3  }
0x37: {  	_ =	sdelay $0x1  }
0x38: {  	s17 =	sadd.s32 $0x10, s17  }
0x39: {  	vm1 =	vgt.s32 v0, $0x0;
	s16 =	sadd.s32 $0x10, s16;
	v2 =	vmov v0;
	(ifvalue) =	ssetifvalue $0x7FFFFFFF;
	v0 =	vld.msk [tilespmem:s17+$0x0 ss:$0x1], $0xffff  }
.Ltmp4:
0x3a: {  	_ = 	snop;
	(pc) =	sbr.rel .LBB2_4-.Ltmp4, $1  }
0x3b: {  	_ =	sdelay $0x3  }
.LBB2_6:
0x3c: {  	_ =	sfence.sel $0x180000  }
0x3d: {  	s2 =	simm.s32 $0x2;
	[bflag:$0x0] =	sbarrier.arrive $0xFFFF  }
0x3e: {  	s30 =	simm.s32 $0x3;
	[sflag:s2] =	ssyncpa.u1 $0x1  }
0x3f: {  	s31 =	simm.s32 $0x1;
	[sflag:s30] =	ssyncpa.u1 $0x1  }
0x40: {  	[sflag:s31] =	ssyncpa.u1 $0x1  }
0x41: {  	p0 =	sne.s32 s1, $0x0;
	_ =	strace $0x90000047  }
0x42: {  	s0 =	sadd.s32 @!p0 $0x100000, s0;
	[bflag:$0x2] =	sbarrier.arrive $0xFFFF  }
0x43: {  	[sflag:s0] =	ssyncadd.tile.s32 @!p0 $0x1;
	_ =	shalt  }
.Lfunc_end2:
_tile_overlayer_lowered:
.L_overlay_start_2:
0x44: {  	(tag) =	ssettag $0x2  }
0x45: {  	s0 =	rddreg [dreg:$0x0];
	s2 =	stileid.u32  }
0x46: {  	s1 =	rddreg [dreg:$0x1];
	p0 =	sne.s32 s2, $0x0  }
0x47: {  	s3 =	rddreg [dreg:$0x2];
	[bflag:$0x3] =	sbarrier.arrive $0xFFFF;
	s2 =	simm.s32 @!p0 $0x1C01  }
0x48: {  	[timem:s3], [sflag:s2] =	dma.local @!p0 [hbm:s0], s1  }
0x49: {  	s0 =	simm.s32 @!p0 $0x1  }
0x4a: {  	_ =	swait.ge @!p0 [sflag:s0], s1  }
0x4b: {  	s1 =	ssub.s32 @!p0 $0x0, s1;
	[sflag:s0] =	ssyncset.done @!p0 $0x0  }
0x4c: {  	[sflag:s0] =	ssyncadd.s32 @!p0 s1  }
0x4d: {  	[bflag:$0x3] =	sbarrier.arrive $0xFFFF  }
0x4e: {  	_ =	shalt  }

// kernel: kernel.4.cloned.1.call-start
scs
__scs_entry_jumppad:
0x0: {  	(pc) =	sbr.rel $0x88, $3  }
0x1: {  	(tag) =	ssettag $0x0;
	lr =	simm.s32 $0x1  }
0x2: {  	[smem:$0x3F91] =	sst lr;
	_ =	strace $0xD0000000  }
0x3: {  	_ = 	snop  }
0x4: {  	_ = 	snop  }
0x5: {  	_ = 	snop  }
0x6: {  	_ = 	snop  }
0x7: {  	_ = 	snop  }
__scs_overlays_trampoline_lowered:
0x8: {  	[smem:$0x3FA0] =	sst s0  }
0x9: {  	[smem:$0x3FA1] =	sst s1  }
0xa: {  	[smem:$0x3FA2] =	sst s2  }
0xb: {  	[smem:$0x3FA3] =	sst s3  }
0xc: {  	[smem:$0x3FA4] =	sst s4  }
0xd: {  	[smem:$0x3FA5] =	sst s5  }
0xe: {  	[smem:$0x3FA6] =	sst s6  }
0xf: {  	[smem:$0x3FA7] =	sst s7  }
0x10: {  	[smem:$0x3FA8] =	sst s8  }
0x11: {  	[smem:$0x3FA9] =	sst s9;
	s0 =	simm.s32 @!p0 $0x0  }
0x12: {  	s1 =	sld [smem:$0x3F8F];
	s0 =	simm.s32 @p0 $0x1  }
0x13: {  	[smem:$0x3FAA] =	sst s0;
	s0 =	simm.s32 @!p1 $0x0  }
0x14: {  	s2 =	sld [smem:$0x3F8E];
	s0 =	simm.s32 @p1 $0x1  }
0x15: {  	[smem:$0x3FAB] =	sst s0;
	s0 =	simm.s32 @!p2 $0x0  }
0x16: {  	s3 =	sld [smem:$0x3FDB];
	s0 =	simm.s32 @p2 $0x1  }
0x17: {  	s4 =	simm.s32 $0x1BF5;
	[smem:$0x3FAD] =	sst s0  }
0x18: {  	s0 =	sld [smem:$0x3F90];
	_ =	swait.ge [sflag:s4], $0x0  }
0x19: {  	s7 =	sld [smem:$0x3F91]  }
0x1a: {  	s8 =	sadd.s32 $0xFFFFE003, lr  }
0x1b: {  	s9 =	sadd.s32 $0xFFFFFEF7, lr;
	s5 =	simm.s32 $0xFFFFFFFF;
	p2 =	slt.u32 s8, $0xFFFFF086  }
0x1c: {  	p1 =	slt.u32 s9, $0xF7A;
	s5 =	simm.s32 @!p2 $0x0  }
0x1d: {  	s5 =	simm.s32 @p1 $0x1;
	p0 =	seq.s32 s7, s2  }
0x1e: {  	s7 =	smul.u32 @!p0 $0xF7A, s2;
	p2 =	seq.s32 @!p0 s5, $0x0  }
0x1f: {  	s9 =	smul.u32 $0xF7A, s1;
	s8 =	simm.s32 @!p0 $0x1BF5;
	p2 =	por !p2, p0  }
0x20: {  	[sflag:s8] =	ssyncset.s32 @!p0 $0xFFFFF086;
	s6 =	sadd.s32 @!p0 s3, s7;
	s7 =	simm.s32 @!p0 $0x108  }
0x21: {  	s3 =	sadd.s32 s3, s9;
	s6 =	sadd.s32 @!p0 $0x88, s6;
	s7 =	simm.s32 @p2 $0x1082  }
0x22: {  	[simem:s7], [sflag:s8] =	dma.local @!p0 [hbm:s6], $0xF7A  }
0x23: {  	s9 =	sor.u32 $0xD0000000, s2;
	s6 =	simm.s32 $0x108;
	_ =	swait.ge @!p0 [sflag:s8], $0x0  }
0x24: {  	s3 =	sadd.s32 $0x88, s3;
	s6 =	simm.s32 @!p1 $0x1082;
	[sflag:s4] =	ssyncset.s32 $0xFFFFF086  }
0x25: {  	[simem:s6], [sflag:s4] =	dma.local [hbm:s3], $0xF7A  }
0x26: {  	[smem:$0x3F91] =	sst s1;
	(tag) =	ssettag s2;
	_ =	strace s9  }
0x27: {  	s1 =	sld [smem:$0x3FA1]  }
0x28: {  	s2 =	sld [smem:$0x3FA2]  }
0x29: {  	s4 =	sld [smem:$0x3FA4]  }
0x2a: {  	p0 =	seq.s32 s5, $0x0;
	s5 =	sld [smem:$0x3FA5]  }
0x2b: {  	s6 =	sld [smem:$0x3FA6]  }
0x2c: {  	s7 =	sld [smem:$0x3FA7]  }
0x2d: {  	s3 =	simm.s32 $0x108;
	s8 =	sld [smem:$0x3FA8]  }
0x2e: {  	s3 =	simm.s32 @!p0 $0x1082;
	s9 =	sld [smem:$0x3FA9]  }
0x2f: {  	lr =	sadd.s32 s0, s3;
	s0 =	sld [smem:$0x3FA0]  }
0x30: {  	s3 =	sld [smem:$0x3FA3]  }
0x31: {  	[smem:$0x3FAC] =	sst s10  }
0x32: {  	s10 =	sld [smem:$0x3FAA];
	_ =	sdelay $0x3  }
0x33: {  	p0 =	seq.s32 s10, $0x1;
	s10 =	sld [smem:$0x3FAC];
	_ =	sdelay $0x3  }
0x34: {  	[smem:$0x3FAC] =	sst s10  }
0x35: {  	s10 =	sld [smem:$0x3FAB];
	_ =	sdelay $0x3  }
0x36: {  	p1 =	seq.s32 s10, $0x1;
	s10 =	sld [smem:$0x3FAC];
	_ =	sdelay $0x3  }
0x37: {  	[smem:$0x3FAC] =	sst s10  }
0x38: {  	s10 =	sld [smem:$0x3FAD]  }
0x39: {  	_ = 	snop;
	(pc) =	sbr.ind lr, $3  }
0x3a: {  	_ = 	snop  }
0x3b: {  	_ = 	snop  }
0x3c: {  	p2 =	seq.s32 s10, $0x1;
	s10 =	sld [smem:$0x3FAC]  }
0x3d: {  	_ =	shalt  }
0x3e: {  	_ =	shalt  }
0x3f: {  	_ =	shalt  }
0x40: {  	_ =	shalt  }
0x41: {  	_ =	shalt  }
0x42: {  	_ =	shalt  }
0x43: {  	_ =	shalt  }
0x44: {  	_ =	shalt  }
0x45: {  	_ =	shalt  }
0x46: {  	_ =	shalt  }
0x47: {  	_ =	shalt  }
0x48: {  	_ =	shalt  }
0x49: {  	_ =	shalt  }
0x4a: {  	_ =	shalt  }
0x4b: {  	_ =	shalt  }
0x4c: {  	_ =	shalt  }
0x4d: {  	_ =	shalt  }
0x4e: {  	_ =	shalt  }
0x4f: {  	_ =	shalt  }
0x50: {  	_ =	shalt  }
0x51: {  	_ =	shalt  }
0x52: {  	_ =	shalt  }
0x53: {  	_ =	shalt  }
0x54: {  	_ =	shalt  }
0x55: {  	_ =	shalt  }
0x56: {  	_ =	shalt  }
0x57: {  	_ =	shalt  }
0x58: {  	_ =	shalt  }
0x59: {  	_ =	shalt  }
0x5a: {  	_ =	shalt  }
0x5b: {  	_ =	shalt  }
0x5c: {  	_ =	shalt  }
0x5d: {  	_ =	shalt  }
0x5e: {  	_ =	shalt  }
0x5f: {  	_ =	shalt  }
0x60: {  	_ =	shalt  }
0x61: {  	_ =	shalt  }
0x62: {  	_ =	shalt  }
0x63: {  	_ =	shalt  }
0x64: {  	_ =	shalt  }
0x65: {  	_ =	shalt  }
0x66: {  	_ =	shalt  }
0x67: {  	_ =	shalt  }
0x68: {  	_ =	shalt  }
0x69: {  	_ =	shalt  }
0x6a: {  	_ =	shalt  }
0x6b: {  	_ =	shalt  }
0x6c: {  	_ =	shalt  }
0x6d: {  	_ =	shalt  }
0x6e: {  	_ =	shalt  }
0x6f: {  	_ =	shalt  }
0x70: {  	_ =	shalt  }
0x71: {  	_ =	shalt  }
0x72: {  	_ =	shalt  }
0x73: {  	_ =	shalt  }
0x74: {  	_ =	shalt  }
0x75: {  	_ =	shalt  }
0x76: {  	_ =	shalt  }
0x77: {  	_ =	shalt  }
0x78: {  	_ =	shalt  }
0x79: {  	_ =	shalt  }
0x7a: {  	_ =	shalt  }
0x7b: {  	_ =	shalt  }
0x7c: {  	_ =	shalt  }
0x7d: {  	_ =	shalt  }
0x7e: {  	_ =	shalt  }
0x7f: {  	_ =	shalt  }
0x80: {  	_ =	shalt  }
0x81: {  	_ =	shalt  }
0x82: {  	_ =	shalt  }
0x83: {  	_ =	shalt  }
0x84: {  	_ =	shalt  }
0x85: {  	_ =	shalt  }
0x86: {  	_ =	shalt  }
0x87: {  	_ =	shalt  }
.Lfunc_end0:
.L_simem_size_0:
called_computation.1_lowered:
.L_overlay_start_0:
0x88: {  	s2 =	sld [smem:$0x3FD9]  }
0x89: {  	s3 =	sld [smem:$0x3FFE];
	_ =	sdelay $0x1  }
0x8a: {  	s1 =	srdreg.scid  }
0x8b: {  	s0 =	sand.u32 $0x1, s1  }
0x8c: {  	s17 =	sshll.u32 s0, $0xA;
	s2 =	sadd.s32 s3, s2  }
0x8d: {  	s2 =	sadd.s32 s2, s17  }
0x8e: {  	[smem:$0x3FB8] =	sst s2  }
0x8f: {  	_ = 	snop  }
0x90: {  	s2 =	sld [smem:$0x3FD0];
	(tm) =	ssettm $0x1  }
0x91: {  	s18 =	sld [smem:$0x3FFB];
	_ =	sdelay $0x3  }
0x92: {  	_ =	strace s18  }
0x93: {  	s3 =	sld [smem:$0x3FFC];
	_ =	sdelay $0x3  }
0x94: {  	_ =	strace s3  }
0x95: {  	s3 =	sld [smem:$0x3FFD];
	_ =	sdelay $0x3  }
0x96: {  	_ =	strace s3  }
0x97: {  	_ =	strace $0x8FFFFFFF  }
0x98: {  	s19 =	sld [smem:$0x3FDB];
	_ =	sdelay $0x1  }
0x99: {  	s4 =	simm.s32 $_scs_section_size  }
0x9a: {  	s5 =	simm.s32 $_size__tile_overlayer_lowered;
	s6 =	simm.s32 $_tile_overlayer_lowered  }
0x9b: {  	s22 =	simm.s32 $0x1BFF;
	s21 =	sshll.u32 s6, $0x1;
	s3 =	sadd.s32 s4, s19  }
0x9c: {  	s7 =	simm.s32 $0x0;
	s20 =	sshll.u32 s5, $0x1;
	s5 =	sadd.s32 s21, s3  }
0x9d: {  	[timem:s7], [sflag:s22] =	dma.local [hbm:s5], s20  }
0x9e: {  	_ =	swait.ge [sflag:s22], s20  }
0x9f: {  	s4 =	ssub.s32 $0x0, s20;
	[sflag:s22] =	ssyncset.done $0x0  }
0xa0: {  	[sflag:s22] =	ssyncadd.s32 s4;
	_ =	sdelay $0x1  }
0xa1: {  	s23 =	simm.s32 $0x1B8B  }
0xa2: {  	_ =	swait.ge [sflag:s23], $0x1  }
0xa3: {  	[sflag:s23] =	ssyncset.done $0x0  }
0xa4: {  	s25 =	simm.s32 $0x1B8E;
	s24 =	sld [smem:$0x3FFE];
	[sflag:s23] =	ssyncadd.s32 $0xFFFFFFFF  }
0xa5: {  	s26 =	simm.s32 $execute0_lowered;
	[smem:$0x3FD2] =	sst s25  }
0xa6: {  	s5 =	sshll.u32 s26, $0x1;
	_ =	strace $0x80000049;
	[dreg:$0x1] =	wrdreg $0xFFFFFFFF  }
0xa7: {  	s28 =	simm.s32 $_size_execute0_lowered;
	s3 =	sadd.s32 s3, s5;
	[dreg:$0x0] =	wrdreg $0x0  }
0xa8: {  	s5 =	sshll.u32 s28, $0x1;
	[dreg:$0x2] =	wrdreg s3  }
0xa9: {  	[dreg:$0x3] =	wrdreg s5  }
0xaa: {  	[dreg:$0x4] =	wrdreg $0xC0  }
0xab: {  	_ =	task [dreg:s7], $0x5FFFF  }
0xac: {  	[dreg:$0x1] =	wrdreg $0xFFFFFFFF  }
0xad: {  	[dreg:$0x0] =	wrdreg $0x60  }
0xae: {  	[dreg:$0x2] =	wrdreg s24  }
0xaf: {  	[dreg:$0x3] =	wrdreg s2  }
0xb0: {  	[dreg:$0x4] =	wrdreg $0x9  }
0xb1: {  	_ =	task.clear_ibuf [dreg:s7], $0x5FFFF;
	_ =	strace $0x90000049  }
0xb2: {  	s29 =	simm.s32 $0x9;
	_ =	strace $0x8000004B  }
0xb3: {  	_ =	swait.ge [sflag:s29], $0x1  }
0xb4: {  	[sflag:s29] =	ssyncadd.s32 $0xFFFFFFFF  }
0xb5: {  	_ =	strace $0x9000004B  }
0xb6: {  	_ =	sfence  }
0xb7: {  	s30 =	sld [smem:$0x0];
	_ =	sdelay $0x2  }
0xb8: {  	s31 =	sshll.u32 s1, $0xD;
	s1 =	sshrl.u32 s1, $0x2  }
0xb9: {  	s3 =	sand.u32 $0x4000, s31;
	s1 =	sadd.s32 s1, s30  }
0xba: {  	s0 =	sor.u32 s3, s0;
	s1 =	sshll.u32 s1, $0x11  }
0xbb: {  	s0 =	sor.u32 s1, s0  }
0xbc: {  	s0 =	sadd.s32 $0x8F2B, s0  }
0xbd: {  	[sflag:s0] =	ssyncadd.remote.s32 $0x1  }
0xbe: {  	_ =	sfence.sel $0xFFFF  }
0xbf: {  	[dreg:$0x0] =	wrdreg $0xFFFFFFFF;
	(pc) =	sbr.abs _section_cstart, $3  }
0xc0: {  	[dreg:$0x1] =	wrdreg $0xFFFFFFFF  }
0xc1: {  	_ =	task.clear_ibuf [dreg:s7], $0x2FFFF;
	_ =	strace $0x9FFFFFFF  }
0xc2: {  	(tm) =	ssettm $0x7FFFFFFF  }
0xc3: {  	_ =	shalt  }
tec
execute0_lowered:
.L_overlay_start_1:
0x0: {  	(tag) =	ssettag $0x1  }
0x1: {  	s0 =	srdreg.scid  }
0x2: {  	s2 =	stileid.u32;
	s1 =	rddreg [dreg:$0x0];
	s10 =	simm.s32 $0x3  }
0x3: {  	s12 =	simm.s32 $0x80;
	s11 =	simm.s32 $0xDC00;
	s13 =	simm.s32 $0xB00  }
0x4: {  	s14 =	simm.s32 $0xE400;
	s15 =	simm.s32 $0xB80;
	s16 =	simm.s32 $0xEC00  }
0x5: {  	s17 =	simm.s32 $0xC00;
	s18 =	simm.s32 $0xF400;
	s19 =	simm.s32 $0xC80  }
0x6: {  	s20 =	simm.s32 $0xFC00;
	s21 =	simm.s32 $0x1;
	s22 =	simm.s32 $0x13800  }
0x7: {  	s23 =	simm.s32 $0x13C00;
	s24 =	simm.s32 $0x2;
	s25 =	simm.s32 $0x0  }
0x8: {  	s0 =	sand.u32 $0x1, s0;
	s3 =	sshll.u32 s2, $0x1;
	s2 =	rddreg [dreg:$0x1]  }
0x9: {  	s5 =	sadd.s32 $0x2000, s1;
	s8 =	sor.u32 s0, s3;
	s3 =	simm.s32 $0x0  }
0xa: {  	s0 =	ssub.s32 $0x2, s0;
	s4 =	smul.u32 $0x680, s8;
	[smem:$0x7FF] =	sst s3  }
0xb: {  	s31 =	sshrl.u32 s0, $0x1;
	s8 =	sshll.u32 s8, $0x9;
	_ =	strace $0x8000004A  }
0xc: {  	s0 =	ssub.s32 s0, s31;
	s7 =	sadd.s32 s4, s1;
	s4 =	sadd.s32 $0x2824A00, s1  }
0xd: {  	s9 =	smax.u32 s0, $0x1;
	s6 =	sadd.s32 $0xF000, s7;
	s7 =	sadd.s32 $0x2817A00, s7  }
.LBB2_1:
0xe: {  	[tilespmem:s3], [sflag:$0x3] =	stream.linear.gather [hbm4b:s6+s3], $0x3400, $0x38;
	[tilespmem:$0x13C40] =	vst v63  }
0xf: {  	_ =	swait.ge [sflag:s10], $0x3400  }
0x10: {  	[sflag:s10] =	ssyncset.done $0x0  }
0x11: {  	s0 =	simm.s32 $0x10400;
	[sflag:s10] =	ssyncadd.s32 $0xFFFFCC00  }
0x12: {  	[tilespmem:s0], [sflag:$0x3] =	stream.linear.gather [hbm4b:s7+s3], $0x3400, $0x38;
	[tilespmem:$0x13C40] =	vst v63  }
0x13: {  	_ =	swait.ge [sflag:s10], $0x3400  }
0x14: {  	[sflag:s10] =	ssyncset.done $0x0  }
0x15: {  	s26 =	simm.s32 $0x3400;
	[sflag:s10] =	ssyncadd.s32 $0xFFFFCC00  }
0x16: {  	[tilespmem:s26], [sflag:$0x1] =	stream.indirect.gather [hbm4b:s4+s12], $0x10, s3, s12, $0xb8;
	[tilespmem:$0x13C40] =	vst v63  }
0x17: {  	s28 =	simm.s32 $0x3C00  }
0x18: {  	[tilespmem:s28], [sflag:$0x1] =	stream.indirect.gather [hbm4b:s4+s12], $0x10, s12, s12, $0xb8;
	[tilespmem:$0x13C40] =	vst v63  }
0x19: {  	s29 =	simm.s32 $0x100;
	s1 =	simm.s32 $0x4400  }
0x1a: {  	[tilespmem:s1], [sflag:$0x1] =	stream.indirect.gather [hbm4b:s4+s12], $0x10, s29, s12, $0xb8;
	[tilespmem:$0x13C40] =	vst v63  }
0x1b: {  	s30 =	simm.s32 $0x180;
	s31 =	simm.s32 $0x4C00  }
0x1c: {  	[tilespmem:s31], [sflag:$0x1] =	stream.indirect.gather [hbm4b:s4+s12], $0x10, s30, s12, $0xb8;
	[tilespmem:$0x13C40] =	vst v63  }
0x1d: {  	s26 =	simm.s32 $0x5400;
	s1 =	simm.s32 $0x200  }
0x1e: {  	[tilespmem:s26], [sflag:$0x1] =	stream.indirect.gather [hbm4b:s4+s12], $0x10, s1, s12, $0xb8;
	[tilespmem:$0x13C40] =	vst v63  }
0x1f: {  	s28 =	simm.s32 $0x280;
	s29 =	simm.s32 $0x5C00  }
0x20: {  	[tilespmem:s29], [sflag:$0x1] =	stream.indirect.gather [hbm4b:s4+s12], $0x10, s28, s12, $0xb8;
	[tilespmem:$0x13C40] =	vst v63  }
0x21: {  	s30 =	simm.s32 $0x300;
	s31 =	simm.s32 $0x6400  }
0x22: {  	[tilespmem:s31], [sflag:$0x1] =	stream.indirect.gather [hbm4b:s4+s12], $0x10, s30, s12, $0xb8;
	[tilespmem:$0x13C40] =	vst v63  }
0x23: {  	s1 =	simm.s32 $0x380;
	s26 =	simm.s32 $0x6C00  }
0x24: {  	[tilespmem:s26], [sflag:$0x1] =	stream.indirect.gather [hbm4b:s4+s12], $0x10, s1, s12, $0xb8;
	[tilespmem:$0x13C40] =	vst v63  }
0x25: {  	s28 =	simm.s32 $0x400;
	s29 =	simm.s32 $0x7400  }
0x26: {  	[tilespmem:s29], [sflag:$0x1] =	stream.indirect.gather [hbm4b:s4+s12], $0x10, s28, s12, $0xb8;
	[tilespmem:$0x13C40] =	vst v63  }
0x27: {  	s30 =	simm.s32 $0x480;
	s31 =	simm.s32 $0x7C00  }
0x28: {  	[tilespmem:s31], [sflag:$0x1] =	stream.indirect.gather [hbm4b:s4+s12], $0x10, s30, s12, $0xb8;
	[tilespmem:$0x13C40] =	vst v63  }
0x29: {  	s1 =	simm.s32 $0x500;
	s26 =	simm.s32 $0x8400  }
0x2a: {  	[tilespmem:s26], [sflag:$0x1] =	stream.indirect.gather [hbm4b:s4+s12], $0x10, s1, s12, $0xb8;
	[tilespmem:$0x13C40] =	vst v63  }
0x2b: {  	s28 =	simm.s32 $0x580;
	s29 =	simm.s32 $0x8C00  }
0x2c: {  	[tilespmem:s29], [sflag:$0x1] =	stream.indirect.gather [hbm4b:s4+s12], $0x10, s28, s12, $0xb8;
	[tilespmem:$0x13C40] =	vst v63  }
0x2d: {  	s30 =	simm.s32 $0x600;
	s31 =	simm.s32 $0x9400  }
0x2e: {  	[tilespmem:s31], [sflag:$0x1] =	stream.indirect.gather [hbm4b:s4+s12], $0x10, s30, s12, $0xb8;
	[tilespmem:$0x13C40] =	vst v63  }
0x2f: {  	s1 =	simm.s32 $0x680;
	s26 =	simm.s32 $0x9C00  }
0x30: {  	[tilespmem:s26], [sflag:$0x2] =	stream.indirect.gather [hbm4b:s4+s12], $0x10, s1, s12, $0xb8;
	[tilespmem:$0x13C40] =	vst v63  }
0x31: {  	s28 =	simm.s32 $0x700;
	s29 =	simm.s32 $0xA400  }
0x32: {  	[tilespmem:s29], [sflag:$0x2] =	stream.indirect.gather [hbm4b:s4+s12], $0x10, s28, s12, $0xb8;
	[tilespmem:$0x13C40] =	vst v63  }
0x33: {  	s30 =	simm.s32 $0x780;
	s31 =	simm.s32 $0xAC00  }
0x34: {  	[tilespmem:s31], [sflag:$0x2] =	stream.indirect.gather [hbm4b:s4+s12], $0x10, s30, s12, $0xb8;
	[tilespmem:$0x13C40] =	vst v63  }
0x35: {  	s1 =	simm.s32 $0x800;
	s26 =	simm.s32 $0xB400  }
0x36: {  	[tilespmem:s26], [sflag:$0x2] =	stream.indirect.gather [hbm4b:s4+s12], $0x10, s1, s12, $0xb8;
	[tilespmem:$0x13C40] =	vst v63  }
0x37: {  	s28 =	simm.s32 $0x880;
	s29 =	simm.s32 $0xBC00  }
0x38: {  	[tilespmem:s29], [sflag:$0x2] =	stream.indirect.gather [hbm4b:s4+s12], $0x10, s28, s12, $0xb8;
	[tilespmem:$0x13C40] =	vst v63  }
0x39: {  	s30 =	simm.s32 $0x900;
	s31 =	simm.s32 $0xC400  }
0x3a: {  	[tilespmem:s31], [sflag:$0x2] =	stream.indirect.gather [hbm4b:s4+s12], $0x10, s30, s12, $0xb8;
	[tilespmem:$0x13C40] =	vst v63  }
0x3b: {  	s26 =	simm.s32 $0x980;
	s28 =	simm.s32 $0xCC00  }
0x3c: {  	[tilespmem:s28], [sflag:$0x2] =	stream.indirect.gather [hbm4b:s4+s12], $0x10, s26, s12, $0xb8;
	[tilespmem:$0x13C40] =	vst v63  }
0x3d: {  	s29 =	simm.s32 $0xA00;
	s30 =	simm.s32 $0xD400  }
0x3e: {  	[tilespmem:s30], [sflag:$0x2] =	stream.indirect.gather [hbm4b:s4+s12], $0x10, s29, s12, $0xb8;
	[tilespmem:$0x13C40] =	vst v63  }
0x3f: {  	s31 =	simm.s32 $0xA80  }
0x40: {  	[tilespmem:s11], [sflag:$0x2] =	stream.indirect.gather [hbm4b:s4+s12], $0x10, s31, s12, $0xb8;
	[tilespmem:$0x13C40] =	vst v63  }
0x41: {  	_ = 	snop  }
0x42: {  	[tilespmem:s14], [sflag:$0x2] =	stream.indirect.gather [hbm4b:s4+s12], $0x10, s13, s12, $0xb8;
	[tilespmem:$0x13C40] =	vst v63  }
0x43: {  	_ = 	snop  }
0x44: {  	[tilespmem:s16], [sflag:$0x2] =	stream.indirect.gather [hbm4b:s4+s12], $0x10, s15, s12, $0xb8;
	[tilespmem:$0x13C40] =	vst v63  }
0x45: {  	_ = 	snop  }
0x46: {  	[tilespmem:s18], [sflag:$0x2] =	stream.indirect.gather [hbm4b:s4+s12], $0x10, s17, s12, $0xb8;
	[tilespmem:$0x13C40] =	vst v63  }
0x47: {  	s26 =	simm.s32 $0x0  }
0x48: {  	[tilespmem:s20], [sflag:$0x2] =	stream.indirect.gather [hbm4b:s4+s12], $0x10, s19, s12, $0xb8;
	[tilespmem:$0x13C40] =	vst v63  }
.LBB2_2:
0x49: {  	_ =	swait.ge [sflag:s21], $0x800  }
0x4a: {  	[sflag:s21] =	ssyncset.done $0x0  }
0x4b: {  	[sflag:s21] =	ssyncadd.s32 $0xFFFFF800  }
0x4c: {  	_ =	swait.ge [sflag:s21], $0x800  }
0x4d: {  	[sflag:s21] =	ssyncset.done $0x0  }
0x4e: {  	[sflag:s21] =	ssyncadd.s32 $0xFFFFF800  }
0x4f: {  	_ =	swait.ge [sflag:s21], $0x800  }
0x50: {  	[sflag:s21] =	ssyncset.done $0x0  }
0x51: {  	[sflag:s21] =	ssyncadd.s32 $0xFFFFF800  }
0x52: {  	_ =	swait.ge [sflag:s21], $0x800  }
0x53: {  	[sflag:s21] =	ssyncset.done $0x0  }
0x54: {  	[sflag:s21] =	ssyncadd.s32 $0xFFFFF800  }
0x55: {  	_ =	swait.ge [sflag:s21], $0x800  }
0x56: {  	[sflag:s21] =	ssyncset.done $0x0  }
0x57: {  	[sflag:s21] =	ssyncadd.s32 $0xFFFFF800  }
0x58: {  	_ =	swait.ge [sflag:s21], $0x800  }
0x59: {  	[sflag:s21] =	ssyncset.done $0x0  }
0x5a: {  	[sflag:s21] =	ssyncadd.s32 $0xFFFFF800  }
0x5b: {  	_ =	swait.ge [sflag:s21], $0x800  }
0x5c: {  	[sflag:s21] =	ssyncset.done $0x0  }
0x5d: {  	[sflag:s21] =	ssyncadd.s32 $0xFFFFF800  }
0x5e: {  	_ =	swait.ge [sflag:s21], $0x800  }
0x5f: {  	[sflag:s21] =	ssyncset.done $0x0  }
0x60: {  	[sflag:s21] =	ssyncadd.s32 $0xFFFFF800  }
0x61: {  	_ =	swait.ge [sflag:s21], $0x800  }
0x62: {  	[sflag:s21] =	ssyncset.done $0x0  }
0x63: {  	[sflag:s21] =	ssyncadd.s32 $0xFFFFF800  }
0x64: {  	_ =	swait.ge [sflag:s21], $0x800  }
0x65: {  	[sflag:s21] =	ssyncset.done $0x0  }
0x66: {  	[sflag:s21] =	ssyncadd.s32 $0xFFFFF800  }
0x67: {  	_ =	swait.ge [sflag:s21], $0x800  }
0x68: {  	[sflag:s21] =	ssyncset.done $0x0  }
0x69: {  	[sflag:s21] =	ssyncadd.s32 $0xFFFFF800  }
0x6a: {  	_ =	swait.ge [sflag:s21], $0x800  }
0x6b: {  	[sflag:s21] =	ssyncset.done $0x0  }
0x6c: {  	[sflag:s21] =	ssyncadd.s32 $0xFFFFF800  }
0x6d: {  	_ =	swait.ge [sflag:s21], $0x800  }
0x6e: {  	[sflag:s21] =	ssyncset.done $0x0  }
0x6f: {  	s28 =	simm.s32 $0x34D0;
	[sflag:s21] =	ssyncadd.s32 $0xFFFFF800  }
0x70: {  	v0 =	vld [tilespmem:s28+$0xFFFFFF30]  }
0x71: {  	s29 =	simm.s32 $0x0;
	s30 =	simm.s32 $0x40;
	v1 =	vld [tilespmem:s28+$0xFFFFFF40]  }
.LBB2_3:
0x72: {  	p0 =	sne.s32 s30, $0xFC0  }
0x73: {  	v2 =	vld [tilespmem:s28+$0xFFFFFF50];
	_ =	sdelay $0x1  }
0x74: {  	v3 =	vld [tilespmem:s28+$0xFFFFFF60]  }
0x75: {  	v4 =	vmul.f32 v0, v0;
	v0 =	vadd.f32 v1, v0;
	v1 =	vmul.f32 v1, v1  }
0x76: {  	v5 =	vld [tilespmem:s28+$0xFFFFFF70]  }
0x77: {  	v1 =	vadd.f32 v1, v4;
	v0 =	vadd.f32 v2, v0;
	v2 =	vmul.f32 v2, v2  }
0x78: {  	v4 =	vld [tilespmem:s28+$0xFFFFFF80]  }
0x79: {  	v1 =	vadd.f32 v2, v1;
	v0 =	vadd.f32 v3, v0;
	v2 =	vmul.f32 v3, v3  }
0x7a: {  	v3 =	vld [tilespmem:s28+$0xFFFFFF90]  }
0x7b: {  	v1 =	vadd.f32 v2, v1;
	v0 =	vadd.f32 v5, v0;
	v2 =	vmul.f32 v5, v5  }
0x7c: {  	v5 =	vld [tilespmem:s28+$0xFFFFFFA0]  }
0x7d: {  	v1 =	vadd.f32 v2, v1;
	v0 =	vadd.f32 v4, v0;
	v2 =	vmul.f32 v4, v4  }
0x7e: {  	v4 =	vld [tilespmem:s28+$0xFFFFFFB0]  }
0x7f: {  	v1 =	vadd.f32 v2, v1;
	v0 =	vadd.f32 v3, v0;
	v2 =	vmul.f32 v3, v3  }
0x80: {  	v3 =	vld [tilespmem:s28+$0xFFFFFFC0]  }
0x81: {  	v1 =	vadd.f32 v2, v1;
	v0 =	vadd.f32 v5, v0;
	v2 =	vmul.f32 v5, v5  }
0x82: {  	v5 =	vld [tilespmem:s28+$0xFFFFFFD0]  }
0x83: {  	v1 =	vadd.f32 v2, v1;
	v0 =	vadd.f32 v4, v0;
	v2 =	vmul.f32 v4, v4  }
0x84: {  	v4 =	vld [tilespmem:s28+$0xFFFFFFE0]  }
0x85: {  	v1 =	vadd.f32 v2, v1;
	v0 =	vadd.f32 v3, v0;
	v2 =	vmul.f32 v3, v3  }
0x86: {  	v3 =	vld [tilespmem:s28+$0xFFFFFFF0]  }
0x87: {  	v1 =	vadd.f32 v2, v1;
	v0 =	vadd.f32 v5, v0;
	v2 =	vmul.f32 v5, v5  }
0x88: {  	v5 =	vld [tilespmem:s28+$0x0]  }
0x89: {  	v1 =	vadd.f32 v2, v1;
	v0 =	vadd.f32 v4, v0;
	v2 =	vmul.f32 v4, v4  }
0x8a: {  	v4 =	vld [tilespmem:s28+$0x10]  }
0x8b: {  	v1 =	vadd.f32 v2, v1;
	v0 =	vadd.f32 v3, v0;
	v2 =	vmul.f32 v3, v3  }
0x8c: {  	v3 =	vld [tilespmem:s28+$0x20]  }
0x8d: {  	v1 =	vadd.f32 v2, v1;
	v0 =	vadd.f32 v5, v0;
	v2 =	vmul.f32 v5, v5  }
0x8e: {  	v5 =	vld [tilespmem:s28+$0x30]  }
0x8f: {  	v1 =	vadd.f32 v2, v1;
	v0 =	vadd.f32 v4, v0;
	v2 =	vmul.f32 v4, v4  }
0x90: {  	v4 =	vld [tilespmem:s28+$0x40]  }
0x91: {  	v1 =	vadd.f32 v2, v1;
	v0 =	vadd.f32 v3, v0;
	v2 =	vmul.f32 v3, v3  }
0x92: {  	v3 =	vld [tilespmem:s28+$0x50]  }
0x93: {  	v1 =	vadd.f32 v2, v1;
	v0 =	vadd.f32 v5, v0;
	v2 =	vmul.f32 v5, v5  }
0x94: {  	v5 =	vld [tilespmem:s28+$0x60]  }
0x95: {  	v1 =	vadd.f32 v2, v1;
	v0 =	vadd.f32 v4, v0;
	v2 =	vmul.f32 v4, v4  }
0x96: {  	v4 =	vld [tilespmem:s28+$0x70]  }
0x97: {  	v1 =	vadd.f32 v2, v1;
	v0 =	vadd.f32 v3, v0;
	v2 =	vmul.f32 v3, v3  }
0x98: {  	v3 =	vld [tilespmem:s28+$0x80]  }
0x99: {  	v1 =	vadd.f32 v2, v1;
	v0 =	vadd.f32 v5, v0;
	v2 =	vmul.f32 v5, v5  }
0x9a: {  	v5 =	vld [tilespmem:s28+$0x90]  }
0x9b: {  	v1 =	vadd.f32 v2, v1;
	v0 =	vadd.f32 v4, v0;
	v2 =	vmul.f32 v4, v4  }
0x9c: {  	v4 =	vld [tilespmem:s28+$0xA0]  }
0x9d: {  	v1 =	vadd.f32 v2, v1;
	v0 =	vadd.f32 v3, v0;
	v2 =	vmul.f32 v3, v3  }
0x9e: {  	v3 =	vld [tilespmem:s28+$0xB0]  }
0x9f: {  	v1 =	vadd.f32 v2, v1;
	v0 =	vadd.f32 v5, v0;
	v2 =	vmul.f32 v5, v5  }
0xa0: {  	v5 =	vld [tilespmem:s28+$0xC0]  }
0xa1: {  	v1 =	vadd.f32 v2, v1;
	v0 =	vadd.f32 v4, v0;
	v2 =	vmul.f32 v4, v4;
	_ =	sdelay $0x1  }
0xa2: {  	v1 =	vadd.f32 v2, v1;
	v0 =	vadd.f32 v3, v0;
	v2 =	vmul.f32 v3, v3;
	_ =	sdelay $0x1  }
0xa3: {  	v1 =	vadd.f32 v2, v1;
	v0 =	vadd.f32 v5, v0;
	v2 =	vmul.f32 v5, v5;
	_ =	sdelay $0x1  }
0xa4: {  	v1 =	vadd.f32 v2, v1;
	v0 =	vmul.f32 v0, v0;
	_ =	sdelay $0x1  }
0xa5: {  	v0 =	vsub.f32 v0, v1;
	_ =	sdelay $0x1  }
.Ltmp0:
0xa6: {  	v0 =	vmul.f32 $5.000000000e-01, v0;
	(pc) =	sbr.rel @p0 .LBB2_3-.Ltmp0, $4  }
0xa7: {  	s1 =	sshra.s32 s29, $0x2;
	s29 =	smov.u32 s30  }
0xa8: {  	s28 =	sadd.s32 $0x1A0, s28;
	[tilespmem:s1+$0x13800] =	vst v0  }
0xa9: {  	v0 =	vld [tilespmem:s28+$0xFFFFFF30]  }
0xaa: {  	s30 =	sadd.s32 $0x40, s30;
	v1 =	vld [tilespmem:s28+$0xFFFFFF40]  }
0xab: {  	_ = 	snop  }
0xac: {  	v2 =	vld [tilespmem:s28+$0xFFFFFF50];
	_ =	sdelay $0x1  }
0xad: {  	v3 =	vld [tilespmem:s28+$0xFFFFFF60]  }
0xae: {  	v4 =	vmul.f32 v0, v0;
	v0 =	vadd.f32 v1, v0;
	v1 =	vmul.f32 v1, v1  }
0xaf: {  	v5 =	vld [tilespmem:s28+$0xFFFFFF70]  }
0xb0: {  	v1 =	vadd.f32 v1, v4;
	v0 =	vadd.f32 v2, v0;
	v2 =	vmul.f32 v2, v2  }
0xb1: {  	v50 =	vld [tilespmem:s28+$0xFFFFFF80]  }
0xb2: {  	v1 =	vadd.f32 v2, v1;
	v0 =	vadd.f32 v3, v0;
	v2 =	vmul.f32 v3, v3  }
0xb3: {  	v3 =	vld [tilespmem:s28+$0xFFFFFF90]  }
0xb4: {  	v1 =	vadd.f32 v2, v1;
	v0 =	vadd.f32 v5, v0;
	v2 =	vmul.f32 v5, v5  }
0xb5: {  	v51 =	vld [tilespmem:s28+$0xFFFFFFA0]  }
0xb6: {  	v1 =	vadd.f32 v2, v1;
	v0 =	vadd.f32 v50, v0;
	v2 =	vmul.f32 v50, v50  }
0xb7: {  	v52 =	vld [tilespmem:s28+$0xFFFFFFB0]  }
0xb8: {  	v1 =	vadd.f32 v2, v1;
	v0 =	vadd.f32 v3, v0;
	v2 =	vmul.f32 v3, v3  }
0xb9: {  	v3 =	vld [tilespmem:s28+$0xFFFFFFC0]  }
0xba: {  	v1 =	vadd.f32 v2, v1;
	v0 =	vadd.f32 v51, v0;
	v2 =	vmul.f32 v51, v51  }
0xbb: {  	v53 =	vld [tilespmem:s28+$0xFFFFFFD0]  }
0xbc: {  	v1 =	vadd.f32 v2, v1;
	v0 =	vadd.f32 v52, v0;
	v2 =	vmul.f32 v52, v52  }
0xbd: {  	v54 =	vld [tilespmem:s28+$0xFFFFFFE0]  }
0xbe: {  	v1 =	vadd.f32 v2, v1;
	v0 =	vadd.f32 v3, v0;
	v2 =	vmul.f32 v3, v3  }
0xbf: {  	v3 =	vld [tilespmem:s28+$0xFFFFFFF0]  }
0xc0: {  	v1 =	vadd.f32 v2, v1;
	v0 =	vadd.f32 v53, v0;
	v2 =	vmul.f32 v53, v53  }
0xc1: {  	v55 =	vld [tilespmem:s28+$0x0]  }
0xc2: {  	v1 =	vadd.f32 v2, v1;
	v0 =	vadd.f32 v54, v0;
	v2 =	vmul.f32 v54, v54  }
0xc3: {  	v56 =	vld [tilespmem:s28+$0x10]  }
0xc4: {  	v1 =	vadd.f32 v2, v1;
	v0 =	vadd.f32 v3, v0;
	v2 =	vmul.f32 v3, v3  }
0xc5: {  	v3 =	vld [tilespmem:s28+$0x20]  }
0xc6: {  	v1 =	vadd.f32 v2, v1;
	v0 =	vadd.f32 v55, v0;
	v2 =	vmul.f32 v55, v55  }
0xc7: {  	v57 =	vld [tilespmem:s28+$0x30]  }
0xc8: {  	v1 =	vadd.f32 v2, v1;
	v0 =	vadd.f32 v56, v0;
	v2 =	vmul.f32 v56, v56  }
0xc9: {  	v58 =	vld [tilespmem:s28+$0x40]  }
0xca: {  	v1 =	vadd.f32 v2, v1;
	v0 =	vadd.f32 v3, v0;
	v2 =	vmul.f32 v3, v3  }
0xcb: {  	v3 =	vld [tilespmem:s28+$0x50]  }
0xcc: {  	v1 =	vadd.f32 v2, v1;
	v0 =	vadd.f32 v57, v0;
	v2 =	vmul.f32 v57, v57  }
0xcd: {  	v59 =	vld [tilespmem:s28+$0x60]  }
0xce: {  	v1 =	vadd.f32 v2, v1;
	v0 =	vadd.f32 v58, v0;
	v2 =	vmul.f32 v58, v58  }
0xcf: {  	v60 =	vld [tilespmem:s28+$0x70]  }
0xd0: {  	v1 =	vadd.f32 v2, v1;
	v0 =	vadd.f32 v3, v0;
	v2 =	vmul.f32 v3, v3  }
0xd1: {  	v3 =	vld [tilespmem:s28+$0x80]  }
0xd2: {  	v1 =	vadd.f32 v2, v1;
	v0 =	vadd.f32 v59, v0;
	v2 =	vmul.f32 v59, v59  }
0xd3: {  	v61 =	vld [tilespmem:s28+$0x90]  }
0xd4: {  	v1 =	vadd.f32 v2, v1;
	v0 =	vadd.f32 v60, v0;
	v2 =	vmul.f32 v60, v60  }
0xd5: {  	v62 =	vld [tilespmem:s28+$0xA0]  }
0xd6: {  	v1 =	vadd.f32 v2, v1;
	v0 =	vadd.f32 v3, v0;
	v2 =	vmul.f32 v3, v3  }
0xd7: {  	v3 =	vld [tilespmem:s28+$0xB0]  }
0xd8: {  	v1 =	vadd.f32 v2, v1;
	v0 =	vadd.f32 v61, v0;
	v2 =	vmul.f32 v61, v61  }
0xd9: {  	v63 =	vld [tilespmem:s28+$0xC0]  }
0xda: {  	v1 =	vadd.f32 v2, v1;
	v0 =	vadd.f32 v62, v0;
	v2 =	vmul.f32 v62, v62;
	_ =	sdelay $0x1  }
0xdb: {  	v1 =	vadd.f32 v2, v1;
	v0 =	vadd.f32 v3, v0;
	v2 =	vmul.f32 v3, v3;
	_ =	sdelay $0x1  }
0xdc: {  	v1 =	vadd.f32 v2, v1;
	v0 =	vadd.f32 v63, v0;
	v2 =	vmul.f32 v63, v63;
	_ =	sdelay $0x1  }
0xdd: {  	v1 =	vadd.f32 v2, v1;
	v0 =	vmul.f32 v0, v0;
	_ =	sdelay $0x1  }
0xde: {  	p0 =	seq.s32 s26, $0x3;
	v0 =	vsub.f32 v0, v1  }
0xdf: {  	s28 =	smul.u32 @!p0 $0x3400, s26  }
0xe0: {  	v0 =	vmul.f32 $5.000000000e-01, v0  }
0xe1: {  	s1 =	sshra.s32 s29, $0x2;
	s29 =	sshra.s32 @!p0 s28, $0x2  }
0xe2: {  	s30 =	simm.s32 @!p0 $0x80;
	s31 =	simm.s32 @!p0 $0x3400;
	[tilespmem:s1+$0x13800] =	vst v0;
	s1 =	sadd.s32 @!p0 $0xD00, s29  }
0xe3: {  	[tilespmem:s31], [sflag:$0x1] =	stream.indirect.gather @!p0 [hbm4b:s4+s30], $0x10, s1, s30, $0xb8;
	[tilespmem:$0x13C40] =	vst v63  }
0xe4: {  	s1 =	sadd.s32 @!p0 $0xD80, s29;
	s31 =	simm.s32 @!p0 $0x3C00  }
0xe5: {  	[tilespmem:s31], [sflag:$0x1] =	stream.indirect.gather @!p0 [hbm4b:s4+s30], $0x10, s1, s30, $0xb8;
	[tilespmem:$0x13C40] =	vst v63  }
0xe6: {  	s1 =	sadd.s32 @!p0 $0xE00, s29;
	s31 =	simm.s32 @!p0 $0x4400  }
0xe7: {  	[tilespmem:s31], [sflag:$0x1] =	stream.indirect.gather @!p0 [hbm4b:s4+s30], $0x10, s1, s30, $0xb8;
	[tilespmem:$0x13C40] =	vst v63  }
0xe8: {  	s1 =	sadd.s32 @!p0 $0xE80, s29;
	s31 =	simm.s32 @!p0 $0x4C00  }
0xe9: {  	[tilespmem:s31], [sflag:$0x1] =	stream.indirect.gather @!p0 [hbm4b:s4+s30], $0x10, s1, s30, $0xb8;
	[tilespmem:$0x13C40] =	vst v63  }
0xea: {  	s1 =	sadd.s32 @!p0 $0xF00, s29;
	s31 =	simm.s32 @!p0 $0x5400  }
0xeb: {  	[tilespmem:s31], [sflag:$0x1] =	stream.indirect.gather @!p0 [hbm4b:s4+s30], $0x10, s1, s30, $0xb8;
	[tilespmem:$0x13C40] =	vst v63  }
0xec: {  	s1 =	sadd.s32 @!p0 $0xF80, s29;
	s31 =	simm.s32 @!p0 $0x5C00  }
0xed: {  	[tilespmem:s31], [sflag:$0x1] =	stream.indirect.gather @!p0 [hbm4b:s4+s30], $0x10, s1, s30, $0xb8;
	[tilespmem:$0x13C40] =	vst v63  }
0xee: {  	s1 =	sadd.s32 @!p0 $0x1000, s29;
	s31 =	simm.s32 @!p0 $0x6400  }
0xef: {  	[tilespmem:s31], [sflag:$0x1] =	stream.indirect.gather @!p0 [hbm4b:s4+s30], $0x10, s1, s30, $0xb8;
	[tilespmem:$0x13C40] =	vst v63  }
0xf0: {  	s1 =	sadd.s32 @!p0 $0x1080, s29;
	s31 =	simm.s32 @!p0 $0x6C00  }
0xf1: {  	[tilespmem:s31], [sflag:$0x1] =	stream.indirect.gather @!p0 [hbm4b:s4+s30], $0x10, s1, s30, $0xb8;
	[tilespmem:$0x13C40] =	vst v63  }
0xf2: {  	s1 =	sadd.s32 @!p0 $0x1100, s29;
	s31 =	simm.s32 @!p0 $0x7400  }
0xf3: {  	[tilespmem:s31], [sflag:$0x1] =	stream.indirect.gather @!p0 [hbm4b:s4+s30], $0x10, s1, s30, $0xb8;
	[tilespmem:$0x13C40] =	vst v63  }
0xf4: {  	s1 =	sadd.s32 @!p0 $0x1180, s29;
	s31 =	simm.s32 @!p0 $0x7C00  }
0xf5: {  	[tilespmem:s31], [sflag:$0x1] =	stream.indirect.gather @!p0 [hbm4b:s4+s30], $0x10, s1, s30, $0xb8;
	[tilespmem:$0x13C40] =	vst v63  }
0xf6: {  	s1 =	sadd.s32 @!p0 $0x1200, s29;
	s31 =	simm.s32 @!p0 $0x8400  }
0xf7: {  	[tilespmem:s31], [sflag:$0x1] =	stream.indirect.gather @!p0 [hbm4b:s4+s30], $0x10, s1, s30, $0xb8;
	[tilespmem:$0x13C40] =	vst v63  }
0xf8: {  	s1 =	sadd.s32 @!p0 $0x1280, s29;
	s31 =	simm.s32 @!p0 $0x8C00  }
0xf9: {  	[tilespmem:s31], [sflag:$0x1] =	stream.indirect.gather @!p0 [hbm4b:s4+s30], $0x10, s1, s30, $0xb8;
	[tilespmem:$0x13C40] =	vst v63  }
0xfa: {  	s28 =	simm.s32 @p0 $0x9C00;
	s1 =	sadd.s32 @!p0 $0x1300, s29;
	s29 =	simm.s32 @!p0 $0x9400  }
0xfb: {  	[tilespmem:s29], [sflag:$0x1] =	stream.indirect.gather @!p0 [hbm4b:s4+s30], $0x10, s1, s30, $0xb8;
	[tilespmem:$0x13C40] =	vst v63  }
0xfc: {  	s29 =	sshra.s32 s28, $0x2  }
0xfd: {  	v0 =	vld [tilespmem:s29+$0x10400]  }
0xfe: {  	v1 =	vld [tilespmem:s29+$0x10440];
	_ =	sdelay $0x1  }
0xff: {  	v2 =	vld [tilespmem:s29+$0x10480];
	_ =	sdelay $0x1  }
0x100: {  	v3 =	vld [tilespmem:s29+$0x104C0]  }
0x101: {  	v0 =	vadd.f32 v1, v0  }
0x102: {  	v1 =	vld [tilespmem:s29+$0x10500]  }
0x103: {  	v0 =	vadd.f32 v2, v0  }
0x104: {  	v2 =	vld [tilespmem:s29+$0x10540]  }
0x105: {  	v0 =	vadd.f32 v3, v0  }
0x106: {  	v3 =	vld [tilespmem:s29+$0x10580]  }
0x107: {  	v0 =	vadd.f32 v1, v0  }
0x108: {  	v1 =	vld [tilespmem:s29+$0x105C0]  }
0x109: {  	v0 =	vadd.f32 v2, v0  }
0x10a: {  	v2 =	vld [tilespmem:s29+$0x10600]  }
0x10b: {  	v0 =	vadd.f32 v3, v0  }
0x10c: {  	v3 =	vld [tilespmem:s29+$0x10640]  }
0x10d: {  	v0 =	vadd.f32 v1, v0  }
0x10e: {  	v1 =	vld [tilespmem:s29+$0x10680]  }
0x10f: {  	v0 =	vadd.f32 v2, v0  }
0x110: {  	v2 =	vld [tilespmem:s29+$0x106C0]  }
0x111: {  	v0 =	vadd.f32 v3, v0  }
0x112: {  	v3 =	vld [tilespmem:s29+$0x10700]  }
0x113: {  	v0 =	vadd.f32 v1, v0  }
0x114: {  	v1 =	vld [tilespmem:s29+$0x10740]  }
0x115: {  	v0 =	vadd.f32 v2, v0  }
0x116: {  	v2 =	vld [tilespmem:s29+$0x10780]  }
0x117: {  	v0 =	vadd.f32 v3, v0  }
0x118: {  	v3 =	vld [tilespmem:s29+$0x107C0]  }
0x119: {  	v0 =	vadd.f32 v1, v0  }
0x11a: {  	v1 =	vld [tilespmem:s29+$0x10800]  }
0x11b: {  	v0 =	vadd.f32 v2, v0  }
0x11c: {  	v2 =	vld [tilespmem:s29+$0x10840]  }
0x11d: {  	v0 =	vadd.f32 v3, v0  }
0x11e: {  	v3 =	vld [tilespmem:s29+$0x10880]  }
0x11f: {  	v0 =	vadd.f32 v1, v0  }
0x120: {  	v1 =	vld [tilespmem:s29+$0x108C0]  }
0x121: {  	v0 =	vadd.f32 v2, v0  }
0x122: {  	v2 =	vld [tilespmem:s29+$0x10900]  }
0x123: {  	v0 =	vadd.f32 v3, v0  }
0x124: {  	v3 =	vld [tilespmem:s29+$0x10940]  }
0x125: {  	v0 =	vadd.f32 v1, v0  }
0x126: {  	v1 =	vld [tilespmem:s29+$0x10980]  }
0x127: {  	v0 =	vadd.f32 v2, v0  }
0x128: {  	v2 =	vld [tilespmem:s29+$0x109C0]  }
0x129: {  	v0 =	vadd.f32 v3, v0  }
0x12a: {  	v3 =	vld [tilespmem:s29+$0x10A00]  }
0x12b: {  	v0 =	vadd.f32 v1, v0  }
0x12c: {  	v1 =	vld [tilespmem:s29+$0x10A40]  }
0x12d: {  	v0 =	vadd.f32 v2, v0;
	_ =	sdelay $0x1  }
0x12e: {  	v0 =	vadd.f32 v3, v0;
	_ =	sdelay $0x1  }
0x12f: {  	v0 =	vadd.f32 v1, v0;
	_ =	sdelay $0x1  }
0x130: {  	[tilespmem:$0x13C00] =	vst v0  }
0x131: {  	v0 =	vld [tilespmem:s29+$0x10410]  }
0x132: {  	v1 =	vld [tilespmem:s29+$0x10450];
	_ =	sdelay $0x1  }
0x133: {  	v2 =	vld [tilespmem:s29+$0x10490];
	_ =	sdelay $0x1  }
0x134: {  	v3 =	vld [tilespmem:s29+$0x104D0]  }
0x135: {  	v0 =	vadd.f32 v1, v0  }
0x136: {  	v1 =	vld [tilespmem:s29+$0x10510]  }
0x137: {  	v0 =	vadd.f32 v2, v0  }
0x138: {  	v2 =	vld [tilespmem:s29+$0x10550]  }
0x139: {  	v0 =	vadd.f32 v3, v0  }
0x13a: {  	v3 =	vld [tilespmem:s29+$0x10590]  }
0x13b: {  	v0 =	vadd.f32 v1, v0  }
0x13c: {  	v1 =	vld [tilespmem:s29+$0x105D0]  }
0x13d: {  	v0 =	vadd.f32 v2, v0  }
0x13e: {  	v2 =	vld [tilespmem:s29+$0x10610]  }
0x13f: {  	v0 =	vadd.f32 v3, v0  }
0x140: {  	v3 =	vld [tilespmem:s29+$0x10650]  }
0x141: {  	v0 =	vadd.f32 v1, v0  }
0x142: {  	v1 =	vld [tilespmem:s29+$0x10690]  }
0x143: {  	v0 =	vadd.f32 v2, v0  }
0x144: {  	v2 =	vld [tilespmem:s29+$0x106D0]  }
0x145: {  	v0 =	vadd.f32 v3, v0  }
0x146: {  	v3 =	vld [tilespmem:s29+$0x10710]  }
0x147: {  	v0 =	vadd.f32 v1, v0  }
0x148: {  	v1 =	vld [tilespmem:s29+$0x10750]  }
0x149: {  	v0 =	vadd.f32 v2, v0  }
0x14a: {  	v2 =	vld [tilespmem:s29+$0x10790]  }
0x14b: {  	v0 =	vadd.f32 v3, v0  }
0x14c: {  	v3 =	vld [tilespmem:s29+$0x107D0]  }
0x14d: {  	v0 =	vadd.f32 v1, v0  }
0x14e: {  	v1 =	vld [tilespmem:s29+$0x10810]  }
0x14f: {  	v0 =	vadd.f32 v2, v0  }
0x150: {  	v2 =	vld [tilespmem:s29+$0x10850]  }
0x151: {  	v0 =	vadd.f32 v3, v0  }
0x152: {  	v3 =	vld [tilespmem:s29+$0x10890]  }
0x153: {  	v0 =	vadd.f32 v1, v0  }
0x154: {  	v1 =	vld [tilespmem:s29+$0x108D0]  }
0x155: {  	v0 =	vadd.f32 v2, v0  }
0x156: {  	v2 =	vld [tilespmem:s29+$0x10910]  }
0x157: {  	v0 =	vadd.f32 v3, v0  }
0x158: {  	v3 =	vld [tilespmem:s29+$0x10950]  }
0x159: {  	v0 =	vadd.f32 v1, v0  }
0x15a: {  	v1 =	vld [tilespmem:s29+$0x10990]  }
0x15b: {  	v0 =	vadd.f32 v2, v0  }
0x15c: {  	v2 =	vld [tilespmem:s29+$0x109D0]  }
0x15d: {  	v0 =	vadd.f32 v3, v0  }
0x15e: {  	v3 =	vld [tilespmem:s29+$0x10A10]  }
0x15f: {  	v0 =	vadd.f32 v1, v0  }
0x160: {  	v1 =	vld [tilespmem:s29+$0x10A50]  }
0x161: {  	v0 =	vadd.f32 v2, v0;
	_ =	sdelay $0x1  }
0x162: {  	v0 =	vadd.f32 v3, v0;
	_ =	sdelay $0x1  }
0x163: {  	v0 =	vadd.f32 v1, v0;
	_ =	sdelay $0x1  }
0x164: {  	[tilespmem:$0x13C10] =	vst v0  }
0x165: {  	v0 =	vld [tilespmem:s29+$0x10420]  }
0x166: {  	v1 =	vld [tilespmem:s29+$0x10460];
	_ =	sdelay $0x1  }
0x167: {  	v2 =	vld [tilespmem:s29+$0x104A0];
	_ =	sdelay $0x1  }
0x168: {  	v3 =	vld [tilespmem:s29+$0x104E0]  }
0x169: {  	v0 =	vadd.f32 v1, v0  }
0x16a: {  	v1 =	vld [tilespmem:s29+$0x10520]  }
0x16b: {  	v0 =	vadd.f32 v2, v0  }
0x16c: {  	v2 =	vld [tilespmem:s29+$0x10560]  }
0x16d: {  	v0 =	vadd.f32 v3, v0  }
0x16e: {  	v3 =	vld [tilespmem:s29+$0x105A0]  }
0x16f: {  	v0 =	vadd.f32 v1, v0  }
0x170: {  	v1 =	vld [tilespmem:s29+$0x105E0]  }
0x171: {  	v0 =	vadd.f32 v2, v0  }
0x172: {  	v2 =	vld [tilespmem:s29+$0x10620]  }
0x173: {  	v0 =	vadd.f32 v3, v0  }
0x174: {  	v3 =	vld [tilespmem:s29+$0x10660]  }
0x175: {  	v0 =	vadd.f32 v1, v0  }
0x176: {  	v1 =	vld [tilespmem:s29+$0x106A0]  }
0x177: {  	v0 =	vadd.f32 v2, v0  }
0x178: {  	v2 =	vld [tilespmem:s29+$0x106E0]  }
0x179: {  	v0 =	vadd.f32 v3, v0  }
0x17a: {  	v3 =	vld [tilespmem:s29+$0x10720]  }
0x17b: {  	v0 =	vadd.f32 v1, v0  }
0x17c: {  	v1 =	vld [tilespmem:s29+$0x10760]  }
0x17d: {  	v0 =	vadd.f32 v2, v0  }
0x17e: {  	v2 =	vld [tilespmem:s29+$0x107A0]  }
0x17f: {  	v0 =	vadd.f32 v3, v0  }
0x180: {  	v3 =	vld [tilespmem:s29+$0x107E0]  }
0x181: {  	v0 =	vadd.f32 v1, v0  }
0x182: {  	v1 =	vld [tilespmem:s29+$0x10820]  }
0x183: {  	v0 =	vadd.f32 v2, v0  }
0x184: {  	v2 =	vld [tilespmem:s29+$0x10860]  }
0x185: {  	v0 =	vadd.f32 v3, v0  }
0x186: {  	v3 =	vld [tilespmem:s29+$0x108A0]  }
0x187: {  	v0 =	vadd.f32 v1, v0  }
0x188: {  	v1 =	vld [tilespmem:s29+$0x108E0]  }
0x189: {  	v0 =	vadd.f32 v2, v0  }
0x18a: {  	v2 =	vld [tilespmem:s29+$0x10920]  }
0x18b: {  	v0 =	vadd.f32 v3, v0  }
0x18c: {  	v3 =	vld [tilespmem:s29+$0x10960]  }
0x18d: {  	v0 =	vadd.f32 v1, v0  }
0x18e: {  	v1 =	vld [tilespmem:s29+$0x109A0]  }
0x18f: {  	v0 =	vadd.f32 v2, v0  }
0x190: {  	v2 =	vld [tilespmem:s29+$0x109E0]  }
0x191: {  	v0 =	vadd.f32 v3, v0  }
0x192: {  	v3 =	vld [tilespmem:s29+$0x10A20]  }
0x193: {  	v0 =	vadd.f32 v1, v0  }
0x194: {  	v1 =	vld [tilespmem:s29+$0x10A60]  }
0x195: {  	v0 =	vadd.f32 v2, v0;
	_ =	sdelay $0x1  }
0x196: {  	v0 =	vadd.f32 v3, v0;
	_ =	sdelay $0x1  }
0x197: {  	v0 =	vadd.f32 v1, v0;
	_ =	sdelay $0x1  }
0x198: {  	[tilespmem:$0x13C20] =	vst v0  }
0x199: {  	v0 =	vld [tilespmem:s29+$0x10430]  }
0x19a: {  	v1 =	vld [tilespmem:s29+$0x10470];
	_ =	sdelay $0x1  }
0x19b: {  	v2 =	vld [tilespmem:s29+$0x104B0];
	_ =	sdelay $0x1  }
0x19c: {  	v3 =	vld [tilespmem:s29+$0x104F0]  }
0x19d: {  	v0 =	vadd.f32 v1, v0  }
0x19e: {  	v1 =	vld [tilespmem:s29+$0x10530]  }
0x19f: {  	v0 =	vadd.f32 v2, v0  }
0x1a0: {  	v2 =	vld [tilespmem:s29+$0x10570]  }
0x1a1: {  	v0 =	vadd.f32 v3, v0  }
0x1a2: {  	v3 =	vld [tilespmem:s29+$0x105B0]  }
0x1a3: {  	v0 =	vadd.f32 v1, v0  }
0x1a4: {  	v1 =	vld [tilespmem:s29+$0x105F0]  }
0x1a5: {  	v0 =	vadd.f32 v2, v0  }
0x1a6: {  	v2 =	vld [tilespmem:s29+$0x10630]  }
0x1a7: {  	v0 =	vadd.f32 v3, v0  }
0x1a8: {  	v3 =	vld [tilespmem:s29+$0x10670]  }
0x1a9: {  	v0 =	vadd.f32 v1, v0  }
0x1aa: {  	v1 =	vld [tilespmem:s29+$0x106B0]  }
0x1ab: {  	v0 =	vadd.f32 v2, v0  }
0x1ac: {  	v2 =	vld [tilespmem:s29+$0x106F0]  }
0x1ad: {  	v0 =	vadd.f32 v3, v0  }
0x1ae: {  	v3 =	vld [tilespmem:s29+$0x10730]  }
0x1af: {  	v0 =	vadd.f32 v1, v0  }
0x1b0: {  	v1 =	vld [tilespmem:s29+$0x10770]  }
0x1b1: {  	v0 =	vadd.f32 v2, v0  }
0x1b2: {  	v2 =	vld [tilespmem:s29+$0x107B0]  }
0x1b3: {  	v0 =	vadd.f32 v3, v0  }
0x1b4: {  	v3 =	vld [tilespmem:s29+$0x107F0]  }
0x1b5: {  	v0 =	vadd.f32 v1, v0  }
0x1b6: {  	v1 =	vld [tilespmem:s29+$0x10830]  }
0x1b7: {  	v0 =	vadd.f32 v2, v0  }
0x1b8: {  	v2 =	vld [tilespmem:s29+$0x10870]  }
0x1b9: {  	v0 =	vadd.f32 v3, v0  }
0x1ba: {  	v3 =	vld [tilespmem:s29+$0x108B0]  }
0x1bb: {  	v0 =	vadd.f32 v1, v0  }
0x1bc: {  	v1 =	vld [tilespmem:s29+$0x108F0]  }
0x1bd: {  	v0 =	vadd.f32 v2, v0  }
0x1be: {  	v2 =	vld [tilespmem:s29+$0x10930]  }
0x1bf: {  	v0 =	vadd.f32 v3, v0  }
0x1c0: {  	v3 =	vld [tilespmem:s29+$0x10970]  }
0x1c1: {  	v0 =	vadd.f32 v1, v0  }
0x1c2: {  	v1 =	vld [tilespmem:s29+$0x109B0]  }
0x1c3: {  	v0 =	vadd.f32 v2, v0  }
0x1c4: {  	v2 =	vld [tilespmem:s29+$0x109F0]  }
0x1c5: {  	v0 =	vadd.f32 v3, v0  }
0x1c6: {  	v3 =	vld [tilespmem:s29+$0x10A30]  }
0x1c7: {  	v0 =	vadd.f32 v1, v0  }
0x1c8: {  	v1 =	vld [tilespmem:s29+$0x10A70]  }
0x1c9: {  	v0 =	vadd.f32 v2, v0;
	_ =	sdelay $0x1  }
0x1ca: {  	v0 =	vadd.f32 v3, v0  }
0x1cb: {  	s0 =	sshll.u32 s26, $0x7  }
0x1cc: {  	s1 =	sadd.s32 s8, s0;
	v0 =	vadd.f32 v1, v0  }
0x1cd: {  	s29 =	sshll.u32 s1, $0x1  }
0x1ce: {  	s30 =	sadd.s32 s5, s29;
	s29 =	simm.s32 $0x0;
	[tilespmem:$0x13C30] =	vst v0  }
0x1cf: {  	[hbm4b:s30+s29] =	stream.linear.scatter [tilespmem:s22], [sflag:$0x3], $0x400, $0x38;
	[tilespmem:$0x13C40] =	vst v63  }
0x1d0: {  	_ =	swait.ge [sflag:s10], $0x400  }
0x1d1: {  	s1 =	sshrl.u32 s1, $0x3;
	[sflag:s10] =	ssyncset.done $0x0  }
0x1d2: {  	s1 =	sadd.s32 s2, s1;
	[sflag:s10] =	ssyncadd.s32 $0xFFFFFC00  }
0x1d3: {  	[hbm4b:s1+s29] =	stream.linear.scatter [tilespmem:s23], [sflag:$0x3], $0x40, $0x38;
	[tilespmem:$0x13C40] =	vst v63  }
0x1d4: {  	_ =	swait.ge [sflag:s10], $0x40  }
0x1d5: {  	[sflag:s10] =	ssyncset.done $0x0  }
0x1d6: {  	[sflag:s10] =	ssyncadd.s32 $0xFFFFFFC0  }
0x1d7: {  	_ =	swait.ge [sflag:s24], $0x800  }
0x1d8: {  	[sflag:s24] =	ssyncset.done $0x0  }
0x1d9: {  	[sflag:s24] =	ssyncadd.s32 $0xFFFFF800  }
0x1da: {  	_ =	swait.ge [sflag:s24], $0x800  }
0x1db: {  	[sflag:s24] =	ssyncset.done $0x0  }
0x1dc: {  	[sflag:s24] =	ssyncadd.s32 $0xFFFFF800  }
0x1dd: {  	_ =	swait.ge [sflag:s24], $0x800  }
0x1de: {  	[sflag:s24] =	ssyncset.done $0x0  }
0x1df: {  	[sflag:s24] =	ssyncadd.s32 $0xFFFFF800  }
0x1e0: {  	_ =	swait.ge [sflag:s24], $0x800  }
0x1e1: {  	[sflag:s24] =	ssyncset.done $0x0  }
0x1e2: {  	[sflag:s24] =	ssyncadd.s32 $0xFFFFF800  }
0x1e3: {  	_ =	swait.ge [sflag:s24], $0x800  }
0x1e4: {  	[sflag:s24] =	ssyncset.done $0x0  }
0x1e5: {  	[sflag:s24] =	ssyncadd.s32 $0xFFFFF800  }
0x1e6: {  	_ =	swait.ge [sflag:s24], $0x800  }
0x1e7: {  	[sflag:s24] =	ssyncset.done $0x0  }
0x1e8: {  	[sflag:s24] =	ssyncadd.s32 $0xFFFFF800  }
0x1e9: {  	_ =	swait.ge [sflag:s24], $0x800  }
0x1ea: {  	[sflag:s24] =	ssyncset.done $0x0  }
0x1eb: {  	[sflag:s24] =	ssyncadd.s32 $0xFFFFF800  }
0x1ec: {  	_ =	swait.ge [sflag:s24], $0x800  }
0x1ed: {  	[sflag:s24] =	ssyncset.done $0x0  }
0x1ee: {  	[sflag:s24] =	ssyncadd.s32 $0xFFFFF800  }
0x1ef: {  	_ =	swait.ge [sflag:s24], $0x800  }
0x1f0: {  	[sflag:s24] =	ssyncset.done $0x0  }
0x1f1: {  	[sflag:s24] =	ssyncadd.s32 $0xFFFFF800  }
0x1f2: {  	_ =	swait.ge [sflag:s24], $0x800  }
0x1f3: {  	[sflag:s24] =	ssyncset.done $0x0  }
0x1f4: {  	[sflag:s24] =	ssyncadd.s32 $0xFFFFF800  }
0x1f5: {  	_ =	swait.ge [sflag:s24], $0x800  }
0x1f6: {  	[sflag:s24] =	ssyncset.done $0x0  }
0x1f7: {  	[sflag:s24] =	ssyncadd.s32 $0xFFFFF800  }
0x1f8: {  	_ =	swait.ge [sflag:s24], $0x800  }
0x1f9: {  	[sflag:s24] =	ssyncset.done $0x0  }
0x1fa: {  	[sflag:s24] =	ssyncadd.s32 $0xFFFFF800  }
0x1fb: {  	_ =	swait.ge [sflag:s24], $0x800  }
0x1fc: {  	[sflag:s24] =	ssyncset.done $0x0  }
0x1fd: {  	s31 =	simm.s32 $0x9CD0;
	[sflag:s24] =	ssyncadd.s32 $0xFFFFF800  }
0x1fe: {  	v0 =	vld [tilespmem:s31+$0xFFFFFF30]  }
0x1ff: {  	s30 =	sshll.u32 s26, $0x1;
	s1 =	simm.s32 $0x40;
	v1 =	vld [tilespmem:s31+$0xFFFFFF40]  }
.LBB2_5:
0x200: {  	p1 =	sne.s32 s1, $0xFC0  }
0x201: {  	v2 =	vld [tilespmem:s31+$0xFFFFFF50];
	_ =	sdelay $0x1  }
0x202: {  	v3 =	vld [tilespmem:s31+$0xFFFFFF60]  }
0x203: {  	v4 =	vmul.f32 v0, v0;
	v0 =	vadd.f32 v1, v0;
	v1 =	vmul.f32 v1, v1  }
0x204: {  	v5 =	vld [tilespmem:s31+$0xFFFFFF70]  }
0x205: {  	v1 =	vadd.f32 v1, v4;
	v0 =	vadd.f32 v2, v0;
	v2 =	vmul.f32 v2, v2  }
0x206: {  	v4 =	vld [tilespmem:s31+$0xFFFFFF80]  }
0x207: {  	v1 =	vadd.f32 v2, v1;
	v0 =	vadd.f32 v3, v0;
	v2 =	vmul.f32 v3, v3  }
0x208: {  	v3 =	vld [tilespmem:s31+$0xFFFFFF90]  }
0x209: {  	v1 =	vadd.f32 v2, v1;
	v0 =	vadd.f32 v5, v0;
	v2 =	vmul.f32 v5, v5  }
0x20a: {  	v5 =	vld [tilespmem:s31+$0xFFFFFFA0]  }
0x20b: {  	v1 =	vadd.f32 v2, v1;
	v0 =	vadd.f32 v4, v0;
	v2 =	vmul.f32 v4, v4  }
0x20c: {  	v4 =	vld [tilespmem:s31+$0xFFFFFFB0]  }
0x20d: {  	v1 =	vadd.f32 v2, v1;
	v0 =	vadd.f32 v3, v0;
	v2 =	vmul.f32 v3, v3  }
0x20e: {  	v3 =	vld [tilespmem:s31+$0xFFFFFFC0]  }
0x20f: {  	v1 =	vadd.f32 v2, v1;
	v0 =	vadd.f32 v5, v0;
	v2 =	vmul.f32 v5, v5  }
0x210: {  	v5 =	vld [tilespmem:s31+$0xFFFFFFD0]  }
0x211: {  	v1 =	vadd.f32 v2, v1;
	v0 =	vadd.f32 v4, v0;
	v2 =	vmul.f32 v4, v4  }
0x212: {  	v4 =	vld [tilespmem:s31+$0xFFFFFFE0]  }
0x213: {  	v1 =	vadd.f32 v2, v1;
	v0 =	vadd.f32 v3, v0;
	v2 =	vmul.f32 v3, v3  }
0x214: {  	v3 =	vld [tilespmem:s31+$0xFFFFFFF0]  }
0x215: {  	v1 =	vadd.f32 v2, v1;
	v0 =	vadd.f32 v5, v0;
	v2 =	vmul.f32 v5, v5  }
0x216: {  	v5 =	vld [tilespmem:s31+$0x0]  }
0x217: {  	v1 =	vadd.f32 v2, v1;
	v0 =	vadd.f32 v4, v0;
	v2 =	vmul.f32 v4, v4  }
0x218: {  	v4 =	vld [tilespmem:s31+$0x10]  }
0x219: {  	v1 =	vadd.f32 v2, v1;
	v0 =	vadd.f32 v3, v0;
	v2 =	vmul.f32 v3, v3  }
0x21a: {  	v3 =	vld [tilespmem:s31+$0x20]  }
0x21b: {  	v1 =	vadd.f32 v2, v1;
	v0 =	vadd.f32 v5, v0;
	v2 =	vmul.f32 v5, v5  }
0x21c: {  	v5 =	vld [tilespmem:s31+$0x30]  }
0x21d: {  	v1 =	vadd.f32 v2, v1;
	v0 =	vadd.f32 v4, v0;
	v2 =	vmul.f32 v4, v4  }
0x21e: {  	v4 =	vld [tilespmem:s31+$0x40]  }
0x21f: {  	v1 =	vadd.f32 v2, v1;
	v0 =	vadd.f32 v3, v0;
	v2 =	vmul.f32 v3, v3  }
0x220: {  	v3 =	vld [tilespmem:s31+$0x50]  }
0x221: {  	v1 =	vadd.f32 v2, v1;
	v0 =	vadd.f32 v5, v0;
	v2 =	vmul.f32 v5, v5  }
0x222: {  	v5 =	vld [tilespmem:s31+$0x60]  }
0x223: {  	v1 =	vadd.f32 v2, v1;
	v0 =	vadd.f32 v4, v0;
	v2 =	vmul.f32 v4, v4  }
0x224: {  	v4 =	vld [tilespmem:s31+$0x70]  }
0x225: {  	v1 =	vadd.f32 v2, v1;
	v0 =	vadd.f32 v3, v0;
	v2 =	vmul.f32 v3, v3  }
0x226: {  	v3 =	vld [tilespmem:s31+$0x80]  }
0x227: {  	v1 =	vadd.f32 v2, v1;
	v0 =	vadd.f32 v5, v0;
	v2 =	vmul.f32 v5, v5  }
0x228: {  	v5 =	vld [tilespmem:s31+$0x90]  }
0x229: {  	v1 =	vadd.f32 v2, v1;
	v0 =	vadd.f32 v4, v0;
	v2 =	vmul.f32 v4, v4  }
0x22a: {  	v4 =	vld [tilespmem:s31+$0xA0]  }
0x22b: {  	v1 =	vadd.f32 v2, v1;
	v0 =	vadd.f32 v3, v0;
	v2 =	vmul.f32 v3, v3  }
0x22c: {  	v3 =	vld [tilespmem:s31+$0xB0]  }
0x22d: {  	v1 =	vadd.f32 v2, v1;
	v0 =	vadd.f32 v5, v0;
	v2 =	vmul.f32 v5, v5  }
0x22e: {  	v5 =	vld [tilespmem:s31+$0xC0]  }
0x22f: {  	v1 =	vadd.f32 v2, v1;
	v0 =	vadd.f32 v4, v0;
	v2 =	vmul.f32 v4, v4;
	_ =	sdelay $0x1  }
0x230: {  	v1 =	vadd.f32 v2, v1;
	v0 =	vadd.f32 v3, v0;
	v2 =	vmul.f32 v3, v3;
	_ =	sdelay $0x1  }
0x231: {  	v1 =	vadd.f32 v2, v1;
	v0 =	vadd.f32 v5, v0;
	v2 =	vmul.f32 v5, v5;
	_ =	sdelay $0x1  }
0x232: {  	v1 =	vadd.f32 v2, v1;
	v0 =	vmul.f32 v0, v0;
	_ =	sdelay $0x1  }
0x233: {  	v0 =	vsub.f32 v0, v1;
	_ =	sdelay $0x1  }
.Ltmp1:
0x234: {  	v0 =	vmul.f32 $5.000000000e-01, v0;
	(pc) =	sbr.rel @p1 .LBB2_5-.Ltmp1, $4  }
0x235: {  	s0 =	sshra.s32 s29, $0x2;
	s29 =	smov.u32 s1  }
0x236: {  	s31 =	sadd.s32 $0x1A0, s31;
	[tilespmem:s0+$0x13800] =	vst v0  }
0x237: {  	v0 =	vld [tilespmem:s31+$0xFFFFFF30]  }
0x238: {  	s1 =	sadd.s32 $0x40, s1;
	v1 =	vld [tilespmem:s31+$0xFFFFFF40]  }
0x239: {  	_ = 	snop  }
0x23a: {  	v2 =	vld [tilespmem:s31+$0xFFFFFF50];
	_ =	sdelay $0x1  }
0x23b: {  	v3 =	vld [tilespmem:s31+$0xFFFFFF60]  }
0x23c: {  	v4 =	vmul.f32 v0, v0;
	v32 =	vadd.f32 v1, v0;
	v33 =	vmul.f32 v1, v1  }
0x23d: {  	v5 =	vld [tilespmem:s31+$0xFFFFFF70]  }
0x23e: {  	v1 =	vadd.f32 v33, v4;
	v0 =	vadd.f32 v2, v32;
	v2 =	vmul.f32 v2, v2  }
0x23f: {  	v34 =	vld [tilespmem:s31+$0xFFFFFF80]  }
0x240: {  	v35 =	vmul.f32 v3, v3;
	v1 =	vadd.f32 v2, v1;
	v0 =	vadd.f32 v3, v0  }
0x241: {  	v36 =	vld [tilespmem:s31+$0xFFFFFF90]  }
0x242: {  	v37 =	vmul.f32 v5, v5;
	v1 =	vadd.f32 v35, v1;
	v0 =	vadd.f32 v5, v0  }
0x243: {  	v38 =	vld [tilespmem:s31+$0xFFFFFFA0]  }
0x244: {  	v39 =	vmul.f32 v34, v34;
	v1 =	vadd.f32 v37, v1;
	v0 =	vadd.f32 v34, v0  }
0x245: {  	v40 =	vld [tilespmem:s31+$0xFFFFFFB0]  }
0x246: {  	v41 =	vmul.f32 v36, v36;
	v1 =	vadd.f32 v39, v1;
	v0 =	vadd.f32 v36, v0  }
0x247: {  	v42 =	vld [tilespmem:s31+$0xFFFFFFC0]  }
0x248: {  	v43 =	vmul.f32 v38, v38;
	v1 =	vadd.f32 v41, v1;
	v0 =	vadd.f32 v38, v0  }
0x249: {  	v44 =	vld [tilespmem:s31+$0xFFFFFFD0]  }
0x24a: {  	v45 =	vmul.f32 v40, v40;
	v1 =	vadd.f32 v43, v1;
	v0 =	vadd.f32 v40, v0  }
0x24b: {  	v46 =	vld [tilespmem:s31+$0xFFFFFFE0]  }
0x24c: {  	v47 =	vmul.f32 v42, v42;
	v1 =	vadd.f32 v45, v1;
	v0 =	vadd.f32 v42, v0  }
0x24d: {  	v48 =	vld [tilespmem:s31+$0xFFFFFFF0]  }
0x24e: {  	v49 =	vmul.f32 v44, v44;
	v1 =	vadd.f32 v47, v1;
	v0 =	vadd.f32 v44, v0  }
0x24f: {  	v50 =	vld [tilespmem:s31+$0x0]  }
0x250: {  	v51 =	vmul.f32 v46, v46;
	v1 =	vadd.f32 v49, v1;
	v0 =	vadd.f32 v46, v0  }
0x251: {  	v52 =	vld [tilespmem:s31+$0x10]  }
0x252: {  	v53 =	vmul.f32 v48, v48;
	v1 =	vadd.f32 v51, v1;
	v0 =	vadd.f32 v48, v0  }
0x253: {  	v54 =	vld [tilespmem:s31+$0x20]  }
0x254: {  	v55 =	vmul.f32 v50, v50;
	v1 =	vadd.f32 v53, v1;
	v0 =	vadd.f32 v50, v0  }
0x255: {  	v56 =	vld [tilespmem:s31+$0x30]  }
0x256: {  	v57 =	vmul.f32 v52, v52;
	v1 =	vadd.f32 v55, v1;
	v0 =	vadd.f32 v52, v0  }
0x257: {  	v58 =	vld [tilespmem:s31+$0x40]  }
0x258: {  	v59 =	vmul.f32 v54, v54;
	v1 =	vadd.f32 v57, v1;
	v0 =	vadd.f32 v54, v0  }
0x259: {  	v60 =	vld [tilespmem:s31+$0x50]  }
0x25a: {  	v61 =	vmul.f32 v56, v56;
	v1 =	vadd.f32 v59, v1;
	v0 =	vadd.f32 v56, v0  }
0x25b: {  	v62 =	vld [tilespmem:s31+$0x60]  }
0x25c: {  	v63 =	vmul.f32 v58, v58;
	v1 =	vadd.f32 v61, v1;
	v0 =	vadd.f32 v58, v0  }
0x25d: {  	v8 =	vld [tilespmem:s31+$0x70]  }
0x25e: {  	v9 =	vmul.f32 v60, v60;
	v1 =	vadd.f32 v63, v1;
	v0 =	vadd.f32 v60, v0  }
0x25f: {  	v10 =	vld [tilespmem:s31+$0x80]  }
0x260: {  	v11 =	vmul.f32 v62, v62;
	v1 =	vadd.f32 v9, v1;
	v0 =	vadd.f32 v62, v0  }
0x261: {  	v12 =	vld [tilespmem:s31+$0x90]  }
0x262: {  	v13 =	vmul.f32 v8, v8;
	v1 =	vadd.f32 v11, v1;
	v0 =	vadd.f32 v8, v0  }
0x263: {  	v14 =	vld [tilespmem:s31+$0xA0]  }
0x264: {  	v15 =	vmul.f32 v10, v10;
	v1 =	vadd.f32 v13, v1;
	v0 =	vadd.f32 v10, v0  }
0x265: {  	v16 =	vld [tilespmem:s31+$0xB0]  }
0x266: {  	v17 =	vmul.f32 v12, v12;
	v1 =	vadd.f32 v15, v1;
	v0 =	vadd.f32 v12, v0  }
0x267: {  	v18 =	vld [tilespmem:s31+$0xC0]  }
0x268: {  	v19 =	vmul.f32 v14, v14;
	v1 =	vadd.f32 v17, v1;
	v0 =	vadd.f32 v14, v0;
	_ =	sdelay $0x1  }
0x269: {  	v20 =	vmul.f32 v16, v16;
	v1 =	vadd.f32 v19, v1;
	v0 =	vadd.f32 v16, v0;
	_ =	sdelay $0x1  }
0x26a: {  	v21 =	vmul.f32 v18, v18;
	v1 =	vadd.f32 v20, v1;
	v0 =	vadd.f32 v18, v0;
	_ =	sdelay $0x1  }
0x26b: {  	v1 =	vadd.f32 v21, v1;
	v0 =	vmul.f32 v0, v0;
	_ =	sdelay $0x1  }
0x26c: {  	v0 =	vsub.f32 v0, v1;
	_ =	sdelay $0x1  }
0x26d: {  	v0 =	vmul.f32 $5.000000000e-01, v0  }
0x26e: {  	s0 =	sshra.s32 s29, $0x2;
	s1 =	sshra.s32 @!p0 s28, $0x2  }
0x26f: {  	s29 =	simm.s32 @!p0 $0x80;
	s28 =	simm.s32 @!p0 $0x9C00;
	[tilespmem:s0+$0x13800] =	vst v0;
	s0 =	sadd.s32 @!p0 $0x1380, s1  }
0x270: {  	[tilespmem:s28], [sflag:$0x2] =	stream.indirect.gather @!p0 [hbm4b:s4+s29], $0x10, s0, s29, $0xb8;
	[tilespmem:$0x13C40] =	vst v63  }
0x271: {  	s0 =	sadd.s32 @!p0 $0x1400, s1;
	s28 =	simm.s32 @!p0 $0xA400  }
0x272: {  	[tilespmem:s28], [sflag:$0x2] =	stream.indirect.gather @!p0 [hbm4b:s4+s29], $0x10, s0, s29, $0xb8;
	[tilespmem:$0x13C40] =	vst v63  }
0x273: {  	s0 =	sadd.s32 @!p0 $0x1480, s1;
	s28 =	simm.s32 @!p0 $0xAC00  }
0x274: {  	[tilespmem:s28], [sflag:$0x2] =	stream.indirect.gather @!p0 [hbm4b:s4+s29], $0x10, s0, s29, $0xb8;
	[tilespmem:$0x13C40] =	vst v63  }
0x275: {  	s0 =	sadd.s32 @!p0 $0x1500, s1;
	s28 =	simm.s32 @!p0 $0xB400  }
0x276: {  	[tilespmem:s28], [sflag:$0x2] =	stream.indirect.gather @!p0 [hbm4b:s4+s29], $0x10, s0, s29, $0xb8;
	[tilespmem:$0x13C40] =	vst v63  }
0x277: {  	s0 =	sadd.s32 @!p0 $0x1580, s1;
	s28 =	simm.s32 @!p0 $0xBC00  }
0x278: {  	[tilespmem:s28], [sflag:$0x2] =	stream.indirect.gather @!p0 [hbm4b:s4+s29], $0x10, s0, s29, $0xb8;
	[tilespmem:$0x13C40] =	vst v63  }
0x279: {  	s0 =	sadd.s32 @!p0 $0x1600, s1;
	s28 =	simm.s32 @!p0 $0xC400  }
0x27a: {  	[tilespmem:s28], [sflag:$0x2] =	stream.indirect.gather @!p0 [hbm4b:s4+s29], $0x10, s0, s29, $0xb8;
	[tilespmem:$0x13C40] =	vst v63  }
0x27b: {  	s0 =	sadd.s32 @!p0 $0x1680, s1;
	s28 =	simm.s32 @!p0 $0xCC00  }
0x27c: {  	[tilespmem:s28], [sflag:$0x2] =	stream.indirect.gather @!p0 [hbm4b:s4+s29], $0x10, s0, s29, $0xb8;
	[tilespmem:$0x13C40] =	vst v63  }
0x27d: {  	s0 =	sadd.s32 @!p0 $0x1700, s1;
	s28 =	simm.s32 @!p0 $0xD400  }
0x27e: {  	[tilespmem:s28], [sflag:$0x2] =	stream.indirect.gather @!p0 [hbm4b:s4+s29], $0x10, s0, s29, $0xb8;
	[tilespmem:$0x13C40] =	vst v63  }
0x27f: {  	s0 =	sadd.s32 @!p0 $0x1780, s1;
	s28 =	simm.s32 @!p0 $0xDC00  }
0x280: {  	[tilespmem:s28], [sflag:$0x2] =	stream.indirect.gather @!p0 [hbm4b:s4+s29], $0x10, s0, s29, $0xb8;
	[tilespmem:$0x13C40] =	vst v63  }
0x281: {  	s0 =	sadd.s32 @!p0 $0x1800, s1;
	s28 =	simm.s32 @!p0 $0xE400  }
0x282: {  	[tilespmem:s28], [sflag:$0x2] =	stream.indirect.gather @!p0 [hbm4b:s4+s29], $0x10, s0, s29, $0xb8;
	[tilespmem:$0x13C40] =	vst v63  }
0x283: {  	s0 =	sadd.s32 @!p0 $0x1880, s1;
	s28 =	simm.s32 @!p0 $0xEC00  }
0x284: {  	[tilespmem:s28], [sflag:$0x2] =	stream.indirect.gather @!p0 [hbm4b:s4+s29], $0x10, s0, s29, $0xb8;
	[tilespmem:$0x13C40] =	vst v63  }
0x285: {  	s28 =	sor.u32 $0x1, s30;
	s0 =	sadd.s32 @!p0 $0x1900, s1;
	s30 =	simm.s32 @!p0 $0xF400  }
0x286: {  	[tilespmem:s30], [sflag:$0x2] =	stream.indirect.gather @!p0 [hbm4b:s4+s29], $0x10, s0, s29, $0xb8;
	[tilespmem:$0x13C40] =	vst v63  }
0x287: {  	s31 =	smul.u32 $0x1A00, s28;
	s0 =	sadd.s32 @!p0 $0x1980, s1;
	s1 =	simm.s32 @!p0 $0xFC00  }
0x288: {  	[tilespmem:s1], [sflag:$0x2] =	stream.indirect.gather @!p0 [hbm4b:s4+s29], $0x10, s0, s29, $0xb8;
	[tilespmem:$0x13C40] =	vst v63  }
0x289: {  	s1 =	sshra.s32 s31, $0x2  }
0x28a: {  	v0 =	vld [tilespmem:s1+$0x10400]  }
0x28b: {  	v22 =	vld [tilespmem:s1+$0x10440];
	_ =	sdelay $0x1  }
0x28c: {  	v23 =	vld [tilespmem:s1+$0x10480];
	_ =	sdelay $0x1  }
0x28d: {  	v24 =	vld [tilespmem:s1+$0x104C0]  }
0x28e: {  	v0 =	vadd.f32 v22, v0  }
0x28f: {  	v25 =	vld [tilespmem:s1+$0x10500]  }
0x290: {  	v0 =	vadd.f32 v23, v0  }
0x291: {  	v26 =	vld [tilespmem:s1+$0x10540]  }
0x292: {  	v0 =	vadd.f32 v24, v0  }
0x293: {  	v27 =	vld [tilespmem:s1+$0x10580]  }
0x294: {  	v0 =	vadd.f32 v25, v0  }
0x295: {  	v28 =	vld [tilespmem:s1+$0x105C0]  }
0x296: {  	v0 =	vadd.f32 v26, v0  }
0x297: {  	v29 =	vld [tilespmem:s1+$0x10600]  }
0x298: {  	v0 =	vadd.f32 v27, v0  }
0x299: {  	v30 =	vld [tilespmem:s1+$0x10640]  }
0x29a: {  	v0 =	vadd.f32 v28, v0  }
0x29b: {  	v31 =	vld [tilespmem:s1+$0x10680]  }
0x29c: {  	v0 =	vadd.f32 v29, v0  }
0x29d: {  	v32 =	vld [tilespmem:s1+$0x106C0]  }
0x29e: {  	v0 =	vadd.f32 v30, v0  }
0x29f: {  	v33 =	vld [tilespmem:s1+$0x10700]  }
0x2a0: {  	v0 =	vadd.f32 v31, v0  }
0x2a1: {  	v34 =	vld [tilespmem:s1+$0x10740]  }
0x2a2: {  	v0 =	vadd.f32 v32, v0  }
0x2a3: {  	v35 =	vld [tilespmem:s1+$0x10780]  }
0x2a4: {  	v0 =	vadd.f32 v33, v0  }
0x2a5: {  	v36 =	vld [tilespmem:s1+$0x107C0]  }
0x2a6: {  	v0 =	vadd.f32 v34, v0  }
0x2a7: {  	v37 =	vld [tilespmem:s1+$0x10800]  }
0x2a8: {  	v0 =	vadd.f32 v35, v0  }
0x2a9: {  	v38 =	vld [tilespmem:s1+$0x10840]  }
0x2aa: {  	v0 =	vadd.f32 v36, v0  }
0x2ab: {  	v39 =	vld [tilespmem:s1+$0x10880]  }
0x2ac: {  	v0 =	vadd.f32 v37, v0  }
0x2ad: {  	v40 =	vld [tilespmem:s1+$0x108C0]  }
0x2ae: {  	v0 =	vadd.f32 v38, v0  }
0x2af: {  	v41 =	vld [tilespmem:s1+$0x10900]  }
0x2b0: {  	v0 =	vadd.f32 v39, v0  }
0x2b1: {  	v42 =	vld [tilespmem:s1+$0x10940]  }
0x2b2: {  	v0 =	vadd.f32 v40, v0  }
0x2b3: {  	v43 =	vld [tilespmem:s1+$0x10980]  }
0x2b4: {  	v0 =	vadd.f32 v41, v0  }
0x2b5: {  	v44 =	vld [tilespmem:s1+$0x109C0]  }
0x2b6: {  	v0 =	vadd.f32 v42, v0  }
0x2b7: {  	v45 =	vld [tilespmem:s1+$0x10A00]  }
0x2b8: {  	v0 =	vadd.f32 v43, v0  }
0x2b9: {  	v46 =	vld [tilespmem:s1+$0x10A40]  }
0x2ba: {  	v0 =	vadd.f32 v44, v0;
	_ =	sdelay $0x1  }
0x2bb: {  	v0 =	vadd.f32 v45, v0;
	_ =	sdelay $0x1  }
0x2bc: {  	v0 =	vadd.f32 v46, v0;
	_ =	sdelay $0x1  }
0x2bd: {  	[tilespmem:$0x13C00] =	vst v0  }
0x2be: {  	v0 =	vld [tilespmem:s1+$0x10410]  }
0x2bf: {  	v47 =	vld [tilespmem:s1+$0x10450];
	_ =	sdelay $0x1  }
0x2c0: {  	v48 =	vld [tilespmem:s1+$0x10490];
	_ =	sdelay $0x1  }
0x2c1: {  	v49 =	vld [tilespmem:s1+$0x104D0]  }
0x2c2: {  	v0 =	vadd.f32 v47, v0  }
0x2c3: {  	v50 =	vld [tilespmem:s1+$0x10510]  }
0x2c4: {  	v0 =	vadd.f32 v48, v0  }
0x2c5: {  	v51 =	vld [tilespmem:s1+$0x10550]  }
0x2c6: {  	v0 =	vadd.f32 v49, v0  }
0x2c7: {  	v52 =	vld [tilespmem:s1+$0x10590]  }
0x2c8: {  	v0 =	vadd.f32 v50, v0  }
0x2c9: {  	v53 =	vld [tilespmem:s1+$0x105D0]  }
0x2ca: {  	v0 =	vadd.f32 v51, v0  }
0x2cb: {  	v54 =	vld [tilespmem:s1+$0x10610]  }
0x2cc: {  	v0 =	vadd.f32 v52, v0  }
0x2cd: {  	v55 =	vld [tilespmem:s1+$0x10650]  }
0x2ce: {  	v0 =	vadd.f32 v53, v0  }
0x2cf: {  	v56 =	vld [tilespmem:s1+$0x10690]  }
0x2d0: {  	v0 =	vadd.f32 v54, v0  }
0x2d1: {  	v57 =	vld [tilespmem:s1+$0x106D0]  }
0x2d2: {  	v0 =	vadd.f32 v55, v0  }
0x2d3: {  	v58 =	vld [tilespmem:s1+$0x10710]  }
0x2d4: {  	v0 =	vadd.f32 v56, v0  }
0x2d5: {  	v59 =	vld [tilespmem:s1+$0x10750]  }
0x2d6: {  	v0 =	vadd.f32 v57, v0  }
0x2d7: {  	v60 =	vld [tilespmem:s1+$0x10790]  }
0x2d8: {  	v0 =	vadd.f32 v58, v0  }
0x2d9: {  	v61 =	vld [tilespmem:s1+$0x107D0]  }
0x2da: {  	v0 =	vadd.f32 v59, v0  }
0x2db: {  	v62 =	vld [tilespmem:s1+$0x10810]  }
0x2dc: {  	v0 =	vadd.f32 v60, v0  }
0x2dd: {  	v63 =	vld [tilespmem:s1+$0x10850]  }
0x2de: {  	v0 =	vadd.f32 v61, v0  }
0x2df: {  	v6 =	vld [tilespmem:s1+$0x10890]  }
0x2e0: {  	v0 =	vadd.f32 v62, v0  }
0x2e1: {  	v7 =	vld [tilespmem:s1+$0x108D0]  }
0x2e2: {  	v0 =	vadd.f32 v63, v0  }
0x2e3: {  	v8 =	vld [tilespmem:s1+$0x10910]  }
0x2e4: {  	v0 =	vadd.f32 v6, v0  }
0x2e5: {  	v9 =	vld [tilespmem:s1+$0x10950]  }
0x2e6: {  	v0 =	vadd.f32 v7, v0  }
0x2e7: {  	v10 =	vld [tilespmem:s1+$0x10990]  }
0x2e8: {  	v0 =	vadd.f32 v8, v0  }
0x2e9: {  	v11 =	vld [tilespmem:s1+$0x109D0]  }
0x2ea: {  	v0 =	vadd.f32 v9, v0  }
0x2eb: {  	v12 =	vld [tilespmem:s1+$0x10A10]  }
0x2ec: {  	v0 =	vadd.f32 v10, v0  }
0x2ed: {  	v13 =	vld [tilespmem:s1+$0x10A50]  }
0x2ee: {  	v0 =	vadd.f32 v11, v0;
	_ =	sdelay $0x1  }
0x2ef: {  	v0 =	vadd.f32 v12, v0;
	_ =	sdelay $0x1  }
0x2f0: {  	v0 =	vadd.f32 v13, v0;
	_ =	sdelay $0x1  }
0x2f1: {  	[tilespmem:$0x13C10] =	vst v0  }
0x2f2: {  	v0 =	vld [tilespmem:s1+$0x10420]  }
0x2f3: {  	v14 =	vld [tilespmem:s1+$0x10460];
	_ =	sdelay $0x1  }
0x2f4: {  	v15 =	vld [tilespmem:s1+$0x104A0];
	_ =	sdelay $0x1  }
0x2f5: {  	v16 =	vld [tilespmem:s1+$0x104E0]  }
0x2f6: {  	v0 =	vadd.f32 v14, v0  }
0x2f7: {  	v17 =	vld [tilespmem:s1+$0x10520]  }
0x2f8: {  	v0 =	vadd.f32 v15, v0  }
0x2f9: {  	v18 =	vld [tilespmem:s1+$0x10560]  }
0x2fa: {  	v0 =	vadd.f32 v16, v0  }
0x2fb: {  	v19 =	vld [tilespmem:s1+$0x105A0]  }
0x2fc: {  	v0 =	vadd.f32 v17, v0  }
0x2fd: {  	v20 =	vld [tilespmem:s1+$0x105E0]  }
0x2fe: {  	v0 =	vadd.f32 v18, v0  }
0x2ff: {  	v21 =	vld [tilespmem:s1+$0x10620]  }
0x300: {  	v0 =	vadd.f32 v19, v0  }
0x301: {  	v22 =	vld [tilespmem:s1+$0x10660]  }
0x302: {  	v0 =	vadd.f32 v20, v0  }
0x303: {  	v23 =	vld [tilespmem:s1+$0x106A0]  }
0x304: {  	v0 =	vadd.f32 v21, v0  }
0x305: {  	v24 =	vld [tilespmem:s1+$0x106E0]  }
0x306: {  	v0 =	vadd.f32 v22, v0  }
0x307: {  	v25 =	vld [tilespmem:s1+$0x10720]  }
0x308: {  	v0 =	vadd.f32 v23, v0  }
0x309: {  	v26 =	vld [tilespmem:s1+$0x10760]  }
0x30a: {  	v0 =	vadd.f32 v24, v0  }
0x30b: {  	v27 =	vld [tilespmem:s1+$0x107A0]  }
0x30c: {  	v0 =	vadd.f32 v25, v0  }
0x30d: {  	v28 =	vld [tilespmem:s1+$0x107E0]  }
0x30e: {  	v0 =	vadd.f32 v26, v0  }
0x30f: {  	v29 =	vld [tilespmem:s1+$0x10820]  }
0x310: {  	v0 =	vadd.f32 v27, v0  }
0x311: {  	v30 =	vld [tilespmem:s1+$0x10860]  }
0x312: {  	v0 =	vadd.f32 v28, v0  }
0x313: {  	v31 =	vld [tilespmem:s1+$0x108A0]  }
0x314: {  	v0 =	vadd.f32 v29, v0  }
0x315: {  	v32 =	vld [tilespmem:s1+$0x108E0]  }
0x316: {  	v0 =	vadd.f32 v30, v0  }
0x317: {  	v33 =	vld [tilespmem:s1+$0x10920]  }
0x318: {  	v0 =	vadd.f32 v31, v0  }
0x319: {  	v34 =	vld [tilespmem:s1+$0x10960]  }
0x31a: {  	v0 =	vadd.f32 v32, v0  }
0x31b: {  	v35 =	vld [tilespmem:s1+$0x109A0]  }
0x31c: {  	v0 =	vadd.f32 v33, v0  }
0x31d: {  	v36 =	vld [tilespmem:s1+$0x109E0]  }
0x31e: {  	v0 =	vadd.f32 v34, v0  }
0x31f: {  	v37 =	vld [tilespmem:s1+$0x10A20]  }
0x320: {  	v0 =	vadd.f32 v35, v0  }
0x321: {  	v38 =	vld [tilespmem:s1+$0x10A60]  }
0x322: {  	v0 =	vadd.f32 v36, v0;
	_ =	sdelay $0x1  }
0x323: {  	v0 =	vadd.f32 v37, v0;
	_ =	sdelay $0x1  }
0x324: {  	v0 =	vadd.f32 v38, v0;
	_ =	sdelay $0x1  }
0x325: {  	[tilespmem:$0x13C20] =	vst v0  }
0x326: {  	v0 =	vld [tilespmem:s1+$0x10430]  }
0x327: {  	v39 =	vld [tilespmem:s1+$0x10470];
	_ =	sdelay $0x1  }
0x328: {  	v40 =	vld [tilespmem:s1+$0x104B0];
	_ =	sdelay $0x1  }
0x329: {  	v41 =	vld [tilespmem:s1+$0x104F0]  }
0x32a: {  	v0 =	vadd.f32 v39, v0  }
0x32b: {  	v42 =	vld [tilespmem:s1+$0x10530]  }
0x32c: {  	v0 =	vadd.f32 v40, v0  }
0x32d: {  	v43 =	vld [tilespmem:s1+$0x10570]  }
0x32e: {  	v0 =	vadd.f32 v41, v0  }
0x32f: {  	v44 =	vld [tilespmem:s1+$0x105B0]  }
0x330: {  	v0 =	vadd.f32 v42, v0  }
0x331: {  	v45 =	vld [tilespmem:s1+$0x105F0]  }
0x332: {  	v0 =	vadd.f32 v43, v0  }
0x333: {  	v46 =	vld [tilespmem:s1+$0x10630]  }
0x334: {  	v0 =	vadd.f32 v44, v0  }
0x335: {  	v47 =	vld [tilespmem:s1+$0x10670]  }
0x336: {  	v0 =	vadd.f32 v45, v0  }
0x337: {  	v48 =	vld [tilespmem:s1+$0x106B0]  }
0x338: {  	v0 =	vadd.f32 v46, v0  }
0x339: {  	v49 =	vld [tilespmem:s1+$0x106F0]  }
0x33a: {  	v0 =	vadd.f32 v47, v0  }
0x33b: {  	v50 =	vld [tilespmem:s1+$0x10730]  }
0x33c: {  	v0 =	vadd.f32 v48, v0  }
0x33d: {  	v51 =	vld [tilespmem:s1+$0x10770]  }
0x33e: {  	v0 =	vadd.f32 v49, v0  }
0x33f: {  	v52 =	vld [tilespmem:s1+$0x107B0]  }
0x340: {  	v0 =	vadd.f32 v50, v0  }
0x341: {  	v53 =	vld [tilespmem:s1+$0x107F0]  }
0x342: {  	v0 =	vadd.f32 v51, v0  }
0x343: {  	v54 =	vld [tilespmem:s1+$0x10830]  }
0x344: {  	v0 =	vadd.f32 v52, v0  }
0x345: {  	v55 =	vld [tilespmem:s1+$0x10870]  }
0x346: {  	v0 =	vadd.f32 v53, v0  }
0x347: {  	v56 =	vld [tilespmem:s1+$0x108B0]  }
0x348: {  	v0 =	vadd.f32 v54, v0  }
0x349: {  	v57 =	vld [tilespmem:s1+$0x108F0]  }
0x34a: {  	v0 =	vadd.f32 v55, v0  }
0x34b: {  	v58 =	vld [tilespmem:s1+$0x10930]  }
0x34c: {  	v0 =	vadd.f32 v56, v0  }
0x34d: {  	v59 =	vld [tilespmem:s1+$0x10970]  }
0x34e: {  	v0 =	vadd.f32 v57, v0  }
0x34f: {  	v60 =	vld [tilespmem:s1+$0x109B0]  }
0x350: {  	v0 =	vadd.f32 v58, v0  }
0x351: {  	v61 =	vld [tilespmem:s1+$0x109F0]  }
0x352: {  	v0 =	vadd.f32 v59, v0  }
0x353: {  	v62 =	vld [tilespmem:s1+$0x10A30]  }
0x354: {  	v0 =	vadd.f32 v60, v0  }
0x355: {  	v63 =	vld [tilespmem:s1+$0x10A70]  }
0x356: {  	v0 =	vadd.f32 v61, v0;
	_ =	sdelay $0x1  }
0x357: {  	s30 =	sshll.u32 s28, $0x6;
	v0 =	vadd.f32 v62, v0  }
0x358: {  	s0 =	sadd.s32 s8, s30  }
0x359: {  	s31 =	sshll.u32 s0, $0x1;
	v0 =	vadd.f32 v63, v0  }
0x35a: {  	s1 =	sand.u32 $0x1FFFFF80, s31  }
0x35b: {  	s1 =	sadd.s32 s5, s1;
	[tilespmem:$0x13C30] =	vst v0  }
0x35c: {  	[hbm4b:s1+s3] =	stream.linear.scatter [tilespmem:s22], [sflag:$0x3], $0x400, $0x38;
	[tilespmem:$0x13C40] =	vst v63  }
0x35d: {  	s26 =	sadd.s32 $0x1, s26;
	_ =	swait.ge [sflag:s10], $0x400  }
0x35e: {  	p0 =	sne.s32 s26, $0x4;
	s0 =	sshrl.u32 s0, $0x3;
	[sflag:s10] =	ssyncset.done $0x0  }
.Ltmp2:
0x35f: {  	s0 =	sadd.s32 s2, s0;
	[sflag:s10] =	ssyncadd.s32 $0xFFFFFC00;
	(pc) =	sbr.rel @p0 .LBB2_2-.Ltmp2, $4  }
0x360: {  	[hbm4b:s0+s3] =	stream.linear.scatter [tilespmem:s23], [sflag:$0x3], $0x40, $0x38;
	[tilespmem:$0x13C40] =	vst v63  }
0x361: {  	_ =	swait.ge [sflag:s10], $0x40  }
0x362: {  	[sflag:s10] =	ssyncset.done $0x0  }
0x363: {  	[sflag:s10] =	ssyncadd.s32 $0xFFFFFFC0  }
0x364: {  	s25 =	sadd.s32 $0x1, s25  }
0x365: {  	p0 =	sne.s32 s25, s9  }
.Ltmp3:
0x366: {  	_ = 	snop;
	(pc) =	sbr.rel @p0 .LBB2_1-.Ltmp3, $1  }
0x367: {  	_ =	sdelay $0x3  }
0x368: {  	_ =	sfence.sel $0x180000  }
0x369: {  	[bflag:$0x0] =	sbarrier.arrive $0xFFFF  }
0x36a: {  	_ =	strace $0x9000004A  }
0x36b: {  	s0 =	stileid.u32;
	[bflag:$0x2] =	sbarrier.arrive $0xFFFF  }
0x36c: {  	p0 =	sne.s32 s0, $0x0;
	s0 =	rddreg [dreg:$0x2]  }
0x36d: {  	s0 =	sadd.s32 @!p0 $0x100000, s0  }
0x36e: {  	[sflag:s0] =	ssyncadd.tile.s32 @!p0 $0x1;
	_ =	shalt  }
.Lfunc_end2:
_tile_overlayer_lowered:
.L_overlay_start_2:
0x36f: {  	(tag) =	ssettag $0x2  }
0x370: {  	s0 =	rddreg [dreg:$0x0];
	s2 =	stileid.u32  }
0x371: {  	s1 =	rddreg [dreg:$0x1];
	p0 =	sne.s32 s2, $0x0  }
0x372: {  	s3 =	rddreg [dreg:$0x2];
	[bflag:$0x3] =	sbarrier.arrive $0xFFFF;
	s2 =	simm.s32 @!p0 $0x1C03  }
0x373: {  	[timem:s3], [sflag:s2] =	dma.local @!p0 [hbm:s0], s1  }
0x374: {  	s0 =	simm.s32 @!p0 $0x3  }
0x375: {  	_ =	swait.ge @!p0 [sflag:s0], s1  }
0x376: {  	s1 =	ssub.s32 @!p0 $0x0, s1;
	[sflag:s0] =	ssyncset.done @!p0 $0x0  }
0x377: {  	[sflag:s0] =	ssyncadd.s32 @!p0 s1  }
0x378: {  	[bflag:$0x3] =	sbarrier.arrive $0xFFFF  }
0x379: {  	_ =	shalt  }

</sc_bundles>
